<compile_context>
chip_gen: v7x
topology: tpu7x:2x2x1
jax: 0.10.2.dev20260603
libtpu: 0.0.44.dev20260713+nightly
codegen_flags: <defaults>
</compile_context>

<pallas_src>
import functools

import jax
import jax.numpy as jnp
from jax import lax
from jax.experimental import pallas as pl
from jax.experimental.pallas import tpu as pltpu
from jax.experimental.pallas import tpu_sc as plsc

N = 10000
E = 320000
DF = 128
DIM = 32
G = 64

NC = 2
NS = 16
NW = NC * NS
NPAD = 10240
EPAD = 327680
EPW = EPAD // NW
CW = 128
CHUNKS = EPW // CW
KG = 2
CHUNKS_A = CHUNKS + 2 * KG
STRIPE = NPAD // NS

RB = 1280
GRID = NPAD // RB

DEGW = DIM


def _deg_sc_body(dst_hbm, out_hbm, dst_v, ones_v, stage_v, acc_sh, sem):
    c = lax.axis_index("c")
    s = lax.axis_index("s")
    wid = s * NC + c
    pltpu.sync_copy(dst_hbm.at[wid], dst_v)

    one16 = jnp.ones((16,), jnp.float32)
    zero16 = jnp.zeros((16,), jnp.float32)

    def fill_body(i, carry):
        ones_v[i, pl.ds(0, 16)] = one16
        ones_v[i, pl.ds(16, 16)] = one16
        return carry

    lax.fori_loop(0, CW, fill_body, 0, unroll=8)

    def zero_body(i, carry):
        stage_v[i, pl.ds(0, 16)] = zero16
        stage_v[i, pl.ds(16, 16)] = zero16
        return carry

    lax.fori_loop(0, STRIPE, zero_body, 0, unroll=8)
    pltpu.sync_copy(stage_v, acc_sh.at[pl.ds(s * STRIPE, STRIPE)])
    plsc.subcore_barrier()

    def body(j, carry):
        pltpu.async_copy(ones_v, acc_sh.at[dst_v.at[j]], sem, add=True)
        return carry

    lax.fori_loop(0, CHUNKS, body, 0)

    def drain(j, carry):
        pltpu.make_async_copy(ones_v, acc_sh.at[dst_v.at[0]], sem).wait()
        return carry

    lax.fori_loop(0, CHUNKS, drain, 0)
    plsc.subcore_barrier()

    pltpu.sync_copy(acc_sh.at[pl.ds(s * STRIPE, STRIPE)], stage_v)
    pltpu.sync_copy(stage_v, out_hbm.at[c, pl.ds(s * STRIPE, STRIPE)])


def _edge_sc_body(g_hbm, src_hbm, dst_hbm, out_hbm,
                  src_v, dst_v, rows_a, rows_b, stage_v, g_sh, acc_sh,
                  gsem_a, gsem_b, ssem_a, ssem_b):
    c = lax.axis_index("c")
    s = lax.axis_index("s")
    wid = s * NC + c
    pltpu.sync_copy(src_hbm.at[wid], src_v)
    pltpu.sync_copy(dst_hbm.at[wid], dst_v)

    pltpu.sync_copy(g_hbm.at[pl.ds(s * STRIPE, STRIPE)], stage_v)
    pltpu.sync_copy(stage_v, g_sh.at[pl.ds(s * STRIPE, STRIPE)])

    zero16 = jnp.zeros((16,), jnp.float32)
    core0 = c == 0

    def init_body(i, carry):
        @pl.when(core0)
        def _scale():
            stage_v[i, pl.ds(0, 16)] = stage_v[i, pl.ds(0, 16)] * 2.0
            stage_v[i, pl.ds(16, 16)] = stage_v[i, pl.ds(16, 16)] * 2.0

        @pl.when(jnp.logical_not(core0))
        def _zero():
            stage_v[i, pl.ds(0, 16)] = zero16
            stage_v[i, pl.ds(16, 16)] = zero16

        return carry

    lax.fori_loop(0, STRIPE, init_body, 0, unroll=8)
    pltpu.sync_copy(stage_v, acc_sh.at[pl.ds(s * STRIPE, STRIPE)])
    plsc.subcore_barrier()

    def fire_gathers(grp, buf, gsem):
        for b in range(KG):
            pltpu.async_copy(g_sh.at[src_v.at[grp * KG + b]], buf.at[b], gsem)

    def wait_gathers(buf, gsem):
        for b in range(KG):
            pltpu.make_async_copy(g_sh.at[src_v.at[0]], buf.at[b], gsem).wait()

    def fire_scatters(grp, buf, ssem):
        for b in range(KG):
            pltpu.async_copy(buf.at[b], acc_sh.at[dst_v.at[grp * KG + b]],
                             ssem, add=True)

    def wait_scatters(buf, ssem):
        for b in range(KG):
            pltpu.make_async_copy(buf.at[b], acc_sh.at[dst_v.at[0]],
                                  ssem).wait()

    fire_gathers(0, rows_a, gsem_a)
    fire_gathers(1, rows_b, gsem_b)

    def body(i, carry):
        ga = 2 * i
        wait_gathers(rows_a, gsem_a)
        fire_scatters(ga, rows_a, ssem_a)
        wait_gathers(rows_b, gsem_b)
        fire_scatters(ga + 1, rows_b, ssem_b)
        wait_scatters(rows_a, ssem_a)
        fire_gathers(ga + 2, rows_a, gsem_a)
        wait_scatters(rows_b, ssem_b)
        fire_gathers(ga + 3, rows_b, gsem_b)
        return carry

    lax.fori_loop(0, CHUNKS // (2 * KG), body, 0)
    wait_gathers(rows_a, gsem_a)
    wait_gathers(rows_b, gsem_b)
    plsc.subcore_barrier()

    pltpu.sync_copy(acc_sh.at[pl.ds(s * STRIPE, STRIPE)], stage_v)
    pltpu.sync_copy(stage_v, out_hbm.at[c, pl.ds(s * STRIPE, STRIPE)])


@functools.lru_cache(maxsize=1)
def _sc_kernels():
    mesh = plsc.VectorSubcoreMesh(
        core_axis_name="c", subcore_axis_name="s",
        num_cores=NC, num_subcores=NS)
    deg = pl.kernel(
        _deg_sc_body,
        out_type=jax.ShapeDtypeStruct((NC, NPAD, DEGW), jnp.float32),
        mesh=mesh,
        compiler_params=pltpu.CompilerParams(use_tc_tiling_on_sc=False),
        scratch_types=[
            pltpu.VMEM((CHUNKS_A, CW), jnp.int32),
            pltpu.VMEM((CW, DEGW), jnp.float32),
            pltpu.VMEM((STRIPE, DEGW), jnp.float32),
            pltpu.VMEM_SHARED((NPAD, DEGW), jnp.float32),
            pltpu.SemaphoreType.DMA,
        ],
    )
    edge = pl.kernel(
        _edge_sc_body,
        out_type=jax.ShapeDtypeStruct((NC, NPAD, DIM), jnp.float32),
        mesh=mesh,
        compiler_params=pltpu.CompilerParams(use_tc_tiling_on_sc=False),
        scratch_types=[
            pltpu.VMEM((CHUNKS_A, CW), jnp.int32),
            pltpu.VMEM((CHUNKS_A, CW), jnp.int32),
            pltpu.VMEM((KG, CW, DIM), jnp.float32),
            pltpu.VMEM((KG, CW, DIM), jnp.float32),
            pltpu.VMEM((STRIPE, DIM), jnp.float32),
            pltpu.VMEM_SHARED((NPAD, DIM), jnp.float32),
            pltpu.VMEM_SHARED((NPAD, DIM), jnp.float32),
            pltpu.SemaphoreType.DMA,
            pltpu.SemaphoreType.DMA,
            pltpu.SemaphoreType.DMA,
            pltpu.SemaphoreType.DMA,
        ],
    )
    return deg, edge


NPAD4 = NPAD // 4
N4 = N // 4
RB4 = 640
GRID4 = NPAD4 // RB4


def _pre_body(x_ref, w_ref, o_ref):
    o_ref[...] = jnp.dot(x_ref[...], w_ref[...],
                         preferred_element_type=jnp.float32,
                 precision=lax.Precision.HIGHEST)


_pre_tc = pl.pallas_call(
    _pre_body,
    grid=(GRID4,),
    in_specs=[
        pl.BlockSpec((RB4, 4 * DF), lambda i: (i, 0)),
        pl.BlockSpec((4 * DF, 128), lambda i: (0, 0)),
    ],
    out_specs=pl.BlockSpec((RB4, 128), lambda i: (i, 0)),
    out_shape=jax.ShapeDtypeStruct((NPAD4, 128), jnp.float32),
)


def _dinv_g1_body(dp_ref, p_ref, dinv_ref, g_ref):
    dv = lax.rsqrt(dp_ref[0] + dp_ref[1] + 2.0)
    dinv_ref[...] = dv
    g_ref[...] = dv * p_ref[...]


_dinv_g1_tc = pl.pallas_call(
    _dinv_g1_body,
    grid=(GRID4,),
    in_specs=[
        pl.BlockSpec((2, RB4, 128), lambda i: (0, i, 0)),
        pl.BlockSpec((RB4, 128), lambda i: (i, 0)),
    ],
    out_specs=[
        pl.BlockSpec((RB4, 128), lambda i: (i, 0)),
        pl.BlockSpec((RB4, 128), lambda i: (i, 0)),
    ],
    out_shape=[
        jax.ShapeDtypeStruct((NPAD4, 128), jnp.float32),
        jax.ShapeDtypeStruct((NPAD4, 128), jnp.float32),
    ],
)


def _mid_body(s_ref, dinv_ref, w_ref, b_ref, o_ref):
    i = pl.program_id(0)
    dv = dinv_ref[...]
    h = jnp.maximum(dv * (s_ref[0] + s_ref[1]) + b_ref[...], 0.0)
    p = jnp.dot(h, w_ref[...], preferred_element_type=jnp.float32,
                 precision=lax.Precision.HIGHEST)
    rows = i * RB4 + lax.broadcasted_iota(jnp.int32, (RB4, 1), 0)
    o_ref[...] = jnp.where(rows < N4, dv * p, 0.0)


_mid_tc = pl.pallas_call(
    _mid_body,
    grid=(GRID4,),
    in_specs=[
        pl.BlockSpec((2, RB4, 128), lambda i: (0, i, 0)),
        pl.BlockSpec((RB4, 128), lambda i: (i, 0)),
        pl.BlockSpec((128, 128), lambda i: (0, 0)),
        pl.BlockSpec((1, 128), lambda i: (0, 0)),
    ],
    out_specs=pl.BlockSpec((RB4, 128), lambda i: (i, 0)),
    out_shape=jax.ShapeDtypeStruct((NPAD4, 128), jnp.float32),
)


def _final_body(s_ref, dinv_ref, b_ref, bt_ref, wo_ref, bo_ref,
                o_ref, acc_ref):
    i = pl.program_id(0)

    @pl.when(i == 0)
    def _init():
        acc_ref[...] = jnp.zeros_like(acc_ref)

    h = jnp.maximum(
        dinv_ref[...] * (s_ref[0] + s_ref[1]) + b_ref[...], 0.0)
    for q in range(4):
        bq = bt_ref[q:q + 1, :]
        oh = (lax.broadcasted_iota(jnp.int32, (G, RB4), 0)
              == jnp.broadcast_to(bq, (G, RB4))).astype(jnp.float32)
        acc_ref[...] += jnp.dot(oh, h[:, 32 * q:32 * (q + 1)],
                                preferred_element_type=jnp.float32,
                 precision=lax.Precision.HIGHEST)

    @pl.when(i == pl.num_programs(0) - 1)
    def _emit():
        o_ref[...] = (jnp.dot(acc_ref[...], wo_ref[...],
                              preferred_element_type=jnp.float32,
                 precision=lax.Precision.HIGHEST)
                      + bo_ref[...])


_final_tc = pl.pallas_call(
    _final_body,
    grid=(GRID4,),
    in_specs=[
        pl.BlockSpec((2, RB4, 128), lambda i: (0, i, 0)),
        pl.BlockSpec((RB4, 128), lambda i: (i, 0)),
        pl.BlockSpec((1, 128), lambda i: (0, 0)),
        pl.BlockSpec((4, RB4), lambda i: (0, i)),
        pl.BlockSpec((DIM, 1), lambda i: (0, 0)),
        pl.BlockSpec((1, 1), lambda i: (0, 0)),
    ],
    out_specs=pl.BlockSpec((G, 1), lambda i: (0, 0)),
    out_shape=jax.ShapeDtypeStruct((G, 1), jnp.float32),
    scratch_shapes=[pltpu.VMEM((G, DIM), jnp.float32)],
)


def kernel(x, edge_index, batch, W1, b1, W2, b2, Wo, bo):
    src = edge_index[0]
    dst = edge_index[1]
    npad_rows = NPAD - N
    pad_idx = N + (jnp.arange(EPAD - E, dtype=jnp.int32) % npad_rows)
    extra = N + (jnp.arange(NW * 2 * KG * CW, dtype=jnp.int32)
                 % npad_rows).reshape(NW, 2 * KG, CW)
    dstpa = jnp.concatenate(
        [jnp.concatenate([dst, pad_idx]).reshape(NW, CHUNKS, CW), extra],
        axis=1)
    srcpa = jnp.concatenate(
        [jnp.concatenate([src, pad_idx]).reshape(NW, CHUNKS, CW), extra],
        axis=1)
    x4 = jnp.pad(x, ((0, npad_rows), (0, 0))).reshape(NPAD4, 4 * DF)
    batch4 = jnp.concatenate(
        [batch, jnp.full((npad_rows,), G, jnp.int32)]).reshape(NPAD4, 4).T
    eye4 = jnp.eye(4, dtype=jnp.float32)
    w1bd = jnp.kron(eye4, W1)
    w2bd = jnp.kron(eye4, W2)
    b1t = jnp.tile(b1, 4).reshape(1, 128)
    b2t = jnp.tile(b2, 4).reshape(1, 128)
    bor = bo.reshape(1, 1)

    _deg_sc, _edge_sc = _sc_kernels()
    deg_parts = _deg_sc(dstpa)
    degs = deg_parts.reshape(NC, NPAD4, 128)
    p1 = _pre_tc(x4, w1bd)
    dinvp, g1p = _dinv_g1_tc(degs, p1)

    s1 = _edge_sc(g1p.reshape(NPAD, DIM), srcpa, dstpa)
    g2p = _mid_tc(s1.reshape(NC, NPAD4, 128), dinvp, w2bd, b1t)
    s2 = _edge_sc(g2p.reshape(NPAD, DIM), srcpa, dstpa)
    g3p = _mid_tc(s2.reshape(NC, NPAD4, 128), dinvp, w2bd, b2t)
    s3 = _edge_sc(g3p.reshape(NPAD, DIM), srcpa, dstpa)
    return _final_tc(s3.reshape(NC, NPAD4, 128), dinvp, b2t, batch4,
                     Wo, bor)

# --- scband reference (transcript-rebuilt; emitter-appended) ---
"""Pipeline reference for scband-gcn-n-76630806495980 (READ-ONLY COPY).

The authoritative reference and input builder live on the scoring server;
editing this copy changes nothing except your own understanding.
"""

import jax, jax.numpy as jnp
import numpy as np

N = 10000
E = 320000
DF = 128
DIM = 32
G = 64
LAYER = 3

def setup_inputs(seed: int = 0) -> dict:
    key = jax.random.key(seed)
    ks = jax.random.split(key, 10)
    x = jax.random.normal(ks[0], (N, DF), dtype=jnp.float32)
    edge_index = jax.random.randint(ks[1], (2, E), 0, N, dtype=jnp.int32)
    batch = jnp.sort(jax.random.randint(ks[2], (N,), 0, G, dtype=jnp.int32))
    W1 = jax.random.normal(ks[3], (DF, DIM), dtype=jnp.float32) * (1.0 / np.sqrt(DF))
    b1 = jnp.zeros((DIM,), dtype=jnp.float32)
    W2 = jax.random.normal(ks[4], (DIM, DIM), dtype=jnp.float32) * (1.0 / np.sqrt(DIM))
    b2 = jnp.zeros((DIM,), dtype=jnp.float32)
    Wo = jax.random.normal(ks[5], (DIM, 1), dtype=jnp.float32) * (1.0 / np.sqrt(DIM))
    bo = jnp.zeros((1,), dtype=jnp.float32)
    return {"x": x, "edge_index": edge_index, "batch": batch,
            "W1": W1, "b1": b1, "W2": W2, "b2": b2, "Wo": Wo, "bo": bo}

def _gcn_conv(x, edge_index, W, b):
    # GCNConv with improved=True: A_hat = A + 2I, sym-normalized
    n = x.shape[0]
    src, dst = edge_index[0], edge_index[1]
    h = x @ W
    deg = jnp.zeros((n,), dtype=jnp.float32).at[dst].add(1.0) + 2.0  # self-loop weight 2
    dinv = jax.lax.rsqrt(deg)
    norm = dinv[src] * dinv[dst]
    agg = jnp.zeros_like(h).at[dst].add(h[src] * norm[:, None])
    agg = agg + (2.0 * dinv * dinv)[:, None] * h  # self-loop contribution
    return agg + b

def reference(x, edge_index, batch, W1, b1, W2, b2, Wo, bo):
    h = jax.nn.relu(_gcn_conv(x, edge_index, W1, b1))
    for _ in range(2, LAYER + 1):
        h = jax.nn.relu(_gcn_conv(h, edge_index, W2, b2))
    pooled = jax.ops.segment_sum(h, batch, num_segments=G)  # global_add_pool
    return pooled @ Wo + bo

if __name__ == "__main__":
    import jax
    _d = setup_inputs()
    print(jax.jit(kernel)(*tuple(_d.values())))

</pallas_src>

<mosaic_0001>
#map = affine_map<(d0, d1) -> (0, 0)>
#map1 = affine_map<(d0, d1) -> (0, 0, 0)>
module attributes {stable_mosaic.version = 14 : i64} {
  func.func @_edge_sc_body(%arg0: i32, %arg1: i32, %arg2: memref<10240x32xf32, #tpu.memory_space<hbm>>, %arg3: memref<32x84x128xi32, #tpu.memory_space<hbm>>, %arg4: memref<32x84x128xi32, #tpu.memory_space<hbm>>, %arg5: memref<2x10240x32xf32, #tpu.memory_space<hbm>>, %arg6: memref<84x128xi32, #tpu.memory_space<vmem>>, %arg7: memref<84x128xi32, #tpu.memory_space<vmem>>, %arg8: memref<2x128x32xf32, #tpu.memory_space<vmem>>, %arg9: memref<2x128x32xf32, #tpu.memory_space<vmem>>, %arg10: memref<640x32xf32, #tpu.memory_space<vmem>>, %arg11: memref<10240x32xf32, #tpu.memory_space<vmem_shared>>, %arg12: memref<10240x32xf32, #tpu.memory_space<vmem_shared>>, %arg13: memref<!tpu.dma_semaphore, #tpu.memory_space<semaphore_mem>>, %arg14: memref<!tpu.dma_semaphore, #tpu.memory_space<semaphore_mem>>, %arg15: memref<!tpu.dma_semaphore, #tpu.memory_space<semaphore_mem>>, %arg16: memref<!tpu.dma_semaphore, #tpu.memory_space<semaphore_mem>>) attributes {dimension_semantics = [#tpu.dimension_semantics<core_parallel>, #tpu.dimension_semantics<subcore_parallel>], iteration_bounds = array<i64: 2, 16>, scalar_prefetch = 0 : i64, scratch_operands = 11 : i64, tpu.core_type = #tpu.core_type<sc_vector_subcore>, window_params = [{transform_indices = #map}, {transform_indices = #map1}, {transform_indices = #map1}, {transform_indices = #map1}]} {
    %mul3A = arith.constant 2 : i32
    %mul3A_0 = arith.muli %arg1, %mul3A : i32
    %add3A = arith.addi %mul3A_0, %arg0 : i32
    "tpu.region"() ({
      %run_scoped3A = tpu.sem_alloc : memref<!tpu.dma_semaphore, #tpu.memory_space<semaphore_mem>>
      %dma_start3A_119 = arith.constant 0 : i32
      %dma_start3A_120 = arith.constant 0 : i32
      %dma_start3A_121 = tpu.memref_slice %arg3[%add3A, %dma_start3A_119, %dma_start3A_120] : memref<32x84x128xi32, #tpu.memory_space<hbm>> -> memref<1x84x128xi32, #tpu.memory_space<hbm>>
      %dma_start3A_122 = tpu.memref_squeeze %dma_start3A_121 : memref<1x84x128xi32, #tpu.memory_space<hbm>> -> memref<84x128xi32, #tpu.memory_space<hbm>>
      %dma_start3A_123 = arith.constant 0 : i32
      %dma_start3A_124 = arith.constant 0 : i32
      %dma_start3A_125 = tpu.memref_slice %arg3[%add3A, %dma_start3A_123, %dma_start3A_124] : memref<32x84x128xi32, #tpu.memory_space<hbm>> -> memref<1x84x128xi32, #tpu.memory_space<hbm>>
      %dma_start3A_126 = tpu.memref_squeeze %dma_start3A_125 : memref<1x84x128xi32, #tpu.memory_space<hbm>> -> memref<84x128xi32, #tpu.memory_space<hbm>>
      tpu.enqueue_dma source(%dma_start3A_126 : memref<84x128xi32, #tpu.memory_space<hbm>>) target(%arg6 : memref<84x128xi32, #tpu.memory_space<vmem>>) target_semaphore(%run_scoped3A : memref<!tpu.dma_semaphore, #tpu.memory_space<semaphore_mem>>)
      %dma_wait3A_127 = arith.constant 0 : i32
      %dma_wait3A_128 = arith.constant 0 : i32
      %dma_wait3A_129 = tpu.memref_slice %arg3[%add3A, %dma_wait3A_127, %dma_wait3A_128] : memref<32x84x128xi32, #tpu.memory_space<hbm>> -> memref<1x84x128xi32, #tpu.memory_space<hbm>>
      %dma_wait3A_130 = tpu.memref_squeeze %dma_wait3A_129 : memref<1x84x128xi32, #tpu.memory_space<hbm>> -> memref<84x128xi32, #tpu.memory_space<hbm>>
      %dma_wait3A_131 = arith.constant 0 : i32
      %dma_wait3A_132 = arith.constant 0 : i32
      %dma_wait3A_133 = tpu.memref_slice %arg3[%add3A, %dma_wait3A_131, %dma_wait3A_132] : memref<32x84x128xi32, #tpu.memory_space<hbm>> -> memref<1x84x128xi32, #tpu.memory_space<hbm>>
      %dma_wait3A_134 = tpu.memref_squeeze %dma_wait3A_133 : memref<1x84x128xi32, #tpu.memory_space<hbm>> -> memref<84x128xi32, #tpu.memory_space<hbm>>
      tpu.wait_dma2 semaphore(%run_scoped3A : memref<!tpu.dma_semaphore, #tpu.memory_space<semaphore_mem>>) src(%dma_wait3A_134 : memref<84x128xi32, #tpu.memory_space<hbm>>) dst(%arg6 : memref<84x128xi32, #tpu.memory_space<vmem>>)
      tpu.yield
    }) : () -> ()
    "tpu.region"() ({
      %run_scoped3A = tpu.sem_alloc : memref<!tpu.dma_semaphore, #tpu.memory_space<semaphore_mem>>
      %dma_start3A_119 = arith.constant 0 : i32
      %dma_start3A_120 = arith.constant 0 : i32
      %dma_start3A_121 = tpu.memref_slice %arg4[%add3A, %dma_start3A_119, %dma_start3A_120] : memref<32x84x128xi32, #tpu.memory_space<hbm>> -> memref<1x84x128xi32, #tpu.memory_space<hbm>>
      %dma_start3A_122 = tpu.memref_squeeze %dma_start3A_121 : memref<1x84x128xi32, #tpu.memory_space<hbm>> -> memref<84x128xi32, #tpu.memory_space<hbm>>
      %dma_start3A_123 = arith.constant 0 : i32
      %dma_start3A_124 = arith.constant 0 : i32
      %dma_start3A_125 = tpu.memref_slice %arg4[%add3A, %dma_start3A_123, %dma_start3A_124] : memref<32x84x128xi32, #tpu.memory_space<hbm>> -> memref<1x84x128xi32, #tpu.memory_space<hbm>>
      %dma_start3A_126 = tpu.memref_squeeze %dma_start3A_125 : memref<1x84x128xi32, #tpu.memory_space<hbm>> -> memref<84x128xi32, #tpu.memory_space<hbm>>
      tpu.enqueue_dma source(%dma_start3A_126 : memref<84x128xi32, #tpu.memory_space<hbm>>) target(%arg7 : memref<84x128xi32, #tpu.memory_space<vmem>>) target_semaphore(%run_scoped3A : memref<!tpu.dma_semaphore, #tpu.memory_space<semaphore_mem>>)
      %dma_wait3A_127 = arith.constant 0 : i32
      %dma_wait3A_128 = arith.constant 0 : i32
      %dma_wait3A_129 = tpu.memref_slice %arg4[%add3A, %dma_wait3A_127, %dma_wait3A_128] : memref<32x84x128xi32, #tpu.memory_space<hbm>> -> memref<1x84x128xi32, #tpu.memory_space<hbm>>
      %dma_wait3A_130 = tpu.memref_squeeze %dma_wait3A_129 : memref<1x84x128xi32, #tpu.memory_space<hbm>> -> memref<84x128xi32, #tpu.memory_space<hbm>>
      %dma_wait3A_131 = arith.constant 0 : i32
      %dma_wait3A_132 = arith.constant 0 : i32
      %dma_wait3A_133 = tpu.memref_slice %arg4[%add3A, %dma_wait3A_131, %dma_wait3A_132] : memref<32x84x128xi32, #tpu.memory_space<hbm>> -> memref<1x84x128xi32, #tpu.memory_space<hbm>>
      %dma_wait3A_134 = tpu.memref_squeeze %dma_wait3A_133 : memref<1x84x128xi32, #tpu.memory_space<hbm>> -> memref<84x128xi32, #tpu.memory_space<hbm>>
      tpu.wait_dma2 semaphore(%run_scoped3A : memref<!tpu.dma_semaphore, #tpu.memory_space<semaphore_mem>>) src(%dma_wait3A_134 : memref<84x128xi32, #tpu.memory_space<hbm>>) dst(%arg7 : memref<84x128xi32, #tpu.memory_space<vmem>>)
      tpu.yield
    }) : () -> ()
    %mul3A_1 = arith.constant 640 : i32
    %mul3A_2 = arith.muli %arg1, %mul3A_1 : i32
    "tpu.region"() ({
      %run_scoped3A = tpu.sem_alloc : memref<!tpu.dma_semaphore, #tpu.memory_space<semaphore_mem>>
      %dma_start3A_119 = arith.constant 0 : i32
      %dma_start3A_120 = tpu.memref_slice %arg2[%mul3A_2, %dma_start3A_119] : memref<10240x32xf32, #tpu.memory_space<hbm>> -> memref<640x32xf32, #tpu.memory_space<hbm>>
      %dma_start3A_121 = arith.constant 0 : i32
      %dma_start3A_122 = tpu.memref_slice %arg2[%mul3A_2, %dma_start3A_121] : memref<10240x32xf32, #tpu.memory_space<hbm>> -> memref<640x32xf32, #tpu.memory_space<hbm>>
      tpu.enqueue_dma source(%dma_start3A_122 : memref<640x32xf32, #tpu.memory_space<hbm>>) target(%arg10 : memref<640x32xf32, #tpu.memory_space<vmem>>) target_semaphore(%run_scoped3A : memref<!tpu.dma_semaphore, #tpu.memory_space<semaphore_mem>>)
      %dma_wait3A_123 = arith.constant 0 : i32
      %dma_wait3A_124 = tpu.memref_slice %arg2[%mul3A_2, %dma_wait3A_123] : memref<10240x32xf32, #tpu.memory_space<hbm>> -> memref<640x32xf32, #tpu.memory_space<hbm>>
      %dma_wait3A_125 = arith.constant 0 : i32
      %dma_wait3A_126 = tpu.memref_slice %arg2[%mul3A_2, %dma_wait3A_125] : memref<10240x32xf32, #tpu.memory_space<hbm>> -> memref<640x32xf32, #tpu.memory_space<hbm>>
      tpu.wait_dma2 semaphore(%run_scoped3A : memref<!tpu.dma_semaphore, #tpu.memory_space<semaphore_mem>>) src(%dma_wait3A_126 : memref<640x32xf32, #tpu.memory_space<hbm>>) dst(%arg10 : memref<640x32xf32, #tpu.memory_space<vmem>>)
      tpu.yield
    }) : () -> ()
    %mul3A_3 = arith.constant 640 : i32
    %mul3A_4 = arith.muli %arg1, %mul3A_3 : i32
    "tpu.region"() ({
      %run_scoped3A = tpu.sem_alloc : memref<!tpu.dma_semaphore, #tpu.memory_space<semaphore_mem>>
      %dma_start3A_119 = arith.constant 0 : i32
      %dma_start3A_120 = tpu.memref_slice %arg11[%mul3A_4, %dma_start3A_119] : memref<10240x32xf32, #tpu.memory_space<vmem_shared>> -> memref<640x32xf32, #tpu.memory_space<vmem_shared>>
      %dma_start3A_121 = arith.constant 0 : i32
      %dma_start3A_122 = tpu.memref_slice %arg11[%mul3A_4, %dma_start3A_121] : memref<10240x32xf32, #tpu.memory_space<vmem_shared>> -> memref<640x32xf32, #tpu.memory_space<vmem_shared>>
      tpu.enqueue_dma source(%arg10 : memref<640x32xf32, #tpu.memory_space<vmem>>) target(%dma_start3A_122 : memref<640x32xf32, #tpu.memory_space<vmem_shared>>) target_semaphore(%run_scoped3A : memref<!tpu.dma_semaphore, #tpu.memory_space<semaphore_mem>>)
      %dma_wait3A_123 = arith.constant 0 : i32
      %dma_wait3A_124 = tpu.memref_slice %arg11[%mul3A_4, %dma_wait3A_123] : memref<10240x32xf32, #tpu.memory_space<vmem_shared>> -> memref<640x32xf32, #tpu.memory_space<vmem_shared>>
      %dma_wait3A_125 = arith.constant 0 : i32
      %dma_wait3A_126 = tpu.memref_slice %arg11[%mul3A_4, %dma_wait3A_125] : memref<10240x32xf32, #tpu.memory_space<vmem_shared>> -> memref<640x32xf32, #tpu.memory_space<vmem_shared>>
      tpu.wait_dma2 semaphore(%run_scoped3A : memref<!tpu.dma_semaphore, #tpu.memory_space<semaphore_mem>>) src(%arg10 : memref<640x32xf32, #tpu.memory_space<vmem>>) dst(%dma_wait3A_126 : memref<640x32xf32, #tpu.memory_space<vmem_shared>>)
      tpu.yield
    }) : () -> ()
    %broadcast_in_dim3A = arith.constant 0.000000e+00 : f32
    %broadcast_in_dim3A_5 = vector.broadcast %broadcast_in_dim3A : f32 to vector<16xf32>
    %eq3A = arith.constant 0 : i32
    %eq3A_6 = arith.cmpi eq, %arg0, %eq3A : i32
    %scan3A = arith.constant 0 : i32
    %scan3A_7 = arith.constant 0 : i32
    %scan3A_8 = arith.constant 640 : i32
    %scan3A_9 = arith.addi %scan3A_7, %scan3A_8 : i32
    %scan3A_10 = arith.constant 8 : i32
    scf.for %scan3A_119 = %scan3A_7 to %scan3A_9 step %scan3A_10  : i32 {
      %convert_element_type3A = arith.extui %eq3A_6 : i1 to i32
      %cond3A = arith.constant 0 : i32
      %cond3A_120 = arith.cmpi ne, %convert_element_type3A, %cond3A : i32
      scf.if %cond3A_120 {
        %get3A = arith.index_cast %scan3A_119 : i32 to index
        %get3A_195 = arith.constant 0 : index
        %get3A_196 = tpu.vector_load %arg10[%get3A, %get3A_195] {strides = array<i32>} : memref<640x32xf32, #tpu.memory_space<vmem>>, vector<1x16xf32>,
        %get3A_197 = vector.shape_cast %get3A_196 : vector<1x16xf32> to vector<16xf32>
        %mul3A_198 = arith.constant 2.000000e+00 : f32
        %mul3A_199 = vector.broadcast %mul3A_198 : f32 to vector<16xf32>
        %mul3A_200 = arith.mulf %get3A_197, %mul3A_199 : vector<16xf32>
        %swap3A = arith.index_cast %scan3A_119 : i32 to index
        %swap3A_201 = arith.constant 0 : index
        %swap3A_202 = tpu.vector_load %arg10[%swap3A, %swap3A_201] {strides = array<i32>} : memref<640x32xf32, #tpu.memory_space<vmem>>, vector<1x16xf32>,
        %swap3A_203 = vector.shape_cast %swap3A_202 : vector<1x16xf32> to vector<16xf32>
        %swap3A_204 = vector.shape_cast %mul3A_200 : vector<16xf32> to vector<1x16xf32>
        tpu.vector_store %arg10[%swap3A, %swap3A_201], %swap3A_204 {strides = array<i32>} : memref<640x32xf32, #tpu.memory_space<vmem>>, vector<1x16xf32>,
        %get3A_205 = arith.index_cast %scan3A_119 : i32 to index
        %get3A_206 = arith.constant 16 : index
        %get3A_207 = tpu.vector_load %arg10[%get3A_205, %get3A_206] {strides = array<i32>} : memref<640x32xf32, #tpu.memory_space<vmem>>, vector<1x16xf32>,
        %get3A_208 = vector.shape_cast %get3A_207 : vector<1x16xf32> to vector<16xf32>
        %mul3A_209 = arith.constant 2.000000e+00 : f32
        %mul3A_210 = vector.broadcast %mul3A_209 : f32 to vector<16xf32>
        %mul3A_211 = arith.mulf %get3A_208, %mul3A_210 : vector<16xf32>
        %swap3A_212 = arith.index_cast %scan3A_119 : i32 to index
        %swap3A_213 = arith.constant 16 : index
        %swap3A_214 = tpu.vector_load %arg10[%swap3A_212, %swap3A_213] {strides = array<i32>} : memref<640x32xf32, #tpu.memory_space<vmem>>, vector<1x16xf32>,
        %swap3A_215 = vector.shape_cast %swap3A_214 : vector<1x16xf32> to vector<16xf32>
        %swap3A_216 = vector.shape_cast %mul3A_211 : vector<16xf32> to vector<1x16xf32>
        tpu.vector_store %arg10[%swap3A_212, %swap3A_213], %swap3A_216 {strides = array<i32>} : memref<640x32xf32, #tpu.memory_space<vmem>>, vector<1x16xf32>,
      } else {
      }
      %not3A = arith.constant true
      %not3A_121 = arith.xori %eq3A_6, %not3A : i1
      %convert_element_type3A_122 = arith.extui %not3A_121 : i1 to i32
      %cond3A_123 = arith.constant 0 : i32
      %cond3A_124 = arith.cmpi ne, %convert_element_type3A_122, %cond3A_123 : i32
      scf.if %cond3A_124 {
        %swap3A = arith.index_cast %scan3A_119 : i32 to index
        %swap3A_195 = arith.constant 0 : index
        %swap3A_196 = tpu.vector_load %arg10[%swap3A, %swap3A_195] {strides = array<i32>} : memref<640x32xf32, #tpu.memory_space<vmem>>, vector<1x16xf32>,
        %swap3A_197 = vector.shape_cast %swap3A_196 : vector<1x16xf32> to vector<16xf32>
        %swap3A_198 = vector.shape_cast %broadcast_in_dim3A_5 : vector<16xf32> to vector<1x16xf32>
        tpu.vector_store %arg10[%swap3A, %swap3A_195], %swap3A_198 {strides = array<i32>} : memref<640x32xf32, #tpu.memory_space<vmem>>, vector<1x16xf32>,
        %swap3A_199 = arith.index_cast %scan3A_119 : i32 to index
        %swap3A_200 = arith.constant 16 : index
        %swap3A_201 = tpu.vector_load %arg10[%swap3A_199, %swap3A_200] {strides = array<i32>} : memref<640x32xf32, #tpu.memory_space<vmem>>, vector<1x16xf32>,
        %swap3A_202 = vector.shape_cast %swap3A_201 : vector<1x16xf32> to vector<16xf32>
        %swap3A_203 = vector.shape_cast %broadcast_in_dim3A_5 : vector<16xf32> to vector<1x16xf32>
        tpu.vector_store %arg10[%swap3A_199, %swap3A_200], %swap3A_203 {strides = array<i32>} : memref<640x32xf32, #tpu.memory_space<vmem>>, vector<1x16xf32>,
      } else {
      }
      %scan3A_125 = arith.constant 1 : i32
      %scan3A_126 = arith.addi %scan3A_119, %scan3A_125 : i32
      %convert_element_type3A_127 = arith.extui %eq3A_6 : i1 to i32
      %cond3A_128 = arith.constant 0 : i32
      %cond3A_129 = arith.cmpi ne, %convert_element_type3A_127, %cond3A_128 : i32
      scf.if %cond3A_129 {
        %get3A = arith.index_cast %scan3A_126 : i32 to index
        %get3A_195 = arith.constant 0 : index
        %get3A_196 = tpu.vector_load %arg10[%get3A, %get3A_195] {strides = array<i32>} : memref<640x32xf32, #tpu.memory_space<vmem>>, vector<1x16xf32>,
        %get3A_197 = vector.shape_cast %get3A_196 : vector<1x16xf32> to vector<16xf32>
        %mul3A_198 = arith.constant 2.000000e+00 : f32
        %mul3A_199 = vector.broadcast %mul3A_198 : f32 to vector<16xf32>
        %mul3A_200 = arith.mulf %get3A_197, %mul3A_199 : vector<16xf32>
        %swap3A = arith.index_cast %scan3A_126 : i32 to index
        %swap3A_201 = arith.constant 0 : index
        %swap3A_202 = tpu.vector_load %arg10[%swap3A, %swap3A_201] {strides = array<i32>} : memref<640x32xf32, #tpu.memory_space<vmem>>, vector<1x16xf32>,
        %swap3A_203 = vector.shape_cast %swap3A_202 : vector<1x16xf32> to vector<16xf32>
        %swap3A_204 = vector.shape_cast %mul3A_200 : vector<16xf32> to vector<1x16xf32>
        tpu.vector_store %arg10[%swap3A, %swap3A_201], %swap3A_204 {strides = array<i32>} : memref<640x32xf32, #tpu.memory_space<vmem>>, vector<1x16xf32>,
        %get3A_205 = arith.index_cast %scan3A_126 : i32 to index
        %get3A_206 = arith.constant 16 : index
        %get3A_207 = tpu.vector_load %arg10[%get3A_205, %get3A_206] {strides = array<i32>} : memref<640x32xf32, #tpu.memory_space<vmem>>, vector<1x16xf32>,
        %get3A_208 = vector.shape_cast %get3A_207 : vector<1x16xf32> to vector<16xf32>
        %mul3A_209 = arith.constant 2.000000e+00 : f32
        %mul3A_210 = vector.broadcast %mul3A_209 : f32 to vector<16xf32>
        %mul3A_211 = arith.mulf %get3A_208, %mul3A_210 : vector<16xf32>
        %swap3A_212 = arith.index_cast %scan3A_126 : i32 to index
        %swap3A_213 = arith.constant 16 : index
        %swap3A_214 = tpu.vector_load %arg10[%swap3A_212, %swap3A_213] {strides = array<i32>} : memref<640x32xf32, #tpu.memory_space<vmem>>, vector<1x16xf32>,
        %swap3A_215 = vector.shape_cast %swap3A_214 : vector<1x16xf32> to vector<16xf32>
        %swap3A_216 = vector.shape_cast %mul3A_211 : vector<16xf32> to vector<1x16xf32>
        tpu.vector_store %arg10[%swap3A_212, %swap3A_213], %swap3A_216 {strides = array<i32>} : memref<640x32xf32, #tpu.memory_space<vmem>>, vector<1x16xf32>,
      } else {
      }
      %not3A_130 = arith.constant true
      %not3A_131 = arith.xori %eq3A_6, %not3A_130 : i1
      %convert_element_type3A_132 = arith.extui %not3A_131 : i1 to i32
      %cond3A_133 = arith.constant 0 : i32
      %cond3A_134 = arith.cmpi ne, %convert_element_type3A_132, %cond3A_133 : i32
      scf.if %cond3A_134 {
        %swap3A = arith.index_cast %scan3A_126 : i32 to index
        %swap3A_195 = arith.constant 0 : index
        %swap3A_196 = tpu.vector_load %arg10[%swap3A, %swap3A_195] {strides = array<i32>} : memref<640x32xf32, #tpu.memory_space<vmem>>, vector<1x16xf32>,
        %swap3A_197 = vector.shape_cast %swap3A_196 : vector<1x16xf32> to vector<16xf32>
        %swap3A_198 = vector.shape_cast %broadcast_in_dim3A_5 : vector<16xf32> to vector<1x16xf32>
        tpu.vector_store %arg10[%swap3A, %swap3A_195], %swap3A_198 {strides = array<i32>} : memref<640x32xf32, #tpu.memory_space<vmem>>, vector<1x16xf32>,
        %swap3A_199 = arith.index_cast %scan3A_126 : i32 to index
        %swap3A_200 = arith.constant 16 : index
        %swap3A_201 = tpu.vector_load %arg10[%swap3A_199, %swap3A_200] {strides = array<i32>} : memref<640x32xf32, #tpu.memory_space<vmem>>, vector<1x16xf32>,
        %swap3A_202 = vector.shape_cast %swap3A_201 : vector<1x16xf32> to vector<16xf32>
        %swap3A_203 = vector.shape_cast %broadcast_in_dim3A_5 : vector<16xf32> to vector<1x16xf32>
        tpu.vector_store %arg10[%swap3A_199, %swap3A_200], %swap3A_203 {strides = array<i32>} : memref<640x32xf32, #tpu.memory_space<vmem>>, vector<1x16xf32>,
      } else {
      }
      %scan3A_135 = arith.constant 2 : i32
      %scan3A_136 = arith.addi %scan3A_119, %scan3A_135 : i32
      %convert_element_type3A_137 = arith.extui %eq3A_6 : i1 to i32
      %cond3A_138 = arith.constant 0 : i32
      %cond3A_139 = arith.cmpi ne, %convert_element_type3A_137, %cond3A_138 : i32
      scf.if %cond3A_139 {
        %get3A = arith.index_cast %scan3A_136 : i32 to index
        %get3A_195 = arith.constant 0 : index
        %get3A_196 = tpu.vector_load %arg10[%get3A, %get3A_195] {strides = array<i32>} : memref<640x32xf32, #tpu.memory_space<vmem>>, vector<1x16xf32>,
        %get3A_197 = vector.shape_cast %get3A_196 : vector<1x16xf32> to vector<16xf32>
        %mul3A_198 = arith.constant 2.000000e+00 : f32
        %mul3A_199 = vector.broadcast %mul3A_198 : f32 to vector<16xf32>
        %mul3A_200 = arith.mulf %get3A_197, %mul3A_199 : vector<16xf32>
        %swap3A = arith.index_cast %scan3A_136 : i32 to index
        %swap3A_201 = arith.constant 0 : index
        %swap3A_202 = tpu.vector_load %arg10[%swap3A, %swap3A_201] {strides = array<i32>} : memref<640x32xf32, #tpu.memory_space<vmem>>, vector<1x16xf32>,
        %swap3A_203 = vector.shape_cast %swap3A_202 : vector<1x16xf32> to vector<16xf32>
        %swap3A_204 = vector.shape_cast %mul3A_200 : vector<16xf32> to vector<1x16xf32>
        tpu.vector_store %arg10[%swap3A, %swap3A_201], %swap3A_204 {strides = array<i32>} : memref<640x32xf32, #tpu.memory_space<vmem>>, vector<1x16xf32>,
        %get3A_205 = arith.index_cast %scan3A_136 : i32 to index
        %get3A_206 = arith.constant 16 : index
        %get3A_207 = tpu.vector_load %arg10[%get3A_205, %get3A_206] {strides = array<i32>} : memref<640x32xf32, #tpu.memory_space<vmem>>, vector<1x16xf32>,
        %get3A_208 = vector.shape_cast %get3A_207 : vector<1x16xf32> to vector<16xf32>
        %mul3A_209 = arith.constant 2.000000e+00 : f32
        %mul3A_210 = vector.broadcast %mul3A_209 : f32 to vector<16xf32>
        %mul3A_211 = arith.mulf %get3A_208, %mul3A_210 : vector<16xf32>
        %swap3A_212 = arith.index_cast %scan3A_136 : i32 to index
        %swap3A_213 = arith.constant 16 : index
        %swap3A_214 = tpu.vector_load %arg10[%swap3A_212, %swap3A_213] {strides = array<i32>} : memref<640x32xf32, #tpu.memory_space<vmem>>, vector<1x16xf32>,
        %swap3A_215 = vector.shape_cast %swap3A_214 : vector<1x16xf32> to vector<16xf32>
        %swap3A_216 = vector.shape_cast %mul3A_211 : vector<16xf32> to vector<1x16xf32>
        tpu.vector_store %arg10[%swap3A_212, %swap3A_213], %swap3A_216 {strides = array<i32>} : memref<640x32xf32, #tpu.memory_space<vmem>>, vector<1x16xf32>,
      } else {
      }
      %not3A_140 = arith.constant true
      %not3A_141 = arith.xori %eq3A_6, %not3A_140 : i1
      %convert_element_type3A_142 = arith.extui %not3A_141 : i1 to i32
      %cond3A_143 = arith.constant 0 : i32
      %cond3A_144 = arith.cmpi ne, %convert_element_type3A_142, %cond3A_143 : i32
      scf.if %cond3A_144 {
        %swap3A = arith.index_cast %scan3A_136 : i32 to index
        %swap3A_195 = arith.constant 0 : index
        %swap3A_196 = tpu.vector_load %arg10[%swap3A, %swap3A_195] {strides = array<i32>} : memref<640x32xf32, #tpu.memory_space<vmem>>, vector<1x16xf32>,
        %swap3A_197 = vector.shape_cast %swap3A_196 : vector<1x16xf32> to vector<16xf32>
        %swap3A_198 = vector.shape_cast %broadcast_in_dim3A_5 : vector<16xf32> to vector<1x16xf32>
        tpu.vector_store %arg10[%swap3A, %swap3A_195], %swap3A_198 {strides = array<i32>} : memref<640x32xf32, #tpu.memory_space<vmem>>, vector<1x16xf32>,
        %swap3A_199 = arith.index_cast %scan3A_136 : i32 to index
        %swap3A_200 = arith.constant 16 : index
        %swap3A_201 = tpu.vector_load %arg10[%swap3A_199, %swap3A_200] {strides = array<i32>} : memref<640x32xf32, #tpu.memory_space<vmem>>, vector<1x16xf32>,
        %swap3A_202 = vector.shape_cast %swap3A_201 : vector<1x16xf32> to vector<16xf32>
        %swap3A_203 = vector.shape_cast %broadcast_in_dim3A_5 : vector<16xf32> to vector<1x16xf32>
        tpu.vector_store %arg10[%swap3A_199, %swap3A_200], %swap3A_203 {strides = array<i32>} : memref<640x32xf32, #tpu.memory_space<vmem>>, vector<1x16xf32>,
      } else {
      }
      %scan3A_145 = arith.constant 3 : i32
      %scan3A_146 = arith.addi %scan3A_119, %scan3A_145 : i32
      %convert_element_type3A_147 = arith.extui %eq3A_6 : i1 to i32
      %cond3A_148 = arith.constant 0 : i32
      %cond3A_149 = arith.cmpi ne, %convert_element_type3A_147, %cond3A_148 : i32
      scf.if %cond3A_149 {
        %get3A = arith.index_cast %scan3A_146 : i32 to index
        %get3A_195 = arith.constant 0 : index
        %get3A_196 = tpu.vector_load %arg10[%get3A, %get3A_195] {strides = array<i32>} : memref<640x32xf32, #tpu.memory_space<vmem>>, vector<1x16xf32>,
        %get3A_197 = vector.shape_cast %get3A_196 : vector<1x16xf32> to vector<16xf32>
        %mul3A_198 = arith.constant 2.000000e+00 : f32
        %mul3A_199 = vector.broadcast %mul3A_198 : f32 to vector<16xf32>
        %mul3A_200 = arith.mulf %get3A_197, %mul3A_199 : vector<16xf32>
        %swap3A = arith.index_cast %scan3A_146 : i32 to index
        %swap3A_201 = arith.constant 0 : index
        %swap3A_202 = tpu.vector_load %arg10[%swap3A, %swap3A_201] {strides = array<i32>} : memref<640x32xf32, #tpu.memory_space<vmem>>, vector<1x16xf32>,
        %swap3A_203 = vector.shape_cast %swap3A_202 : vector<1x16xf32> to vector<16xf32>
        %swap3A_204 = vector.shape_cast %mul3A_200 : vector<16xf32> to vector<1x16xf32>
        tpu.vector_store %arg10[%swap3A, %swap3A_201], %swap3A_204 {strides = array<i32>} : memref<640x32xf32, #tpu.memory_space<vmem>>, vector<1x16xf32>,
        %get3A_205 = arith.index_cast %scan3A_146 : i32 to index
        %get3A_206 = arith.constant 16 : index
        %get3A_207 = tpu.vector_load %arg10[%get3A_205, %get3A_206] {strides = array<i32>} : memref<640x32xf32, #tpu.memory_space<vmem>>, vector<1x16xf32>,
        %get3A_208 = vector.shape_cast %get3A_207 : vector<1x16xf32> to vector<16xf32>
        %mul3A_209 = arith.constant 2.000000e+00 : f32
        %mul3A_210 = vector.broadcast %mul3A_209 : f32 to vector<16xf32>
        %mul3A_211 = arith.mulf %get3A_208, %mul3A_210 : vector<16xf32>
        %swap3A_212 = arith.index_cast %scan3A_146 : i32 to index
        %swap3A_213 = arith.constant 16 : index
        %swap3A_214 = tpu.vector_load %arg10[%swap3A_212, %swap3A_213] {strides = array<i32>} : memref<640x32xf32, #tpu.memory_space<vmem>>, vector<1x16xf32>,
        %swap3A_215 = vector.shape_cast %swap3A_214 : vector<1x16xf32> to vector<16xf32>
        %swap3A_216 = vector.shape_cast %mul3A_211 : vector<16xf32> to vector<1x16xf32>
        tpu.vector_store %arg10[%swap3A_212, %swap3A_213], %swap3A_216 {strides = array<i32>} : memref<640x32xf32, #tpu.memory_space<vmem>>, vector<1x16xf32>,
      } else {
      }
      %not3A_150 = arith.constant true
      %not3A_151 = arith.xori %eq3A_6, %not3A_150 : i1
      %convert_element_type3A_152 = arith.extui %not3A_151 : i1 to i32
      %cond3A_153 = arith.constant 0 : i32
      %cond3A_154 = arith.cmpi ne, %convert_element_type3A_152, %cond3A_153 : i32
      scf.if %cond3A_154 {
        %swap3A = arith.index_cast %scan3A_146 : i32 to index
        %swap3A_195 = arith.constant 0 : index
        %swap3A_196 = tpu.vector_load %arg10[%swap3A, %swap3A_195] {strides = array<i32>} : memref<640x32xf32, #tpu.memory_space<vmem>>, vector<1x16xf32>,
        %swap3A_197 = vector.shape_cast %swap3A_196 : vector<1x16xf32> to vector<16xf32>
        %swap3A_198 = vector.shape_cast %broadcast_in_dim3A_5 : vector<16xf32> to vector<1x16xf32>
        tpu.vector_store %arg10[%swap3A, %swap3A_195], %swap3A_198 {strides = array<i32>} : memref<640x32xf32, #tpu.memory_space<vmem>>, vector<1x16xf32>,
        %swap3A_199 = arith.index_cast %scan3A_146 : i32 to index
        %swap3A_200 = arith.constant 16 : index
        %swap3A_201 = tpu.vector_load %arg10[%swap3A_199, %swap3A_200] {strides = array<i32>} : memref<640x32xf32, #tpu.memory_space<vmem>>, vector<1x16xf32>,
        %swap3A_202 = vector.shape_cast %swap3A_201 : vector<1x16xf32> to vector<16xf32>
        %swap3A_203 = vector.shape_cast %broadcast_in_dim3A_5 : vector<16xf32> to vector<1x16xf32>
        tpu.vector_store %arg10[%swap3A_199, %swap3A_200], %swap3A_203 {strides = array<i32>} : memref<640x32xf32, #tpu.memory_space<vmem>>, vector<1x16xf32>,
      } else {
      }
      %scan3A_155 = arith.constant 4 : i32
      %scan3A_156 = arith.addi %scan3A_119, %scan3A_155 : i32
      %convert_element_type3A_157 = arith.extui %eq3A_6 : i1 to i32
      %cond3A_158 = arith.constant 0 : i32
      %cond3A_159 = arith.cmpi ne, %convert_element_type3A_157, %cond3A_158 : i32
      scf.if %cond3A_159 {
        %get3A = arith.index_cast %scan3A_156 : i32 to index
        %get3A_195 = arith.constant 0 : index
        %get3A_196 = tpu.vector_load %arg10[%get3A, %get3A_195] {strides = array<i32>} : memref<640x32xf32, #tpu.memory_space<vmem>>, vector<1x16xf32>,
        %get3A_197 = vector.shape_cast %get3A_196 : vector<1x16xf32> to vector<16xf32>
        %mul3A_198 = arith.constant 2.000000e+00 : f32
        %mul3A_199 = vector.broadcast %mul3A_198 : f32 to vector<16xf32>
        %mul3A_200 = arith.mulf %get3A_197, %mul3A_199 : vector<16xf32>
        %swap3A = arith.index_cast %scan3A_156 : i32 to index
        %swap3A_201 = arith.constant 0 : index
        %swap3A_202 = tpu.vector_load %arg10[%swap3A, %swap3A_201] {strides = array<i32>} : memref<640x32xf32, #tpu.memory_space<vmem>>, vector<1x16xf32>,
        %swap3A_203 = vector.shape_cast %swap3A_202 : vector<1x16xf32> to vector<16xf32>
        %swap3A_204 = vector.shape_cast %mul3A_200 : vector<16xf32> to vector<1x16xf32>
        tpu.vector_store %arg10[%swap3A, %swap3A_201], %swap3A_204 {strides = array<i32>} : memref<640x32xf32, #tpu.memory_space<vmem>>, vector<1x16xf32>,
        %get3A_205 = arith.index_cast %scan3A_156 : i32 to index
        %get3A_206 = arith.constant 16 : index
        %get3A_207 = tpu.vector_load %arg10[%get3A_205, %get3A_206] {strides = array<i32>} : memref<640x32xf32, #tpu.memory_space<vmem>>, vector<1x16xf32>,
        %get3A_208 = vector.shape_cast %get3A_207 : vector<1x16xf32> to vector<16xf32>
        %mul3A_209 = arith.constant 2.000000e+00 : f32
        %mul3A_210 = vector.broadcast %mul3A_209 : f32 to vector<16xf32>
        %mul3A_211 = arith.mulf %get3A_208, %mul3A_210 : vector<16xf32>
        %swap3A_212 = arith.index_cast %scan3A_156 : i32 to index
        %swap3A_213 = arith.constant 16 : index
        %swap3A_214 = tpu.vector_load %arg10[%swap3A_212, %swap3A_213] {strides = array<i32>} : memref<640x32xf32, #tpu.memory_space<vmem>>, vector<1x16xf32>,
        %swap3A_215 = vector.shape_cast %swap3A_214 : vector<1x16xf32> to vector<16xf32>
        %swap3A_216 = vector.shape_cast %mul3A_211 : vector<16xf32> to vector<1x16xf32>
        tpu.vector_store %arg10[%swap3A_212, %swap3A_213], %swap3A_216 {strides = array<i32>} : memref<640x32xf32, #tpu.memory_space<vmem>>, vector<1x16xf32>,
      } else {
      }
      %not3A_160 = arith.constant true
      %not3A_161 = arith.xori %eq3A_6, %not3A_160 : i1
      %convert_element_type3A_162 = arith.extui %not3A_161 : i1 to i32
      %cond3A_163 = arith.constant 0 : i32
      %cond3A_164 = arith.cmpi ne, %convert_element_type3A_162, %cond3A_163 : i32
      scf.if %cond3A_164 {
        %swap3A = arith.index_cast %scan3A_156 : i32 to index
        %swap3A_195 = arith.constant 0 : index
        %swap3A_196 = tpu.vector_load %arg10[%swap3A, %swap3A_195] {strides = array<i32>} : memref<640x32xf32, #tpu.memory_space<vmem>>, vector<1x16xf32>,
        %swap3A_197 = vector.shape_cast %swap3A_196 : vector<1x16xf32> to vector<16xf32>
        %swap3A_198 = vector.shape_cast %broadcast_in_dim3A_5 : vector<16xf32> to vector<1x16xf32>
        tpu.vector_store %arg10[%swap3A, %swap3A_195], %swap3A_198 {strides = array<i32>} : memref<640x32xf32, #tpu.memory_space<vmem>>, vector<1x16xf32>,
        %swap3A_199 = arith.index_cast %scan3A_156 : i32 to index
        %swap3A_200 = arith.constant 16 : index
        %swap3A_201 = tpu.vector_load %arg10[%swap3A_199, %swap3A_200] {strides = array<i32>} : memref<640x32xf32, #tpu.memory_space<vmem>>, vector<1x16xf32>,
        %swap3A_202 = vector.shape_cast %swap3A_201 : vector<1x16xf32> to vector<16xf32>
        %swap3A_203 = vector.shape_cast %broadcast_in_dim3A_5 : vector<16xf32> to vector<1x16xf32>
        tpu.vector_store %arg10[%swap3A_199, %swap3A_200], %swap3A_203 {strides = array<i32>} : memref<640x32xf32, #tpu.memory_space<vmem>>, vector<1x16xf32>,
      } else {
      }
      %scan3A_165 = arith.constant 5 : i32
      %scan3A_166 = arith.addi %scan3A_119, %scan3A_165 : i32
      %convert_element_type3A_167 = arith.extui %eq3A_6 : i1 to i32
      %cond3A_168 = arith.constant 0 : i32
      %cond3A_169 = arith.cmpi ne, %convert_element_type3A_167, %cond3A_168 : i32
      scf.if %cond3A_169 {
        %get3A = arith.index_cast %scan3A_166 : i32 to index
        %get3A_195 = arith.constant 0 : index
        %get3A_196 = tpu.vector_load %arg10[%get3A, %get3A_195] {strides = array<i32>} : memref<640x32xf32, #tpu.memory_space<vmem>>, vector<1x16xf32>,
        %get3A_197 = vector.shape_cast %get3A_196 : vector<1x16xf32> to vector<16xf32>
        %mul3A_198 = arith.constant 2.000000e+00 : f32
        %mul3A_199 = vector.broadcast %mul3A_198 : f32 to vector<16xf32>
        %mul3A_200 = arith.mulf %get3A_197, %mul3A_199 : vector<16xf32>
        %swap3A = arith.index_cast %scan3A_166 : i32 to index
        %swap3A_201 = arith.constant 0 : index
        %swap3A_202 = tpu.vector_load %arg10[%swap3A, %swap3A_201] {strides = array<i32>} : memref<640x32xf32, #tpu.memory_space<vmem>>, vector<1x16xf32>,
        %swap3A_203 = vector.shape_cast %swap3A_202 : vector<1x16xf32> to vector<16xf32>
        %swap3A_204 = vector.shape_cast %mul3A_200 : vector<16xf32> to vector<1x16xf32>
        tpu.vector_store %arg10[%swap3A, %swap3A_201], %swap3A_204 {strides = array<i32>} : memref<640x32xf32, #tpu.memory_space<vmem>>, vector<1x16xf32>,
        %get3A_205 = arith.index_cast %scan3A_166 : i32 to index
        %get3A_206 = arith.constant 16 : index
        %get3A_207 = tpu.vector_load %arg10[%get3A_205, %get3A_206] {strides = array<i32>} : memref<640x32xf32, #tpu.memory_space<vmem>>, vector<1x16xf32>,
        %get3A_208 = vector.shape_cast %get3A_207 : vector<1x16xf32> to vector<16xf32>
        %mul3A_209 = arith.constant 2.000000e+00 : f32
        %mul3A_210 = vector.broadcast %mul3A_209 : f32 to vector<16xf32>
        %mul3A_211 = arith.mulf %get3A_208, %mul3A_210 : vector<16xf32>
        %swap3A_212 = arith.index_cast %scan3A_166 : i32 to index
        %swap3A_213 = arith.constant 16 : index
        %swap3A_214 = tpu.vector_load %arg10[%swap3A_212, %swap3A_213] {strides = array<i32>} : memref<640x32xf32, #tpu.memory_space<vmem>>, vector<1x16xf32>,
        %swap3A_215 = vector.shape_cast %swap3A_214 : vector<1x16xf32> to vector<16xf32>
        %swap3A_216 = vector.shape_cast %mul3A_211 : vector<16xf32> to vector<1x16xf32>
        tpu.vector_store %arg10[%swap3A_212, %swap3A_213], %swap3A_216 {strides = array<i32>} : memref<640x32xf32, #tpu.memory_space<vmem>>, vector<1x16xf32>,
      } else {
      }
      %not3A_170 = arith.constant true
      %not3A_171 = arith.xori %eq3A_6, %not3A_170 : i1
      %convert_element_type3A_172 = arith.extui %not3A_171 : i1 to i32
      %cond3A_173 = arith.constant 0 : i32
      %cond3A_174 = arith.cmpi ne, %convert_element_type3A_172, %cond3A_173 : i32
      scf.if %cond3A_174 {
        %swap3A = arith.index_cast %scan3A_166 : i32 to index
        %swap3A_195 = arith.constant 0 : index
        %swap3A_196 = tpu.vector_load %arg10[%swap3A, %swap3A_195] {strides = array<i32>} : memref<640x32xf32, #tpu.memory_space<vmem>>, vector<1x16xf32>,
        %swap3A_197 = vector.shape_cast %swap3A_196 : vector<1x16xf32> to vector<16xf32>
        %swap3A_198 = vector.shape_cast %broadcast_in_dim3A_5 : vector<16xf32> to vector<1x16xf32>
        tpu.vector_store %arg10[%swap3A, %swap3A_195], %swap3A_198 {strides = array<i32>} : memref<640x32xf32, #tpu.memory_space<vmem>>, vector<1x16xf32>,
        %swap3A_199 = arith.index_cast %scan3A_166 : i32 to index
        %swap3A_200 = arith.constant 16 : index
        %swap3A_201 = tpu.vector_load %arg10[%swap3A_199, %swap3A_200] {strides = array<i32>} : memref<640x32xf32, #tpu.memory_space<vmem>>, vector<1x16xf32>,
        %swap3A_202 = vector.shape_cast %swap3A_201 : vector<1x16xf32> to vector<16xf32>
        %swap3A_203 = vector.shape_cast %broadcast_in_dim3A_5 : vector<16xf32> to vector<1x16xf32>
        tpu.vector_store %arg10[%swap3A_199, %swap3A_200], %swap3A_203 {strides = array<i32>} : memref<640x32xf32, #tpu.memory_space<vmem>>, vector<1x16xf32>,
      } else {
      }
      %scan3A_175 = arith.constant 6 : i32
      %scan3A_176 = arith.addi %scan3A_119, %scan3A_175 : i32
      %convert_element_type3A_177 = arith.extui %eq3A_6 : i1 to i32
      %cond3A_178 = arith.constant 0 : i32
      %cond3A_179 = arith.cmpi ne, %convert_element_type3A_177, %cond3A_178 : i32
      scf.if %cond3A_179 {
        %get3A = arith.index_cast %scan3A_176 : i32 to index
        %get3A_195 = arith.constant 0 : index
        %get3A_196 = tpu.vector_load %arg10[%get3A, %get3A_195] {strides = array<i32>} : memref<640x32xf32, #tpu.memory_space<vmem>>, vector<1x16xf32>,
        %get3A_197 = vector.shape_cast %get3A_196 : vector<1x16xf32> to vector<16xf32>
        %mul3A_198 = arith.constant 2.000000e+00 : f32
        %mul3A_199 = vector.broadcast %mul3A_198 : f32 to vector<16xf32>
        %mul3A_200 = arith.mulf %get3A_197, %mul3A_199 : vector<16xf32>
        %swap3A = arith.index_cast %scan3A_176 : i32 to index
        %swap3A_201 = arith.constant 0 : index
        %swap3A_202 = tpu.vector_load %arg10[%swap3A, %swap3A_201] {strides = array<i32>} : memref<640x32xf32, #tpu.memory_space<vmem>>, vector<1x16xf32>,
        %swap3A_203 = vector.shape_cast %swap3A_202 : vector<1x16xf32> to vector<16xf32>
        %swap3A_204 = vector.shape_cast %mul3A_200 : vector<16xf32> to vector<1x16xf32>
        tpu.vector_store %arg10[%swap3A, %swap3A_201], %swap3A_204 {strides = array<i32>} : memref<640x32xf32, #tpu.memory_space<vmem>>, vector<1x16xf32>,
        %get3A_205 = arith.index_cast %scan3A_176 : i32 to index
        %get3A_206 = arith.constant 16 : index
        %get3A_207 = tpu.vector_load %arg10[%get3A_205, %get3A_206] {strides = array<i32>} : memref<640x32xf32, #tpu.memory_space<vmem>>, vector<1x16xf32>,
        %get3A_208 = vector.shape_cast %get3A_207 : vector<1x16xf32> to vector<16xf32>
        %mul3A_209 = arith.constant 2.000000e+00 : f32
        %mul3A_210 = vector.broadcast %mul3A_209 : f32 to vector<16xf32>
        %mul3A_211 = arith.mulf %get3A_208, %mul3A_210 : vector<16xf32>
        %swap3A_212 = arith.index_cast %scan3A_176 : i32 to index
        %swap3A_213 = arith.constant 16 : index
        %swap3A_214 = tpu.vector_load %arg10[%swap3A_212, %swap3A_213] {strides = array<i32>} : memref<640x32xf32, #tpu.memory_space<vmem>>, vector<1x16xf32>,
        %swap3A_215 = vector.shape_cast %swap3A_214 : vector<1x16xf32> to vector<16xf32>
        %swap3A_216 = vector.shape_cast %mul3A_211 : vector<16xf32> to vector<1x16xf32>
        tpu.vector_store %arg10[%swap3A_212, %swap3A_213], %swap3A_216 {strides = array<i32>} : memref<640x32xf32, #tpu.memory_space<vmem>>, vector<1x16xf32>,
      } else {
      }
      %not3A_180 = arith.constant true
      %not3A_181 = arith.xori %eq3A_6, %not3A_180 : i1
      %convert_element_type3A_182 = arith.extui %not3A_181 : i1 to i32
      %cond3A_183 = arith.constant 0 : i32
      %cond3A_184 = arith.cmpi ne, %convert_element_type3A_182, %cond3A_183 : i32
      scf.if %cond3A_184 {
        %swap3A = arith.index_cast %scan3A_176 : i32 to index
        %swap3A_195 = arith.constant 0 : index
        %swap3A_196 = tpu.vector_load %arg10[%swap3A, %swap3A_195] {strides = array<i32>} : memref<640x32xf32, #tpu.memory_space<vmem>>, vector<1x16xf32>,
        %swap3A_197 = vector.shape_cast %swap3A_196 : vector<1x16xf32> to vector<16xf32>
        %swap3A_198 = vector.shape_cast %broadcast_in_dim3A_5 : vector<16xf32> to vector<1x16xf32>
        tpu.vector_store %arg10[%swap3A, %swap3A_195], %swap3A_198 {strides = array<i32>} : memref<640x32xf32, #tpu.memory_space<vmem>>, vector<1x16xf32>,
        %swap3A_199 = arith.index_cast %scan3A_176 : i32 to index
        %swap3A_200 = arith.constant 16 : index
        %swap3A_201 = tpu.vector_load %arg10[%swap3A_199, %swap3A_200] {strides = array<i32>} : memref<640x32xf32, #tpu.memory_space<vmem>>, vector<1x16xf32>,
        %swap3A_202 = vector.shape_cast %swap3A_201 : vector<1x16xf32> to vector<16xf32>
        %swap3A_203 = vector.shape_cast %broadcast_in_dim3A_5 : vector<16xf32> to vector<1x16xf32>
        tpu.vector_store %arg10[%swap3A_199, %swap3A_200], %swap3A_203 {strides = array<i32>} : memref<640x32xf32, #tpu.memory_space<vmem>>, vector<1x16xf32>,
      } else {
      }
      %scan3A_185 = arith.constant 7 : i32
      %scan3A_186 = arith.addi %scan3A_119, %scan3A_185 : i32
      %convert_element_type3A_187 = arith.extui %eq3A_6 : i1 to i32
      %cond3A_188 = arith.constant 0 : i32
      %cond3A_189 = arith.cmpi ne, %convert_element_type3A_187, %cond3A_188 : i32
      scf.if %cond3A_189 {
        %get3A = arith.index_cast %scan3A_186 : i32 to index
        %get3A_195 = arith.constant 0 : index
        %get3A_196 = tpu.vector_load %arg10[%get3A, %get3A_195] {strides = array<i32>} : memref<640x32xf32, #tpu.memory_space<vmem>>, vector<1x16xf32>,
        %get3A_197 = vector.shape_cast %get3A_196 : vector<1x16xf32> to vector<16xf32>
        %mul3A_198 = arith.constant 2.000000e+00 : f32
        %mul3A_199 = vector.broadcast %mul3A_198 : f32 to vector<16xf32>
        %mul3A_200 = arith.mulf %get3A_197, %mul3A_199 : vector<16xf32>
        %swap3A = arith.index_cast %scan3A_186 : i32 to index
        %swap3A_201 = arith.constant 0 : index
        %swap3A_202 = tpu.vector_load %arg10[%swap3A, %swap3A_201] {strides = array<i32>} : memref<640x32xf32, #tpu.memory_space<vmem>>, vector<1x16xf32>,
        %swap3A_203 = vector.shape_cast %swap3A_202 : vector<1x16xf32> to vector<16xf32>
        %swap3A_204 = vector.shape_cast %mul3A_200 : vector<16xf32> to vector<1x16xf32>
        tpu.vector_store %arg10[%swap3A, %swap3A_201], %swap3A_204 {strides = array<i32>} : memref<640x32xf32, #tpu.memory_space<vmem>>, vector<1x16xf32>,
        %get3A_205 = arith.index_cast %scan3A_186 : i32 to index
        %get3A_206 = arith.constant 16 : index
        %get3A_207 = tpu.vector_load %arg10[%get3A_205, %get3A_206] {strides = array<i32>} : memref<640x32xf32, #tpu.memory_space<vmem>>, vector<1x16xf32>,
        %get3A_208 = vector.shape_cast %get3A_207 : vector<1x16xf32> to vector<16xf32>
        %mul3A_209 = arith.constant 2.000000e+00 : f32
        %mul3A_210 = vector.broadcast %mul3A_209 : f32 to vector<16xf32>
        %mul3A_211 = arith.mulf %get3A_208, %mul3A_210 : vector<16xf32>
        %swap3A_212 = arith.index_cast %scan3A_186 : i32 to index
        %swap3A_213 = arith.constant 16 : index
        %swap3A_214 = tpu.vector_load %arg10[%swap3A_212, %swap3A_213] {strides = array<i32>} : memref<640x32xf32, #tpu.memory_space<vmem>>, vector<1x16xf32>,
        %swap3A_215 = vector.shape_cast %swap3A_214 : vector<1x16xf32> to vector<16xf32>
        %swap3A_216 = vector.shape_cast %mul3A_211 : vector<16xf32> to vector<1x16xf32>
        tpu.vector_store %arg10[%swap3A_212, %swap3A_213], %swap3A_216 {strides = array<i32>} : memref<640x32xf32, #tpu.memory_space<vmem>>, vector<1x16xf32>,
      } else {
      }
      %not3A_190 = arith.constant true
      %not3A_191 = arith.xori %eq3A_6, %not3A_190 : i1
      %convert_element_type3A_192 = arith.extui %not3A_191 : i1 to i32
      %cond3A_193 = arith.constant 0 : i32
      %cond3A_194 = arith.cmpi ne, %convert_element_type3A_192, %cond3A_193 : i32
      scf.if %cond3A_194 {
        %swap3A = arith.index_cast %scan3A_186 : i32 to index
        %swap3A_195 = arith.constant 0 : index
        %swap3A_196 = tpu.vector_load %arg10[%swap3A, %swap3A_195] {strides = array<i32>} : memref<640x32xf32, #tpu.memory_space<vmem>>, vector<1x16xf32>,
        %swap3A_197 = vector.shape_cast %swap3A_196 : vector<1x16xf32> to vector<16xf32>
        %swap3A_198 = vector.shape_cast %broadcast_in_dim3A_5 : vector<16xf32> to vector<1x16xf32>
        tpu.vector_store %arg10[%swap3A, %swap3A_195], %swap3A_198 {strides = array<i32>} : memref<640x32xf32, #tpu.memory_space<vmem>>, vector<1x16xf32>,
        %swap3A_199 = arith.index_cast %scan3A_186 : i32 to index
        %swap3A_200 = arith.constant 16 : index
        %swap3A_201 = tpu.vector_load %arg10[%swap3A_199, %swap3A_200] {strides = array<i32>} : memref<640x32xf32, #tpu.memory_space<vmem>>, vector<1x16xf32>,
        %swap3A_202 = vector.shape_cast %swap3A_201 : vector<1x16xf32> to vector<16xf32>
        %swap3A_203 = vector.shape_cast %broadcast_in_dim3A_5 : vector<16xf32> to vector<1x16xf32>
        tpu.vector_store %arg10[%swap3A_199, %swap3A_200], %swap3A_203 {strides = array<i32>} : memref<640x32xf32, #tpu.memory_space<vmem>>, vector<1x16xf32>,
      } else {
      }
    }
    %scan3A_11 = arith.constant 640 : i32
    %mul3A_12 = arith.constant 640 : i32
    %mul3A_13 = arith.muli %arg1, %mul3A_12 : i32
    "tpu.region"() ({
      %run_scoped3A = tpu.sem_alloc : memref<!tpu.dma_semaphore, #tpu.memory_space<semaphore_mem>>
      %dma_start3A_119 = arith.constant 0 : i32
      %dma_start3A_120 = tpu.memref_slice %arg12[%mul3A_13, %dma_start3A_119] : memref<10240x32xf32, #tpu.memory_space<vmem_shared>> -> memref<640x32xf32, #tpu.memory_space<vmem_shared>>
      %dma_start3A_121 = arith.constant 0 : i32
      %dma_start3A_122 = tpu.memref_slice %arg12[%mul3A_13, %dma_start3A_121] : memref<10240x32xf32, #tpu.memory_space<vmem_shared>> -> memref<640x32xf32, #tpu.memory_space<vmem_shared>>
      tpu.enqueue_dma source(%arg10 : memref<640x32xf32, #tpu.memory_space<vmem>>) target(%dma_start3A_122 : memref<640x32xf32, #tpu.memory_space<vmem_shared>>) target_semaphore(%run_scoped3A : memref<!tpu.dma_semaphore, #tpu.memory_space<semaphore_mem>>)
      %dma_wait3A_123 = arith.constant 0 : i32
      %dma_wait3A_124 = tpu.memref_slice %arg12[%mul3A_13, %dma_wait3A_123] : memref<10240x32xf32, #tpu.memory_space<vmem_shared>> -> memref<640x32xf32, #tpu.memory_space<vmem_shared>>
      %dma_wait3A_125 = arith.constant 0 : i32
      %dma_wait3A_126 = tpu.memref_slice %arg12[%mul3A_13, %dma_wait3A_125] : memref<10240x32xf32, #tpu.memory_space<vmem_shared>> -> memref<640x32xf32, #tpu.memory_space<vmem_shared>>
      tpu.wait_dma2 semaphore(%run_scoped3A : memref<!tpu.dma_semaphore, #tpu.memory_space<semaphore_mem>>) src(%arg10 : memref<640x32xf32, #tpu.memory_space<vmem>>) dst(%dma_wait3A_126 : memref<640x32xf32, #tpu.memory_space<vmem_shared>>)
      tpu.yield
    }) : () -> ()
    %barrier3A = arith.constant 0 : index
    tpu.barrier barrier_id(%barrier3A)
    %dma_start3A = arith.constant 0 : i32
    %dma_start3A_14 = arith.constant 0 : i32
    %dma_start3A_15 = arith.constant 0 : i32
    %dma_start3A_16 = arith.constant 0 : i32
    %dma_start3A_17 = tpu.memref_slice %arg8[%dma_start3A_14, %dma_start3A_15, %dma_start3A_16] : memref<2x128x32xf32, #tpu.memory_space<vmem>> -> memref<1x128x32xf32, #tpu.memory_space<vmem>>
    %dma_start3A_18 = tpu.memref_squeeze %dma_start3A_17 : memref<1x128x32xf32, #tpu.memory_space<vmem>> -> memref<128x32xf32, #tpu.memory_space<vmem>>
    %dma_start3A_19 = arith.constant 0 : i32
    %dma_start3A_20 = tpu.memref_slice %arg6[%dma_start3A, %dma_start3A_19] : memref<84x128xi32, #tpu.memory_space<vmem>> -> memref<1x128xi32, #tpu.memory_space<vmem>>
    %dma_start3A_21 = tpu.memref_squeeze %dma_start3A_20 : memref<1x128xi32, #tpu.memory_space<vmem>> -> memref<128xi32, #tpu.memory_space<vmem>>
    %dma_start3A_22 = arith.constant 0 : i32
    %dma_start3A_23 = arith.constant 0 : i32
    %dma_start3A_24 = tpu.memref_slice %arg11[%dma_start3A_22, %dma_start3A_23] : memref<10240x32xf32, #tpu.memory_space<vmem_shared>> -> memref<10240x32xf32, #tpu.memory_space<vmem_shared>>
    tpu.enqueue_indirect_dma source(%dma_start3A_24 : memref<10240x32xf32, #tpu.memory_space<vmem_shared>>) target(%dma_start3A_18 : memref<128x32xf32, #tpu.memory_space<vmem>>) offsets(%dma_start3A_21 : memref<128xi32, #tpu.memory_space<vmem>>) semaphore(%arg13 : memref<!tpu.dma_semaphore, #tpu.memory_space<semaphore_mem>>)
    %dma_start3A_25 = arith.constant 1 : i32
    %dma_start3A_26 = arith.constant 1 : i32
    %dma_start3A_27 = arith.constant 0 : i32
    %dma_start3A_28 = arith.constant 0 : i32
    %dma_start3A_29 = tpu.memref_slice %arg8[%dma_start3A_26, %dma_start3A_27, %dma_start3A_28] : memref<2x128x32xf32, #tpu.memory_space<vmem>> -> memref<1x128x32xf32, #tpu.memory_space<vmem>>
    %dma_start3A_30 = tpu.memref_squeeze %dma_start3A_29 : memref<1x128x32xf32, #tpu.memory_space<vmem>> -> memref<128x32xf32, #tpu.memory_space<vmem>>
    %dma_start3A_31 = arith.constant 0 : i32
    %dma_start3A_32 = tpu.memref_slice %arg6[%dma_start3A_25, %dma_start3A_31] : memref<84x128xi32, #tpu.memory_space<vmem>> -> memref<1x128xi32, #tpu.memory_space<vmem>>
    %dma_start3A_33 = tpu.memref_squeeze %dma_start3A_32 : memref<1x128xi32, #tpu.memory_space<vmem>> -> memref<128xi32, #tpu.memory_space<vmem>>
    %dma_start3A_34 = arith.constant 0 : i32
    %dma_start3A_35 = arith.constant 0 : i32
    %dma_start3A_36 = tpu.memref_slice %arg11[%dma_start3A_34, %dma_start3A_35] : memref<10240x32xf32, #tpu.memory_space<vmem_shared>> -> memref<10240x32xf32, #tpu.memory_space<vmem_shared>>
    tpu.enqueue_indirect_dma source(%dma_start3A_36 : memref<10240x32xf32, #tpu.memory_space<vmem_shared>>) target(%dma_start3A_30 : memref<128x32xf32, #tpu.memory_space<vmem>>) offsets(%dma_start3A_33 : memref<128xi32, #tpu.memory_space<vmem>>) semaphore(%arg13 : memref<!tpu.dma_semaphore, #tpu.memory_space<semaphore_mem>>)
    %dma_start3A_37 = arith.constant 2 : i32
    %dma_start3A_38 = arith.constant 0 : i32
    %dma_start3A_39 = arith.constant 0 : i32
    %dma_start3A_40 = arith.constant 0 : i32
    %dma_start3A_41 = tpu.memref_slice %arg9[%dma_start3A_38, %dma_start3A_39, %dma_start3A_40] : memref<2x128x32xf32, #tpu.memory_space<vmem>> -> memref<1x128x32xf32, #tpu.memory_space<vmem>>
    %dma_start3A_42 = tpu.memref_squeeze %dma_start3A_41 : memref<1x128x32xf32, #tpu.memory_space<vmem>> -> memref<128x32xf32, #tpu.memory_space<vmem>>
    %dma_start3A_43 = arith.constant 0 : i32
    %dma_start3A_44 = tpu.memref_slice %arg6[%dma_start3A_37, %dma_start3A_43] : memref<84x128xi32, #tpu.memory_space<vmem>> -> memref<1x128xi32, #tpu.memory_space<vmem>>
    %dma_start3A_45 = tpu.memref_squeeze %dma_start3A_44 : memref<1x128xi32, #tpu.memory_space<vmem>> -> memref<128xi32, #tpu.memory_space<vmem>>
    %dma_start3A_46 = arith.constant 0 : i32
    %dma_start3A_47 = arith.constant 0 : i32
    %dma_start3A_48 = tpu.memref_slice %arg11[%dma_start3A_46, %dma_start3A_47] : memref<10240x32xf32, #tpu.memory_space<vmem_shared>> -> memref<10240x32xf32, #tpu.memory_space<vmem_shared>>
    tpu.enqueue_indirect_dma source(%dma_start3A_48 : memref<10240x32xf32, #tpu.memory_space<vmem_shared>>) target(%dma_start3A_42 : memref<128x32xf32, #tpu.memory_space<vmem>>) offsets(%dma_start3A_45 : memref<128xi32, #tpu.memory_space<vmem>>) semaphore(%arg14 : memref<!tpu.dma_semaphore, #tpu.memory_space<semaphore_mem>>)
    %dma_start3A_49 = arith.constant 3 : i32
    %dma_start3A_50 = arith.constant 1 : i32
    %dma_start3A_51 = arith.constant 0 : i32
    %dma_start3A_52 = arith.constant 0 : i32
    %dma_start3A_53 = tpu.memref_slice %arg9[%dma_start3A_50, %dma_start3A_51, %dma_start3A_52] : memref<2x128x32xf32, #tpu.memory_space<vmem>> -> memref<1x128x32xf32, #tpu.memory_space<vmem>>
    %dma_start3A_54 = tpu.memref_squeeze %dma_start3A_53 : memref<1x128x32xf32, #tpu.memory_space<vmem>> -> memref<128x32xf32, #tpu.memory_space<vmem>>
    %dma_start3A_55 = arith.constant 0 : i32
    %dma_start3A_56 = tpu.memref_slice %arg6[%dma_start3A_49, %dma_start3A_55] : memref<84x128xi32, #tpu.memory_space<vmem>> -> memref<1x128xi32, #tpu.memory_space<vmem>>
    %dma_start3A_57 = tpu.memref_squeeze %dma_start3A_56 : memref<1x128xi32, #tpu.memory_space<vmem>> -> memref<128xi32, #tpu.memory_space<vmem>>
    %dma_start3A_58 = arith.constant 0 : i32
    %dma_start3A_59 = arith.constant 0 : i32
    %dma_start3A_60 = tpu.memref_slice %arg11[%dma_start3A_58, %dma_start3A_59] : memref<10240x32xf32, #tpu.memory_space<vmem_shared>> -> memref<10240x32xf32, #tpu.memory_space<vmem_shared>>
    tpu.enqueue_indirect_dma source(%dma_start3A_60 : memref<10240x32xf32, #tpu.memory_space<vmem_shared>>) target(%dma_start3A_54 : memref<128x32xf32, #tpu.memory_space<vmem>>) offsets(%dma_start3A_57 : memref<128xi32, #tpu.memory_space<vmem>>) semaphore(%arg14 : memref<!tpu.dma_semaphore, #tpu.memory_space<semaphore_mem>>)
    %scan3A_61 = arith.constant 0 : i32
    %scan3A_62 = arith.constant 0 : i32
    %scan3A_63 = arith.constant 20 : i32
    %scan3A_64 = arith.addi %scan3A_62, %scan3A_63 : i32
    %scan3A_65 = arith.constant 1 : i32
    scf.for %scan3A_119 = %scan3A_62 to %scan3A_64 step %scan3A_65  : i32 {
      %mul3A_120 = arith.constant 2 : i32
      %mul3A_121 = arith.muli %mul3A_120, %scan3A_119 : i32
      %dma_wait3A_122 = arith.constant 0 : i32
      %dma_wait3A_123 = arith.constant 0 : i32
      %dma_wait3A_124 = arith.constant 0 : i32
      %dma_wait3A_125 = arith.constant 0 : i32
      %dma_wait3A_126 = tpu.memref_slice %arg8[%dma_wait3A_123, %dma_wait3A_124, %dma_wait3A_125] : memref<2x128x32xf32, #tpu.memory_space<vmem>> -> memref<1x128x32xf32, #tpu.memory_space<vmem>>
      %dma_wait3A_127 = tpu.memref_squeeze %dma_wait3A_126 : memref<1x128x32xf32, #tpu.memory_space<vmem>> -> memref<128x32xf32, #tpu.memory_space<vmem>>
      %dma_wait3A_128 = arith.constant 0 : i32
      %dma_wait3A_129 = tpu.memref_slice %arg6[%dma_wait3A_122, %dma_wait3A_128] : memref<84x128xi32, #tpu.memory_space<vmem>> -> memref<1x128xi32, #tpu.memory_space<vmem>>
      %dma_wait3A_130 = tpu.memref_squeeze %dma_wait3A_129 : memref<1x128xi32, #tpu.memory_space<vmem>> -> memref<128xi32, #tpu.memory_space<vmem>>
      %dma_wait3A_131 = arith.constant 0 : i32
      %dma_wait3A_132 = arith.constant 0 : i32
      %dma_wait3A_133 = tpu.memref_slice %arg11[%dma_wait3A_131, %dma_wait3A_132] : memref<10240x32xf32, #tpu.memory_space<vmem_shared>> -> memref<10240x32xf32, #tpu.memory_space<vmem_shared>>
      tpu.wait_indirect_dma semaphore(%arg13 : memref<!tpu.dma_semaphore, #tpu.memory_space<semaphore_mem>>) src(%dma_wait3A_133 : memref<10240x32xf32, #tpu.memory_space<vmem_shared>>) dst(%dma_wait3A_127 : memref<128x32xf32, #tpu.memory_space<vmem>>)
      %dma_wait3A_134 = arith.constant 0 : i32
      %dma_wait3A_135 = arith.constant 1 : i32
      %dma_wait3A_136 = arith.constant 0 : i32
      %dma_wait3A_137 = arith.constant 0 : i32
      %dma_wait3A_138 = tpu.memref_slice %arg8[%dma_wait3A_135, %dma_wait3A_136, %dma_wait3A_137] : memref<2x128x32xf32, #tpu.memory_space<vmem>> -> memref<1x128x32xf32, #tpu.memory_space<vmem>>
      %dma_wait3A_139 = tpu.memref_squeeze %dma_wait3A_138 : memref<1x128x32xf32, #tpu.memory_space<vmem>> -> memref<128x32xf32, #tpu.memory_space<vmem>>
      %dma_wait3A_140 = arith.constant 0 : i32
      %dma_wait3A_141 = tpu.memref_slice %arg6[%dma_wait3A_134, %dma_wait3A_140] : memref<84x128xi32, #tpu.memory_space<vmem>> -> memref<1x128xi32, #tpu.memory_space<vmem>>
      %dma_wait3A_142 = tpu.memref_squeeze %dma_wait3A_141 : memref<1x128xi32, #tpu.memory_space<vmem>> -> memref<128xi32, #tpu.memory_space<vmem>>
      %dma_wait3A_143 = arith.constant 0 : i32
      %dma_wait3A_144 = arith.constant 0 : i32
      %dma_wait3A_145 = tpu.memref_slice %arg11[%dma_wait3A_143, %dma_wait3A_144] : memref<10240x32xf32, #tpu.memory_space<vmem_shared>> -> memref<10240x32xf32, #tpu.memory_space<vmem_shared>>
      tpu.wait_indirect_dma semaphore(%arg13 : memref<!tpu.dma_semaphore, #tpu.memory_space<semaphore_mem>>) src(%dma_wait3A_145 : memref<10240x32xf32, #tpu.memory_space<vmem_shared>>) dst(%dma_wait3A_139 : memref<128x32xf32, #tpu.memory_space<vmem>>)
      %mul3A_146 = arith.constant 2 : i32
      %mul3A_147 = arith.muli %mul3A_121, %mul3A_146 : i32
      %add3A_148 = arith.constant 0 : i32
      %add3A_149 = arith.addi %mul3A_147, %add3A_148 : i32
      %dma_start3A_150 = arith.constant 0 : i32
      %dma_start3A_151 = arith.constant 0 : i32
      %dma_start3A_152 = arith.constant 0 : i32
      %dma_start3A_153 = tpu.memref_slice %arg8[%dma_start3A_150, %dma_start3A_151, %dma_start3A_152] : memref<2x128x32xf32, #tpu.memory_space<vmem>> -> memref<1x128x32xf32, #tpu.memory_space<vmem>>
      %dma_start3A_154 = tpu.memref_squeeze %dma_start3A_153 : memref<1x128x32xf32, #tpu.memory_space<vmem>> -> memref<128x32xf32, #tpu.memory_space<vmem>>
      %dma_start3A_155 = arith.constant 0 : i32
      %dma_start3A_156 = tpu.memref_slice %arg7[%add3A_149, %dma_start3A_155] : memref<84x128xi32, #tpu.memory_space<vmem>> -> memref<1x128xi32, #tpu.memory_space<vmem>>
      %dma_start3A_157 = tpu.memref_squeeze %dma_start3A_156 : memref<1x128xi32, #tpu.memory_space<vmem>> -> memref<128xi32, #tpu.memory_space<vmem>>
      %dma_start3A_158 = arith.constant 0 : i32
      %dma_start3A_159 = arith.constant 0 : i32
      %dma_start3A_160 = tpu.memref_slice %arg12[%dma_start3A_158, %dma_start3A_159] : memref<10240x32xf32, #tpu.memory_space<vmem_shared>> -> memref<10240x32xf32, #tpu.memory_space<vmem_shared>>
      tpu.enqueue_indirect_dma source(%dma_start3A_154 : memref<128x32xf32, #tpu.memory_space<vmem>>) target(%dma_start3A_160 : memref<10240x32xf32, #tpu.memory_space<vmem_shared>>) offsets(%dma_start3A_157 : memref<128xi32, #tpu.memory_space<vmem>>) semaphore(%arg15 : memref<!tpu.dma_semaphore, #tpu.memory_space<semaphore_mem>>) {add = true}
      %mul3A_161 = arith.constant 2 : i32
      %mul3A_162 = arith.muli %mul3A_121, %mul3A_161 : i32
      %add3A_163 = arith.constant 1 : i32
      %add3A_164 = arith.addi %mul3A_162, %add3A_163 : i32
      %dma_start3A_165 = arith.constant 1 : i32
      %dma_start3A_166 = arith.constant 0 : i32
      %dma_start3A_167 = arith.constant 0 : i32
      %dma_start3A_168 = tpu.memref_slice %arg8[%dma_start3A_165, %dma_start3A_166, %dma_start3A_167] : memref<2x128x32xf32, #tpu.memory_space<vmem>> -> memref<1x128x32xf32, #tpu.memory_space<vmem>>
      %dma_start3A_169 = tpu.memref_squeeze %dma_start3A_168 : memref<1x128x32xf32, #tpu.memory_space<vmem>> -> memref<128x32xf32, #tpu.memory_space<vmem>>
      %dma_start3A_170 = arith.constant 0 : i32
      %dma_start3A_171 = tpu.memref_slice %arg7[%add3A_164, %dma_start3A_170] : memref<84x128xi32, #tpu.memory_space<vmem>> -> memref<1x128xi32, #tpu.memory_space<vmem>>
      %dma_start3A_172 = tpu.memref_squeeze %dma_start3A_171 : memref<1x128xi32, #tpu.memory_space<vmem>> -> memref<128xi32, #tpu.memory_space<vmem>>
      %dma_start3A_173 = arith.constant 0 : i32
      %dma_start3A_174 = arith.constant 0 : i32
      %dma_start3A_175 = tpu.memref_slice %arg12[%dma_start3A_173, %dma_start3A_174] : memref<10240x32xf32, #tpu.memory_space<vmem_shared>> -> memref<10240x32xf32, #tpu.memory_space<vmem_shared>>
      tpu.enqueue_indirect_dma source(%dma_start3A_169 : memref<128x32xf32, #tpu.memory_space<vmem>>) target(%dma_start3A_175 : memref<10240x32xf32, #tpu.memory_space<vmem_shared>>) offsets(%dma_start3A_172 : memref<128xi32, #tpu.memory_space<vmem>>) semaphore(%arg15 : memref<!tpu.dma_semaphore, #tpu.memory_space<semaphore_mem>>) {add = true}
      %dma_wait3A_176 = arith.constant 0 : i32
      %dma_wait3A_177 = arith.constant 0 : i32
      %dma_wait3A_178 = arith.constant 0 : i32
      %dma_wait3A_179 = arith.constant 0 : i32
      %dma_wait3A_180 = tpu.memref_slice %arg9[%dma_wait3A_177, %dma_wait3A_178, %dma_wait3A_179] : memref<2x128x32xf32, #tpu.memory_space<vmem>> -> memref<1x128x32xf32, #tpu.memory_space<vmem>>
      %dma_wait3A_181 = tpu.memref_squeeze %dma_wait3A_180 : memref<1x128x32xf32, #tpu.memory_space<vmem>> -> memref<128x32xf32, #tpu.memory_space<vmem>>
      %dma_wait3A_182 = arith.constant 0 : i32
      %dma_wait3A_183 = tpu.memref_slice %arg6[%dma_wait3A_176, %dma_wait3A_182] : memref<84x128xi32, #tpu.memory_space<vmem>> -> memref<1x128xi32, #tpu.memory_space<vmem>>
      %dma_wait3A_184 = tpu.memref_squeeze %dma_wait3A_183 : memref<1x128xi32, #tpu.memory_space<vmem>> -> memref<128xi32, #tpu.memory_space<vmem>>
      %dma_wait3A_185 = arith.constant 0 : i32
      %dma_wait3A_186 = arith.constant 0 : i32
      %dma_wait3A_187 = tpu.memref_slice %arg11[%dma_wait3A_185, %dma_wait3A_186] : memref<10240x32xf32, #tpu.memory_space<vmem_shared>> -> memref<10240x32xf32, #tpu.memory_space<vmem_shared>>
      tpu.wait_indirect_dma semaphore(%arg14 : memref<!tpu.dma_semaphore, #tpu.memory_space<semaphore_mem>>) src(%dma_wait3A_187 : memref<10240x32xf32, #tpu.memory_space<vmem_shared>>) dst(%dma_wait3A_181 : memref<128x32xf32, #tpu.memory_space<vmem>>)
      %dma_wait3A_188 = arith.constant 0 : i32
      %dma_wait3A_189 = arith.constant 1 : i32
      %dma_wait3A_190 = arith.constant 0 : i32
      %dma_wait3A_191 = arith.constant 0 : i32
      %dma_wait3A_192 = tpu.memref_slice %arg9[%dma_wait3A_189, %dma_wait3A_190, %dma_wait3A_191] : memref<2x128x32xf32, #tpu.memory_space<vmem>> -> memref<1x128x32xf32, #tpu.memory_space<vmem>>
      %dma_wait3A_193 = tpu.memref_squeeze %dma_wait3A_192 : memref<1x128x32xf32, #tpu.memory_space<vmem>> -> memref<128x32xf32, #tpu.memory_space<vmem>>
      %dma_wait3A_194 = arith.constant 0 : i32
      %dma_wait3A_195 = tpu.memref_slice %arg6[%dma_wait3A_188, %dma_wait3A_194] : memref<84x128xi32, #tpu.memory_space<vmem>> -> memref<1x128xi32, #tpu.memory_space<vmem>>
      %dma_wait3A_196 = tpu.memref_squeeze %dma_wait3A_195 : memref<1x128xi32, #tpu.memory_space<vmem>> -> memref<128xi32, #tpu.memory_space<vmem>>
      %dma_wait3A_197 = arith.constant 0 : i32
      %dma_wait3A_198 = arith.constant 0 : i32
      %dma_wait3A_199 = tpu.memref_slice %arg11[%dma_wait3A_197, %dma_wait3A_198] : memref<10240x32xf32, #tpu.memory_space<vmem_shared>> -> memref<10240x32xf32, #tpu.memory_space<vmem_shared>>
      tpu.wait_indirect_dma semaphore(%arg14 : memref<!tpu.dma_semaphore, #tpu.memory_space<semaphore_mem>>) src(%dma_wait3A_199 : memref<10240x32xf32, #tpu.memory_space<vmem_shared>>) dst(%dma_wait3A_193 : memref<128x32xf32, #tpu.memory_space<vmem>>)
      %add3A_200 = arith.constant 1 : i32
      %add3A_201 = arith.addi %mul3A_121, %add3A_200 : i32
      %mul3A_202 = arith.constant 2 : i32
      %mul3A_203 = arith.muli %add3A_201, %mul3A_202 : i32
      %add3A_204 = arith.constant 0 : i32
      %add3A_205 = arith.addi %mul3A_203, %add3A_204 : i32
      %dma_start3A_206 = arith.constant 0 : i32
      %dma_start3A_207 = arith.constant 0 : i32
      %dma_start3A_208 = arith.constant 0 : i32
      %dma_start3A_209 = tpu.memref_slice %arg9[%dma_start3A_206, %dma_start3A_207, %dma_start3A_208] : memref<2x128x32xf32, #tpu.memory_space<vmem>> -> memref<1x128x32xf32, #tpu.memory_space<vmem>>
      %dma_start3A_210 = tpu.memref_squeeze %dma_start3A_209 : memref<1x128x32xf32, #tpu.memory_space<vmem>> -> memref<128x32xf32, #tpu.memory_space<vmem>>
      %dma_start3A_211 = arith.constant 0 : i32
      %dma_start3A_212 = tpu.memref_slice %arg7[%add3A_205, %dma_start3A_211] : memref<84x128xi32, #tpu.memory_space<vmem>> -> memref<1x128xi32, #tpu.memory_space<vmem>>
      %dma_start3A_213 = tpu.memref_squeeze %dma_start3A_212 : memref<1x128xi32, #tpu.memory_space<vmem>> -> memref<128xi32, #tpu.memory_space<vmem>>
      %dma_start3A_214 = arith.constant 0 : i32
      %dma_start3A_215 = arith.constant 0 : i32
      %dma_start3A_216 = tpu.memref_slice %arg12[%dma_start3A_214, %dma_start3A_215] : memref<10240x32xf32, #tpu.memory_space<vmem_shared>> -> memref<10240x32xf32, #tpu.memory_space<vmem_shared>>
      tpu.enqueue_indirect_dma source(%dma_start3A_210 : memref<128x32xf32, #tpu.memory_space<vmem>>) target(%dma_start3A_216 : memref<10240x32xf32, #tpu.memory_space<vmem_shared>>) offsets(%dma_start3A_213 : memref<128xi32, #tpu.memory_space<vmem>>) semaphore(%arg16 : memref<!tpu.dma_semaphore, #tpu.memory_space<semaphore_mem>>) {add = true}
      %mul3A_217 = arith.constant 2 : i32
      %mul3A_218 = arith.muli %add3A_201, %mul3A_217 : i32
      %add3A_219 = arith.constant 1 : i32
      %add3A_220 = arith.addi %mul3A_218, %add3A_219 : i32
      %dma_start3A_221 = arith.constant 1 : i32
      %dma_start3A_222 = arith.constant 0 : i32
      %dma_start3A_223 = arith.constant 0 : i32
      %dma_start3A_224 = tpu.memref_slice %arg9[%dma_start3A_221, %dma_start3A_222, %dma_start3A_223] : memref<2x128x32xf32, #tpu.memory_space<vmem>> -> memref<1x128x32xf32, #tpu.memory_space<vmem>>
      %dma_start3A_225 = tpu.memref_squeeze %dma_start3A_224 : memref<1x128x32xf32, #tpu.memory_space<vmem>> -> memref<128x32xf32, #tpu.memory_space<vmem>>
      %dma_start3A_226 = arith.constant 0 : i32
      %dma_start3A_227 = tpu.memref_slice %arg7[%add3A_220, %dma_start3A_226] : memref<84x128xi32, #tpu.memory_space<vmem>> -> memref<1x128xi32, #tpu.memory_space<vmem>>
      %dma_start3A_228 = tpu.memref_squeeze %dma_start3A_227 : memref<1x128xi32, #tpu.memory_space<vmem>> -> memref<128xi32, #tpu.memory_space<vmem>>
      %dma_start3A_229 = arith.constant 0 : i32
      %dma_start3A_230 = arith.constant 0 : i32
      %dma_start3A_231 = tpu.memref_slice %arg12[%dma_start3A_229, %dma_start3A_230] : memref<10240x32xf32, #tpu.memory_space<vmem_shared>> -> memref<10240x32xf32, #tpu.memory_space<vmem_shared>>
      tpu.enqueue_indirect_dma source(%dma_start3A_225 : memref<128x32xf32, #tpu.memory_space<vmem>>) target(%dma_start3A_231 : memref<10240x32xf32, #tpu.memory_space<vmem_shared>>) offsets(%dma_start3A_228 : memref<128xi32, #tpu.memory_space<vmem>>) semaphore(%arg16 : memref<!tpu.dma_semaphore, #tpu.memory_space<semaphore_mem>>) {add = true}
      %dma_wait3A_232 = arith.constant 0 : i32
      %dma_wait3A_233 = arith.constant 0 : i32
      %dma_wait3A_234 = arith.constant 0 : i32
      %dma_wait3A_235 = arith.constant 0 : i32
      %dma_wait3A_236 = tpu.memref_slice %arg8[%dma_wait3A_232, %dma_wait3A_234, %dma_wait3A_235] : memref<2x128x32xf32, #tpu.memory_space<vmem>> -> memref<1x128x32xf32, #tpu.memory_space<vmem>>
      %dma_wait3A_237 = tpu.memref_squeeze %dma_wait3A_236 : memref<1x128x32xf32, #tpu.memory_space<vmem>> -> memref<128x32xf32, #tpu.memory_space<vmem>>
      %dma_wait3A_238 = arith.constant 0 : i32
      %dma_wait3A_239 = tpu.memref_slice %arg7[%dma_wait3A_233, %dma_wait3A_238] : memref<84x128xi32, #tpu.memory_space<vmem>> -> memref<1x128xi32, #tpu.memory_space<vmem>>
      %dma_wait3A_240 = tpu.memref_squeeze %dma_wait3A_239 : memref<1x128xi32, #tpu.memory_space<vmem>> -> memref<128xi32, #tpu.memory_space<vmem>>
      %dma_wait3A_241 = arith.constant 0 : i32
      %dma_wait3A_242 = arith.constant 0 : i32
      %dma_wait3A_243 = tpu.memref_slice %arg12[%dma_wait3A_241, %dma_wait3A_242] : memref<10240x32xf32, #tpu.memory_space<vmem_shared>> -> memref<10240x32xf32, #tpu.memory_space<vmem_shared>>
      tpu.wait_indirect_dma semaphore(%arg15 : memref<!tpu.dma_semaphore, #tpu.memory_space<semaphore_mem>>) src(%dma_wait3A_237 : memref<128x32xf32, #tpu.memory_space<vmem>>) dst(%dma_wait3A_243 : memref<10240x32xf32, #tpu.memory_space<vmem_shared>>)
      %dma_wait3A_244 = arith.constant 1 : i32
      %dma_wait3A_245 = arith.constant 0 : i32
      %dma_wait3A_246 = arith.constant 0 : i32
      %dma_wait3A_247 = arith.constant 0 : i32
      %dma_wait3A_248 = tpu.memref_slice %arg8[%dma_wait3A_244, %dma_wait3A_246, %dma_wait3A_247] : memref<2x128x32xf32, #tpu.memory_space<vmem>> -> memref<1x128x32xf32, #tpu.memory_space<vmem>>
      %dma_wait3A_249 = tpu.memref_squeeze %dma_wait3A_248 : memref<1x128x32xf32, #tpu.memory_space<vmem>> -> memref<128x32xf32, #tpu.memory_space<vmem>>
      %dma_wait3A_250 = arith.constant 0 : i32
      %dma_wait3A_251 = tpu.memref_slice %arg7[%dma_wait3A_245, %dma_wait3A_250] : memref<84x128xi32, #tpu.memory_space<vmem>> -> memref<1x128xi32, #tpu.memory_space<vmem>>
      %dma_wait3A_252 = tpu.memref_squeeze %dma_wait3A_251 : memref<1x128xi32, #tpu.memory_space<vmem>> -> memref<128xi32, #tpu.memory_space<vmem>>
      %dma_wait3A_253 = arith.constant 0 : i32
      %dma_wait3A_254 = arith.constant 0 : i32
      %dma_wait3A_255 = tpu.memref_slice %arg12[%dma_wait3A_253, %dma_wait3A_254] : memref<10240x32xf32, #tpu.memory_space<vmem_shared>> -> memref<10240x32xf32, #tpu.memory_space<vmem_shared>>
      tpu.wait_indirect_dma semaphore(%arg15 : memref<!tpu.dma_semaphore, #tpu.memory_space<semaphore_mem>>) src(%dma_wait3A_249 : memref<128x32xf32, #tpu.memory_space<vmem>>) dst(%dma_wait3A_255 : memref<10240x32xf32, #tpu.memory_space<vmem_shared>>)
      %add3A_256 = arith.constant 2 : i32
      %add3A_257 = arith.addi %mul3A_121, %add3A_256 : i32
      %mul3A_258 = arith.constant 2 : i32
      %mul3A_259 = arith.muli %add3A_257, %mul3A_258 : i32
      %add3A_260 = arith.constant 0 : i32
      %add3A_261 = arith.addi %mul3A_259, %add3A_260 : i32
      %dma_start3A_262 = arith.constant 0 : i32
      %dma_start3A_263 = arith.constant 0 : i32
      %dma_start3A_264 = arith.constant 0 : i32
      %dma_start3A_265 = tpu.memref_slice %arg8[%dma_start3A_262, %dma_start3A_263, %dma_start3A_264] : memref<2x128x32xf32, #tpu.memory_space<vmem>> -> memref<1x128x32xf32, #tpu.memory_space<vmem>>
      %dma_start3A_266 = tpu.memref_squeeze %dma_start3A_265 : memref<1x128x32xf32, #tpu.memory_space<vmem>> -> memref<128x32xf32, #tpu.memory_space<vmem>>
      %dma_start3A_267 = arith.constant 0 : i32
      %dma_start3A_268 = tpu.memref_slice %arg6[%add3A_261, %dma_start3A_267] : memref<84x128xi32, #tpu.memory_space<vmem>> -> memref<1x128xi32, #tpu.memory_space<vmem>>
      %dma_start3A_269 = tpu.memref_squeeze %dma_start3A_268 : memref<1x128xi32, #tpu.memory_space<vmem>> -> memref<128xi32, #tpu.memory_space<vmem>>
      %dma_start3A_270 = arith.constant 0 : i32
      %dma_start3A_271 = arith.constant 0 : i32
      %dma_start3A_272 = tpu.memref_slice %arg11[%dma_start3A_270, %dma_start3A_271] : memref<10240x32xf32, #tpu.memory_space<vmem_shared>> -> memref<10240x32xf32, #tpu.memory_space<vmem_shared>>
      tpu.enqueue_indirect_dma source(%dma_start3A_272 : memref<10240x32xf32, #tpu.memory_space<vmem_shared>>) target(%dma_start3A_266 : memref<128x32xf32, #tpu.memory_space<vmem>>) offsets(%dma_start3A_269 : memref<128xi32, #tpu.memory_space<vmem>>) semaphore(%arg13 : memref<!tpu.dma_semaphore, #tpu.memory_space<semaphore_mem>>)
      %mul3A_273 = arith.constant 2 : i32
      %mul3A_274 = arith.muli %add3A_257, %mul3A_273 : i32
      %add3A_275 = arith.constant 1 : i32
      %add3A_276 = arith.addi %mul3A_274, %add3A_275 : i32
      %dma_start3A_277 = arith.constant 1 : i32
      %dma_start3A_278 = arith.constant 0 : i32
      %dma_start3A_279 = arith.constant 0 : i32
      %dma_start3A_280 = tpu.memref_slice %arg8[%dma_start3A_277, %dma_start3A_278, %dma_start3A_279] : memref<2x128x32xf32, #tpu.memory_space<vmem>> -> memref<1x128x32xf32, #tpu.memory_space<vmem>>
      %dma_start3A_281 = tpu.memref_squeeze %dma_start3A_280 : memref<1x128x32xf32, #tpu.memory_space<vmem>> -> memref<128x32xf32, #tpu.memory_space<vmem>>
      %dma_start3A_282 = arith.constant 0 : i32
      %dma_start3A_283 = tpu.memref_slice %arg6[%add3A_276, %dma_start3A_282] : memref<84x128xi32, #tpu.memory_space<vmem>> -> memref<1x128xi32, #tpu.memory_space<vmem>>
      %dma_start3A_284 = tpu.memref_squeeze %dma_start3A_283 : memref<1x128xi32, #tpu.memory_space<vmem>> -> memref<128xi32, #tpu.memory_space<vmem>>
      %dma_start3A_285 = arith.constant 0 : i32
      %dma_start3A_286 = arith.constant 0 : i32
      %dma_start3A_287 = tpu.memref_slice %arg11[%dma_start3A_285, %dma_start3A_286] : memref<10240x32xf32, #tpu.memory_space<vmem_shared>> -> memref<10240x32xf32, #tpu.memory_space<vmem_shared>>
      tpu.enqueue_indirect_dma source(%dma_start3A_287 : memref<10240x32xf32, #tpu.memory_space<vmem_shared>>) target(%dma_start3A_281 : memref<128x32xf32, #tpu.memory_space<vmem>>) offsets(%dma_start3A_284 : memref<128xi32, #tpu.memory_space<vmem>>) semaphore(%arg13 : memref<!tpu.dma_semaphore, #tpu.memory_space<semaphore_mem>>)
      %dma_wait3A_288 = arith.constant 0 : i32
      %dma_wait3A_289 = arith.constant 0 : i32
      %dma_wait3A_290 = arith.constant 0 : i32
      %dma_wait3A_291 = arith.constant 0 : i32
      %dma_wait3A_292 = tpu.memref_slice %arg9[%dma_wait3A_288, %dma_wait3A_290, %dma_wait3A_291] : memref<2x128x32xf32, #tpu.memory_space<vmem>> -> memref<1x128x32xf32, #tpu.memory_space<vmem>>
      %dma_wait3A_293 = tpu.memref_squeeze %dma_wait3A_292 : memref<1x128x32xf32, #tpu.memory_space<vmem>> -> memref<128x32xf32, #tpu.memory_space<vmem>>
      %dma_wait3A_294 = arith.constant 0 : i32
      %dma_wait3A_295 = tpu.memref_slice %arg7[%dma_wait3A_289, %dma_wait3A_294] : memref<84x128xi32, #tpu.memory_space<vmem>> -> memref<1x128xi32, #tpu.memory_space<vmem>>
      %dma_wait3A_296 = tpu.memref_squeeze %dma_wait3A_295 : memref<1x128xi32, #tpu.memory_space<vmem>> -> memref<128xi32, #tpu.memory_space<vmem>>
      %dma_wait3A_297 = arith.constant 0 : i32
      %dma_wait3A_298 = arith.constant 0 : i32
      %dma_wait3A_299 = tpu.memref_slice %arg12[%dma_wait3A_297, %dma_wait3A_298] : memref<10240x32xf32, #tpu.memory_space<vmem_shared>> -> memref<10240x32xf32, #tpu.memory_space<vmem_shared>>
      tpu.wait_indirect_dma semaphore(%arg16 : memref<!tpu.dma_semaphore, #tpu.memory_space<semaphore_mem>>) src(%dma_wait3A_293 : memref<128x32xf32, #tpu.memory_space<vmem>>) dst(%dma_wait3A_299 : memref<10240x32xf32, #tpu.memory_space<vmem_shared>>)
      %dma_wait3A_300 = arith.constant 1 : i32
      %dma_wait3A_301 = arith.constant 0 : i32
      %dma_wait3A_302 = arith.constant 0 : i32
      %dma_wait3A_303 = arith.constant 0 : i32
      %dma_wait3A_304 = tpu.memref_slice %arg9[%dma_wait3A_300, %dma_wait3A_302, %dma_wait3A_303] : memref<2x128x32xf32, #tpu.memory_space<vmem>> -> memref<1x128x32xf32, #tpu.memory_space<vmem>>
      %dma_wait3A_305 = tpu.memref_squeeze %dma_wait3A_304 : memref<1x128x32xf32, #tpu.memory_space<vmem>> -> memref<128x32xf32, #tpu.memory_space<vmem>>
      %dma_wait3A_306 = arith.constant 0 : i32
      %dma_wait3A_307 = tpu.memref_slice %arg7[%dma_wait3A_301, %dma_wait3A_306] : memref<84x128xi32, #tpu.memory_space<vmem>> -> memref<1x128xi32, #tpu.memory_space<vmem>>
      %dma_wait3A_308 = tpu.memref_squeeze %dma_wait3A_307 : memref<1x128xi32, #tpu.memory_space<vmem>> -> memref<128xi32, #tpu.memory_space<vmem>>
      %dma_wait3A_309 = arith.constant 0 : i32
      %dma_wait3A_310 = arith.constant 0 : i32
      %dma_wait3A_311 = tpu.memref_slice %arg12[%dma_wait3A_309, %dma_wait3A_310] : memref<10240x32xf32, #tpu.memory_space<vmem_shared>> -> memref<10240x32xf32, #tpu.memory_space<vmem_shared>>
      tpu.wait_indirect_dma semaphore(%arg16 : memref<!tpu.dma_semaphore, #tpu.memory_space<semaphore_mem>>) src(%dma_wait3A_305 : memref<128x32xf32, #tpu.memory_space<vmem>>) dst(%dma_wait3A_311 : memref<10240x32xf32, #tpu.memory_space<vmem_shared>>)
      %add3A_312 = arith.constant 3 : i32
      %add3A_313 = arith.addi %mul3A_121, %add3A_312 : i32
      %mul3A_314 = arith.constant 2 : i32
      %mul3A_315 = arith.muli %add3A_313, %mul3A_314 : i32
      %add3A_316 = arith.constant 0 : i32
      %add3A_317 = arith.addi %mul3A_315, %add3A_316 : i32
      %dma_start3A_318 = arith.constant 0 : i32
      %dma_start3A_319 = arith.constant 0 : i32
      %dma_start3A_320 = arith.constant 0 : i32
      %dma_start3A_321 = tpu.memref_slice %arg9[%dma_start3A_318, %dma_start3A_319, %dma_start3A_320] : memref<2x128x32xf32, #tpu.memory_space<vmem>> -> memref<1x128x32xf32, #tpu.memory_space<vmem>>
      %dma_start3A_322 = tpu.memref_squeeze %dma_start3A_321 : memref<1x128x32xf32, #tpu.memory_space<vmem>> -> memref<128x32xf32, #tpu.memory_space<vmem>>
      %dma_start3A_323 = arith.constant 0 : i32
      %dma_start3A_324 = tpu.memref_slice %arg6[%add3A_317, %dma_start3A_323] : memref<84x128xi32, #tpu.memory_space<vmem>> -> memref<1x128xi32, #tpu.memory_space<vmem>>
      %dma_start3A_325 = tpu.memref_squeeze %dma_start3A_324 : memref<1x128xi32, #tpu.memory_space<vmem>> -> memref<128xi32, #tpu.memory_space<vmem>>
      %dma_start3A_326 = arith.constant 0 : i32
      %dma_start3A_327 = arith.constant 0 : i32
      %dma_start3A_328 = tpu.memref_slice %arg11[%dma_start3A_326, %dma_start3A_327] : memref<10240x32xf32, #tpu.memory_space<vmem_shared>> -> memref<10240x32xf32, #tpu.memory_space<vmem_shared>>
      tpu.enqueue_indirect_dma source(%dma_start3A_328 : memref<10240x32xf32, #tpu.memory_space<vmem_shared>>) target(%dma_start3A_322 : memref<128x32xf32, #tpu.memory_space<vmem>>) offsets(%dma_start3A_325 : memref<128xi32, #tpu.memory_space<vmem>>) semaphore(%arg14 : memref<!tpu.dma_semaphore, #tpu.memory_space<semaphore_mem>>)
      %mul3A_329 = arith.constant 2 : i32
      %mul3A_330 = arith.muli %add3A_313, %mul3A_329 : i32
      %add3A_331 = arith.constant 1 : i32
      %add3A_332 = arith.addi %mul3A_330, %add3A_331 : i32
      %dma_start3A_333 = arith.constant 1 : i32
      %dma_start3A_334 = arith.constant 0 : i32
      %dma_start3A_335 = arith.constant 0 : i32
      %dma_start3A_336 = tpu.memref_slice %arg9[%dma_start3A_333, %dma_start3A_334, %dma_start3A_335] : memref<2x128x32xf32, #tpu.memory_space<vmem>> -> memref<1x128x32xf32, #tpu.memory_space<vmem>>
      %dma_start3A_337 = tpu.memref_squeeze %dma_start3A_336 : memref<1x128x32xf32, #tpu.memory_space<vmem>> -> memref<128x32xf32, #tpu.memory_space<vmem>>
      %dma_start3A_338 = arith.constant 0 : i32
      %dma_start3A_339 = tpu.memref_slice %arg6[%add3A_332, %dma_start3A_338] : memref<84x128xi32, #tpu.memory_space<vmem>> -> memref<1x128xi32, #tpu.memory_space<vmem>>
      %dma_start3A_340 = tpu.memref_squeeze %dma_start3A_339 : memref<1x128xi32, #tpu.memory_space<vmem>> -> memref<128xi32, #tpu.memory_space<vmem>>
      %dma_start3A_341 = arith.constant 0 : i32
      %dma_start3A_342 = arith.constant 0 : i32
      %dma_start3A_343 = tpu.memref_slice %arg11[%dma_start3A_341, %dma_start3A_342] : memref<10240x32xf32, #tpu.memory_space<vmem_shared>> -> memref<10240x32xf32, #tpu.memory_space<vmem_shared>>
      tpu.enqueue_indirect_dma source(%dma_start3A_343 : memref<10240x32xf32, #tpu.memory_space<vmem_shared>>) target(%dma_start3A_337 : memref<128x32xf32, #tpu.memory_space<vmem>>) offsets(%dma_start3A_340 : memref<128xi32, #tpu.memory_space<vmem>>) semaphore(%arg14 : memref<!tpu.dma_semaphore, #tpu.memory_space<semaphore_mem>>)
    }
    %scan3A_66 = arith.constant 20 : i32
    %dma_wait3A = arith.constant 0 : i32
    %dma_wait3A_67 = arith.constant 0 : i32
    %dma_wait3A_68 = arith.constant 0 : i32
    %dma_wait3A_69 = arith.constant 0 : i32
    %dma_wait3A_70 = tpu.memref_slice %arg8[%dma_wait3A_67, %dma_wait3A_68, %dma_wait3A_69] : memref<2x128x32xf32, #tpu.memory_space<vmem>> -> memref<1x128x32xf32, #tpu.memory_space<vmem>>
    %dma_wait3A_71 = tpu.memref_squeeze %dma_wait3A_70 : memref<1x128x32xf32, #tpu.memory_space<vmem>> -> memref<128x32xf32, #tpu.memory_space<vmem>>
    %dma_wait3A_72 = arith.constant 0 : i32
    %dma_wait3A_73 = tpu.memref_slice %arg6[%dma_wait3A, %dma_wait3A_72] : memref<84x128xi32, #tpu.memory_space<vmem>> -> memref<1x128xi32, #tpu.memory_space<vmem>>
    %dma_wait3A_74 = tpu.memref_squeeze %dma_wait3A_73 : memref<1x128xi32, #tpu.memory_space<vmem>> -> memref<128xi32, #tpu.memory_space<vmem>>
    %dma_wait3A_75 = arith.constant 0 : i32
    %dma_wait3A_76 = arith.constant 0 : i32
    %dma_wait3A_77 = tpu.memref_slice %arg11[%dma_wait3A_75, %dma_wait3A_76] : memref<10240x32xf32, #tpu.memory_space<vmem_shared>> -> memref<10240x32xf32, #tpu.memory_space<vmem_shared>>
    tpu.wait_indirect_dma semaphore(%arg13 : memref<!tpu.dma_semaphore, #tpu.memory_space<semaphore_mem>>) src(%dma_wait3A_77 : memref<10240x32xf32, #tpu.memory_space<vmem_shared>>) dst(%dma_wait3A_71 : memref<128x32xf32, #tpu.memory_space<vmem>>)
    %dma_wait3A_78 = arith.constant 0 : i32
    %dma_wait3A_79 = arith.constant 1 : i32
    %dma_wait3A_80 = arith.constant 0 : i32
    %dma_wait3A_81 = arith.constant 0 : i32
    %dma_wait3A_82 = tpu.memref_slice %arg8[%dma_wait3A_79, %dma_wait3A_80, %dma_wait3A_81] : memref<2x128x32xf32, #tpu.memory_space<vmem>> -> memref<1x128x32xf32, #tpu.memory_space<vmem>>
    %dma_wait3A_83 = tpu.memref_squeeze %dma_wait3A_82 : memref<1x128x32xf32, #tpu.memory_space<vmem>> -> memref<128x32xf32, #tpu.memory_space<vmem>>
    %dma_wait3A_84 = arith.constant 0 : i32
    %dma_wait3A_85 = tpu.memref_slice %arg6[%dma_wait3A_78, %dma_wait3A_84] : memref<84x128xi32, #tpu.memory_space<vmem>> -> memref<1x128xi32, #tpu.memory_space<vmem>>
    %dma_wait3A_86 = tpu.memref_squeeze %dma_wait3A_85 : memref<1x128xi32, #tpu.memory_space<vmem>> -> memref<128xi32, #tpu.memory_space<vmem>>
    %dma_wait3A_87 = arith.constant 0 : i32
    %dma_wait3A_88 = arith.constant 0 : i32
    %dma_wait3A_89 = tpu.memref_slice %arg11[%dma_wait3A_87, %dma_wait3A_88] : memref<10240x32xf32, #tpu.memory_space<vmem_shared>> -> memref<10240x32xf32, #tpu.memory_space<vmem_shared>>
    tpu.wait_indirect_dma semaphore(%arg13 : memref<!tpu.dma_semaphore, #tpu.memory_space<semaphore_mem>>) src(%dma_wait3A_89 : memref<10240x32xf32, #tpu.memory_space<vmem_shared>>) dst(%dma_wait3A_83 : memref<128x32xf32, #tpu.memory_space<vmem>>)
    %dma_wait3A_90 = arith.constant 0 : i32
    %dma_wait3A_91 = arith.constant 0 : i32
    %dma_wait3A_92 = arith.constant 0 : i32
    %dma_wait3A_93 = arith.constant 0 : i32
    %dma_wait3A_94 = tpu.memref_slice %arg9[%dma_wait3A_91, %dma_wait3A_92, %dma_wait3A_93] : memref<2x128x32xf32, #tpu.memory_space<vmem>> -> memref<1x128x32xf32, #tpu.memory_space<vmem>>
    %dma_wait3A_95 = tpu.memref_squeeze %dma_wait3A_94 : memref<1x128x32xf32, #tpu.memory_space<vmem>> -> memref<128x32xf32, #tpu.memory_space<vmem>>
    %dma_wait3A_96 = arith.constant 0 : i32
    %dma_wait3A_97 = tpu.memref_slice %arg6[%dma_wait3A_90, %dma_wait3A_96] : memref<84x128xi32, #tpu.memory_space<vmem>> -> memref<1x128xi32, #tpu.memory_space<vmem>>
    %dma_wait3A_98 = tpu.memref_squeeze %dma_wait3A_97 : memref<1x128xi32, #tpu.memory_space<vmem>> -> memref<128xi32, #tpu.memory_space<vmem>>
    %dma_wait3A_99 = arith.constant 0 : i32
    %dma_wait3A_100 = arith.constant 0 : i32
    %dma_wait3A_101 = tpu.memref_slice %arg11[%dma_wait3A_99, %dma_wait3A_100] : memref<10240x32xf32, #tpu.memory_space<vmem_shared>> -> memref<10240x32xf32, #tpu.memory_space<vmem_shared>>
    tpu.wait_indirect_dma semaphore(%arg14 : memref<!tpu.dma_semaphore, #tpu.memory_space<semaphore_mem>>) src(%dma_wait3A_101 : memref<10240x32xf32, #tpu.memory_space<vmem_shared>>) dst(%dma_wait3A_95 : memref<128x32xf32, #tpu.memory_space<vmem>>)
    %dma_wait3A_102 = arith.constant 0 : i32
    %dma_wait3A_103 = arith.constant 1 : i32
    %dma_wait3A_104 = arith.constant 0 : i32
    %dma_wait3A_105 = arith.constant 0 : i32
    %dma_wait3A_106 = tpu.memref_slice %arg9[%dma_wait3A_103, %dma_wait3A_104, %dma_wait3A_105] : memref<2x128x32xf32, #tpu.memory_space<vmem>> -> memref<1x128x32xf32, #tpu.memory_space<vmem>>
    %dma_wait3A_107 = tpu.memref_squeeze %dma_wait3A_106 : memref<1x128x32xf32, #tpu.memory_space<vmem>> -> memref<128x32xf32, #tpu.memory_space<vmem>>
    %dma_wait3A_108 = arith.constant 0 : i32
    %dma_wait3A_109 = tpu.memref_slice %arg6[%dma_wait3A_102, %dma_wait3A_108] : memref<84x128xi32, #tpu.memory_space<vmem>> -> memref<1x128xi32, #tpu.memory_space<vmem>>
    %dma_wait3A_110 = tpu.memref_squeeze %dma_wait3A_109 : memref<1x128xi32, #tpu.memory_space<vmem>> -> memref<128xi32, #tpu.memory_space<vmem>>
    %dma_wait3A_111 = arith.constant 0 : i32
    %dma_wait3A_112 = arith.constant 0 : i32
    %dma_wait3A_113 = tpu.memref_slice %arg11[%dma_wait3A_111, %dma_wait3A_112] : memref<10240x32xf32, #tpu.memory_space<vmem_shared>> -> memref<10240x32xf32, #tpu.memory_space<vmem_shared>>
    tpu.wait_indirect_dma semaphore(%arg14 : memref<!tpu.dma_semaphore, #tpu.memory_space<semaphore_mem>>) src(%dma_wait3A_113 : memref<10240x32xf32, #tpu.memory_space<vmem_shared>>) dst(%dma_wait3A_107 : memref<128x32xf32, #tpu.memory_space<vmem>>)
    %barrier3A_114 = arith.constant 0 : index
    tpu.barrier barrier_id(%barrier3A_114)
    %mul3A_115 = arith.constant 640 : i32
    %mul3A_116 = arith.muli %arg1, %mul3A_115 : i32
    "tpu.region"() ({
      %run_scoped3A = tpu.sem_alloc : memref<!tpu.dma_semaphore, #tpu.memory_space<semaphore_mem>>
      %dma_start3A_119 = arith.constant 0 : i32
      %dma_start3A_120 = tpu.memref_slice %arg12[%mul3A_116, %dma_start3A_119] : memref<10240x32xf32, #tpu.memory_space<vmem_shared>> -> memref<640x32xf32, #tpu.memory_space<vmem_shared>>
      %dma_start3A_121 = arith.constant 0 : i32
      %dma_start3A_122 = tpu.memref_slice %arg12[%mul3A_116, %dma_start3A_121] : memref<10240x32xf32, #tpu.memory_space<vmem_shared>> -> memref<640x32xf32, #tpu.memory_space<vmem_shared>>
      tpu.enqueue_dma source(%dma_start3A_122 : memref<640x32xf32, #tpu.memory_space<vmem_shared>>) target(%arg10 : memref<640x32xf32, #tpu.memory_space<vmem>>) target_semaphore(%run_scoped3A : memref<!tpu.dma_semaphore, #tpu.memory_space<semaphore_mem>>)
      %dma_wait3A_123 = arith.constant 0 : i32
      %dma_wait3A_124 = tpu.memref_slice %arg12[%mul3A_116, %dma_wait3A_123] : memref<10240x32xf32, #tpu.memory_space<vmem_shared>> -> memref<640x32xf32, #tpu.memory_space<vmem_shared>>
      %dma_wait3A_125 = arith.constant 0 : i32
      %dma_wait3A_126 = tpu.memref_slice %arg12[%mul3A_116, %dma_wait3A_125] : memref<10240x32xf32, #tpu.memory_space<vmem_shared>> -> memref<640x32xf32, #tpu.memory_space<vmem_shared>>
      tpu.wait_dma2 semaphore(%run_scoped3A : memref<!tpu.dma_semaphore, #tpu.memory_space<semaphore_mem>>) src(%dma_wait3A_126 : memref<640x32xf32, #tpu.memory_space<vmem_shared>>) dst(%arg10 : memref<640x32xf32, #tpu.memory_space<vmem>>)
      tpu.yield
    }) : () -> ()
    %mul3A_117 = arith.constant 640 : i32
    %mul3A_118 = arith.muli %arg1, %mul3A_117 : i32
    "tpu.region"() ({
      %run_scoped3A = tpu.sem_alloc : memref<!tpu.dma_semaphore, #tpu.memory_space<semaphore_mem>>
      %dma_start3A_119 = arith.constant 0 : i32
      %dma_start3A_120 = tpu.memref_slice %arg5[%arg0, %mul3A_118, %dma_start3A_119] : memref<2x10240x32xf32, #tpu.memory_space<hbm>> -> memref<1x640x32xf32, #tpu.memory_space<hbm>>
      %dma_start3A_121 = tpu.memref_squeeze %dma_start3A_120 : memref<1x640x32xf32, #tpu.memory_space<hbm>> -> memref<640x32xf32, #tpu.memory_space<hbm>>
      %dma_start3A_122 = arith.constant 0 : i32
      %dma_start3A_123 = tpu.memref_slice %arg5[%arg0, %mul3A_118, %dma_start3A_122] : memref<2x10240x32xf32, #tpu.memory_space<hbm>> -> memref<1x640x32xf32, #tpu.memory_space<hbm>>
      %dma_start3A_124 = tpu.memref_squeeze %dma_start3A_123 : memref<1x640x32xf32, #tpu.memory_space<hbm>> -> memref<640x32xf32, #tpu.memory_space<hbm>>
      tpu.enqueue_dma source(%arg10 : memref<640x32xf32, #tpu.memory_space<vmem>>) target(%dma_start3A_124 : memref<640x32xf32, #tpu.memory_space<hbm>>) target_semaphore(%run_scoped3A : memref<!tpu.dma_semaphore, #tpu.memory_space<semaphore_mem>>)
      %dma_wait3A_125 = arith.constant 0 : i32
      %dma_wait3A_126 = tpu.memref_slice %arg5[%arg0, %mul3A_118, %dma_wait3A_125] : memref<2x10240x32xf32, #tpu.memory_space<hbm>> -> memref<1x640x32xf32, #tpu.memory_space<hbm>>
      %dma_wait3A_127 = tpu.memref_squeeze %dma_wait3A_126 : memref<1x640x32xf32, #tpu.memory_space<hbm>> -> memref<640x32xf32, #tpu.memory_space<hbm>>
      %dma_wait3A_128 = arith.constant 0 : i32
      %dma_wait3A_129 = tpu.memref_slice %arg5[%arg0, %mul3A_118, %dma_wait3A_128] : memref<2x10240x32xf32, #tpu.memory_space<hbm>> -> memref<1x640x32xf32, #tpu.memory_space<hbm>>
      %dma_wait3A_130 = tpu.memref_squeeze %dma_wait3A_129 : memref<1x640x32xf32, #tpu.memory_space<hbm>> -> memref<640x32xf32, #tpu.memory_space<hbm>>
      tpu.wait_dma2 semaphore(%run_scoped3A : memref<!tpu.dma_semaphore, #tpu.memory_space<semaphore_mem>>) src(%arg10 : memref<640x32xf32, #tpu.memory_space<vmem>>) dst(%dma_wait3A_130 : memref<640x32xf32, #tpu.memory_space<hbm>>)
      tpu.yield
    }) : () -> ()
    return
  }
}

#map = affine_map<(d0, d1) -> (0, 0, 0)>
module attributes {stable_mosaic.version = 14 : i64} {
  func.func @_deg_sc_body(%arg0: i32, %arg1: i32, %arg2: memref<32x84x128xi32, #tpu.memory_space<hbm>>, %arg3: memref<2x10240x32xf32, #tpu.memory_space<hbm>>, %arg4: memref<84x128xi32, #tpu.memory_space<vmem>>, %arg5: memref<128x32xf32, #tpu.memory_space<vmem>>, %arg6: memref<640x32xf32, #tpu.memory_space<vmem>>, %arg7: memref<10240x32xf32, #tpu.memory_space<vmem_shared>>, %arg8: memref<!tpu.dma_semaphore, #tpu.memory_space<semaphore_mem>>) attributes {dimension_semantics = [#tpu.dimension_semantics<core_parallel>, #tpu.dimension_semantics<subcore_parallel>], iteration_bounds = array<i64: 2, 16>, scalar_prefetch = 0 : i64, scratch_operands = 5 : i64, tpu.core_type = #tpu.core_type<sc_vector_subcore>, window_params = [{transform_indices = #map}, {transform_indices = #map}]} {
    %mul3A = arith.constant 2 : i32
    %mul3A_0 = arith.muli %arg1, %mul3A : i32
    %add3A = arith.addi %mul3A_0, %arg0 : i32
    "tpu.region"() ({
      %run_scoped3A = tpu.sem_alloc : memref<!tpu.dma_semaphore, #tpu.memory_space<semaphore_mem>>
      %dma_start3A = arith.constant 0 : i32
      %dma_start3A_34 = arith.constant 0 : i32
      %dma_start3A_35 = tpu.memref_slice %arg2[%add3A, %dma_start3A, %dma_start3A_34] : memref<32x84x128xi32, #tpu.memory_space<hbm>> -> memref<1x84x128xi32, #tpu.memory_space<hbm>>
      %dma_start3A_36 = tpu.memref_squeeze %dma_start3A_35 : memref<1x84x128xi32, #tpu.memory_space<hbm>> -> memref<84x128xi32, #tpu.memory_space<hbm>>
      %dma_start3A_37 = arith.constant 0 : i32
      %dma_start3A_38 = arith.constant 0 : i32
      %dma_start3A_39 = tpu.memref_slice %arg2[%add3A, %dma_start3A_37, %dma_start3A_38] : memref<32x84x128xi32, #tpu.memory_space<hbm>> -> memref<1x84x128xi32, #tpu.memory_space<hbm>>
      %dma_start3A_40 = tpu.memref_squeeze %dma_start3A_39 : memref<1x84x128xi32, #tpu.memory_space<hbm>> -> memref<84x128xi32, #tpu.memory_space<hbm>>
      tpu.enqueue_dma source(%dma_start3A_40 : memref<84x128xi32, #tpu.memory_space<hbm>>) target(%arg4 : memref<84x128xi32, #tpu.memory_space<vmem>>) target_semaphore(%run_scoped3A : memref<!tpu.dma_semaphore, #tpu.memory_space<semaphore_mem>>)
      %dma_wait3A = arith.constant 0 : i32
      %dma_wait3A_41 = arith.constant 0 : i32
      %dma_wait3A_42 = tpu.memref_slice %arg2[%add3A, %dma_wait3A, %dma_wait3A_41] : memref<32x84x128xi32, #tpu.memory_space<hbm>> -> memref<1x84x128xi32, #tpu.memory_space<hbm>>
      %dma_wait3A_43 = tpu.memref_squeeze %dma_wait3A_42 : memref<1x84x128xi32, #tpu.memory_space<hbm>> -> memref<84x128xi32, #tpu.memory_space<hbm>>
      %dma_wait3A_44 = arith.constant 0 : i32
      %dma_wait3A_45 = arith.constant 0 : i32
      %dma_wait3A_46 = tpu.memref_slice %arg2[%add3A, %dma_wait3A_44, %dma_wait3A_45] : memref<32x84x128xi32, #tpu.memory_space<hbm>> -> memref<1x84x128xi32, #tpu.memory_space<hbm>>
      %dma_wait3A_47 = tpu.memref_squeeze %dma_wait3A_46 : memref<1x84x128xi32, #tpu.memory_space<hbm>> -> memref<84x128xi32, #tpu.memory_space<hbm>>
      tpu.wait_dma2 semaphore(%run_scoped3A : memref<!tpu.dma_semaphore, #tpu.memory_space<semaphore_mem>>) src(%dma_wait3A_47 : memref<84x128xi32, #tpu.memory_space<hbm>>) dst(%arg4 : memref<84x128xi32, #tpu.memory_space<vmem>>)
      tpu.yield
    }) : () -> ()
    %broadcast_in_dim3A = arith.constant 1.000000e+00 : f32
    %broadcast_in_dim3A_1 = vector.broadcast %broadcast_in_dim3A : f32 to vector<16xf32>
    %broadcast_in_dim3A_2 = arith.constant 0.000000e+00 : f32
    %broadcast_in_dim3A_3 = vector.broadcast %broadcast_in_dim3A_2 : f32 to vector<16xf32>
    %scan3A = arith.constant 0 : i32
    %scan3A_4 = arith.constant 0 : i32
    %scan3A_5 = arith.constant 128 : i32
    %scan3A_6 = arith.addi %scan3A_4, %scan3A_5 : i32
    %scan3A_7 = arith.constant 8 : i32
    scf.for %scan3A_34 = %scan3A_4 to %scan3A_6 step %scan3A_7  : i32 {
      %swap3A = arith.index_cast %scan3A_34 : i32 to index
      %swap3A_35 = arith.constant 0 : index
      %swap3A_36 = tpu.vector_load %arg5[%swap3A, %swap3A_35] {strides = array<i32>} : memref<128x32xf32, #tpu.memory_space<vmem>>, vector<1x16xf32>,
      %swap3A_37 = vector.shape_cast %swap3A_36 : vector<1x16xf32> to vector<16xf32>
      %swap3A_38 = vector.shape_cast %broadcast_in_dim3A_1 : vector<16xf32> to vector<1x16xf32>
      tpu.vector_store %arg5[%swap3A, %swap3A_35], %swap3A_38 {strides = array<i32>} : memref<128x32xf32, #tpu.memory_space<vmem>>, vector<1x16xf32>,
      %swap3A_39 = arith.index_cast %scan3A_34 : i32 to index
      %swap3A_40 = arith.constant 16 : index
      %swap3A_41 = tpu.vector_load %arg5[%swap3A_39, %swap3A_40] {strides = array<i32>} : memref<128x32xf32, #tpu.memory_space<vmem>>, vector<1x16xf32>,
      %swap3A_42 = vector.shape_cast %swap3A_41 : vector<1x16xf32> to vector<16xf32>
      %swap3A_43 = vector.shape_cast %broadcast_in_dim3A_1 : vector<16xf32> to vector<1x16xf32>
      tpu.vector_store %arg5[%swap3A_39, %swap3A_40], %swap3A_43 {strides = array<i32>} : memref<128x32xf32, #tpu.memory_space<vmem>>, vector<1x16xf32>,
      %scan3A_44 = arith.constant 1 : i32
      %scan3A_45 = arith.addi %scan3A_34, %scan3A_44 : i32
      %swap3A_46 = arith.index_cast %scan3A_45 : i32 to index
      %swap3A_47 = arith.constant 0 : index
      %swap3A_48 = tpu.vector_load %arg5[%swap3A_46, %swap3A_47] {strides = array<i32>} : memref<128x32xf32, #tpu.memory_space<vmem>>, vector<1x16xf32>,
      %swap3A_49 = vector.shape_cast %swap3A_48 : vector<1x16xf32> to vector<16xf32>
      %swap3A_50 = vector.shape_cast %broadcast_in_dim3A_1 : vector<16xf32> to vector<1x16xf32>
      tpu.vector_store %arg5[%swap3A_46, %swap3A_47], %swap3A_50 {strides = array<i32>} : memref<128x32xf32, #tpu.memory_space<vmem>>, vector<1x16xf32>,
      %swap3A_51 = arith.index_cast %scan3A_45 : i32 to index
      %swap3A_52 = arith.constant 16 : index
      %swap3A_53 = tpu.vector_load %arg5[%swap3A_51, %swap3A_52] {strides = array<i32>} : memref<128x32xf32, #tpu.memory_space<vmem>>, vector<1x16xf32>,
      %swap3A_54 = vector.shape_cast %swap3A_53 : vector<1x16xf32> to vector<16xf32>
      %swap3A_55 = vector.shape_cast %broadcast_in_dim3A_1 : vector<16xf32> to vector<1x16xf32>
      tpu.vector_store %arg5[%swap3A_51, %swap3A_52], %swap3A_55 {strides = array<i32>} : memref<128x32xf32, #tpu.memory_space<vmem>>, vector<1x16xf32>,
      %scan3A_56 = arith.constant 2 : i32
      %scan3A_57 = arith.addi %scan3A_34, %scan3A_56 : i32
      %swap3A_58 = arith.index_cast %scan3A_57 : i32 to index
      %swap3A_59 = arith.constant 0 : index
      %swap3A_60 = tpu.vector_load %arg5[%swap3A_58, %swap3A_59] {strides = array<i32>} : memref<128x32xf32, #tpu.memory_space<vmem>>, vector<1x16xf32>,
      %swap3A_61 = vector.shape_cast %swap3A_60 : vector<1x16xf32> to vector<16xf32>
      %swap3A_62 = vector.shape_cast %broadcast_in_dim3A_1 : vector<16xf32> to vector<1x16xf32>
      tpu.vector_store %arg5[%swap3A_58, %swap3A_59], %swap3A_62 {strides = array<i32>} : memref<128x32xf32, #tpu.memory_space<vmem>>, vector<1x16xf32>,
      %swap3A_63 = arith.index_cast %scan3A_57 : i32 to index
      %swap3A_64 = arith.constant 16 : index
      %swap3A_65 = tpu.vector_load %arg5[%swap3A_63, %swap3A_64] {strides = array<i32>} : memref<128x32xf32, #tpu.memory_space<vmem>>, vector<1x16xf32>,
      %swap3A_66 = vector.shape_cast %swap3A_65 : vector<1x16xf32> to vector<16xf32>
      %swap3A_67 = vector.shape_cast %broadcast_in_dim3A_1 : vector<16xf32> to vector<1x16xf32>
      tpu.vector_store %arg5[%swap3A_63, %swap3A_64], %swap3A_67 {strides = array<i32>} : memref<128x32xf32, #tpu.memory_space<vmem>>, vector<1x16xf32>,
      %scan3A_68 = arith.constant 3 : i32
      %scan3A_69 = arith.addi %scan3A_34, %scan3A_68 : i32
      %swap3A_70 = arith.index_cast %scan3A_69 : i32 to index
      %swap3A_71 = arith.constant 0 : index
      %swap3A_72 = tpu.vector_load %arg5[%swap3A_70, %swap3A_71] {strides = array<i32>} : memref<128x32xf32, #tpu.memory_space<vmem>>, vector<1x16xf32>,
      %swap3A_73 = vector.shape_cast %swap3A_72 : vector<1x16xf32> to vector<16xf32>
      %swap3A_74 = vector.shape_cast %broadcast_in_dim3A_1 : vector<16xf32> to vector<1x16xf32>
      tpu.vector_store %arg5[%swap3A_70, %swap3A_71], %swap3A_74 {strides = array<i32>} : memref<128x32xf32, #tpu.memory_space<vmem>>, vector<1x16xf32>,
      %swap3A_75 = arith.index_cast %scan3A_69 : i32 to index
      %swap3A_76 = arith.constant 16 : index
      %swap3A_77 = tpu.vector_load %arg5[%swap3A_75, %swap3A_76] {strides = array<i32>} : memref<128x32xf32, #tpu.memory_space<vmem>>, vector<1x16xf32>,
      %swap3A_78 = vector.shape_cast %swap3A_77 : vector<1x16xf32> to vector<16xf32>
      %swap3A_79 = vector.shape_cast %broadcast_in_dim3A_1 : vector<16xf32> to vector<1x16xf32>
      tpu.vector_store %arg5[%swap3A_75, %swap3A_76], %swap3A_79 {strides = array<i32>} : memref<128x32xf32, #tpu.memory_space<vmem>>, vector<1x16xf32>,
      %scan3A_80 = arith.constant 4 : i32
      %scan3A_81 = arith.addi %scan3A_34, %scan3A_80 : i32
      %swap3A_82 = arith.index_cast %scan3A_81 : i32 to index
      %swap3A_83 = arith.constant 0 : index
      %swap3A_84 = tpu.vector_load %arg5[%swap3A_82, %swap3A_83] {strides = array<i32>} : memref<128x32xf32, #tpu.memory_space<vmem>>, vector<1x16xf32>,
      %swap3A_85 = vector.shape_cast %swap3A_84 : vector<1x16xf32> to vector<16xf32>
      %swap3A_86 = vector.shape_cast %broadcast_in_dim3A_1 : vector<16xf32> to vector<1x16xf32>
      tpu.vector_store %arg5[%swap3A_82, %swap3A_83], %swap3A_86 {strides = array<i32>} : memref<128x32xf32, #tpu.memory_space<vmem>>, vector<1x16xf32>,
      %swap3A_87 = arith.index_cast %scan3A_81 : i32 to index
      %swap3A_88 = arith.constant 16 : index
      %swap3A_89 = tpu.vector_load %arg5[%swap3A_87, %swap3A_88] {strides = array<i32>} : memref<128x32xf32, #tpu.memory_space<vmem>>, vector<1x16xf32>,
      %swap3A_90 = vector.shape_cast %swap3A_89 : vector<1x16xf32> to vector<16xf32>
      %swap3A_91 = vector.shape_cast %broadcast_in_dim3A_1 : vector<16xf32> to vector<1x16xf32>
      tpu.vector_store %arg5[%swap3A_87, %swap3A_88], %swap3A_91 {strides = array<i32>} : memref<128x32xf32, #tpu.memory_space<vmem>>, vector<1x16xf32>,
      %scan3A_92 = arith.constant 5 : i32
      %scan3A_93 = arith.addi %scan3A_34, %scan3A_92 : i32
      %swap3A_94 = arith.index_cast %scan3A_93 : i32 to index
      %swap3A_95 = arith.constant 0 : index
      %swap3A_96 = tpu.vector_load %arg5[%swap3A_94, %swap3A_95] {strides = array<i32>} : memref<128x32xf32, #tpu.memory_space<vmem>>, vector<1x16xf32>,
      %swap3A_97 = vector.shape_cast %swap3A_96 : vector<1x16xf32> to vector<16xf32>
      %swap3A_98 = vector.shape_cast %broadcast_in_dim3A_1 : vector<16xf32> to vector<1x16xf32>
      tpu.vector_store %arg5[%swap3A_94, %swap3A_95], %swap3A_98 {strides = array<i32>} : memref<128x32xf32, #tpu.memory_space<vmem>>, vector<1x16xf32>,
      %swap3A_99 = arith.index_cast %scan3A_93 : i32 to index
      %swap3A_100 = arith.constant 16 : index
      %swap3A_101 = tpu.vector_load %arg5[%swap3A_99, %swap3A_100] {strides = array<i32>} : memref<128x32xf32, #tpu.memory_space<vmem>>, vector<1x16xf32>,
      %swap3A_102 = vector.shape_cast %swap3A_101 : vector<1x16xf32> to vector<16xf32>
      %swap3A_103 = vector.shape_cast %broadcast_in_dim3A_1 : vector<16xf32> to vector<1x16xf32>
      tpu.vector_store %arg5[%swap3A_99, %swap3A_100], %swap3A_103 {strides = array<i32>} : memref<128x32xf32, #tpu.memory_space<vmem>>, vector<1x16xf32>,
      %scan3A_104 = arith.constant 6 : i32
      %scan3A_105 = arith.addi %scan3A_34, %scan3A_104 : i32
      %swap3A_106 = arith.index_cast %scan3A_105 : i32 to index
      %swap3A_107 = arith.constant 0 : index
      %swap3A_108 = tpu.vector_load %arg5[%swap3A_106, %swap3A_107] {strides = array<i32>} : memref<128x32xf32, #tpu.memory_space<vmem>>, vector<1x16xf32>,
      %swap3A_109 = vector.shape_cast %swap3A_108 : vector<1x16xf32> to vector<16xf32>
      %swap3A_110 = vector.shape_cast %broadcast_in_dim3A_1 : vector<16xf32> to vector<1x16xf32>
      tpu.vector_store %arg5[%swap3A_106, %swap3A_107], %swap3A_110 {strides = array<i32>} : memref<128x32xf32, #tpu.memory_space<vmem>>, vector<1x16xf32>,
      %swap3A_111 = arith.index_cast %scan3A_105 : i32 to index
      %swap3A_112 = arith.constant 16 : index
      %swap3A_113 = tpu.vector_load %arg5[%swap3A_111, %swap3A_112] {strides = array<i32>} : memref<128x32xf32, #tpu.memory_space<vmem>>, vector<1x16xf32>,
      %swap3A_114 = vector.shape_cast %swap3A_113 : vector<1x16xf32> to vector<16xf32>
      %swap3A_115 = vector.shape_cast %broadcast_in_dim3A_1 : vector<16xf32> to vector<1x16xf32>
      tpu.vector_store %arg5[%swap3A_111, %swap3A_112], %swap3A_115 {strides = array<i32>} : memref<128x32xf32, #tpu.memory_space<vmem>>, vector<1x16xf32>,
      %scan3A_116 = arith.constant 7 : i32
      %scan3A_117 = arith.addi %scan3A_34, %scan3A_116 : i32
      %swap3A_118 = arith.index_cast %scan3A_117 : i32 to index
      %swap3A_119 = arith.constant 0 : index
      %swap3A_120 = tpu.vector_load %arg5[%swap3A_118, %swap3A_119] {strides = array<i32>} : memref<128x32xf32, #tpu.memory_space<vmem>>, vector<1x16xf32>,
      %swap3A_121 = vector.shape_cast %swap3A_120 : vector<1x16xf32> to vector<16xf32>
      %swap3A_122 = vector.shape_cast %broadcast_in_dim3A_1 : vector<16xf32> to vector<1x16xf32>
      tpu.vector_store %arg5[%swap3A_118, %swap3A_119], %swap3A_122 {strides = array<i32>} : memref<128x32xf32, #tpu.memory_space<vmem>>, vector<1x16xf32>,
      %swap3A_123 = arith.index_cast %scan3A_117 : i32 to index
      %swap3A_124 = arith.constant 16 : index
      %swap3A_125 = tpu.vector_load %arg5[%swap3A_123, %swap3A_124] {strides = array<i32>} : memref<128x32xf32, #tpu.memory_space<vmem>>, vector<1x16xf32>,
      %swap3A_126 = vector.shape_cast %swap3A_125 : vector<1x16xf32> to vector<16xf32>
      %swap3A_127 = vector.shape_cast %broadcast_in_dim3A_1 : vector<16xf32> to vector<1x16xf32>
      tpu.vector_store %arg5[%swap3A_123, %swap3A_124], %swap3A_127 {strides = array<i32>} : memref<128x32xf32, #tpu.memory_space<vmem>>, vector<1x16xf32>,
    }
    %scan3A_8 = arith.constant 128 : i32
    %scan3A_9 = arith.constant 0 : i32
    %scan3A_10 = arith.constant 0 : i32
    %scan3A_11 = arith.constant 640 : i32
    %scan3A_12 = arith.addi %scan3A_10, %scan3A_11 : i32
    %scan3A_13 = arith.constant 8 : i32
    scf.for %scan3A_34 = %scan3A_10 to %scan3A_12 step %scan3A_13  : i32 {
      %swap3A = arith.index_cast %scan3A_34 : i32 to index
      %swap3A_35 = arith.constant 0 : index
      %swap3A_36 = tpu.vector_load %arg6[%swap3A, %swap3A_35] {strides = array<i32>} : memref<640x32xf32, #tpu.memory_space<vmem>>, vector<1x16xf32>,
      %swap3A_37 = vector.shape_cast %swap3A_36 : vector<1x16xf32> to vector<16xf32>
      %swap3A_38 = vector.shape_cast %broadcast_in_dim3A_3 : vector<16xf32> to vector<1x16xf32>
      tpu.vector_store %arg6[%swap3A, %swap3A_35], %swap3A_38 {strides = array<i32>} : memref<640x32xf32, #tpu.memory_space<vmem>>, vector<1x16xf32>,
      %swap3A_39 = arith.index_cast %scan3A_34 : i32 to index
      %swap3A_40 = arith.constant 16 : index
      %swap3A_41 = tpu.vector_load %arg6[%swap3A_39, %swap3A_40] {strides = array<i32>} : memref<640x32xf32, #tpu.memory_space<vmem>>, vector<1x16xf32>,
      %swap3A_42 = vector.shape_cast %swap3A_41 : vector<1x16xf32> to vector<16xf32>
      %swap3A_43 = vector.shape_cast %broadcast_in_dim3A_3 : vector<16xf32> to vector<1x16xf32>
      tpu.vector_store %arg6[%swap3A_39, %swap3A_40], %swap3A_43 {strides = array<i32>} : memref<640x32xf32, #tpu.memory_space<vmem>>, vector<1x16xf32>,
      %scan3A_44 = arith.constant 1 : i32
      %scan3A_45 = arith.addi %scan3A_34, %scan3A_44 : i32
      %swap3A_46 = arith.index_cast %scan3A_45 : i32 to index
      %swap3A_47 = arith.constant 0 : index
      %swap3A_48 = tpu.vector_load %arg6[%swap3A_46, %swap3A_47] {strides = array<i32>} : memref<640x32xf32, #tpu.memory_space<vmem>>, vector<1x16xf32>,
      %swap3A_49 = vector.shape_cast %swap3A_48 : vector<1x16xf32> to vector<16xf32>
      %swap3A_50 = vector.shape_cast %broadcast_in_dim3A_3 : vector<16xf32> to vector<1x16xf32>
      tpu.vector_store %arg6[%swap3A_46, %swap3A_47], %swap3A_50 {strides = array<i32>} : memref<640x32xf32, #tpu.memory_space<vmem>>, vector<1x16xf32>,
      %swap3A_51 = arith.index_cast %scan3A_45 : i32 to index
      %swap3A_52 = arith.constant 16 : index
      %swap3A_53 = tpu.vector_load %arg6[%swap3A_51, %swap3A_52] {strides = array<i32>} : memref<640x32xf32, #tpu.memory_space<vmem>>, vector<1x16xf32>,
      %swap3A_54 = vector.shape_cast %swap3A_53 : vector<1x16xf32> to vector<16xf32>
      %swap3A_55 = vector.shape_cast %broadcast_in_dim3A_3 : vector<16xf32> to vector<1x16xf32>
      tpu.vector_store %arg6[%swap3A_51, %swap3A_52], %swap3A_55 {strides = array<i32>} : memref<640x32xf32, #tpu.memory_space<vmem>>, vector<1x16xf32>,
      %scan3A_56 = arith.constant 2 : i32
      %scan3A_57 = arith.addi %scan3A_34, %scan3A_56 : i32
      %swap3A_58 = arith.index_cast %scan3A_57 : i32 to index
      %swap3A_59 = arith.constant 0 : index
      %swap3A_60 = tpu.vector_load %arg6[%swap3A_58, %swap3A_59] {strides = array<i32>} : memref<640x32xf32, #tpu.memory_space<vmem>>, vector<1x16xf32>,
      %swap3A_61 = vector.shape_cast %swap3A_60 : vector<1x16xf32> to vector<16xf32>
      %swap3A_62 = vector.shape_cast %broadcast_in_dim3A_3 : vector<16xf32> to vector<1x16xf32>
      tpu.vector_store %arg6[%swap3A_58, %swap3A_59], %swap3A_62 {strides = array<i32>} : memref<640x32xf32, #tpu.memory_space<vmem>>, vector<1x16xf32>,
      %swap3A_63 = arith.index_cast %scan3A_57 : i32 to index
      %swap3A_64 = arith.constant 16 : index
      %swap3A_65 = tpu.vector_load %arg6[%swap3A_63, %swap3A_64] {strides = array<i32>} : memref<640x32xf32, #tpu.memory_space<vmem>>, vector<1x16xf32>,
      %swap3A_66 = vector.shape_cast %swap3A_65 : vector<1x16xf32> to vector<16xf32>
      %swap3A_67 = vector.shape_cast %broadcast_in_dim3A_3 : vector<16xf32> to vector<1x16xf32>
      tpu.vector_store %arg6[%swap3A_63, %swap3A_64], %swap3A_67 {strides = array<i32>} : memref<640x32xf32, #tpu.memory_space<vmem>>, vector<1x16xf32>,
      %scan3A_68 = arith.constant 3 : i32
      %scan3A_69 = arith.addi %scan3A_34, %scan3A_68 : i32
      %swap3A_70 = arith.index_cast %scan3A_69 : i32 to index
      %swap3A_71 = arith.constant 0 : index
      %swap3A_72 = tpu.vector_load %arg6[%swap3A_70, %swap3A_71] {strides = array<i32>} : memref<640x32xf32, #tpu.memory_space<vmem>>, vector<1x16xf32>,
      %swap3A_73 = vector.shape_cast %swap3A_72 : vector<1x16xf32> to vector<16xf32>
      %swap3A_74 = vector.shape_cast %broadcast_in_dim3A_3 : vector<16xf32> to vector<1x16xf32>
      tpu.vector_store %arg6[%swap3A_70, %swap3A_71], %swap3A_74 {strides = array<i32>} : memref<640x32xf32, #tpu.memory_space<vmem>>, vector<1x16xf32>,
      %swap3A_75 = arith.index_cast %scan3A_69 : i32 to index
      %swap3A_76 = arith.constant 16 : index
      %swap3A_77 = tpu.vector_load %arg6[%swap3A_75, %swap3A_76] {strides = array<i32>} : memref<640x32xf32, #tpu.memory_space<vmem>>, vector<1x16xf32>,
      %swap3A_78 = vector.shape_cast %swap3A_77 : vector<1x16xf32> to vector<16xf32>
      %swap3A_79 = vector.shape_cast %broadcast_in_dim3A_3 : vector<16xf32> to vector<1x16xf32>
      tpu.vector_store %arg6[%swap3A_75, %swap3A_76], %swap3A_79 {strides = array<i32>} : memref<640x32xf32, #tpu.memory_space<vmem>>, vector<1x16xf32>,
      %scan3A_80 = arith.constant 4 : i32
      %scan3A_81 = arith.addi %scan3A_34, %scan3A_80 : i32
      %swap3A_82 = arith.index_cast %scan3A_81 : i32 to index
      %swap3A_83 = arith.constant 0 : index
      %swap3A_84 = tpu.vector_load %arg6[%swap3A_82, %swap3A_83] {strides = array<i32>} : memref<640x32xf32, #tpu.memory_space<vmem>>, vector<1x16xf32>,
      %swap3A_85 = vector.shape_cast %swap3A_84 : vector<1x16xf32> to vector<16xf32>
      %swap3A_86 = vector.shape_cast %broadcast_in_dim3A_3 : vector<16xf32> to vector<1x16xf32>
      tpu.vector_store %arg6[%swap3A_82, %swap3A_83], %swap3A_86 {strides = array<i32>} : memref<640x32xf32, #tpu.memory_space<vmem>>, vector<1x16xf32>,
      %swap3A_87 = arith.index_cast %scan3A_81 : i32 to index
      %swap3A_88 = arith.constant 16 : index
      %swap3A_89 = tpu.vector_load %arg6[%swap3A_87, %swap3A_88] {strides = array<i32>} : memref<640x32xf32, #tpu.memory_space<vmem>>, vector<1x16xf32>,
      %swap3A_90 = vector.shape_cast %swap3A_89 : vector<1x16xf32> to vector<16xf32>
      %swap3A_91 = vector.shape_cast %broadcast_in_dim3A_3 : vector<16xf32> to vector<1x16xf32>
      tpu.vector_store %arg6[%swap3A_87, %swap3A_88], %swap3A_91 {strides = array<i32>} : memref<640x32xf32, #tpu.memory_space<vmem>>, vector<1x16xf32>,
      %scan3A_92 = arith.constant 5 : i32
      %scan3A_93 = arith.addi %scan3A_34, %scan3A_92 : i32
      %swap3A_94 = arith.index_cast %scan3A_93 : i32 to index
      %swap3A_95 = arith.constant 0 : index
      %swap3A_96 = tpu.vector_load %arg6[%swap3A_94, %swap3A_95] {strides = array<i32>} : memref<640x32xf32, #tpu.memory_space<vmem>>, vector<1x16xf32>,
      %swap3A_97 = vector.shape_cast %swap3A_96 : vector<1x16xf32> to vector<16xf32>
      %swap3A_98 = vector.shape_cast %broadcast_in_dim3A_3 : vector<16xf32> to vector<1x16xf32>
      tpu.vector_store %arg6[%swap3A_94, %swap3A_95], %swap3A_98 {strides = array<i32>} : memref<640x32xf32, #tpu.memory_space<vmem>>, vector<1x16xf32>,
      %swap3A_99 = arith.index_cast %scan3A_93 : i32 to index
      %swap3A_100 = arith.constant 16 : index
      %swap3A_101 = tpu.vector_load %arg6[%swap3A_99, %swap3A_100] {strides = array<i32>} : memref<640x32xf32, #tpu.memory_space<vmem>>, vector<1x16xf32>,
      %swap3A_102 = vector.shape_cast %swap3A_101 : vector<1x16xf32> to vector<16xf32>
      %swap3A_103 = vector.shape_cast %broadcast_in_dim3A_3 : vector<16xf32> to vector<1x16xf32>
      tpu.vector_store %arg6[%swap3A_99, %swap3A_100], %swap3A_103 {strides = array<i32>} : memref<640x32xf32, #tpu.memory_space<vmem>>, vector<1x16xf32>,
      %scan3A_104 = arith.constant 6 : i32
      %scan3A_105 = arith.addi %scan3A_34, %scan3A_104 : i32
      %swap3A_106 = arith.index_cast %scan3A_105 : i32 to index
      %swap3A_107 = arith.constant 0 : index
      %swap3A_108 = tpu.vector_load %arg6[%swap3A_106, %swap3A_107] {strides = array<i32>} : memref<640x32xf32, #tpu.memory_space<vmem>>, vector<1x16xf32>,
      %swap3A_109 = vector.shape_cast %swap3A_108 : vector<1x16xf32> to vector<16xf32>
      %swap3A_110 = vector.shape_cast %broadcast_in_dim3A_3 : vector<16xf32> to vector<1x16xf32>
      tpu.vector_store %arg6[%swap3A_106, %swap3A_107], %swap3A_110 {strides = array<i32>} : memref<640x32xf32, #tpu.memory_space<vmem>>, vector<1x16xf32>,
      %swap3A_111 = arith.index_cast %scan3A_105 : i32 to index
      %swap3A_112 = arith.constant 16 : index
      %swap3A_113 = tpu.vector_load %arg6[%swap3A_111, %swap3A_112] {strides = array<i32>} : memref<640x32xf32, #tpu.memory_space<vmem>>, vector<1x16xf32>,
      %swap3A_114 = vector.shape_cast %swap3A_113 : vector<1x16xf32> to vector<16xf32>
      %swap3A_115 = vector.shape_cast %broadcast_in_dim3A_3 : vector<16xf32> to vector<1x16xf32>
      tpu.vector_store %arg6[%swap3A_111, %swap3A_112], %swap3A_115 {strides = array<i32>} : memref<640x32xf32, #tpu.memory_space<vmem>>, vector<1x16xf32>,
      %scan3A_116 = arith.constant 7 : i32
      %scan3A_117 = arith.addi %scan3A_34, %scan3A_116 : i32
      %swap3A_118 = arith.index_cast %scan3A_117 : i32 to index
      %swap3A_119 = arith.constant 0 : index
      %swap3A_120 = tpu.vector_load %arg6[%swap3A_118, %swap3A_119] {strides = array<i32>} : memref<640x32xf32, #tpu.memory_space<vmem>>, vector<1x16xf32>,
      %swap3A_121 = vector.shape_cast %swap3A_120 : vector<1x16xf32> to vector<16xf32>
      %swap3A_122 = vector.shape_cast %broadcast_in_dim3A_3 : vector<16xf32> to vector<1x16xf32>
      tpu.vector_store %arg6[%swap3A_118, %swap3A_119], %swap3A_122 {strides = array<i32>} : memref<640x32xf32, #tpu.memory_space<vmem>>, vector<1x16xf32>,
      %swap3A_123 = arith.index_cast %scan3A_117 : i32 to index
      %swap3A_124 = arith.constant 16 : index
      %swap3A_125 = tpu.vector_load %arg6[%swap3A_123, %swap3A_124] {strides = array<i32>} : memref<640x32xf32, #tpu.memory_space<vmem>>, vector<1x16xf32>,
      %swap3A_126 = vector.shape_cast %swap3A_125 : vector<1x16xf32> to vector<16xf32>
      %swap3A_127 = vector.shape_cast %broadcast_in_dim3A_3 : vector<16xf32> to vector<1x16xf32>
      tpu.vector_store %arg6[%swap3A_123, %swap3A_124], %swap3A_127 {strides = array<i32>} : memref<640x32xf32, #tpu.memory_space<vmem>>, vector<1x16xf32>,
    }
    %scan3A_14 = arith.constant 640 : i32
    %mul3A_15 = arith.constant 640 : i32
    %mul3A_16 = arith.muli %arg1, %mul3A_15 : i32
    "tpu.region"() ({
      %run_scoped3A = tpu.sem_alloc : memref<!tpu.dma_semaphore, #tpu.memory_space<semaphore_mem>>
      %dma_start3A = arith.constant 0 : i32
      %dma_start3A_34 = tpu.memref_slice %arg7[%mul3A_16, %dma_start3A] : memref<10240x32xf32, #tpu.memory_space<vmem_shared>> -> memref<640x32xf32, #tpu.memory_space<vmem_shared>>
      %dma_start3A_35 = arith.constant 0 : i32
      %dma_start3A_36 = tpu.memref_slice %arg7[%mul3A_16, %dma_start3A_35] : memref<10240x32xf32, #tpu.memory_space<vmem_shared>> -> memref<640x32xf32, #tpu.memory_space<vmem_shared>>
      tpu.enqueue_dma source(%arg6 : memref<640x32xf32, #tpu.memory_space<vmem>>) target(%dma_start3A_36 : memref<640x32xf32, #tpu.memory_space<vmem_shared>>) target_semaphore(%run_scoped3A : memref<!tpu.dma_semaphore, #tpu.memory_space<semaphore_mem>>)
      %dma_wait3A = arith.constant 0 : i32
      %dma_wait3A_37 = tpu.memref_slice %arg7[%mul3A_16, %dma_wait3A] : memref<10240x32xf32, #tpu.memory_space<vmem_shared>> -> memref<640x32xf32, #tpu.memory_space<vmem_shared>>
      %dma_wait3A_38 = arith.constant 0 : i32
      %dma_wait3A_39 = tpu.memref_slice %arg7[%mul3A_16, %dma_wait3A_38] : memref<10240x32xf32, #tpu.memory_space<vmem_shared>> -> memref<640x32xf32, #tpu.memory_space<vmem_shared>>
      tpu.wait_dma2 semaphore(%run_scoped3A : memref<!tpu.dma_semaphore, #tpu.memory_space<semaphore_mem>>) src(%arg6 : memref<640x32xf32, #tpu.memory_space<vmem>>) dst(%dma_wait3A_39 : memref<640x32xf32, #tpu.memory_space<vmem_shared>>)
      tpu.yield
    }) : () -> ()
    %barrier3A = arith.constant 0 : index
    tpu.barrier barrier_id(%barrier3A)
    %scan3A_17 = arith.constant 0 : i32
    %scan3A_18 = arith.constant 0 : i32
    %scan3A_19 = arith.constant 80 : i32
    %scan3A_20 = arith.addi %scan3A_18, %scan3A_19 : i32
    %scan3A_21 = arith.constant 1 : i32
    scf.for %scan3A_34 = %scan3A_18 to %scan3A_20 step %scan3A_21  : i32 {
      %dma_start3A = arith.constant 0 : i32
      %dma_start3A_35 = tpu.memref_slice %arg4[%scan3A_34, %dma_start3A] : memref<84x128xi32, #tpu.memory_space<vmem>> -> memref<1x128xi32, #tpu.memory_space<vmem>>
      %dma_start3A_36 = tpu.memref_squeeze %dma_start3A_35 : memref<1x128xi32, #tpu.memory_space<vmem>> -> memref<128xi32, #tpu.memory_space<vmem>>
      %dma_start3A_37 = arith.constant 0 : i32
      %dma_start3A_38 = arith.constant 0 : i32
      %dma_start3A_39 = tpu.memref_slice %arg7[%dma_start3A_37, %dma_start3A_38] : memref<10240x32xf32, #tpu.memory_space<vmem_shared>> -> memref<10240x32xf32, #tpu.memory_space<vmem_shared>>
      tpu.enqueue_indirect_dma source(%arg5 : memref<128x32xf32, #tpu.memory_space<vmem>>) target(%dma_start3A_39 : memref<10240x32xf32, #tpu.memory_space<vmem_shared>>) offsets(%dma_start3A_36 : memref<128xi32, #tpu.memory_space<vmem>>) semaphore(%arg8 : memref<!tpu.dma_semaphore, #tpu.memory_space<semaphore_mem>>) {add = true}
    }
    %scan3A_22 = arith.constant 80 : i32
    %scan3A_23 = arith.constant 0 : i32
    %scan3A_24 = arith.constant 0 : i32
    %scan3A_25 = arith.constant 80 : i32
    %scan3A_26 = arith.addi %scan3A_24, %scan3A_25 : i32
    %scan3A_27 = arith.constant 1 : i32
    scf.for %scan3A_34 = %scan3A_24 to %scan3A_26 step %scan3A_27  : i32 {
      %dma_wait3A = arith.constant 0 : i32
      %dma_wait3A_35 = arith.constant 0 : i32
      %dma_wait3A_36 = tpu.memref_slice %arg4[%dma_wait3A, %dma_wait3A_35] : memref<84x128xi32, #tpu.memory_space<vmem>> -> memref<1x128xi32, #tpu.memory_space<vmem>>
      %dma_wait3A_37 = tpu.memref_squeeze %dma_wait3A_36 : memref<1x128xi32, #tpu.memory_space<vmem>> -> memref<128xi32, #tpu.memory_space<vmem>>
      %dma_wait3A_38 = arith.constant 0 : i32
      %dma_wait3A_39 = arith.constant 0 : i32
      %dma_wait3A_40 = tpu.memref_slice %arg7[%dma_wait3A_38, %dma_wait3A_39] : memref<10240x32xf32, #tpu.memory_space<vmem_shared>> -> memref<10240x32xf32, #tpu.memory_space<vmem_shared>>
      tpu.wait_indirect_dma semaphore(%arg8 : memref<!tpu.dma_semaphore, #tpu.memory_space<semaphore_mem>>) src(%arg5 : memref<128x32xf32, #tpu.memory_space<vmem>>) dst(%dma_wait3A_40 : memref<10240x32xf32, #tpu.memory_space<vmem_shared>>)
    }
    %scan3A_28 = arith.constant 80 : i32
    %barrier3A_29 = arith.constant 0 : index
    tpu.barrier barrier_id(%barrier3A_29)
    %mul3A_30 = arith.constant 640 : i32
    %mul3A_31 = arith.muli %arg1, %mul3A_30 : i32
    "tpu.region"() ({
      %run_scoped3A = tpu.sem_alloc : memref<!tpu.dma_semaphore, #tpu.memory_space<semaphore_mem>>
      %dma_start3A = arith.constant 0 : i32
      %dma_start3A_34 = tpu.memref_slice %arg7[%mul3A_31, %dma_start3A] : memref<10240x32xf32, #tpu.memory_space<vmem_shared>> -> memref<640x32xf32, #tpu.memory_space<vmem_shared>>
      %dma_start3A_35 = arith.constant 0 : i32
      %dma_start3A_36 = tpu.memref_slice %arg7[%mul3A_31, %dma_start3A_35] : memref<10240x32xf32, #tpu.memory_space<vmem_shared>> -> memref<640x32xf32, #tpu.memory_space<vmem_shared>>
      tpu.enqueue_dma source(%dma_start3A_36 : memref<640x32xf32, #tpu.memory_space<vmem_shared>>) target(%arg6 : memref<640x32xf32, #tpu.memory_space<vmem>>) target_semaphore(%run_scoped3A : memref<!tpu.dma_semaphore, #tpu.memory_space<semaphore_mem>>)
      %dma_wait3A = arith.constant 0 : i32
      %dma_wait3A_37 = tpu.memref_slice %arg7[%mul3A_31, %dma_wait3A] : memref<10240x32xf32, #tpu.memory_space<vmem_shared>> -> memref<640x32xf32, #tpu.memory_space<vmem_shared>>
      %dma_wait3A_38 = arith.constant 0 : i32
      %dma_wait3A_39 = tpu.memref_slice %arg7[%mul3A_31, %dma_wait3A_38] : memref<10240x32xf32, #tpu.memory_space<vmem_shared>> -> memref<640x32xf32, #tpu.memory_space<vmem_shared>>
      tpu.wait_dma2 semaphore(%run_scoped3A : memref<!tpu.dma_semaphore, #tpu.memory_space<semaphore_mem>>) src(%dma_wait3A_39 : memref<640x32xf32, #tpu.memory_space<vmem_shared>>) dst(%arg6 : memref<640x32xf32, #tpu.memory_space<vmem>>)
      tpu.yield
    }) : () -> ()
    %mul3A_32 = arith.constant 640 : i32
    %mul3A_33 = arith.muli %arg1, %mul3A_32 : i32
    "tpu.region"() ({
      %run_scoped3A = tpu.sem_alloc : memref<!tpu.dma_semaphore, #tpu.memory_space<semaphore_mem>>
      %dma_start3A = arith.constant 0 : i32
      %dma_start3A_34 = tpu.memref_slice %arg3[%arg0, %mul3A_33, %dma_start3A] : memref<2x10240x32xf32, #tpu.memory_space<hbm>> -> memref<1x640x32xf32, #tpu.memory_space<hbm>>
      %dma_start3A_35 = tpu.memref_squeeze %dma_start3A_34 : memref<1x640x32xf32, #tpu.memory_space<hbm>> -> memref<640x32xf32, #tpu.memory_space<hbm>>
      %dma_start3A_36 = arith.constant 0 : i32
      %dma_start3A_37 = tpu.memref_slice %arg3[%arg0, %mul3A_33, %dma_start3A_36] : memref<2x10240x32xf32, #tpu.memory_space<hbm>> -> memref<1x640x32xf32, #tpu.memory_space<hbm>>
      %dma_start3A_38 = tpu.memref_squeeze %dma_start3A_37 : memref<1x640x32xf32, #tpu.memory_space<hbm>> -> memref<640x32xf32, #tpu.memory_space<hbm>>
      tpu.enqueue_dma source(%arg6 : memref<640x32xf32, #tpu.memory_space<vmem>>) target(%dma_start3A_38 : memref<640x32xf32, #tpu.memory_space<hbm>>) target_semaphore(%run_scoped3A : memref<!tpu.dma_semaphore, #tpu.memory_space<semaphore_mem>>)
      %dma_wait3A = arith.constant 0 : i32
      %dma_wait3A_39 = tpu.memref_slice %arg3[%arg0, %mul3A_33, %dma_wait3A] : memref<2x10240x32xf32, #tpu.memory_space<hbm>> -> memref<1x640x32xf32, #tpu.memory_space<hbm>>
      %dma_wait3A_40 = tpu.memref_squeeze %dma_wait3A_39 : memref<1x640x32xf32, #tpu.memory_space<hbm>> -> memref<640x32xf32, #tpu.memory_space<hbm>>
      %dma_wait3A_41 = arith.constant 0 : i32
      %dma_wait3A_42 = tpu.memref_slice %arg3[%arg0, %mul3A_33, %dma_wait3A_41] : memref<2x10240x32xf32, #tpu.memory_space<hbm>> -> memref<1x640x32xf32, #tpu.memory_space<hbm>>
      %dma_wait3A_43 = tpu.memref_squeeze %dma_wait3A_42 : memref<1x640x32xf32, #tpu.memory_space<hbm>> -> memref<640x32xf32, #tpu.memory_space<hbm>>
      tpu.wait_dma2 semaphore(%run_scoped3A : memref<!tpu.dma_semaphore, #tpu.memory_space<semaphore_mem>>) src(%arg6 : memref<640x32xf32, #tpu.memory_space<vmem>>) dst(%dma_wait3A_43 : memref<640x32xf32, #tpu.memory_space<hbm>>)
      tpu.yield
    }) : () -> ()
    return
  }
}

#map = affine_map<(d0, d1) -> (0, 0)>
#map1 = affine_map<(d0, d1) -> (0, 0, 0)>
module attributes {stable_mosaic.version = 14 : i64} {
  func.func @_edge_sc_body(%arg0: i32, %arg1: i32, %arg2: memref<10240x32xf32, #tpu.memory_space<hbm>>, %arg3: memref<32x84x128xi32, #tpu.memory_space<hbm>>, %arg4: memref<32x84x128xi32, #tpu.memory_space<hbm>>, %arg5: memref<2x10240x32xf32, #tpu.memory_space<hbm>>, %arg6: memref<84x128xi32, #tpu.memory_space<vmem>>, %arg7: memref<84x128xi32, #tpu.memory_space<vmem>>, %arg8: memref<2x128x32xf32, #tpu.memory_space<vmem>>, %arg9: memref<2x128x32xf32, #tpu.memory_space<vmem>>, %arg10: memref<640x32xf32, #tpu.memory_space<vmem>>, %arg11: memref<10240x32xf32, #tpu.memory_space<vmem_shared>>, %arg12: memref<10240x32xf32, #tpu.memory_space<vmem_shared>>, %arg13: memref<!tpu.dma_semaphore, #tpu.memory_space<semaphore_mem>>, %arg14: memref<!tpu.dma_semaphore, #tpu.memory_space<semaphore_mem>>, %arg15: memref<!tpu.dma_semaphore, #tpu.memory_space<semaphore_mem>>, %arg16: memref<!tpu.dma_semaphore, #tpu.memory_space<semaphore_mem>>) attributes {dimension_semantics = [#tpu.dimension_semantics<core_parallel>, #tpu.dimension_semantics<subcore_parallel>], iteration_bounds = array<i64: 2, 16>, scalar_prefetch = 0 : i64, scratch_operands = 11 : i64, tpu.core_type = #tpu.core_type<sc_vector_subcore>, window_params = [{transform_indices = #map}, {transform_indices = #map1}, {transform_indices = #map1}, {transform_indices = #map1}]} {
    %mul3A = arith.constant 2 : i32
    %mul3A_0 = arith.muli %arg1, %mul3A : i32
    %add3A = arith.addi %mul3A_0, %arg0 : i32
    "tpu.region"() ({
      %run_scoped3A = tpu.sem_alloc : memref<!tpu.dma_semaphore, #tpu.memory_space<semaphore_mem>>
      %dma_start3A_119 = arith.constant 0 : i32
      %dma_start3A_120 = arith.constant 0 : i32
      %dma_start3A_121 = tpu.memref_slice %arg3[%add3A, %dma_start3A_119, %dma_start3A_120] : memref<32x84x128xi32, #tpu.memory_space<hbm>> -> memref<1x84x128xi32, #tpu.memory_space<hbm>>
      %dma_start3A_122 = tpu.memref_squeeze %dma_start3A_121 : memref<1x84x128xi32, #tpu.memory_space<hbm>> -> memref<84x128xi32, #tpu.memory_space<hbm>>
      %dma_start3A_123 = arith.constant 0 : i32
      %dma_start3A_124 = arith.constant 0 : i32
      %dma_start3A_125 = tpu.memref_slice %arg3[%add3A, %dma_start3A_123, %dma_start3A_124] : memref<32x84x128xi32, #tpu.memory_space<hbm>> -> memref<1x84x128xi32, #tpu.memory_space<hbm>>
      %dma_start3A_126 = tpu.memref_squeeze %dma_start3A_125 : memref<1x84x128xi32, #tpu.memory_space<hbm>> -> memref<84x128xi32, #tpu.memory_space<hbm>>
      tpu.enqueue_dma source(%dma_start3A_126 : memref<84x128xi32, #tpu.memory_space<hbm>>) target(%arg6 : memref<84x128xi32, #tpu.memory_space<vmem>>) target_semaphore(%run_scoped3A : memref<!tpu.dma_semaphore, #tpu.memory_space<semaphore_mem>>)
      %dma_wait3A_127 = arith.constant 0 : i32
      %dma_wait3A_128 = arith.constant 0 : i32
      %dma_wait3A_129 = tpu.memref_slice %arg3[%add3A, %dma_wait3A_127, %dma_wait3A_128] : memref<32x84x128xi32, #tpu.memory_space<hbm>> -> memref<1x84x128xi32, #tpu.memory_space<hbm>>
      %dma_wait3A_130 = tpu.memref_squeeze %dma_wait3A_129 : memref<1x84x128xi32, #tpu.memory_space<hbm>> -> memref<84x128xi32, #tpu.memory_space<hbm>>
      %dma_wait3A_131 = arith.constant 0 : i32
      %dma_wait3A_132 = arith.constant 0 : i32
      %dma_wait3A_133 = tpu.memref_slice %arg3[%add3A, %dma_wait3A_131, %dma_wait3A_132] : memref<32x84x128xi32, #tpu.memory_space<hbm>> -> memref<1x84x128xi32, #tpu.memory_space<hbm>>
      %dma_wait3A_134 = tpu.memref_squeeze %dma_wait3A_133 : memref<1x84x128xi32, #tpu.memory_space<hbm>> -> memref<84x128xi32, #tpu.memory_space<hbm>>
      tpu.wait_dma2 semaphore(%run_scoped3A : memref<!tpu.dma_semaphore, #tpu.memory_space<semaphore_mem>>) src(%dma_wait3A_134 : memref<84x128xi32, #tpu.memory_space<hbm>>) dst(%arg6 : memref<84x128xi32, #tpu.memory_space<vmem>>)
      tpu.yield
    }) : () -> ()
    "tpu.region"() ({
      %run_scoped3A = tpu.sem_alloc : memref<!tpu.dma_semaphore, #tpu.memory_space<semaphore_mem>>
      %dma_start3A_119 = arith.constant 0 : i32
      %dma_start3A_120 = arith.constant 0 : i32
      %dma_start3A_121 = tpu.memref_slice %arg4[%add3A, %dma_start3A_119, %dma_start3A_120] : memref<32x84x128xi32, #tpu.memory_space<hbm>> -> memref<1x84x128xi32, #tpu.memory_space<hbm>>
      %dma_start3A_122 = tpu.memref_squeeze %dma_start3A_121 : memref<1x84x128xi32, #tpu.memory_space<hbm>> -> memref<84x128xi32, #tpu.memory_space<hbm>>
      %dma_start3A_123 = arith.constant 0 : i32
      %dma_start3A_124 = arith.constant 0 : i32
      %dma_start3A_125 = tpu.memref_slice %arg4[%add3A, %dma_start3A_123, %dma_start3A_124] : memref<32x84x128xi32, #tpu.memory_space<hbm>> -> memref<1x84x128xi32, #tpu.memory_space<hbm>>
      %dma_start3A_126 = tpu.memref_squeeze %dma_start3A_125 : memref<1x84x128xi32, #tpu.memory_space<hbm>> -> memref<84x128xi32, #tpu.memory_space<hbm>>
      tpu.enqueue_dma source(%dma_start3A_126 : memref<84x128xi32, #tpu.memory_space<hbm>>) target(%arg7 : memref<84x128xi32, #tpu.memory_space<vmem>>) target_semaphore(%run_scoped3A : memref<!tpu.dma_semaphore, #tpu.memory_space<semaphore_mem>>)
      %dma_wait3A_127 = arith.constant 0 : i32
      %dma_wait3A_128 = arith.constant 0 : i32
      %dma_wait3A_129 = tpu.memref_slice %arg4[%add3A, %dma_wait3A_127, %dma_wait3A_128] : memref<32x84x128xi32, #tpu.memory_space<hbm>> -> memref<1x84x128xi32, #tpu.memory_space<hbm>>
      %dma_wait3A_130 = tpu.memref_squeeze %dma_wait3A_129 : memref<1x84x128xi32, #tpu.memory_space<hbm>> -> memref<84x128xi32, #tpu.memory_space<hbm>>
      %dma_wait3A_131 = arith.constant 0 : i32
      %dma_wait3A_132 = arith.constant 0 : i32
      %dma_wait3A_133 = tpu.memref_slice %arg4[%add3A, %dma_wait3A_131, %dma_wait3A_132] : memref<32x84x128xi32, #tpu.memory_space<hbm>> -> memref<1x84x128xi32, #tpu.memory_space<hbm>>
      %dma_wait3A_134 = tpu.memref_squeeze %dma_wait3A_133 : memref<1x84x128xi32, #tpu.memory_space<hbm>> -> memref<84x128xi32, #tpu.memory_space<hbm>>
      tpu.wait_dma2 semaphore(%run_scoped3A : memref<!tpu.dma_semaphore, #tpu.memory_space<semaphore_mem>>) src(%dma_wait3A_134 : memref<84x128xi32, #tpu.memory_space<hbm>>) dst(%arg7 : memref<84x128xi32, #tpu.memory_space<vmem>>)
      tpu.yield
    }) : () -> ()
    %mul3A_1 = arith.constant 640 : i32
    %mul3A_2 = arith.muli %arg1, %mul3A_1 : i32
    "tpu.region"() ({
      %run_scoped3A = tpu.sem_alloc : memref<!tpu.dma_semaphore, #tpu.memory_space<semaphore_mem>>
      %dma_start3A_119 = arith.constant 0 : i32
      %dma_start3A_120 = tpu.memref_slice %arg2[%mul3A_2, %dma_start3A_119] : memref<10240x32xf32, #tpu.memory_space<hbm>> -> memref<640x32xf32, #tpu.memory_space<hbm>>
      %dma_start3A_121 = arith.constant 0 : i32
      %dma_start3A_122 = tpu.memref_slice %arg2[%mul3A_2, %dma_start3A_121] : memref<10240x32xf32, #tpu.memory_space<hbm>> -> memref<640x32xf32, #tpu.memory_space<hbm>>
      tpu.enqueue_dma source(%dma_start3A_122 : memref<640x32xf32, #tpu.memory_space<hbm>>) target(%arg10 : memref<640x32xf32, #tpu.memory_space<vmem>>) target_semaphore(%run_scoped3A : memref<!tpu.dma_semaphore, #tpu.memory_space<semaphore_mem>>)
      %dma_wait3A_123 = arith.constant 0 : i32
      %dma_wait3A_124 = tpu.memref_slice %arg2[%mul3A_2, %dma_wait3A_123] : memref<10240x32xf32, #tpu.memory_space<hbm>> -> memref<640x32xf32, #tpu.memory_space<hbm>>
      %dma_wait3A_125 = arith.constant 0 : i32
      %dma_wait3A_126 = tpu.memref_slice %arg2[%mul3A_2, %dma_wait3A_125] : memref<10240x32xf32, #tpu.memory_space<hbm>> -> memref<640x32xf32, #tpu.memory_space<hbm>>
      tpu.wait_dma2 semaphore(%run_scoped3A : memref<!tpu.dma_semaphore, #tpu.memory_space<semaphore_mem>>) src(%dma_wait3A_126 : memref<640x32xf32, #tpu.memory_space<hbm>>) dst(%arg10 : memref<640x32xf32, #tpu.memory_space<vmem>>)
      tpu.yield
    }) : () -> ()
    %mul3A_3 = arith.constant 640 : i32
    %mul3A_4 = arith.muli %arg1, %mul3A_3 : i32
    "tpu.region"() ({
      %run_scoped3A = tpu.sem_alloc : memref<!tpu.dma_semaphore, #tpu.memory_space<semaphore_mem>>
      %dma_start3A_119 = arith.constant 0 : i32
      %dma_start3A_120 = tpu.memref_slice %arg11[%mul3A_4, %dma_start3A_119] : memref<10240x32xf32, #tpu.memory_space<vmem_shared>> -> memref<640x32xf32, #tpu.memory_space<vmem_shared>>
      %dma_start3A_121 = arith.constant 0 : i32
      %dma_start3A_122 = tpu.memref_slice %arg11[%mul3A_4, %dma_start3A_121] : memref<10240x32xf32, #tpu.memory_space<vmem_shared>> -> memref<640x32xf32, #tpu.memory_space<vmem_shared>>
      tpu.enqueue_dma source(%arg10 : memref<640x32xf32, #tpu.memory_space<vmem>>) target(%dma_start3A_122 : memref<640x32xf32, #tpu.memory_space<vmem_shared>>) target_semaphore(%run_scoped3A : memref<!tpu.dma_semaphore, #tpu.memory_space<semaphore_mem>>)
      %dma_wait3A_123 = arith.constant 0 : i32
      %dma_wait3A_124 = tpu.memref_slice %arg11[%mul3A_4, %dma_wait3A_123] : memref<10240x32xf32, #tpu.memory_space<vmem_shared>> -> memref<640x32xf32, #tpu.memory_space<vmem_shared>>
      %dma_wait3A_125 = arith.constant 0 : i32
      %dma_wait3A_126 = tpu.memref_slice %arg11[%mul3A_4, %dma_wait3A_125] : memref<10240x32xf32, #tpu.memory_space<vmem_shared>> -> memref<640x32xf32, #tpu.memory_space<vmem_shared>>
      tpu.wait_dma2 semaphore(%run_scoped3A : memref<!tpu.dma_semaphore, #tpu.memory_space<semaphore_mem>>) src(%arg10 : memref<640x32xf32, #tpu.memory_space<vmem>>) dst(%dma_wait3A_126 : memref<640x32xf32, #tpu.memory_space<vmem_shared>>)
      tpu.yield
    }) : () -> ()
    %broadcast_in_dim3A = arith.constant 0.000000e+00 : f32
    %broadcast_in_dim3A_5 = vector.broadcast %broadcast_in_dim3A : f32 to vector<16xf32>
    %eq3A = arith.constant 0 : i32
    %eq3A_6 = arith.cmpi eq, %arg0, %eq3A : i32
    %scan3A = arith.constant 0 : i32
    %scan3A_7 = arith.constant 0 : i32
    %scan3A_8 = arith.constant 640 : i32
    %scan3A_9 = arith.addi %scan3A_7, %scan3A_8 : i32
    %scan3A_10 = arith.constant 8 : i32
    scf.for %scan3A_119 = %scan3A_7 to %scan3A_9 step %scan3A_10  : i32 {
      %convert_element_type3A = arith.extui %eq3A_6 : i1 to i32
      %cond3A = arith.constant 0 : i32
      %cond3A_120 = arith.cmpi ne, %convert_element_type3A, %cond3A : i32
      scf.if %cond3A_120 {
        %get3A = arith.index_cast %scan3A_119 : i32 to index
        %get3A_195 = arith.constant 0 : index
        %get3A_196 = tpu.vector_load %arg10[%get3A, %get3A_195] {strides = array<i32>} : memref<640x32xf32, #tpu.memory_space<vmem>>, vector<1x16xf32>,
        %get3A_197 = vector.shape_cast %get3A_196 : vector<1x16xf32> to vector<16xf32>
        %mul3A_198 = arith.constant 2.000000e+00 : f32
        %mul3A_199 = vector.broadcast %mul3A_198 : f32 to vector<16xf32>
        %mul3A_200 = arith.mulf %get3A_197, %mul3A_199 : vector<16xf32>
        %swap3A = arith.index_cast %scan3A_119 : i32 to index
        %swap3A_201 = arith.constant 0 : index
        %swap3A_202 = tpu.vector_load %arg10[%swap3A, %swap3A_201] {strides = array<i32>} : memref<640x32xf32, #tpu.memory_space<vmem>>, vector<1x16xf32>,
        %swap3A_203 = vector.shape_cast %swap3A_202 : vector<1x16xf32> to vector<16xf32>
        %swap3A_204 = vector.shape_cast %mul3A_200 : vector<16xf32> to vector<1x16xf32>
        tpu.vector_store %arg10[%swap3A, %swap3A_201], %swap3A_204 {strides = array<i32>} : memref<640x32xf32, #tpu.memory_space<vmem>>, vector<1x16xf32>,
        %get3A_205 = arith.index_cast %scan3A_119 : i32 to index
        %get3A_206 = arith.constant 16 : index
        %get3A_207 = tpu.vector_load %arg10[%get3A_205, %get3A_206] {strides = array<i32>} : memref<640x32xf32, #tpu.memory_space<vmem>>, vector<1x16xf32>,
        %get3A_208 = vector.shape_cast %get3A_207 : vector<1x16xf32> to vector<16xf32>
        %mul3A_209 = arith.constant 2.000000e+00 : f32
        %mul3A_210 = vector.broadcast %mul3A_209 : f32 to vector<16xf32>
        %mul3A_211 = arith.mulf %get3A_208, %mul3A_210 : vector<16xf32>
        %swap3A_212 = arith.index_cast %scan3A_119 : i32 to index
        %swap3A_213 = arith.constant 16 : index
        %swap3A_214 = tpu.vector_load %arg10[%swap3A_212, %swap3A_213] {strides = array<i32>} : memref<640x32xf32, #tpu.memory_space<vmem>>, vector<1x16xf32>,
        %swap3A_215 = vector.shape_cast %swap3A_214 : vector<1x16xf32> to vector<16xf32>
        %swap3A_216 = vector.shape_cast %mul3A_211 : vector<16xf32> to vector<1x16xf32>
        tpu.vector_store %arg10[%swap3A_212, %swap3A_213], %swap3A_216 {strides = array<i32>} : memref<640x32xf32, #tpu.memory_space<vmem>>, vector<1x16xf32>,
      } else {
      }
      %not3A = arith.constant true
      %not3A_121 = arith.xori %eq3A_6, %not3A : i1
      %convert_element_type3A_122 = arith.extui %not3A_121 : i1 to i32
      %cond3A_123 = arith.constant 0 : i32
      %cond3A_124 = arith.cmpi ne, %convert_element_type3A_122, %cond3A_123 : i32
      scf.if %cond3A_124 {
        %swap3A = arith.index_cast %scan3A_119 : i32 to index
        %swap3A_195 = arith.constant 0 : index
        %swap3A_196 = tpu.vector_load %arg10[%swap3A, %swap3A_195] {strides = array<i32>} : memref<640x32xf32, #tpu.memory_space<vmem>>, vector<1x16xf32>,
        %swap3A_197 = vector.shape_cast %swap3A_196 : vector<1x16xf32> to vector<16xf32>
        %swap3A_198 = vector.shape_cast %broadcast_in_dim3A_5 : vector<16xf32> to vector<1x16xf32>
        tpu.vector_store %arg10[%swap3A, %swap3A_195], %swap3A_198 {strides = array<i32>} : memref<640x32xf32, #tpu.memory_space<vmem>>, vector<1x16xf32>,
        %swap3A_199 = arith.index_cast %scan3A_119 : i32 to index
        %swap3A_200 = arith.constant 16 : index
        %swap3A_201 = tpu.vector_load %arg10[%swap3A_199, %swap3A_200] {strides = array<i32>} : memref<640x32xf32, #tpu.memory_space<vmem>>, vector<1x16xf32>,
        %swap3A_202 = vector.shape_cast %swap3A_201 : vector<1x16xf32> to vector<16xf32>
        %swap3A_203 = vector.shape_cast %broadcast_in_dim3A_5 : vector<16xf32> to vector<1x16xf32>
        tpu.vector_store %arg10[%swap3A_199, %swap3A_200], %swap3A_203 {strides = array<i32>} : memref<640x32xf32, #tpu.memory_space<vmem>>, vector<1x16xf32>,
      } else {
      }
      %scan3A_125 = arith.constant 1 : i32
      %scan3A_126 = arith.addi %scan3A_119, %scan3A_125 : i32
      %convert_element_type3A_127 = arith.extui %eq3A_6 : i1 to i32
      %cond3A_128 = arith.constant 0 : i32
      %cond3A_129 = arith.cmpi ne, %convert_element_type3A_127, %cond3A_128 : i32
      scf.if %cond3A_129 {
        %get3A = arith.index_cast %scan3A_126 : i32 to index
        %get3A_195 = arith.constant 0 : index
        %get3A_196 = tpu.vector_load %arg10[%get3A, %get3A_195] {strides = array<i32>} : memref<640x32xf32, #tpu.memory_space<vmem>>, vector<1x16xf32>,
        %get3A_197 = vector.shape_cast %get3A_196 : vector<1x16xf32> to vector<16xf32>
        %mul3A_198 = arith.constant 2.000000e+00 : f32
        %mul3A_199 = vector.broadcast %mul3A_198 : f32 to vector<16xf32>
        %mul3A_200 = arith.mulf %get3A_197, %mul3A_199 : vector<16xf32>
        %swap3A = arith.index_cast %scan3A_126 : i32 to index
        %swap3A_201 = arith.constant 0 : index
        %swap3A_202 = tpu.vector_load %arg10[%swap3A, %swap3A_201] {strides = array<i32>} : memref<640x32xf32, #tpu.memory_space<vmem>>, vector<1x16xf32>,
        %swap3A_203 = vector.shape_cast %swap3A_202 : vector<1x16xf32> to vector<16xf32>
        %swap3A_204 = vector.shape_cast %mul3A_200 : vector<16xf32> to vector<1x16xf32>
        tpu.vector_store %arg10[%swap3A, %swap3A_201], %swap3A_204 {strides = array<i32>} : memref<640x32xf32, #tpu.memory_space<vmem>>, vector<1x16xf32>,
        %get3A_205 = arith.index_cast %scan3A_126 : i32 to index
        %get3A_206 = arith.constant 16 : index
        %get3A_207 = tpu.vector_load %arg10[%get3A_205, %get3A_206] {strides = array<i32>} : memref<640x32xf32, #tpu.memory_space<vmem>>, vector<1x16xf32>,
        %get3A_208 = vector.shape_cast %get3A_207 : vector<1x16xf32> to vector<16xf32>
        %mul3A_209 = arith.constant 2.000000e+00 : f32
        %mul3A_210 = vector.broadcast %mul3A_209 : f32 to vector<16xf32>
        %mul3A_211 = arith.mulf %get3A_208, %mul3A_210 : vector<16xf32>
        %swap3A_212 = arith.index_cast %scan3A_126 : i32 to index
        %swap3A_213 = arith.constant 16 : index
        %swap3A_214 = tpu.vector_load %arg10[%swap3A_212, %swap3A_213] {strides = array<i32>} : memref<640x32xf32, #tpu.memory_space<vmem>>, vector<1x16xf32>,
        %swap3A_215 = vector.shape_cast %swap3A_214 : vector<1x16xf32> to vector<16xf32>
        %swap3A_216 = vector.shape_cast %mul3A_211 : vector<16xf32> to vector<1x16xf32>
        tpu.vector_store %arg10[%swap3A_212, %swap3A_213], %swap3A_216 {strides = array<i32>} : memref<640x32xf32, #tpu.memory_space<vmem>>, vector<1x16xf32>,
      } else {
      }
      %not3A_130 = arith.constant true
      %not3A_131 = arith.xori %eq3A_6, %not3A_130 : i1
      %convert_element_type3A_132 = arith.extui %not3A_131 : i1 to i32
      %cond3A_133 = arith.constant 0 : i32
      %cond3A_134 = arith.cmpi ne, %convert_element_type3A_132, %cond3A_133 : i32
      scf.if %cond3A_134 {
        %swap3A = arith.index_cast %scan3A_126 : i32 to index
        %swap3A_195 = arith.constant 0 : index
        %swap3A_196 = tpu.vector_load %arg10[%swap3A, %swap3A_195] {strides = array<i32>} : memref<640x32xf32, #tpu.memory_space<vmem>>, vector<1x16xf32>,
        %swap3A_197 = vector.shape_cast %swap3A_196 : vector<1x16xf32> to vector<16xf32>
        %swap3A_198 = vector.shape_cast %broadcast_in_dim3A_5 : vector<16xf32> to vector<1x16xf32>
        tpu.vector_store %arg10[%swap3A, %swap3A_195], %swap3A_198 {strides = array<i32>} : memref<640x32xf32, #tpu.memory_space<vmem>>, vector<1x16xf32>,
        %swap3A_199 = arith.index_cast %scan3A_126 : i32 to index
        %swap3A_200 = arith.constant 16 : index
        %swap3A_201 = tpu.vector_load %arg10[%swap3A_199, %swap3A_200] {strides = array<i32>} : memref<640x32xf32, #tpu.memory_space<vmem>>, vector<1x16xf32>,
        %swap3A_202 = vector.shape_cast %swap3A_201 : vector<1x16xf32> to vector<16xf32>
        %swap3A_203 = vector.shape_cast %broadcast_in_dim3A_5 : vector<16xf32> to vector<1x16xf32>
        tpu.vector_store %arg10[%swap3A_199, %swap3A_200], %swap3A_203 {strides = array<i32>} : memref<640x32xf32, #tpu.memory_space<vmem>>, vector<1x16xf32>,
      } else {
      }
      %scan3A_135 = arith.constant 2 : i32
      %scan3A_136 = arith.addi %scan3A_119, %scan3A_135 : i32
      %convert_element_type3A_137 = arith.extui %eq3A_6 : i1 to i32
      %cond3A_138 = arith.constant 0 : i32
      %cond3A_139 = arith.cmpi ne, %convert_element_type3A_137, %cond3A_138 : i32
      scf.if %cond3A_139 {
        %get3A = arith.index_cast %scan3A_136 : i32 to index
        %get3A_195 = arith.constant 0 : index
        %get3A_196 = tpu.vector_load %arg10[%get3A, %get3A_195] {strides = array<i32>} : memref<640x32xf32, #tpu.memory_space<vmem>>, vector<1x16xf32>,
        %get3A_197 = vector.shape_cast %get3A_196 : vector<1x16xf32> to vector<16xf32>
        %mul3A_198 = arith.constant 2.000000e+00 : f32
        %mul3A_199 = vector.broadcast %mul3A_198 : f32 to vector<16xf32>
        %mul3A_200 = arith.mulf %get3A_197, %mul3A_199 : vector<16xf32>
        %swap3A = arith.index_cast %scan3A_136 : i32 to index
        %swap3A_201 = arith.constant 0 : index
        %swap3A_202 = tpu.vector_load %arg10[%swap3A, %swap3A_201] {strides = array<i32>} : memref<640x32xf32, #tpu.memory_space<vmem>>, vector<1x16xf32>,
        %swap3A_203 = vector.shape_cast %swap3A_202 : vector<1x16xf32> to vector<16xf32>
        %swap3A_204 = vector.shape_cast %mul3A_200 : vector<16xf32> to vector<1x16xf32>
        tpu.vector_store %arg10[%swap3A, %swap3A_201], %swap3A_204 {strides = array<i32>} : memref<640x32xf32, #tpu.memory_space<vmem>>, vector<1x16xf32>,
        %get3A_205 = arith.index_cast %scan3A_136 : i32 to index
        %get3A_206 = arith.constant 16 : index
        %get3A_207 = tpu.vector_load %arg10[%get3A_205, %get3A_206] {strides = array<i32>} : memref<640x32xf32, #tpu.memory_space<vmem>>, vector<1x16xf32>,
        %get3A_208 = vector.shape_cast %get3A_207 : vector<1x16xf32> to vector<16xf32>
        %mul3A_209 = arith.constant 2.000000e+00 : f32
        %mul3A_210 = vector.broadcast %mul3A_209 : f32 to vector<16xf32>
        %mul3A_211 = arith.mulf %get3A_208, %mul3A_210 : vector<16xf32>
        %swap3A_212 = arith.index_cast %scan3A_136 : i32 to index
        %swap3A_213 = arith.constant 16 : index
        %swap3A_214 = tpu.vector_load %arg10[%swap3A_212, %swap3A_213] {strides = array<i32>} : memref<640x32xf32, #tpu.memory_space<vmem>>, vector<1x16xf32>,
        %swap3A_215 = vector.shape_cast %swap3A_214 : vector<1x16xf32> to vector<16xf32>
        %swap3A_216 = vector.shape_cast %mul3A_211 : vector<16xf32> to vector<1x16xf32>
        tpu.vector_store %arg10[%swap3A_212, %swap3A_213], %swap3A_216 {strides = array<i32>} : memref<640x32xf32, #tpu.memory_space<vmem>>, vector<1x16xf32>,
      } else {
      }
      %not3A_140 = arith.constant true
      %not3A_141 = arith.xori %eq3A_6, %not3A_140 : i1
      %convert_element_type3A_142 = arith.extui %not3A_141 : i1 to i32
      %cond3A_143 = arith.constant 0 : i32
      %cond3A_144 = arith.cmpi ne, %convert_element_type3A_142, %cond3A_143 : i32
      scf.if %cond3A_144 {
        %swap3A = arith.index_cast %scan3A_136 : i32 to index
        %swap3A_195 = arith.constant 0 : index
        %swap3A_196 = tpu.vector_load %arg10[%swap3A, %swap3A_195] {strides = array<i32>} : memref<640x32xf32, #tpu.memory_space<vmem>>, vector<1x16xf32>,
        %swap3A_197 = vector.shape_cast %swap3A_196 : vector<1x16xf32> to vector<16xf32>
        %swap3A_198 = vector.shape_cast %broadcast_in_dim3A_5 : vector<16xf32> to vector<1x16xf32>
        tpu.vector_store %arg10[%swap3A, %swap3A_195], %swap3A_198 {strides = array<i32>} : memref<640x32xf32, #tpu.memory_space<vmem>>, vector<1x16xf32>,
        %swap3A_199 = arith.index_cast %scan3A_136 : i32 to index
        %swap3A_200 = arith.constant 16 : index
        %swap3A_201 = tpu.vector_load %arg10[%swap3A_199, %swap3A_200] {strides = array<i32>} : memref<640x32xf32, #tpu.memory_space<vmem>>, vector<1x16xf32>,
        %swap3A_202 = vector.shape_cast %swap3A_201 : vector<1x16xf32> to vector<16xf32>
        %swap3A_203 = vector.shape_cast %broadcast_in_dim3A_5 : vector<16xf32> to vector<1x16xf32>
        tpu.vector_store %arg10[%swap3A_199, %swap3A_200], %swap3A_203 {strides = array<i32>} : memref<640x32xf32, #tpu.memory_space<vmem>>, vector<1x16xf32>,
      } else {
      }
      %scan3A_145 = arith.constant 3 : i32
      %scan3A_146 = arith.addi %scan3A_119, %scan3A_145 : i32
      %convert_element_type3A_147 = arith.extui %eq3A_6 : i1 to i32
      %cond3A_148 = arith.constant 0 : i32
      %cond3A_149 = arith.cmpi ne, %convert_element_type3A_147, %cond3A_148 : i32
      scf.if %cond3A_149 {
        %get3A = arith.index_cast %scan3A_146 : i32 to index
        %get3A_195 = arith.constant 0 : index
        %get3A_196 = tpu.vector_load %arg10[%get3A, %get3A_195] {strides = array<i32>} : memref<640x32xf32, #tpu.memory_space<vmem>>, vector<1x16xf32>,
        %get3A_197 = vector.shape_cast %get3A_196 : vector<1x16xf32> to vector<16xf32>
        %mul3A_198 = arith.constant 2.000000e+00 : f32
        %mul3A_199 = vector.broadcast %mul3A_198 : f32 to vector<16xf32>
        %mul3A_200 = arith.mulf %get3A_197, %mul3A_199 : vector<16xf32>
        %swap3A = arith.index_cast %scan3A_146 : i32 to index
        %swap3A_201 = arith.constant 0 : index
        %swap3A_202 = tpu.vector_load %arg10[%swap3A, %swap3A_201] {strides = array<i32>} : memref<640x32xf32, #tpu.memory_space<vmem>>, vector<1x16xf32>,
        %swap3A_203 = vector.shape_cast %swap3A_202 : vector<1x16xf32> to vector<16xf32>
        %swap3A_204 = vector.shape_cast %mul3A_200 : vector<16xf32> to vector<1x16xf32>
        tpu.vector_store %arg10[%swap3A, %swap3A_201], %swap3A_204 {strides = array<i32>} : memref<640x32xf32, #tpu.memory_space<vmem>>, vector<1x16xf32>,
        %get3A_205 = arith.index_cast %scan3A_146 : i32 to index
        %get3A_206 = arith.constant 16 : index
        %get3A_207 = tpu.vector_load %arg10[%get3A_205, %get3A_206] {strides = array<i32>} : memref<640x32xf32, #tpu.memory_space<vmem>>, vector<1x16xf32>,
        %get3A_208 = vector.shape_cast %get3A_207 : vector<1x16xf32> to vector<16xf32>
        %mul3A_209 = arith.constant 2.000000e+00 : f32
        %mul3A_210 = vector.broadcast %mul3A_209 : f32 to vector<16xf32>
        %mul3A_211 = arith.mulf %get3A_208, %mul3A_210 : vector<16xf32>
        %swap3A_212 = arith.index_cast %scan3A_146 : i32 to index
        %swap3A_213 = arith.constant 16 : index
        %swap3A_214 = tpu.vector_load %arg10[%swap3A_212, %swap3A_213] {strides = array<i32>} : memref<640x32xf32, #tpu.memory_space<vmem>>, vector<1x16xf32>,
        %swap3A_215 = vector.shape_cast %swap3A_214 : vector<1x16xf32> to vector<16xf32>
        %swap3A_216 = vector.shape_cast %mul3A_211 : vector<16xf32> to vector<1x16xf32>
        tpu.vector_store %arg10[%swap3A_212, %swap3A_213], %swap3A_216 {strides = array<i32>} : memref<640x32xf32, #tpu.memory_space<vmem>>, vector<1x16xf32>,
      } else {
      }
      %not3A_150 = arith.constant true
      %not3A_151 = arith.xori %eq3A_6, %not3A_150 : i1
      %convert_element_type3A_152 = arith.extui %not3A_151 : i1 to i32
      %cond3A_153 = arith.constant 0 : i32
      %cond3A_154 = arith.cmpi ne, %convert_element_type3A_152, %cond3A_153 : i32
      scf.if %cond3A_154 {
        %swap3A = arith.index_cast %scan3A_146 : i32 to index
        %swap3A_195 = arith.constant 0 : index
        %swap3A_196 = tpu.vector_load %arg10[%swap3A, %swap3A_195] {strides = array<i32>} : memref<640x32xf32, #tpu.memory_space<vmem>>, vector<1x16xf32>,
        %swap3A_197 = vector.shape_cast %swap3A_196 : vector<1x16xf32> to vector<16xf32>
        %swap3A_198 = vector.shape_cast %broadcast_in_dim3A_5 : vector<16xf32> to vector<1x16xf32>
        tpu.vector_store %arg10[%swap3A, %swap3A_195], %swap3A_198 {strides = array<i32>} : memref<640x32xf32, #tpu.memory_space<vmem>>, vector<1x16xf32>,
        %swap3A_199 = arith.index_cast %scan3A_146 : i32 to index
        %swap3A_200 = arith.constant 16 : index
        %swap3A_201 = tpu.vector_load %arg10[%swap3A_199, %swap3A_200] {strides = array<i32>} : memref<640x32xf32, #tpu.memory_space<vmem>>, vector<1x16xf32>,
        %swap3A_202 = vector.shape_cast %swap3A_201 : vector<1x16xf32> to vector<16xf32>
        %swap3A_203 = vector.shape_cast %broadcast_in_dim3A_5 : vector<16xf32> to vector<1x16xf32>
        tpu.vector_store %arg10[%swap3A_199, %swap3A_200], %swap3A_203 {strides = array<i32>} : memref<640x32xf32, #tpu.memory_space<vmem>>, vector<1x16xf32>,
      } else {
      }
      %scan3A_155 = arith.constant 4 : i32
      %scan3A_156 = arith.addi %scan3A_119, %scan3A_155 : i32
      %convert_element_type3A_157 = arith.extui %eq3A_6 : i1 to i32
      %cond3A_158 = arith.constant 0 : i32
      %cond3A_159 = arith.cmpi ne, %convert_element_type3A_157, %cond3A_158 : i32
      scf.if %cond3A_159 {
        %get3A = arith.index_cast %scan3A_156 : i32 to index
        %get3A_195 = arith.constant 0 : index
        %get3A_196 = tpu.vector_load %arg10[%get3A, %get3A_195] {strides = array<i32>} : memref<640x32xf32, #tpu.memory_space<vmem>>, vector<1x16xf32>,
        %get3A_197 = vector.shape_cast %get3A_196 : vector<1x16xf32> to vector<16xf32>
        %mul3A_198 = arith.constant 2.000000e+00 : f32
        %mul3A_199 = vector.broadcast %mul3A_198 : f32 to vector<16xf32>
        %mul3A_200 = arith.mulf %get3A_197, %mul3A_199 : vector<16xf32>
        %swap3A = arith.index_cast %scan3A_156 : i32 to index
        %swap3A_201 = arith.constant 0 : index
        %swap3A_202 = tpu.vector_load %arg10[%swap3A, %swap3A_201] {strides = array<i32>} : memref<640x32xf32, #tpu.memory_space<vmem>>, vector<1x16xf32>,
        %swap3A_203 = vector.shape_cast %swap3A_202 : vector<1x16xf32> to vector<16xf32>
        %swap3A_204 = vector.shape_cast %mul3A_200 : vector<16xf32> to vector<1x16xf32>
        tpu.vector_store %arg10[%swap3A, %swap3A_201], %swap3A_204 {strides = array<i32>} : memref<640x32xf32, #tpu.memory_space<vmem>>, vector<1x16xf32>,
        %get3A_205 = arith.index_cast %scan3A_156 : i32 to index
        %get3A_206 = arith.constant 16 : index
        %get3A_207 = tpu.vector_load %arg10[%get3A_205, %get3A_206] {strides = array<i32>} : memref<640x32xf32, #tpu.memory_space<vmem>>, vector<1x16xf32>,
        %get3A_208 = vector.shape_cast %get3A_207 : vector<1x16xf32> to vector<16xf32>
        %mul3A_209 = arith.constant 2.000000e+00 : f32
        %mul3A_210 = vector.broadcast %mul3A_209 : f32 to vector<16xf32>
        %mul3A_211 = arith.mulf %get3A_208, %mul3A_210 : vector<16xf32>
        %swap3A_212 = arith.index_cast %scan3A_156 : i32 to index
        %swap3A_213 = arith.constant 16 : index
        %swap3A_214 = tpu.vector_load %arg10[%swap3A_212, %swap3A_213] {strides = array<i32>} : memref<640x32xf32, #tpu.memory_space<vmem>>, vector<1x16xf32>,
        %swap3A_215 = vector.shape_cast %swap3A_214 : vector<1x16xf32> to vector<16xf32>
        %swap3A_216 = vector.shape_cast %mul3A_211 : vector<16xf32> to vector<1x16xf32>
        tpu.vector_store %arg10[%swap3A_212, %swap3A_213], %swap3A_216 {strides = array<i32>} : memref<640x32xf32, #tpu.memory_space<vmem>>, vector<1x16xf32>,
      } else {
      }
      %not3A_160 = arith.constant true
      %not3A_161 = arith.xori %eq3A_6, %not3A_160 : i1
      %convert_element_type3A_162 = arith.extui %not3A_161 : i1 to i32
      %cond3A_163 = arith.constant 0 : i32
      %cond3A_164 = arith.cmpi ne, %convert_element_type3A_162, %cond3A_163 : i32
      scf.if %cond3A_164 {
        %swap3A = arith.index_cast %scan3A_156 : i32 to index
        %swap3A_195 = arith.constant 0 : index
        %swap3A_196 = tpu.vector_load %arg10[%swap3A, %swap3A_195] {strides = array<i32>} : memref<640x32xf32, #tpu.memory_space<vmem>>, vector<1x16xf32>,
        %swap3A_197 = vector.shape_cast %swap3A_196 : vector<1x16xf32> to vector<16xf32>
        %swap3A_198 = vector.shape_cast %broadcast_in_dim3A_5 : vector<16xf32> to vector<1x16xf32>
        tpu.vector_store %arg10[%swap3A, %swap3A_195], %swap3A_198 {strides = array<i32>} : memref<640x32xf32, #tpu.memory_space<vmem>>, vector<1x16xf32>,
        %swap3A_199 = arith.index_cast %scan3A_156 : i32 to index
        %swap3A_200 = arith.constant 16 : index
        %swap3A_201 = tpu.vector_load %arg10[%swap3A_199, %swap3A_200] {strides = array<i32>} : memref<640x32xf32, #tpu.memory_space<vmem>>, vector<1x16xf32>,
        %swap3A_202 = vector.shape_cast %swap3A_201 : vector<1x16xf32> to vector<16xf32>
        %swap3A_203 = vector.shape_cast %broadcast_in_dim3A_5 : vector<16xf32> to vector<1x16xf32>
        tpu.vector_store %arg10[%swap3A_199, %swap3A_200], %swap3A_203 {strides = array<i32>} : memref<640x32xf32, #tpu.memory_space<vmem>>, vector<1x16xf32>,
      } else {
      }
      %scan3A_165 = arith.constant 5 : i32
      %scan3A_166 = arith.addi %scan3A_119, %scan3A_165 : i32
      %convert_element_type3A_167 = arith.extui %eq3A_6 : i1 to i32
      %cond3A_168 = arith.constant 0 : i32
      %cond3A_169 = arith.cmpi ne, %convert_element_type3A_167, %cond3A_168 : i32
      scf.if %cond3A_169 {
        %get3A = arith.index_cast %scan3A_166 : i32 to index
        %get3A_195 = arith.constant 0 : index
        %get3A_196 = tpu.vector_load %arg10[%get3A, %get3A_195] {strides = array<i32>} : memref<640x32xf32, #tpu.memory_space<vmem>>, vector<1x16xf32>,
        %get3A_197 = vector.shape_cast %get3A_196 : vector<1x16xf32> to vector<16xf32>
        %mul3A_198 = arith.constant 2.000000e+00 : f32
        %mul3A_199 = vector.broadcast %mul3A_198 : f32 to vector<16xf32>
        %mul3A_200 = arith.mulf %get3A_197, %mul3A_199 : vector<16xf32>
        %swap3A = arith.index_cast %scan3A_166 : i32 to index
        %swap3A_201 = arith.constant 0 : index
        %swap3A_202 = tpu.vector_load %arg10[%swap3A, %swap3A_201] {strides = array<i32>} : memref<640x32xf32, #tpu.memory_space<vmem>>, vector<1x16xf32>,
        %swap3A_203 = vector.shape_cast %swap3A_202 : vector<1x16xf32> to vector<16xf32>
        %swap3A_204 = vector.shape_cast %mul3A_200 : vector<16xf32> to vector<1x16xf32>
        tpu.vector_store %arg10[%swap3A, %swap3A_201], %swap3A_204 {strides = array<i32>} : memref<640x32xf32, #tpu.memory_space<vmem>>, vector<1x16xf32>,
        %get3A_205 = arith.index_cast %scan3A_166 : i32 to index
        %get3A_206 = arith.constant 16 : index
        %get3A_207 = tpu.vector_load %arg10[%get3A_205, %get3A_206] {strides = array<i32>} : memref<640x32xf32, #tpu.memory_space<vmem>>, vector<1x16xf32>,
        %get3A_208 = vector.shape_cast %get3A_207 : vector<1x16xf32> to vector<16xf32>
        %mul3A_209 = arith.constant 2.000000e+00 : f32
        %mul3A_210 = vector.broadcast %mul3A_209 : f32 to vector<16xf32>
        %mul3A_211 = arith.mulf %get3A_208, %mul3A_210 : vector<16xf32>
        %swap3A_212 = arith.index_cast %scan3A_166 : i32 to index
        %swap3A_213 = arith.constant 16 : index
        %swap3A_214 = tpu.vector_load %arg10[%swap3A_212, %swap3A_213] {strides = array<i32>} : memref<640x32xf32, #tpu.memory_space<vmem>>, vector<1x16xf32>,
        %swap3A_215 = vector.shape_cast %swap3A_214 : vector<1x16xf32> to vector<16xf32>
        %swap3A_216 = vector.shape_cast %mul3A_211 : vector<16xf32> to vector<1x16xf32>
        tpu.vector_store %arg10[%swap3A_212, %swap3A_213], %swap3A_216 {strides = array<i32>} : memref<640x32xf32, #tpu.memory_space<vmem>>, vector<1x16xf32>,
      } else {
      }
      %not3A_170 = arith.constant true
      %not3A_171 = arith.xori %eq3A_6, %not3A_170 : i1
      %convert_element_type3A_172 = arith.extui %not3A_171 : i1 to i32
      %cond3A_173 = arith.constant 0 : i32
      %cond3A_174 = arith.cmpi ne, %convert_element_type3A_172, %cond3A_173 : i32
      scf.if %cond3A_174 {
        %swap3A = arith.index_cast %scan3A_166 : i32 to index
        %swap3A_195 = arith.constant 0 : index
        %swap3A_196 = tpu.vector_load %arg10[%swap3A, %swap3A_195] {strides = array<i32>} : memref<640x32xf32, #tpu.memory_space<vmem>>, vector<1x16xf32>,
        %swap3A_197 = vector.shape_cast %swap3A_196 : vector<1x16xf32> to vector<16xf32>
        %swap3A_198 = vector.shape_cast %broadcast_in_dim3A_5 : vector<16xf32> to vector<1x16xf32>
        tpu.vector_store %arg10[%swap3A, %swap3A_195], %swap3A_198 {strides = array<i32>} : memref<640x32xf32, #tpu.memory_space<vmem>>, vector<1x16xf32>,
        %swap3A_199 = arith.index_cast %scan3A_166 : i32 to index
        %swap3A_200 = arith.constant 16 : index
        %swap3A_201 = tpu.vector_load %arg10[%swap3A_199, %swap3A_200] {strides = array<i32>} : memref<640x32xf32, #tpu.memory_space<vmem>>, vector<1x16xf32>,
        %swap3A_202 = vector.shape_cast %swap3A_201 : vector<1x16xf32> to vector<16xf32>
        %swap3A_203 = vector.shape_cast %broadcast_in_dim3A_5 : vector<16xf32> to vector<1x16xf32>
        tpu.vector_store %arg10[%swap3A_199, %swap3A_200], %swap3A_203 {strides = array<i32>} : memref<640x32xf32, #tpu.memory_space<vmem>>, vector<1x16xf32>,
      } else {
      }
      %scan3A_175 = arith.constant 6 : i32
      %scan3A_176 = arith.addi %scan3A_119, %scan3A_175 : i32
      %convert_element_type3A_177 = arith.extui %eq3A_6 : i1 to i32
      %cond3A_178 = arith.constant 0 : i32
      %cond3A_179 = arith.cmpi ne, %convert_element_type3A_177, %cond3A_178 : i32
      scf.if %cond3A_179 {
        %get3A = arith.index_cast %scan3A_176 : i32 to index
        %get3A_195 = arith.constant 0 : index
        %get3A_196 = tpu.vector_load %arg10[%get3A, %get3A_195] {strides = array<i32>} : memref<640x32xf32, #tpu.memory_space<vmem>>, vector<1x16xf32>,
        %get3A_197 = vector.shape_cast %get3A_196 : vector<1x16xf32> to vector<16xf32>
        %mul3A_198 = arith.constant 2.000000e+00 : f32
        %mul3A_199 = vector.broadcast %mul3A_198 : f32 to vector<16xf32>
        %mul3A_200 = arith.mulf %get3A_197, %mul3A_199 : vector<16xf32>
        %swap3A = arith.index_cast %scan3A_176 : i32 to index
        %swap3A_201 = arith.constant 0 : index
        %swap3A_202 = tpu.vector_load %arg10[%swap3A, %swap3A_201] {strides = array<i32>} : memref<640x32xf32, #tpu.memory_space<vmem>>, vector<1x16xf32>,
        %swap3A_203 = vector.shape_cast %swap3A_202 : vector<1x16xf32> to vector<16xf32>
        %swap3A_204 = vector.shape_cast %mul3A_200 : vector<16xf32> to vector<1x16xf32>
        tpu.vector_store %arg10[%swap3A, %swap3A_201], %swap3A_204 {strides = array<i32>} : memref<640x32xf32, #tpu.memory_space<vmem>>, vector<1x16xf32>,
        %get3A_205 = arith.index_cast %scan3A_176 : i32 to index
        %get3A_206 = arith.constant 16 : index
        %get3A_207 = tpu.vector_load %arg10[%get3A_205, %get3A_206] {strides = array<i32>} : memref<640x32xf32, #tpu.memory_space<vmem>>, vector<1x16xf32>,
        %get3A_208 = vector.shape_cast %get3A_207 : vector<1x16xf32> to vector<16xf32>
        %mul3A_209 = arith.constant 2.000000e+00 : f32
        %mul3A_210 = vector.broadcast %mul3A_209 : f32 to vector<16xf32>
        %mul3A_211 = arith.mulf %get3A_208, %mul3A_210 : vector<16xf32>
        %swap3A_212 = arith.index_cast %scan3A_176 : i32 to index
        %swap3A_213 = arith.constant 16 : index
        %swap3A_214 = tpu.vector_load %arg10[%swap3A_212, %swap3A_213] {strides = array<i32>} : memref<640x32xf32, #tpu.memory_space<vmem>>, vector<1x16xf32>,
        %swap3A_215 = vector.shape_cast %swap3A_214 : vector<1x16xf32> to vector<16xf32>
        %swap3A_216 = vector.shape_cast %mul3A_211 : vector<16xf32> to vector<1x16xf32>
        tpu.vector_store %arg10[%swap3A_212, %swap3A_213], %swap3A_216 {strides = array<i32>} : memref<640x32xf32, #tpu.memory_space<vmem>>, vector<1x16xf32>,
      } else {
      }
      %not3A_180 = arith.constant true
      %not3A_181 = arith.xori %eq3A_6, %not3A_180 : i1
      %convert_element_type3A_182 = arith.extui %not3A_181 : i1 to i32
      %cond3A_183 = arith.constant 0 : i32
      %cond3A_184 = arith.cmpi ne, %convert_element_type3A_182, %cond3A_183 : i32
      scf.if %cond3A_184 {
        %swap3A = arith.index_cast %scan3A_176 : i32 to index
        %swap3A_195 = arith.constant 0 : index
        %swap3A_196 = tpu.vector_load %arg10[%swap3A, %swap3A_195] {strides = array<i32>} : memref<640x32xf32, #tpu.memory_space<vmem>>, vector<1x16xf32>,
        %swap3A_197 = vector.shape_cast %swap3A_196 : vector<1x16xf32> to vector<16xf32>
        %swap3A_198 = vector.shape_cast %broadcast_in_dim3A_5 : vector<16xf32> to vector<1x16xf32>
        tpu.vector_store %arg10[%swap3A, %swap3A_195], %swap3A_198 {strides = array<i32>} : memref<640x32xf32, #tpu.memory_space<vmem>>, vector<1x16xf32>,
        %swap3A_199 = arith.index_cast %scan3A_176 : i32 to index
        %swap3A_200 = arith.constant 16 : index
        %swap3A_201 = tpu.vector_load %arg10[%swap3A_199, %swap3A_200] {strides = array<i32>} : memref<640x32xf32, #tpu.memory_space<vmem>>, vector<1x16xf32>,
        %swap3A_202 = vector.shape_cast %swap3A_201 : vector<1x16xf32> to vector<16xf32>
        %swap3A_203 = vector.shape_cast %broadcast_in_dim3A_5 : vector<16xf32> to vector<1x16xf32>
        tpu.vector_store %arg10[%swap3A_199, %swap3A_200], %swap3A_203 {strides = array<i32>} : memref<640x32xf32, #tpu.memory_space<vmem>>, vector<1x16xf32>,
      } else {
      }
      %scan3A_185 = arith.constant 7 : i32
      %scan3A_186 = arith.addi %scan3A_119, %scan3A_185 : i32
      %convert_element_type3A_187 = arith.extui %eq3A_6 : i1 to i32
      %cond3A_188 = arith.constant 0 : i32
      %cond3A_189 = arith.cmpi ne, %convert_element_type3A_187, %cond3A_188 : i32
      scf.if %cond3A_189 {
        %get3A = arith.index_cast %scan3A_186 : i32 to index
        %get3A_195 = arith.constant 0 : index
        %get3A_196 = tpu.vector_load %arg10[%get3A, %get3A_195] {strides = array<i32>} : memref<640x32xf32, #tpu.memory_space<vmem>>, vector<1x16xf32>,
        %get3A_197 = vector.shape_cast %get3A_196 : vector<1x16xf32> to vector<16xf32>
        %mul3A_198 = arith.constant 2.000000e+00 : f32
        %mul3A_199 = vector.broadcast %mul3A_198 : f32 to vector<16xf32>
        %mul3A_200 = arith.mulf %get3A_197, %mul3A_199 : vector<16xf32>
        %swap3A = arith.index_cast %scan3A_186 : i32 to index
        %swap3A_201 = arith.constant 0 : index
        %swap3A_202 = tpu.vector_load %arg10[%swap3A, %swap3A_201] {strides = array<i32>} : memref<640x32xf32, #tpu.memory_space<vmem>>, vector<1x16xf32>,
        %swap3A_203 = vector.shape_cast %swap3A_202 : vector<1x16xf32> to vector<16xf32>
        %swap3A_204 = vector.shape_cast %mul3A_200 : vector<16xf32> to vector<1x16xf32>
        tpu.vector_store %arg10[%swap3A, %swap3A_201], %swap3A_204 {strides = array<i32>} : memref<640x32xf32, #tpu.memory_space<vmem>>, vector<1x16xf32>,
        %get3A_205 = arith.index_cast %scan3A_186 : i32 to index
        %get3A_206 = arith.constant 16 : index
        %get3A_207 = tpu.vector_load %arg10[%get3A_205, %get3A_206] {strides = array<i32>} : memref<640x32xf32, #tpu.memory_space<vmem>>, vector<1x16xf32>,
        %get3A_208 = vector.shape_cast %get3A_207 : vector<1x16xf32> to vector<16xf32>
        %mul3A_209 = arith.constant 2.000000e+00 : f32
        %mul3A_210 = vector.broadcast %mul3A_209 : f32 to vector<16xf32>
        %mul3A_211 = arith.mulf %get3A_208, %mul3A_210 : vector<16xf32>
        %swap3A_212 = arith.index_cast %scan3A_186 : i32 to index
        %swap3A_213 = arith.constant 16 : index
        %swap3A_214 = tpu.vector_load %arg10[%swap3A_212, %swap3A_213] {strides = array<i32>} : memref<640x32xf32, #tpu.memory_space<vmem>>, vector<1x16xf32>,
        %swap3A_215 = vector.shape_cast %swap3A_214 : vector<1x16xf32> to vector<16xf32>
        %swap3A_216 = vector.shape_cast %mul3A_211 : vector<16xf32> to vector<1x16xf32>
        tpu.vector_store %arg10[%swap3A_212, %swap3A_213], %swap3A_216 {strides = array<i32>} : memref<640x32xf32, #tpu.memory_space<vmem>>, vector<1x16xf32>,
      } else {
      }
      %not3A_190 = arith.constant true
      %not3A_191 = arith.xori %eq3A_6, %not3A_190 : i1
      %convert_element_type3A_192 = arith.extui %not3A_191 : i1 to i32
      %cond3A_193 = arith.constant 0 : i32
      %cond3A_194 = arith.cmpi ne, %convert_element_type3A_192, %cond3A_193 : i32
      scf.if %cond3A_194 {
        %swap3A = arith.index_cast %scan3A_186 : i32 to index
        %swap3A_195 = arith.constant 0 : index
        %swap3A_196 = tpu.vector_load %arg10[%swap3A, %swap3A_195] {strides = array<i32>} : memref<640x32xf32, #tpu.memory_space<vmem>>, vector<1x16xf32>,
        %swap3A_197 = vector.shape_cast %swap3A_196 : vector<1x16xf32> to vector<16xf32>
        %swap3A_198 = vector.shape_cast %broadcast_in_dim3A_5 : vector<16xf32> to vector<1x16xf32>
        tpu.vector_store %arg10[%swap3A, %swap3A_195], %swap3A_198 {strides = array<i32>} : memref<640x32xf32, #tpu.memory_space<vmem>>, vector<1x16xf32>,
        %swap3A_199 = arith.index_cast %scan3A_186 : i32 to index
        %swap3A_200 = arith.constant 16 : index
        %swap3A_201 = tpu.vector_load %arg10[%swap3A_199, %swap3A_200] {strides = array<i32>} : memref<640x32xf32, #tpu.memory_space<vmem>>, vector<1x16xf32>,
        %swap3A_202 = vector.shape_cast %swap3A_201 : vector<1x16xf32> to vector<16xf32>
        %swap3A_203 = vector.shape_cast %broadcast_in_dim3A_5 : vector<16xf32> to vector<1x16xf32>
        tpu.vector_store %arg10[%swap3A_199, %swap3A_200], %swap3A_203 {strides = array<i32>} : memref<640x32xf32, #tpu.memory_space<vmem>>, vector<1x16xf32>,
      } else {
      }
    }
    %scan3A_11 = arith.constant 640 : i32
    %mul3A_12 = arith.constant 640 : i32
    %mul3A_13 = arith.muli %arg1, %mul3A_12 : i32
    "tpu.region"() ({
      %run_scoped3A = tpu.sem_alloc : memref<!tpu.dma_semaphore, #tpu.memory_space<semaphore_mem>>
      %dma_start3A_119 = arith.constant 0 : i32
      %dma_start3A_120 = tpu.memref_slice %arg12[%mul3A_13, %dma_start3A_119] : memref<10240x32xf32, #tpu.memory_space<vmem_shared>> -> memref<640x32xf32, #tpu.memory_space<vmem_shared>>
      %dma_start3A_121 = arith.constant 0 : i32
      %dma_start3A_122 = tpu.memref_slice %arg12[%mul3A_13, %dma_start3A_121] : memref<10240x32xf32, #tpu.memory_space<vmem_shared>> -> memref<640x32xf32, #tpu.memory_space<vmem_shared>>
      tpu.enqueue_dma source(%arg10 : memref<640x32xf32, #tpu.memory_space<vmem>>) target(%dma_start3A_122 : memref<640x32xf32, #tpu.memory_space<vmem_shared>>) target_semaphore(%run_scoped3A : memref<!tpu.dma_semaphore, #tpu.memory_space<semaphore_mem>>)
      %dma_wait3A_123 = arith.constant 0 : i32
      %dma_wait3A_124 = tpu.memref_slice %arg12[%mul3A_13, %dma_wait3A_123] : memref<10240x32xf32, #tpu.memory_space<vmem_shared>> -> memref<640x32xf32, #tpu.memory_space<vmem_shared>>
      %dma_wait3A_125 = arith.constant 0 : i32
      %dma_wait3A_126 = tpu.memref_slice %arg12[%mul3A_13, %dma_wait3A_125] : memref<10240x32xf32, #tpu.memory_space<vmem_shared>> -> memref<640x32xf32, #tpu.memory_space<vmem_shared>>
      tpu.wait_dma2 semaphore(%run_scoped3A : memref<!tpu.dma_semaphore, #tpu.memory_space<semaphore_mem>>) src(%arg10 : memref<640x32xf32, #tpu.memory_space<vmem>>) dst(%dma_wait3A_126 : memref<640x32xf32, #tpu.memory_space<vmem_shared>>)
      tpu.yield
    }) : () -> ()
    %barrier3A = arith.constant 0 : index
    tpu.barrier barrier_id(%barrier3A)
    %dma_start3A = arith.constant 0 : i32
    %dma_start3A_14 = arith.constant 0 : i32
    %dma_start3A_15 = arith.constant 0 : i32
    %dma_start3A_16 = arith.constant 0 : i32
    %dma_start3A_17 = tpu.memref_slice %arg8[%dma_start3A_14, %dma_start3A_15, %dma_start3A_16] : memref<2x128x32xf32, #tpu.memory_space<vmem>> -> memref<1x128x32xf32, #tpu.memory_space<vmem>>
    %dma_start3A_18 = tpu.memref_squeeze %dma_start3A_17 : memref<1x128x32xf32, #tpu.memory_space<vmem>> -> memref<128x32xf32, #tpu.memory_space<vmem>>
    %dma_start3A_19 = arith.constant 0 : i32
    %dma_start3A_20 = tpu.memref_slice %arg6[%dma_start3A, %dma_start3A_19] : memref<84x128xi32, #tpu.memory_space<vmem>> -> memref<1x128xi32, #tpu.memory_space<vmem>>
    %dma_start3A_21 = tpu.memref_squeeze %dma_start3A_20 : memref<1x128xi32, #tpu.memory_space<vmem>> -> memref<128xi32, #tpu.memory_space<vmem>>
    %dma_start3A_22 = arith.constant 0 : i32
    %dma_start3A_23 = arith.constant 0 : i32
    %dma_start3A_24 = tpu.memref_slice %arg11[%dma_start3A_22, %dma_start3A_23] : memref<10240x32xf32, #tpu.memory_space<vmem_shared>> -> memref<10240x32xf32, #tpu.memory_space<vmem_shared>>
    tpu.enqueue_indirect_dma source(%dma_start3A_24 : memref<10240x32xf32, #tpu.memory_space<vmem_shared>>) target(%dma_start3A_18 : memref<128x32xf32, #tpu.memory_space<vmem>>) offsets(%dma_start3A_21 : memref<128xi32, #tpu.memory_space<vmem>>) semaphore(%arg13 : memref<!tpu.dma_semaphore, #tpu.memory_space<semaphore_mem>>)
    %dma_start3A_25 = arith.constant 1 : i32
    %dma_start3A_26 = arith.constant 1 : i32
    %dma_start3A_27 = arith.constant 0 : i32
    %dma_start3A_28 = arith.constant 0 : i32
    %dma_start3A_29 = tpu.memref_slice %arg8[%dma_start3A_26, %dma_start3A_27, %dma_start3A_28] : memref<2x128x32xf32, #tpu.memory_space<vmem>> -> memref<1x128x32xf32, #tpu.memory_space<vmem>>
    %dma_start3A_30 = tpu.memref_squeeze %dma_start3A_29 : memref<1x128x32xf32, #tpu.memory_space<vmem>> -> memref<128x32xf32, #tpu.memory_space<vmem>>
    %dma_start3A_31 = arith.constant 0 : i32
    %dma_start3A_32 = tpu.memref_slice %arg6[%dma_start3A_25, %dma_start3A_31] : memref<84x128xi32, #tpu.memory_space<vmem>> -> memref<1x128xi32, #tpu.memory_space<vmem>>
    %dma_start3A_33 = tpu.memref_squeeze %dma_start3A_32 : memref<1x128xi32, #tpu.memory_space<vmem>> -> memref<128xi32, #tpu.memory_space<vmem>>
    %dma_start3A_34 = arith.constant 0 : i32
    %dma_start3A_35 = arith.constant 0 : i32
    %dma_start3A_36 = tpu.memref_slice %arg11[%dma_start3A_34, %dma_start3A_35] : memref<10240x32xf32, #tpu.memory_space<vmem_shared>> -> memref<10240x32xf32, #tpu.memory_space<vmem_shared>>
    tpu.enqueue_indirect_dma source(%dma_start3A_36 : memref<10240x32xf32, #tpu.memory_space<vmem_shared>>) target(%dma_start3A_30 : memref<128x32xf32, #tpu.memory_space<vmem>>) offsets(%dma_start3A_33 : memref<128xi32, #tpu.memory_space<vmem>>) semaphore(%arg13 : memref<!tpu.dma_semaphore, #tpu.memory_space<semaphore_mem>>)
    %dma_start3A_37 = arith.constant 2 : i32
    %dma_start3A_38 = arith.constant 0 : i32
    %dma_start3A_39 = arith.constant 0 : i32
    %dma_start3A_40 = arith.constant 0 : i32
    %dma_start3A_41 = tpu.memref_slice %arg9[%dma_start3A_38, %dma_start3A_39, %dma_start3A_40] : memref<2x128x32xf32, #tpu.memory_space<vmem>> -> memref<1x128x32xf32, #tpu.memory_space<vmem>>
    %dma_start3A_42 = tpu.memref_squeeze %dma_start3A_41 : memref<1x128x32xf32, #tpu.memory_space<vmem>> -> memref<128x32xf32, #tpu.memory_space<vmem>>
    %dma_start3A_43 = arith.constant 0 : i32
    %dma_start3A_44 = tpu.memref_slice %arg6[%dma_start3A_37, %dma_start3A_43] : memref<84x128xi32, #tpu.memory_space<vmem>> -> memref<1x128xi32, #tpu.memory_space<vmem>>
    %dma_start3A_45 = tpu.memref_squeeze %dma_start3A_44 : memref<1x128xi32, #tpu.memory_space<vmem>> -> memref<128xi32, #tpu.memory_space<vmem>>
    %dma_start3A_46 = arith.constant 0 : i32
    %dma_start3A_47 = arith.constant 0 : i32
    %dma_start3A_48 = tpu.memref_slice %arg11[%dma_start3A_46, %dma_start3A_47] : memref<10240x32xf32, #tpu.memory_space<vmem_shared>> -> memref<10240x32xf32, #tpu.memory_space<vmem_shared>>
    tpu.enqueue_indirect_dma source(%dma_start3A_48 : memref<10240x32xf32, #tpu.memory_space<vmem_shared>>) target(%dma_start3A_42 : memref<128x32xf32, #tpu.memory_space<vmem>>) offsets(%dma_start3A_45 : memref<128xi32, #tpu.memory_space<vmem>>) semaphore(%arg14 : memref<!tpu.dma_semaphore, #tpu.memory_space<semaphore_mem>>)
    %dma_start3A_49 = arith.constant 3 : i32
    %dma_start3A_50 = arith.constant 1 : i32
    %dma_start3A_51 = arith.constant 0 : i32
    %dma_start3A_52 = arith.constant 0 : i32
    %dma_start3A_53 = tpu.memref_slice %arg9[%dma_start3A_50, %dma_start3A_51, %dma_start3A_52] : memref<2x128x32xf32, #tpu.memory_space<vmem>> -> memref<1x128x32xf32, #tpu.memory_space<vmem>>
    %dma_start3A_54 = tpu.memref_squeeze %dma_start3A_53 : memref<1x128x32xf32, #tpu.memory_space<vmem>> -> memref<128x32xf32, #tpu.memory_space<vmem>>
    %dma_start3A_55 = arith.constant 0 : i32
    %dma_start3A_56 = tpu.memref_slice %arg6[%dma_start3A_49, %dma_start3A_55] : memref<84x128xi32, #tpu.memory_space<vmem>> -> memref<1x128xi32, #tpu.memory_space<vmem>>
    %dma_start3A_57 = tpu.memref_squeeze %dma_start3A_56 : memref<1x128xi32, #tpu.memory_space<vmem>> -> memref<128xi32, #tpu.memory_space<vmem>>
    %dma_start3A_58 = arith.constant 0 : i32
    %dma_start3A_59 = arith.constant 0 : i32
    %dma_start3A_60 = tpu.memref_slice %arg11[%dma_start3A_58, %dma_start3A_59] : memref<10240x32xf32, #tpu.memory_space<vmem_shared>> -> memref<10240x32xf32, #tpu.memory_space<vmem_shared>>
    tpu.enqueue_indirect_dma source(%dma_start3A_60 : memref<10240x32xf32, #tpu.memory_space<vmem_shared>>) target(%dma_start3A_54 : memref<128x32xf32, #tpu.memory_space<vmem>>) offsets(%dma_start3A_57 : memref<128xi32, #tpu.memory_space<vmem>>) semaphore(%arg14 : memref<!tpu.dma_semaphore, #tpu.memory_space<semaphore_mem>>)
    %scan3A_61 = arith.constant 0 : i32
    %scan3A_62 = arith.constant 0 : i32
    %scan3A_63 = arith.constant 20 : i32
    %scan3A_64 = arith.addi %scan3A_62, %scan3A_63 : i32
    %scan3A_65 = arith.constant 1 : i32
    scf.for %scan3A_119 = %scan3A_62 to %scan3A_64 step %scan3A_65  : i32 {
      %mul3A_120 = arith.constant 2 : i32
      %mul3A_121 = arith.muli %mul3A_120, %scan3A_119 : i32
      %dma_wait3A_122 = arith.constant 0 : i32
      %dma_wait3A_123 = arith.constant 0 : i32
      %dma_wait3A_124 = arith.constant 0 : i32
      %dma_wait3A_125 = arith.constant 0 : i32
      %dma_wait3A_126 = tpu.memref_slice %arg8[%dma_wait3A_123, %dma_wait3A_124, %dma_wait3A_125] : memref<2x128x32xf32, #tpu.memory_space<vmem>> -> memref<1x128x32xf32, #tpu.memory_space<vmem>>
      %dma_wait3A_127 = tpu.memref_squeeze %dma_wait3A_126 : memref<1x128x32xf32, #tpu.memory_space<vmem>> -> memref<128x32xf32, #tpu.memory_space<vmem>>
      %dma_wait3A_128 = arith.constant 0 : i32
      %dma_wait3A_129 = tpu.memref_slice %arg6[%dma_wait3A_122, %dma_wait3A_128] : memref<84x128xi32, #tpu.memory_space<vmem>> -> memref<1x128xi32, #tpu.memory_space<vmem>>
      %dma_wait3A_130 = tpu.memref_squeeze %dma_wait3A_129 : memref<1x128xi32, #tpu.memory_space<vmem>> -> memref<128xi32, #tpu.memory_space<vmem>>
      %dma_wait3A_131 = arith.constant 0 : i32
      %dma_wait3A_132 = arith.constant 0 : i32
      %dma_wait3A_133 = tpu.memref_slice %arg11[%dma_wait3A_131, %dma_wait3A_132] : memref<10240x32xf32, #tpu.memory_space<vmem_shared>> -> memref<10240x32xf32, #tpu.memory_space<vmem_shared>>
      tpu.wait_indirect_dma semaphore(%arg13 : memref<!tpu.dma_semaphore, #tpu.memory_space<semaphore_mem>>) src(%dma_wait3A_133 : memref<10240x32xf32, #tpu.memory_space<vmem_shared>>) dst(%dma_wait3A_127 : memref<128x32xf32, #tpu.memory_space<vmem>>)
      %dma_wait3A_134 = arith.constant 0 : i32
      %dma_wait3A_135 = arith.constant 1 : i32
      %dma_wait3A_136 = arith.constant 0 : i32
      %dma_wait3A_137 = arith.constant 0 : i32
      %dma_wait3A_138 = tpu.memref_slice %arg8[%dma_wait3A_135, %dma_wait3A_136, %dma_wait3A_137] : memref<2x128x32xf32, #tpu.memory_space<vmem>> -> memref<1x128x32xf32, #tpu.memory_space<vmem>>
      %dma_wait3A_139 = tpu.memref_squeeze %dma_wait3A_138 : memref<1x128x32xf32, #tpu.memory_space<vmem>> -> memref<128x32xf32, #tpu.memory_space<vmem>>
      %dma_wait3A_140 = arith.constant 0 : i32
      %dma_wait3A_141 = tpu.memref_slice %arg6[%dma_wait3A_134, %dma_wait3A_140] : memref<84x128xi32, #tpu.memory_space<vmem>> -> memref<1x128xi32, #tpu.memory_space<vmem>>
      %dma_wait3A_142 = tpu.memref_squeeze %dma_wait3A_141 : memref<1x128xi32, #tpu.memory_space<vmem>> -> memref<128xi32, #tpu.memory_space<vmem>>
      %dma_wait3A_143 = arith.constant 0 : i32
      %dma_wait3A_144 = arith.constant 0 : i32
      %dma_wait3A_145 = tpu.memref_slice %arg11[%dma_wait3A_143, %dma_wait3A_144] : memref<10240x32xf32, #tpu.memory_space<vmem_shared>> -> memref<10240x32xf32, #tpu.memory_space<vmem_shared>>
      tpu.wait_indirect_dma semaphore(%arg13 : memref<!tpu.dma_semaphore, #tpu.memory_space<semaphore_mem>>) src(%dma_wait3A_145 : memref<10240x32xf32, #tpu.memory_space<vmem_shared>>) dst(%dma_wait3A_139 : memref<128x32xf32, #tpu.memory_space<vmem>>)
      %mul3A_146 = arith.constant 2 : i32
      %mul3A_147 = arith.muli %mul3A_121, %mul3A_146 : i32
      %add3A_148 = arith.constant 0 : i32
      %add3A_149 = arith.addi %mul3A_147, %add3A_148 : i32
      %dma_start3A_150 = arith.constant 0 : i32
      %dma_start3A_151 = arith.constant 0 : i32
      %dma_start3A_152 = arith.constant 0 : i32
      %dma_start3A_153 = tpu.memref_slice %arg8[%dma_start3A_150, %dma_start3A_151, %dma_start3A_152] : memref<2x128x32xf32, #tpu.memory_space<vmem>> -> memref<1x128x32xf32, #tpu.memory_space<vmem>>
      %dma_start3A_154 = tpu.memref_squeeze %dma_start3A_153 : memref<1x128x32xf32, #tpu.memory_space<vmem>> -> memref<128x32xf32, #tpu.memory_space<vmem>>
      %dma_start3A_155 = arith.constant 0 : i32
      %dma_start3A_156 = tpu.memref_slice %arg7[%add3A_149, %dma_start3A_155] : memref<84x128xi32, #tpu.memory_space<vmem>> -> memref<1x128xi32, #tpu.memory_space<vmem>>
      %dma_start3A_157 = tpu.memref_squeeze %dma_start3A_156 : memref<1x128xi32, #tpu.memory_space<vmem>> -> memref<128xi32, #tpu.memory_space<vmem>>
      %dma_start3A_158 = arith.constant 0 : i32
      %dma_start3A_159 = arith.constant 0 : i32
      %dma_start3A_160 = tpu.memref_slice %arg12[%dma_start3A_158, %dma_start3A_159] : memref<10240x32xf32, #tpu.memory_space<vmem_shared>> -> memref<10240x32xf32, #tpu.memory_space<vmem_shared>>
      tpu.enqueue_indirect_dma source(%dma_start3A_154 : memref<128x32xf32, #tpu.memory_space<vmem>>) target(%dma_start3A_160 : memref<10240x32xf32, #tpu.memory_space<vmem_shared>>) offsets(%dma_start3A_157 : memref<128xi32, #tpu.memory_space<vmem>>) semaphore(%arg15 : memref<!tpu.dma_semaphore, #tpu.memory_space<semaphore_mem>>) {add = true}
      %mul3A_161 = arith.constant 2 : i32
      %mul3A_162 = arith.muli %mul3A_121, %mul3A_161 : i32
      %add3A_163 = arith.constant 1 : i32
      %add3A_164 = arith.addi %mul3A_162, %add3A_163 : i32
      %dma_start3A_165 = arith.constant 1 : i32
      %dma_start3A_166 = arith.constant 0 : i32
      %dma_start3A_167 = arith.constant 0 : i32
      %dma_start3A_168 = tpu.memref_slice %arg8[%dma_start3A_165, %dma_start3A_166, %dma_start3A_167] : memref<2x128x32xf32, #tpu.memory_space<vmem>> -> memref<1x128x32xf32, #tpu.memory_space<vmem>>
      %dma_start3A_169 = tpu.memref_squeeze %dma_start3A_168 : memref<1x128x32xf32, #tpu.memory_space<vmem>> -> memref<128x32xf32, #tpu.memory_space<vmem>>
      %dma_start3A_170 = arith.constant 0 : i32
      %dma_start3A_171 = tpu.memref_slice %arg7[%add3A_164, %dma_start3A_170] : memref<84x128xi32, #tpu.memory_space<vmem>> -> memref<1x128xi32, #tpu.memory_space<vmem>>
      %dma_start3A_172 = tpu.memref_squeeze %dma_start3A_171 : memref<1x128xi32, #tpu.memory_space<vmem>> -> memref<128xi32, #tpu.memory_space<vmem>>
      %dma_start3A_173 = arith.constant 0 : i32
      %dma_start3A_174 = arith.constant 0 : i32
      %dma_start3A_175 = tpu.memref_slice %arg12[%dma_start3A_173, %dma_start3A_174] : memref<10240x32xf32, #tpu.memory_space<vmem_shared>> -> memref<10240x32xf32, #tpu.memory_space<vmem_shared>>
      tpu.enqueue_indirect_dma source(%dma_start3A_169 : memref<128x32xf32, #tpu.memory_space<vmem>>) target(%dma_start3A_175 : memref<10240x32xf32, #tpu.memory_space<vmem_shared>>) offsets(%dma_start3A_172 : memref<128xi32, #tpu.memory_space<vmem>>) semaphore(%arg15 : memref<!tpu.dma_semaphore, #tpu.memory_space<semaphore_mem>>) {add = true}
      %dma_wait3A_176 = arith.constant 0 : i32
      %dma_wait3A_177 = arith.constant 0 : i32
      %dma_wait3A_178 = arith.constant 0 : i32
      %dma_wait3A_179 = arith.constant 0 : i32
      %dma_wait3A_180 = tpu.memref_slice %arg9[%dma_wait3A_177, %dma_wait3A_178, %dma_wait3A_179] : memref<2x128x32xf32, #tpu.memory_space<vmem>> -> memref<1x128x32xf32, #tpu.memory_space<vmem>>
      %dma_wait3A_181 = tpu.memref_squeeze %dma_wait3A_180 : memref<1x128x32xf32, #tpu.memory_space<vmem>> -> memref<128x32xf32, #tpu.memory_space<vmem>>
      %dma_wait3A_182 = arith.constant 0 : i32
      %dma_wait3A_183 = tpu.memref_slice %arg6[%dma_wait3A_176, %dma_wait3A_182] : memref<84x128xi32, #tpu.memory_space<vmem>> -> memref<1x128xi32, #tpu.memory_space<vmem>>
      %dma_wait3A_184 = tpu.memref_squeeze %dma_wait3A_183 : memref<1x128xi32, #tpu.memory_space<vmem>> -> memref<128xi32, #tpu.memory_space<vmem>>
      %dma_wait3A_185 = arith.constant 0 : i32
      %dma_wait3A_186 = arith.constant 0 : i32
      %dma_wait3A_187 = tpu.memref_slice %arg11[%dma_wait3A_185, %dma_wait3A_186] : memref<10240x32xf32, #tpu.memory_space<vmem_shared>> -> memref<10240x32xf32, #tpu.memory_space<vmem_shared>>
      tpu.wait_indirect_dma semaphore(%arg14 : memref<!tpu.dma_semaphore, #tpu.memory_space<semaphore_mem>>) src(%dma_wait3A_187 : memref<10240x32xf32, #tpu.memory_space<vmem_shared>>) dst(%dma_wait3A_181 : memref<128x32xf32, #tpu.memory_space<vmem>>)
      %dma_wait3A_188 = arith.constant 0 : i32
      %dma_wait3A_189 = arith.constant 1 : i32
      %dma_wait3A_190 = arith.constant 0 : i32
      %dma_wait3A_191 = arith.constant 0 : i32
      %dma_wait3A_192 = tpu.memref_slice %arg9[%dma_wait3A_189, %dma_wait3A_190, %dma_wait3A_191] : memref<2x128x32xf32, #tpu.memory_space<vmem>> -> memref<1x128x32xf32, #tpu.memory_space<vmem>>
      %dma_wait3A_193 = tpu.memref_squeeze %dma_wait3A_192 : memref<1x128x32xf32, #tpu.memory_space<vmem>> -> memref<128x32xf32, #tpu.memory_space<vmem>>
      %dma_wait3A_194 = arith.constant 0 : i32
      %dma_wait3A_195 = tpu.memref_slice %arg6[%dma_wait3A_188, %dma_wait3A_194] : memref<84x128xi32, #tpu.memory_space<vmem>> -> memref<1x128xi32, #tpu.memory_space<vmem>>
      %dma_wait3A_196 = tpu.memref_squeeze %dma_wait3A_195 : memref<1x128xi32, #tpu.memory_space<vmem>> -> memref<128xi32, #tpu.memory_space<vmem>>
      %dma_wait3A_197 = arith.constant 0 : i32
      %dma_wait3A_198 = arith.constant 0 : i32
      %dma_wait3A_199 = tpu.memref_slice %arg11[%dma_wait3A_197, %dma_wait3A_198] : memref<10240x32xf32, #tpu.memory_space<vmem_shared>> -> memref<10240x32xf32, #tpu.memory_space<vmem_shared>>
      tpu.wait_indirect_dma semaphore(%arg14 : memref<!tpu.dma_semaphore, #tpu.memory_space<semaphore_mem>>) src(%dma_wait3A_199 : memref<10240x32xf32, #tpu.memory_space<vmem_shared>>) dst(%dma_wait3A_193 : memref<128x32xf32, #tpu.memory_space<vmem>>)
      %add3A_200 = arith.constant 1 : i32
      %add3A_201 = arith.addi %mul3A_121, %add3A_200 : i32
      %mul3A_202 = arith.constant 2 : i32
      %mul3A_203 = arith.muli %add3A_201, %mul3A_202 : i32
      %add3A_204 = arith.constant 0 : i32
      %add3A_205 = arith.addi %mul3A_203, %add3A_204 : i32
      %dma_start3A_206 = arith.constant 0 : i32
      %dma_start3A_207 = arith.constant 0 : i32
      %dma_start3A_208 = arith.constant 0 : i32
      %dma_start3A_209 = tpu.memref_slice %arg9[%dma_start3A_206, %dma_start3A_207, %dma_start3A_208] : memref<2x128x32xf32, #tpu.memory_space<vmem>> -> memref<1x128x32xf32, #tpu.memory_space<vmem>>
      %dma_start3A_210 = tpu.memref_squeeze %dma_start3A_209 : memref<1x128x32xf32, #tpu.memory_space<vmem>> -> memref<128x32xf32, #tpu.memory_space<vmem>>
      %dma_start3A_211 = arith.constant 0 : i32
      %dma_start3A_212 = tpu.memref_slice %arg7[%add3A_205, %dma_start3A_211] : memref<84x128xi32, #tpu.memory_space<vmem>> -> memref<1x128xi32, #tpu.memory_space<vmem>>
      %dma_start3A_213 = tpu.memref_squeeze %dma_start3A_212 : memref<1x128xi32, #tpu.memory_space<vmem>> -> memref<128xi32, #tpu.memory_space<vmem>>
      %dma_start3A_214 = arith.constant 0 : i32
      %dma_start3A_215 = arith.constant 0 : i32
      %dma_start3A_216 = tpu.memref_slice %arg12[%dma_start3A_214, %dma_start3A_215] : memref<10240x32xf32, #tpu.memory_space<vmem_shared>> -> memref<10240x32xf32, #tpu.memory_space<vmem_shared>>
      tpu.enqueue_indirect_dma source(%dma_start3A_210 : memref<128x32xf32, #tpu.memory_space<vmem>>) target(%dma_start3A_216 : memref<10240x32xf32, #tpu.memory_space<vmem_shared>>) offsets(%dma_start3A_213 : memref<128xi32, #tpu.memory_space<vmem>>) semaphore(%arg16 : memref<!tpu.dma_semaphore, #tpu.memory_space<semaphore_mem>>) {add = true}
      %mul3A_217 = arith.constant 2 : i32
      %mul3A_218 = arith.muli %add3A_201, %mul3A_217 : i32
      %add3A_219 = arith.constant 1 : i32
      %add3A_220 = arith.addi %mul3A_218, %add3A_219 : i32
      %dma_start3A_221 = arith.constant 1 : i32
      %dma_start3A_222 = arith.constant 0 : i32
      %dma_start3A_223 = arith.constant 0 : i32
      %dma_start3A_224 = tpu.memref_slice %arg9[%dma_start3A_221, %dma_start3A_222, %dma_start3A_223] : memref<2x128x32xf32, #tpu.memory_space<vmem>> -> memref<1x128x32xf32, #tpu.memory_space<vmem>>
      %dma_start3A_225 = tpu.memref_squeeze %dma_start3A_224 : memref<1x128x32xf32, #tpu.memory_space<vmem>> -> memref<128x32xf32, #tpu.memory_space<vmem>>
      %dma_start3A_226 = arith.constant 0 : i32
      %dma_start3A_227 = tpu.memref_slice %arg7[%add3A_220, %dma_start3A_226] : memref<84x128xi32, #tpu.memory_space<vmem>> -> memref<1x128xi32, #tpu.memory_space<vmem>>
      %dma_start3A_228 = tpu.memref_squeeze %dma_start3A_227 : memref<1x128xi32, #tpu.memory_space<vmem>> -> memref<128xi32, #tpu.memory_space<vmem>>
      %dma_start3A_229 = arith.constant 0 : i32
      %dma_start3A_230 = arith.constant 0 : i32
      %dma_start3A_231 = tpu.memref_slice %arg12[%dma_start3A_229, %dma_start3A_230] : memref<10240x32xf32, #tpu.memory_space<vmem_shared>> -> memref<10240x32xf32, #tpu.memory_space<vmem_shared>>
      tpu.enqueue_indirect_dma source(%dma_start3A_225 : memref<128x32xf32, #tpu.memory_space<vmem>>) target(%dma_start3A_231 : memref<10240x32xf32, #tpu.memory_space<vmem_shared>>) offsets(%dma_start3A_228 : memref<128xi32, #tpu.memory_space<vmem>>) semaphore(%arg16 : memref<!tpu.dma_semaphore, #tpu.memory_space<semaphore_mem>>) {add = true}
      %dma_wait3A_232 = arith.constant 0 : i32
      %dma_wait3A_233 = arith.constant 0 : i32
      %dma_wait3A_234 = arith.constant 0 : i32
      %dma_wait3A_235 = arith.constant 0 : i32
      %dma_wait3A_236 = tpu.memref_slice %arg8[%dma_wait3A_232, %dma_wait3A_234, %dma_wait3A_235] : memref<2x128x32xf32, #tpu.memory_space<vmem>> -> memref<1x128x32xf32, #tpu.memory_space<vmem>>
      %dma_wait3A_237 = tpu.memref_squeeze %dma_wait3A_236 : memref<1x128x32xf32, #tpu.memory_space<vmem>> -> memref<128x32xf32, #tpu.memory_space<vmem>>
      %dma_wait3A_238 = arith.constant 0 : i32
      %dma_wait3A_239 = tpu.memref_slice %arg7[%dma_wait3A_233, %dma_wait3A_238] : memref<84x128xi32, #tpu.memory_space<vmem>> -> memref<1x128xi32, #tpu.memory_space<vmem>>
      %dma_wait3A_240 = tpu.memref_squeeze %dma_wait3A_239 : memref<1x128xi32, #tpu.memory_space<vmem>> -> memref<128xi32, #tpu.memory_space<vmem>>
      %dma_wait3A_241 = arith.constant 0 : i32
      %dma_wait3A_242 = arith.constant 0 : i32
      %dma_wait3A_243 = tpu.memref_slice %arg12[%dma_wait3A_241, %dma_wait3A_242] : memref<10240x32xf32, #tpu.memory_space<vmem_shared>> -> memref<10240x32xf32, #tpu.memory_space<vmem_shared>>
      tpu.wait_indirect_dma semaphore(%arg15 : memref<!tpu.dma_semaphore, #tpu.memory_space<semaphore_mem>>) src(%dma_wait3A_237 : memref<128x32xf32, #tpu.memory_space<vmem>>) dst(%dma_wait3A_243 : memref<10240x32xf32, #tpu.memory_space<vmem_shared>>)
      %dma_wait3A_244 = arith.constant 1 : i32
      %dma_wait3A_245 = arith.constant 0 : i32
      %dma_wait3A_246 = arith.constant 0 : i32
      %dma_wait3A_247 = arith.constant 0 : i32
      %dma_wait3A_248 = tpu.memref_slice %arg8[%dma_wait3A_244, %dma_wait3A_246, %dma_wait3A_247] : memref<2x128x32xf32, #tpu.memory_space<vmem>> -> memref<1x128x32xf32, #tpu.memory_space<vmem>>
      %dma_wait3A_249 = tpu.memref_squeeze %dma_wait3A_248 : memref<1x128x32xf32, #tpu.memory_space<vmem>> -> memref<128x32xf32, #tpu.memory_space<vmem>>
      %dma_wait3A_250 = arith.constant 0 : i32
      %dma_wait3A_251 = tpu.memref_slice %arg7[%dma_wait3A_245, %dma_wait3A_250] : memref<84x128xi32, #tpu.memory_space<vmem>> -> memref<1x128xi32, #tpu.memory_space<vmem>>
      %dma_wait3A_252 = tpu.memref_squeeze %dma_wait3A_251 : memref<1x128xi32, #tpu.memory_space<vmem>> -> memref<128xi32, #tpu.memory_space<vmem>>
      %dma_wait3A_253 = arith.constant 0 : i32
      %dma_wait3A_254 = arith.constant 0 : i32
      %dma_wait3A_255 = tpu.memref_slice %arg12[%dma_wait3A_253, %dma_wait3A_254] : memref<10240x32xf32, #tpu.memory_space<vmem_shared>> -> memref<10240x32xf32, #tpu.memory_space<vmem_shared>>
      tpu.wait_indirect_dma semaphore(%arg15 : memref<!tpu.dma_semaphore, #tpu.memory_space<semaphore_mem>>) src(%dma_wait3A_249 : memref<128x32xf32, #tpu.memory_space<vmem>>) dst(%dma_wait3A_255 : memref<10240x32xf32, #tpu.memory_space<vmem_shared>>)
      %add3A_256 = arith.constant 2 : i32
      %add3A_257 = arith.addi %mul3A_121, %add3A_256 : i32
      %mul3A_258 = arith.constant 2 : i32
      %mul3A_259 = arith.muli %add3A_257, %mul3A_258 : i32
      %add3A_260 = arith.constant 0 : i32
      %add3A_261 = arith.addi %mul3A_259, %add3A_260 : i32
      %dma_start3A_262 = arith.constant 0 : i32
      %dma_start3A_263 = arith.constant 0 : i32
      %dma_start3A_264 = arith.constant 0 : i32
      %dma_start3A_265 = tpu.memref_slice %arg8[%dma_start3A_262, %dma_start3A_263, %dma_start3A_264] : memref<2x128x32xf32, #tpu.memory_space<vmem>> -> memref<1x128x32xf32, #tpu.memory_space<vmem>>
      %dma_start3A_266 = tpu.memref_squeeze %dma_start3A_265 : memref<1x128x32xf32, #tpu.memory_space<vmem>> -> memref<128x32xf32, #tpu.memory_space<vmem>>
      %dma_start3A_267 = arith.constant 0 : i32
      %dma_start3A_268 = tpu.memref_slice %arg6[%add3A_261, %dma_start3A_267] : memref<84x128xi32, #tpu.memory_space<vmem>> -> memref<1x128xi32, #tpu.memory_space<vmem>>
      %dma_start3A_269 = tpu.memref_squeeze %dma_start3A_268 : memref<1x128xi32, #tpu.memory_space<vmem>> -> memref<128xi32, #tpu.memory_space<vmem>>
      %dma_start3A_270 = arith.constant 0 : i32
      %dma_start3A_271 = arith.constant 0 : i32
      %dma_start3A_272 = tpu.memref_slice %arg11[%dma_start3A_270, %dma_start3A_271] : memref<10240x32xf32, #tpu.memory_space<vmem_shared>> -> memref<10240x32xf32, #tpu.memory_space<vmem_shared>>
      tpu.enqueue_indirect_dma source(%dma_start3A_272 : memref<10240x32xf32, #tpu.memory_space<vmem_shared>>) target(%dma_start3A_266 : memref<128x32xf32, #tpu.memory_space<vmem>>) offsets(%dma_start3A_269 : memref<128xi32, #tpu.memory_space<vmem>>) semaphore(%arg13 : memref<!tpu.dma_semaphore, #tpu.memory_space<semaphore_mem>>)
      %mul3A_273 = arith.constant 2 : i32
      %mul3A_274 = arith.muli %add3A_257, %mul3A_273 : i32
      %add3A_275 = arith.constant 1 : i32
      %add3A_276 = arith.addi %mul3A_274, %add3A_275 : i32
      %dma_start3A_277 = arith.constant 1 : i32
      %dma_start3A_278 = arith.constant 0 : i32
      %dma_start3A_279 = arith.constant 0 : i32
      %dma_start3A_280 = tpu.memref_slice %arg8[%dma_start3A_277, %dma_start3A_278, %dma_start3A_279] : memref<2x128x32xf32, #tpu.memory_space<vmem>> -> memref<1x128x32xf32, #tpu.memory_space<vmem>>
      %dma_start3A_281 = tpu.memref_squeeze %dma_start3A_280 : memref<1x128x32xf32, #tpu.memory_space<vmem>> -> memref<128x32xf32, #tpu.memory_space<vmem>>
      %dma_start3A_282 = arith.constant 0 : i32
      %dma_start3A_283 = tpu.memref_slice %arg6[%add3A_276, %dma_start3A_282] : memref<84x128xi32, #tpu.memory_space<vmem>> -> memref<1x128xi32, #tpu.memory_space<vmem>>
      %dma_start3A_284 = tpu.memref_squeeze %dma_start3A_283 : memref<1x128xi32, #tpu.memory_space<vmem>> -> memref<128xi32, #tpu.memory_space<vmem>>
      %dma_start3A_285 = arith.constant 0 : i32
      %dma_start3A_286 = arith.constant 0 : i32
      %dma_start3A_287 = tpu.memref_slice %arg11[%dma_start3A_285, %dma_start3A_286] : memref<10240x32xf32, #tpu.memory_space<vmem_shared>> -> memref<10240x32xf32, #tpu.memory_space<vmem_shared>>
      tpu.enqueue_indirect_dma source(%dma_start3A_287 : memref<10240x32xf32, #tpu.memory_space<vmem_shared>>) target(%dma_start3A_281 : memref<128x32xf32, #tpu.memory_space<vmem>>) offsets(%dma_start3A_284 : memref<128xi32, #tpu.memory_space<vmem>>) semaphore(%arg13 : memref<!tpu.dma_semaphore, #tpu.memory_space<semaphore_mem>>)
      %dma_wait3A_288 = arith.constant 0 : i32
      %dma_wait3A_289 = arith.constant 0 : i32
      %dma_wait3A_290 = arith.constant 0 : i32
      %dma_wait3A_291 = arith.constant 0 : i32
      %dma_wait3A_292 = tpu.memref_slice %arg9[%dma_wait3A_288, %dma_wait3A_290, %dma_wait3A_291] : memref<2x128x32xf32, #tpu.memory_space<vmem>> -> memref<1x128x32xf32, #tpu.memory_space<vmem>>
      %dma_wait3A_293 = tpu.memref_squeeze %dma_wait3A_292 : memref<1x128x32xf32, #tpu.memory_space<vmem>> -> memref<128x32xf32, #tpu.memory_space<vmem>>
      %dma_wait3A_294 = arith.constant 0 : i32
      %dma_wait3A_295 = tpu.memref_slice %arg7[%dma_wait3A_289, %dma_wait3A_294] : memref<84x128xi32, #tpu.memory_space<vmem>> -> memref<1x128xi32, #tpu.memory_space<vmem>>
      %dma_wait3A_296 = tpu.memref_squeeze %dma_wait3A_295 : memref<1x128xi32, #tpu.memory_space<vmem>> -> memref<128xi32, #tpu.memory_space<vmem>>
      %dma_wait3A_297 = arith.constant 0 : i32
      %dma_wait3A_298 = arith.constant 0 : i32
      %dma_wait3A_299 = tpu.memref_slice %arg12[%dma_wait3A_297, %dma_wait3A_298] : memref<10240x32xf32, #tpu.memory_space<vmem_shared>> -> memref<10240x32xf32, #tpu.memory_space<vmem_shared>>
      tpu.wait_indirect_dma semaphore(%arg16 : memref<!tpu.dma_semaphore, #tpu.memory_space<semaphore_mem>>) src(%dma_wait3A_293 : memref<128x32xf32, #tpu.memory_space<vmem>>) dst(%dma_wait3A_299 : memref<10240x32xf32, #tpu.memory_space<vmem_shared>>)
      %dma_wait3A_300 = arith.constant 1 : i32
      %dma_wait3A_301 = arith.constant 0 : i32
      %dma_wait3A_302 = arith.constant 0 : i32
      %dma_wait3A_303 = arith.constant 0 : i32
      %dma_wait3A_304 = tpu.memref_slice %arg9[%dma_wait3A_300, %dma_wait3A_302, %dma_wait3A_303] : memref<2x128x32xf32, #tpu.memory_space<vmem>> -> memref<1x128x32xf32, #tpu.memory_space<vmem>>
      %dma_wait3A_305 = tpu.memref_squeeze %dma_wait3A_304 : memref<1x128x32xf32, #tpu.memory_space<vmem>> -> memref<128x32xf32, #tpu.memory_space<vmem>>
      %dma_wait3A_306 = arith.constant 0 : i32
      %dma_wait3A_307 = tpu.memref_slice %arg7[%dma_wait3A_301, %dma_wait3A_306] : memref<84x128xi32, #tpu.memory_space<vmem>> -> memref<1x128xi32, #tpu.memory_space<vmem>>
      %dma_wait3A_308 = tpu.memref_squeeze %dma_wait3A_307 : memref<1x128xi32, #tpu.memory_space<vmem>> -> memref<128xi32, #tpu.memory_space<vmem>>
      %dma_wait3A_309 = arith.constant 0 : i32
      %dma_wait3A_310 = arith.constant 0 : i32
      %dma_wait3A_311 = tpu.memref_slice %arg12[%dma_wait3A_309, %dma_wait3A_310] : memref<10240x32xf32, #tpu.memory_space<vmem_shared>> -> memref<10240x32xf32, #tpu.memory_space<vmem_shared>>
      tpu.wait_indirect_dma semaphore(%arg16 : memref<!tpu.dma_semaphore, #tpu.memory_space<semaphore_mem>>) src(%dma_wait3A_305 : memref<128x32xf32, #tpu.memory_space<vmem>>) dst(%dma_wait3A_311 : memref<10240x32xf32, #tpu.memory_space<vmem_shared>>)
      %add3A_312 = arith.constant 3 : i32
      %add3A_313 = arith.addi %mul3A_121, %add3A_312 : i32
      %mul3A_314 = arith.constant 2 : i32
      %mul3A_315 = arith.muli %add3A_313, %mul3A_314 : i32
      %add3A_316 = arith.constant 0 : i32
      %add3A_317 = arith.addi %mul3A_315, %add3A_316 : i32
      %dma_start3A_318 = arith.constant 0 : i32
      %dma_start3A_319 = arith.constant 0 : i32
      %dma_start3A_320 = arith.constant 0 : i32
      %dma_start3A_321 = tpu.memref_slice %arg9[%dma_start3A_318, %dma_start3A_319, %dma_start3A_320] : memref<2x128x32xf32, #tpu.memory_space<vmem>> -> memref<1x128x32xf32, #tpu.memory_space<vmem>>
      %dma_start3A_322 = tpu.memref_squeeze %dma_start3A_321 : memref<1x128x32xf32, #tpu.memory_space<vmem>> -> memref<128x32xf32, #tpu.memory_space<vmem>>
      %dma_start3A_323 = arith.constant 0 : i32
      %dma_start3A_324 = tpu.memref_slice %arg6[%add3A_317, %dma_start3A_323] : memref<84x128xi32, #tpu.memory_space<vmem>> -> memref<1x128xi32, #tpu.memory_space<vmem>>
      %dma_start3A_325 = tpu.memref_squeeze %dma_start3A_324 : memref<1x128xi32, #tpu.memory_space<vmem>> -> memref<128xi32, #tpu.memory_space<vmem>>
      %dma_start3A_326 = arith.constant 0 : i32
      %dma_start3A_327 = arith.constant 0 : i32
      %dma_start3A_328 = tpu.memref_slice %arg11[%dma_start3A_326, %dma_start3A_327] : memref<10240x32xf32, #tpu.memory_space<vmem_shared>> -> memref<10240x32xf32, #tpu.memory_space<vmem_shared>>
      tpu.enqueue_indirect_dma source(%dma_start3A_328 : memref<10240x32xf32, #tpu.memory_space<vmem_shared>>) target(%dma_start3A_322 : memref<128x32xf32, #tpu.memory_space<vmem>>) offsets(%dma_start3A_325 : memref<128xi32, #tpu.memory_space<vmem>>) semaphore(%arg14 : memref<!tpu.dma_semaphore, #tpu.memory_space<semaphore_mem>>)
      %mul3A_329 = arith.constant 2 : i32
      %mul3A_330 = arith.muli %add3A_313, %mul3A_329 : i32
      %add3A_331 = arith.constant 1 : i32
      %add3A_332 = arith.addi %mul3A_330, %add3A_331 : i32
      %dma_start3A_333 = arith.constant 1 : i32
      %dma_start3A_334 = arith.constant 0 : i32
      %dma_start3A_335 = arith.constant 0 : i32
      %dma_start3A_336 = tpu.memref_slice %arg9[%dma_start3A_333, %dma_start3A_334, %dma_start3A_335] : memref<2x128x32xf32, #tpu.memory_space<vmem>> -> memref<1x128x32xf32, #tpu.memory_space<vmem>>
      %dma_start3A_337 = tpu.memref_squeeze %dma_start3A_336 : memref<1x128x32xf32, #tpu.memory_space<vmem>> -> memref<128x32xf32, #tpu.memory_space<vmem>>
      %dma_start3A_338 = arith.constant 0 : i32
      %dma_start3A_339 = tpu.memref_slice %arg6[%add3A_332, %dma_start3A_338] : memref<84x128xi32, #tpu.memory_space<vmem>> -> memref<1x128xi32, #tpu.memory_space<vmem>>
      %dma_start3A_340 = tpu.memref_squeeze %dma_start3A_339 : memref<1x128xi32, #tpu.memory_space<vmem>> -> memref<128xi32, #tpu.memory_space<vmem>>
      %dma_start3A_341 = arith.constant 0 : i32
      %dma_start3A_342 = arith.constant 0 : i32
      %dma_start3A_343 = tpu.memref_slice %arg11[%dma_start3A_341, %dma_start3A_342] : memref<10240x32xf32, #tpu.memory_space<vmem_shared>> -> memref<10240x32xf32, #tpu.memory_space<vmem_shared>>
      tpu.enqueue_indirect_dma source(%dma_start3A_343 : memref<10240x32xf32, #tpu.memory_space<vmem_shared>>) target(%dma_start3A_337 : memref<128x32xf32, #tpu.memory_space<vmem>>) offsets(%dma_start3A_340 : memref<128xi32, #tpu.memory_space<vmem>>) semaphore(%arg14 : memref<!tpu.dma_semaphore, #tpu.memory_space<semaphore_mem>>)
    }
    %scan3A_66 = arith.constant 20 : i32
    %dma_wait3A = arith.constant 0 : i32
    %dma_wait3A_67 = arith.constant 0 : i32
    %dma_wait3A_68 = arith.constant 0 : i32
    %dma_wait3A_69 = arith.constant 0 : i32
    %dma_wait3A_70 = tpu.memref_slice %arg8[%dma_wait3A_67, %dma_wait3A_68, %dma_wait3A_69] : memref<2x128x32xf32, #tpu.memory_space<vmem>> -> memref<1x128x32xf32, #tpu.memory_space<vmem>>
    %dma_wait3A_71 = tpu.memref_squeeze %dma_wait3A_70 : memref<1x128x32xf32, #tpu.memory_space<vmem>> -> memref<128x32xf32, #tpu.memory_space<vmem>>
    %dma_wait3A_72 = arith.constant 0 : i32
    %dma_wait3A_73 = tpu.memref_slice %arg6[%dma_wait3A, %dma_wait3A_72] : memref<84x128xi32, #tpu.memory_space<vmem>> -> memref<1x128xi32, #tpu.memory_space<vmem>>
    %dma_wait3A_74 = tpu.memref_squeeze %dma_wait3A_73 : memref<1x128xi32, #tpu.memory_space<vmem>> -> memref<128xi32, #tpu.memory_space<vmem>>
    %dma_wait3A_75 = arith.constant 0 : i32
    %dma_wait3A_76 = arith.constant 0 : i32
    %dma_wait3A_77 = tpu.memref_slice %arg11[%dma_wait3A_75, %dma_wait3A_76] : memref<10240x32xf32, #tpu.memory_space<vmem_shared>> -> memref<10240x32xf32, #tpu.memory_space<vmem_shared>>
    tpu.wait_indirect_dma semaphore(%arg13 : memref<!tpu.dma_semaphore, #tpu.memory_space<semaphore_mem>>) src(%dma_wait3A_77 : memref<10240x32xf32, #tpu.memory_space<vmem_shared>>) dst(%dma_wait3A_71 : memref<128x32xf32, #tpu.memory_space<vmem>>)
    %dma_wait3A_78 = arith.constant 0 : i32
    %dma_wait3A_79 = arith.constant 1 : i32
    %dma_wait3A_80 = arith.constant 0 : i32
    %dma_wait3A_81 = arith.constant 0 : i32
    %dma_wait3A_82 = tpu.memref_slice %arg8[%dma_wait3A_79, %dma_wait3A_80, %dma_wait3A_81] : memref<2x128x32xf32, #tpu.memory_space<vmem>> -> memref<1x128x32xf32, #tpu.memory_space<vmem>>
    %dma_wait3A_83 = tpu.memref_squeeze %dma_wait3A_82 : memref<1x128x32xf32, #tpu.memory_space<vmem>> -> memref<128x32xf32, #tpu.memory_space<vmem>>
    %dma_wait3A_84 = arith.constant 0 : i32
    %dma_wait3A_85 = tpu.memref_slice %arg6[%dma_wait3A_78, %dma_wait3A_84] : memref<84x128xi32, #tpu.memory_space<vmem>> -> memref<1x128xi32, #tpu.memory_space<vmem>>
    %dma_wait3A_86 = tpu.memref_squeeze %dma_wait3A_85 : memref<1x128xi32, #tpu.memory_space<vmem>> -> memref<128xi32, #tpu.memory_space<vmem>>
    %dma_wait3A_87 = arith.constant 0 : i32
    %dma_wait3A_88 = arith.constant 0 : i32
    %dma_wait3A_89 = tpu.memref_slice %arg11[%dma_wait3A_87, %dma_wait3A_88] : memref<10240x32xf32, #tpu.memory_space<vmem_shared>> -> memref<10240x32xf32, #tpu.memory_space<vmem_shared>>
    tpu.wait_indirect_dma semaphore(%arg13 : memref<!tpu.dma_semaphore, #tpu.memory_space<semaphore_mem>>) src(%dma_wait3A_89 : memref<10240x32xf32, #tpu.memory_space<vmem_shared>>) dst(%dma_wait3A_83 : memref<128x32xf32, #tpu.memory_space<vmem>>)
    %dma_wait3A_90 = arith.constant 0 : i32
    %dma_wait3A_91 = arith.constant 0 : i32
    %dma_wait3A_92 = arith.constant 0 : i32
    %dma_wait3A_93 = arith.constant 0 : i32
    %dma_wait3A_94 = tpu.memref_slice %arg9[%dma_wait3A_91, %dma_wait3A_92, %dma_wait3A_93] : memref<2x128x32xf32, #tpu.memory_space<vmem>> -> memref<1x128x32xf32, #tpu.memory_space<vmem>>
    %dma_wait3A_95 = tpu.memref_squeeze %dma_wait3A_94 : memref<1x128x32xf32, #tpu.memory_space<vmem>> -> memref<128x32xf32, #tpu.memory_space<vmem>>
    %dma_wait3A_96 = arith.constant 0 : i32
    %dma_wait3A_97 = tpu.memref_slice %arg6[%dma_wait3A_90, %dma_wait3A_96] : memref<84x128xi32, #tpu.memory_space<vmem>> -> memref<1x128xi32, #tpu.memory_space<vmem>>
    %dma_wait3A_98 = tpu.memref_squeeze %dma_wait3A_97 : memref<1x128xi32, #tpu.memory_space<vmem>> -> memref<128xi32, #tpu.memory_space<vmem>>
    %dma_wait3A_99 = arith.constant 0 : i32
    %dma_wait3A_100 = arith.constant 0 : i32
    %dma_wait3A_101 = tpu.memref_slice %arg11[%dma_wait3A_99, %dma_wait3A_100] : memref<10240x32xf32, #tpu.memory_space<vmem_shared>> -> memref<10240x32xf32, #tpu.memory_space<vmem_shared>>
    tpu.wait_indirect_dma semaphore(%arg14 : memref<!tpu.dma_semaphore, #tpu.memory_space<semaphore_mem>>) src(%dma_wait3A_101 : memref<10240x32xf32, #tpu.memory_space<vmem_shared>>) dst(%dma_wait3A_95 : memref<128x32xf32, #tpu.memory_space<vmem>>)
    %dma_wait3A_102 = arith.constant 0 : i32
    %dma_wait3A_103 = arith.constant 1 : i32
    %dma_wait3A_104 = arith.constant 0 : i32
    %dma_wait3A_105 = arith.constant 0 : i32
    %dma_wait3A_106 = tpu.memref_slice %arg9[%dma_wait3A_103, %dma_wait3A_104, %dma_wait3A_105] : memref<2x128x32xf32, #tpu.memory_space<vmem>> -> memref<1x128x32xf32, #tpu.memory_space<vmem>>
    %dma_wait3A_107 = tpu.memref_squeeze %dma_wait3A_106 : memref<1x128x32xf32, #tpu.memory_space<vmem>> -> memref<128x32xf32, #tpu.memory_space<vmem>>
    %dma_wait3A_108 = arith.constant 0 : i32
    %dma_wait3A_109 = tpu.memref_slice %arg6[%dma_wait3A_102, %dma_wait3A_108] : memref<84x128xi32, #tpu.memory_space<vmem>> -> memref<1x128xi32, #tpu.memory_space<vmem>>
    %dma_wait3A_110 = tpu.memref_squeeze %dma_wait3A_109 : memref<1x128xi32, #tpu.memory_space<vmem>> -> memref<128xi32, #tpu.memory_space<vmem>>
    %dma_wait3A_111 = arith.constant 0 : i32
    %dma_wait3A_112 = arith.constant 0 : i32
    %dma_wait3A_113 = tpu.memref_slice %arg11[%dma_wait3A_111, %dma_wait3A_112] : memref<10240x32xf32, #tpu.memory_space<vmem_shared>> -> memref<10240x32xf32, #tpu.memory_space<vmem_shared>>
    tpu.wait_indirect_dma semaphore(%arg14 : memref<!tpu.dma_semaphore, #tpu.memory_space<semaphore_mem>>) src(%dma_wait3A_113 : memref<10240x32xf32, #tpu.memory_space<vmem_shared>>) dst(%dma_wait3A_107 : memref<128x32xf32, #tpu.memory_space<vmem>>)
    %barrier3A_114 = arith.constant 0 : index
    tpu.barrier barrier_id(%barrier3A_114)
    %mul3A_115 = arith.constant 640 : i32
    %mul3A_116 = arith.muli %arg1, %mul3A_115 : i32
    "tpu.region"() ({
      %run_scoped3A = tpu.sem_alloc : memref<!tpu.dma_semaphore, #tpu.memory_space<semaphore_mem>>
      %dma_start3A_119 = arith.constant 0 : i32
      %dma_start3A_120 = tpu.memref_slice %arg12[%mul3A_116, %dma_start3A_119] : memref<10240x32xf32, #tpu.memory_space<vmem_shared>> -> memref<640x32xf32, #tpu.memory_space<vmem_shared>>
      %dma_start3A_121 = arith.constant 0 : i32
      %dma_start3A_122 = tpu.memref_slice %arg12[%mul3A_116, %dma_start3A_121] : memref<10240x32xf32, #tpu.memory_space<vmem_shared>> -> memref<640x32xf32, #tpu.memory_space<vmem_shared>>
      tpu.enqueue_dma source(%dma_start3A_122 : memref<640x32xf32, #tpu.memory_space<vmem_shared>>) target(%arg10 : memref<640x32xf32, #tpu.memory_space<vmem>>) target_semaphore(%run_scoped3A : memref<!tpu.dma_semaphore, #tpu.memory_space<semaphore_mem>>)
      %dma_wait3A_123 = arith.constant 0 : i32
      %dma_wait3A_124 = tpu.memref_slice %arg12[%mul3A_116, %dma_wait3A_123] : memref<10240x32xf32, #tpu.memory_space<vmem_shared>> -> memref<640x32xf32, #tpu.memory_space<vmem_shared>>
      %dma_wait3A_125 = arith.constant 0 : i32
      %dma_wait3A_126 = tpu.memref_slice %arg12[%mul3A_116, %dma_wait3A_125] : memref<10240x32xf32, #tpu.memory_space<vmem_shared>> -> memref<640x32xf32, #tpu.memory_space<vmem_shared>>
      tpu.wait_dma2 semaphore(%run_scoped3A : memref<!tpu.dma_semaphore, #tpu.memory_space<semaphore_mem>>) src(%dma_wait3A_126 : memref<640x32xf32, #tpu.memory_space<vmem_shared>>) dst(%arg10 : memref<640x32xf32, #tpu.memory_space<vmem>>)
      tpu.yield
    }) : () -> ()
    %mul3A_117 = arith.constant 640 : i32
    %mul3A_118 = arith.muli %arg1, %mul3A_117 : i32
    "tpu.region"() ({
      %run_scoped3A = tpu.sem_alloc : memref<!tpu.dma_semaphore, #tpu.memory_space<semaphore_mem>>
      %dma_start3A_119 = arith.constant 0 : i32
      %dma_start3A_120 = tpu.memref_slice %arg5[%arg0, %mul3A_118, %dma_start3A_119] : memref<2x10240x32xf32, #tpu.memory_space<hbm>> -> memref<1x640x32xf32, #tpu.memory_space<hbm>>
      %dma_start3A_121 = tpu.memref_squeeze %dma_start3A_120 : memref<1x640x32xf32, #tpu.memory_space<hbm>> -> memref<640x32xf32, #tpu.memory_space<hbm>>
      %dma_start3A_122 = arith.constant 0 : i32
      %dma_start3A_123 = tpu.memref_slice %arg5[%arg0, %mul3A_118, %dma_start3A_122] : memref<2x10240x32xf32, #tpu.memory_space<hbm>> -> memref<1x640x32xf32, #tpu.memory_space<hbm>>
      %dma_start3A_124 = tpu.memref_squeeze %dma_start3A_123 : memref<1x640x32xf32, #tpu.memory_space<hbm>> -> memref<640x32xf32, #tpu.memory_space<hbm>>
      tpu.enqueue_dma source(%arg10 : memref<640x32xf32, #tpu.memory_space<vmem>>) target(%dma_start3A_124 : memref<640x32xf32, #tpu.memory_space<hbm>>) target_semaphore(%run_scoped3A : memref<!tpu.dma_semaphore, #tpu.memory_space<semaphore_mem>>)
      %dma_wait3A_125 = arith.constant 0 : i32
      %dma_wait3A_126 = tpu.memref_slice %arg5[%arg0, %mul3A_118, %dma_wait3A_125] : memref<2x10240x32xf32, #tpu.memory_space<hbm>> -> memref<1x640x32xf32, #tpu.memory_space<hbm>>
      %dma_wait3A_127 = tpu.memref_squeeze %dma_wait3A_126 : memref<1x640x32xf32, #tpu.memory_space<hbm>> -> memref<640x32xf32, #tpu.memory_space<hbm>>
      %dma_wait3A_128 = arith.constant 0 : i32
      %dma_wait3A_129 = tpu.memref_slice %arg5[%arg0, %mul3A_118, %dma_wait3A_128] : memref<2x10240x32xf32, #tpu.memory_space<hbm>> -> memref<1x640x32xf32, #tpu.memory_space<hbm>>
      %dma_wait3A_130 = tpu.memref_squeeze %dma_wait3A_129 : memref<1x640x32xf32, #tpu.memory_space<hbm>> -> memref<640x32xf32, #tpu.memory_space<hbm>>
      tpu.wait_dma2 semaphore(%run_scoped3A : memref<!tpu.dma_semaphore, #tpu.memory_space<semaphore_mem>>) src(%arg10 : memref<640x32xf32, #tpu.memory_space<vmem>>) dst(%dma_wait3A_130 : memref<640x32xf32, #tpu.memory_space<hbm>>)
      tpu.yield
    }) : () -> ()
    return
  }
}

#map = affine_map<(d0, d1) -> (0, 0)>
#map1 = affine_map<(d0, d1) -> (0, 0, 0)>
module attributes {stable_mosaic.version = 14 : i64} {
  func.func @_edge_sc_body(%arg0: i32, %arg1: i32, %arg2: memref<10240x32xf32, #tpu.memory_space<hbm>>, %arg3: memref<32x84x128xi32, #tpu.memory_space<hbm>>, %arg4: memref<32x84x128xi32, #tpu.memory_space<hbm>>, %arg5: memref<2x10240x32xf32, #tpu.memory_space<hbm>>, %arg6: memref<84x128xi32, #tpu.memory_space<vmem>>, %arg7: memref<84x128xi32, #tpu.memory_space<vmem>>, %arg8: memref<2x128x32xf32, #tpu.memory_space<vmem>>, %arg9: memref<2x128x32xf32, #tpu.memory_space<vmem>>, %arg10: memref<640x32xf32, #tpu.memory_space<vmem>>, %arg11: memref<10240x32xf32, #tpu.memory_space<vmem_shared>>, %arg12: memref<10240x32xf32, #tpu.memory_space<vmem_shared>>, %arg13: memref<!tpu.dma_semaphore, #tpu.memory_space<semaphore_mem>>, %arg14: memref<!tpu.dma_semaphore, #tpu.memory_space<semaphore_mem>>, %arg15: memref<!tpu.dma_semaphore, #tpu.memory_space<semaphore_mem>>, %arg16: memref<!tpu.dma_semaphore, #tpu.memory_space<semaphore_mem>>) attributes {dimension_semantics = [#tpu.dimension_semantics<core_parallel>, #tpu.dimension_semantics<subcore_parallel>], iteration_bounds = array<i64: 2, 16>, scalar_prefetch = 0 : i64, scratch_operands = 11 : i64, tpu.core_type = #tpu.core_type<sc_vector_subcore>, window_params = [{transform_indices = #map}, {transform_indices = #map1}, {transform_indices = #map1}, {transform_indices = #map1}]} {
    %mul3A = arith.constant 2 : i32
    %mul3A_0 = arith.muli %arg1, %mul3A : i32
    %add3A = arith.addi %mul3A_0, %arg0 : i32
    "tpu.region"() ({
      %run_scoped3A = tpu.sem_alloc : memref<!tpu.dma_semaphore, #tpu.memory_space<semaphore_mem>>
      %dma_start3A_119 = arith.constant 0 : i32
      %dma_start3A_120 = arith.constant 0 : i32
      %dma_start3A_121 = tpu.memref_slice %arg3[%add3A, %dma_start3A_119, %dma_start3A_120] : memref<32x84x128xi32, #tpu.memory_space<hbm>> -> memref<1x84x128xi32, #tpu.memory_space<hbm>>
      %dma_start3A_122 = tpu.memref_squeeze %dma_start3A_121 : memref<1x84x128xi32, #tpu.memory_space<hbm>> -> memref<84x128xi32, #tpu.memory_space<hbm>>
      %dma_start3A_123 = arith.constant 0 : i32
      %dma_start3A_124 = arith.constant 0 : i32
      %dma_start3A_125 = tpu.memref_slice %arg3[%add3A, %dma_start3A_123, %dma_start3A_124] : memref<32x84x128xi32, #tpu.memory_space<hbm>> -> memref<1x84x128xi32, #tpu.memory_space<hbm>>
      %dma_start3A_126 = tpu.memref_squeeze %dma_start3A_125 : memref<1x84x128xi32, #tpu.memory_space<hbm>> -> memref<84x128xi32, #tpu.memory_space<hbm>>
      tpu.enqueue_dma source(%dma_start3A_126 : memref<84x128xi32, #tpu.memory_space<hbm>>) target(%arg6 : memref<84x128xi32, #tpu.memory_space<vmem>>) target_semaphore(%run_scoped3A : memref<!tpu.dma_semaphore, #tpu.memory_space<semaphore_mem>>)
      %dma_wait3A_127 = arith.constant 0 : i32
      %dma_wait3A_128 = arith.constant 0 : i32
      %dma_wait3A_129 = tpu.memref_slice %arg3[%add3A, %dma_wait3A_127, %dma_wait3A_128] : memref<32x84x128xi32, #tpu.memory_space<hbm>> -> memref<1x84x128xi32, #tpu.memory_space<hbm>>
      %dma_wait3A_130 = tpu.memref_squeeze %dma_wait3A_129 : memref<1x84x128xi32, #tpu.memory_space<hbm>> -> memref<84x128xi32, #tpu.memory_space<hbm>>
      %dma_wait3A_131 = arith.constant 0 : i32
      %dma_wait3A_132 = arith.constant 0 : i32
      %dma_wait3A_133 = tpu.memref_slice %arg3[%add3A, %dma_wait3A_131, %dma_wait3A_132] : memref<32x84x128xi32, #tpu.memory_space<hbm>> -> memref<1x84x128xi32, #tpu.memory_space<hbm>>
      %dma_wait3A_134 = tpu.memref_squeeze %dma_wait3A_133 : memref<1x84x128xi32, #tpu.memory_space<hbm>> -> memref<84x128xi32, #tpu.memory_space<hbm>>
      tpu.wait_dma2 semaphore(%run_scoped3A : memref<!tpu.dma_semaphore, #tpu.memory_space<semaphore_mem>>) src(%dma_wait3A_134 : memref<84x128xi32, #tpu.memory_space<hbm>>) dst(%arg6 : memref<84x128xi32, #tpu.memory_space<vmem>>)
      tpu.yield
    }) : () -> ()
    "tpu.region"() ({
      %run_scoped3A = tpu.sem_alloc : memref<!tpu.dma_semaphore, #tpu.memory_space<semaphore_mem>>
      %dma_start3A_119 = arith.constant 0 : i32
      %dma_start3A_120 = arith.constant 0 : i32
      %dma_start3A_121 = tpu.memref_slice %arg4[%add3A, %dma_start3A_119, %dma_start3A_120] : memref<32x84x128xi32, #tpu.memory_space<hbm>> -> memref<1x84x128xi32, #tpu.memory_space<hbm>>
      %dma_start3A_122 = tpu.memref_squeeze %dma_start3A_121 : memref<1x84x128xi32, #tpu.memory_space<hbm>> -> memref<84x128xi32, #tpu.memory_space<hbm>>
      %dma_start3A_123 = arith.constant 0 : i32
      %dma_start3A_124 = arith.constant 0 : i32
      %dma_start3A_125 = tpu.memref_slice %arg4[%add3A, %dma_start3A_123, %dma_start3A_124] : memref<32x84x128xi32, #tpu.memory_space<hbm>> -> memref<1x84x128xi32, #tpu.memory_space<hbm>>
      %dma_start3A_126 = tpu.memref_squeeze %dma_start3A_125 : memref<1x84x128xi32, #tpu.memory_space<hbm>> -> memref<84x128xi32, #tpu.memory_space<hbm>>
      tpu.enqueue_dma source(%dma_start3A_126 : memref<84x128xi32, #tpu.memory_space<hbm>>) target(%arg7 : memref<84x128xi32, #tpu.memory_space<vmem>>) target_semaphore(%run_scoped3A : memref<!tpu.dma_semaphore, #tpu.memory_space<semaphore_mem>>)
      %dma_wait3A_127 = arith.constant 0 : i32
      %dma_wait3A_128 = arith.constant 0 : i32
      %dma_wait3A_129 = tpu.memref_slice %arg4[%add3A, %dma_wait3A_127, %dma_wait3A_128] : memref<32x84x128xi32, #tpu.memory_space<hbm>> -> memref<1x84x128xi32, #tpu.memory_space<hbm>>
      %dma_wait3A_130 = tpu.memref_squeeze %dma_wait3A_129 : memref<1x84x128xi32, #tpu.memory_space<hbm>> -> memref<84x128xi32, #tpu.memory_space<hbm>>
      %dma_wait3A_131 = arith.constant 0 : i32
      %dma_wait3A_132 = arith.constant 0 : i32
      %dma_wait3A_133 = tpu.memref_slice %arg4[%add3A, %dma_wait3A_131, %dma_wait3A_132] : memref<32x84x128xi32, #tpu.memory_space<hbm>> -> memref<1x84x128xi32, #tpu.memory_space<hbm>>
      %dma_wait3A_134 = tpu.memref_squeeze %dma_wait3A_133 : memref<1x84x128xi32, #tpu.memory_space<hbm>> -> memref<84x128xi32, #tpu.memory_space<hbm>>
      tpu.wait_dma2 semaphore(%run_scoped3A : memref<!tpu.dma_semaphore, #tpu.memory_space<semaphore_mem>>) src(%dma_wait3A_134 : memref<84x128xi32, #tpu.memory_space<hbm>>) dst(%arg7 : memref<84x128xi32, #tpu.memory_space<vmem>>)
      tpu.yield
    }) : () -> ()
    %mul3A_1 = arith.constant 640 : i32
    %mul3A_2 = arith.muli %arg1, %mul3A_1 : i32
    "tpu.region"() ({
      %run_scoped3A = tpu.sem_alloc : memref<!tpu.dma_semaphore, #tpu.memory_space<semaphore_mem>>
      %dma_start3A_119 = arith.constant 0 : i32
      %dma_start3A_120 = tpu.memref_slice %arg2[%mul3A_2, %dma_start3A_119] : memref<10240x32xf32, #tpu.memory_space<hbm>> -> memref<640x32xf32, #tpu.memory_space<hbm>>
      %dma_start3A_121 = arith.constant 0 : i32
      %dma_start3A_122 = tpu.memref_slice %arg2[%mul3A_2, %dma_start3A_121] : memref<10240x32xf32, #tpu.memory_space<hbm>> -> memref<640x32xf32, #tpu.memory_space<hbm>>
      tpu.enqueue_dma source(%dma_start3A_122 : memref<640x32xf32, #tpu.memory_space<hbm>>) target(%arg10 : memref<640x32xf32, #tpu.memory_space<vmem>>) target_semaphore(%run_scoped3A : memref<!tpu.dma_semaphore, #tpu.memory_space<semaphore_mem>>)
      %dma_wait3A_123 = arith.constant 0 : i32
      %dma_wait3A_124 = tpu.memref_slice %arg2[%mul3A_2, %dma_wait3A_123] : memref<10240x32xf32, #tpu.memory_space<hbm>> -> memref<640x32xf32, #tpu.memory_space<hbm>>
      %dma_wait3A_125 = arith.constant 0 : i32
      %dma_wait3A_126 = tpu.memref_slice %arg2[%mul3A_2, %dma_wait3A_125] : memref<10240x32xf32, #tpu.memory_space<hbm>> -> memref<640x32xf32, #tpu.memory_space<hbm>>
      tpu.wait_dma2 semaphore(%run_scoped3A : memref<!tpu.dma_semaphore, #tpu.memory_space<semaphore_mem>>) src(%dma_wait3A_126 : memref<640x32xf32, #tpu.memory_space<hbm>>) dst(%arg10 : memref<640x32xf32, #tpu.memory_space<vmem>>)
      tpu.yield
    }) : () -> ()
    %mul3A_3 = arith.constant 640 : i32
    %mul3A_4 = arith.muli %arg1, %mul3A_3 : i32
    "tpu.region"() ({
      %run_scoped3A = tpu.sem_alloc : memref<!tpu.dma_semaphore, #tpu.memory_space<semaphore_mem>>
      %dma_start3A_119 = arith.constant 0 : i32
      %dma_start3A_120 = tpu.memref_slice %arg11[%mul3A_4, %dma_start3A_119] : memref<10240x32xf32, #tpu.memory_space<vmem_shared>> -> memref<640x32xf32, #tpu.memory_space<vmem_shared>>
      %dma_start3A_121 = arith.constant 0 : i32
      %dma_start3A_122 = tpu.memref_slice %arg11[%mul3A_4, %dma_start3A_121] : memref<10240x32xf32, #tpu.memory_space<vmem_shared>> -> memref<640x32xf32, #tpu.memory_space<vmem_shared>>
      tpu.enqueue_dma source(%arg10 : memref<640x32xf32, #tpu.memory_space<vmem>>) target(%dma_start3A_122 : memref<640x32xf32, #tpu.memory_space<vmem_shared>>) target_semaphore(%run_scoped3A : memref<!tpu.dma_semaphore, #tpu.memory_space<semaphore_mem>>)
      %dma_wait3A_123 = arith.constant 0 : i32
      %dma_wait3A_124 = tpu.memref_slice %arg11[%mul3A_4, %dma_wait3A_123] : memref<10240x32xf32, #tpu.memory_space<vmem_shared>> -> memref<640x32xf32, #tpu.memory_space<vmem_shared>>
      %dma_wait3A_125 = arith.constant 0 : i32
      %dma_wait3A_126 = tpu.memref_slice %arg11[%mul3A_4, %dma_wait3A_125] : memref<10240x32xf32, #tpu.memory_space<vmem_shared>> -> memref<640x32xf32, #tpu.memory_space<vmem_shared>>
      tpu.wait_dma2 semaphore(%run_scoped3A : memref<!tpu.dma_semaphore, #tpu.memory_space<semaphore_mem>>) src(%arg10 : memref<640x32xf32, #tpu.memory_space<vmem>>) dst(%dma_wait3A_126 : memref<640x32xf32, #tpu.memory_space<vmem_shared>>)
      tpu.yield
    }) : () -> ()
    %broadcast_in_dim3A = arith.constant 0.000000e+00 : f32
    %broadcast_in_dim3A_5 = vector.broadcast %broadcast_in_dim3A : f32 to vector<16xf32>
    %eq3A = arith.constant 0 : i32
    %eq3A_6 = arith.cmpi eq, %arg0, %eq3A : i32
    %scan3A = arith.constant 0 : i32
    %scan3A_7 = arith.constant 0 : i32
    %scan3A_8 = arith.constant 640 : i32
    %scan3A_9 = arith.addi %scan3A_7, %scan3A_8 : i32
    %scan3A_10 = arith.constant 8 : i32
    scf.for %scan3A_119 = %scan3A_7 to %scan3A_9 step %scan3A_10  : i32 {
      %convert_element_type3A = arith.extui %eq3A_6 : i1 to i32
      %cond3A = arith.constant 0 : i32
      %cond3A_120 = arith.cmpi ne, %convert_element_type3A, %cond3A : i32
      scf.if %cond3A_120 {
        %get3A = arith.index_cast %scan3A_119 : i32 to index
        %get3A_195 = arith.constant 0 : index
        %get3A_196 = tpu.vector_load %arg10[%get3A, %get3A_195] {strides = array<i32>} : memref<640x32xf32, #tpu.memory_space<vmem>>, vector<1x16xf32>,
        %get3A_197 = vector.shape_cast %get3A_196 : vector<1x16xf32> to vector<16xf32>
        %mul3A_198 = arith.constant 2.000000e+00 : f32
        %mul3A_199 = vector.broadcast %mul3A_198 : f32 to vector<16xf32>
        %mul3A_200 = arith.mulf %get3A_197, %mul3A_199 : vector<16xf32>
        %swap3A = arith.index_cast %scan3A_119 : i32 to index
        %swap3A_201 = arith.constant 0 : index
        %swap3A_202 = tpu.vector_load %arg10[%swap3A, %swap3A_201] {strides = array<i32>} : memref<640x32xf32, #tpu.memory_space<vmem>>, vector<1x16xf32>,
        %swap3A_203 = vector.shape_cast %swap3A_202 : vector<1x16xf32> to vector<16xf32>
        %swap3A_204 = vector.shape_cast %mul3A_200 : vector<16xf32> to vector<1x16xf32>
        tpu.vector_store %arg10[%swap3A, %swap3A_201], %swap3A_204 {strides = array<i32>} : memref<640x32xf32, #tpu.memory_space<vmem>>, vector<1x16xf32>,
        %get3A_205 = arith.index_cast %scan3A_119 : i32 to index
        %get3A_206 = arith.constant 16 : index
        %get3A_207 = tpu.vector_load %arg10[%get3A_205, %get3A_206] {strides = array<i32>} : memref<640x32xf32, #tpu.memory_space<vmem>>, vector<1x16xf32>,
        %get3A_208 = vector.shape_cast %get3A_207 : vector<1x16xf32> to vector<16xf32>
        %mul3A_209 = arith.constant 2.000000e+00 : f32
        %mul3A_210 = vector.broadcast %mul3A_209 : f32 to vector<16xf32>
        %mul3A_211 = arith.mulf %get3A_208, %mul3A_210 : vector<16xf32>
        %swap3A_212 = arith.index_cast %scan3A_119 : i32 to index
        %swap3A_213 = arith.constant 16 : index
        %swap3A_214 = tpu.vector_load %arg10[%swap3A_212, %swap3A_213] {strides = array<i32>} : memref<640x32xf32, #tpu.memory_space<vmem>>, vector<1x16xf32>,
        %swap3A_215 = vector.shape_cast %swap3A_214 : vector<1x16xf32> to vector<16xf32>
        %swap3A_216 = vector.shape_cast %mul3A_211 : vector<16xf32> to vector<1x16xf32>
        tpu.vector_store %arg10[%swap3A_212, %swap3A_213], %swap3A_216 {strides = array<i32>} : memref<640x32xf32, #tpu.memory_space<vmem>>, vector<1x16xf32>,
      } else {
      }
      %not3A = arith.constant true
      %not3A_121 = arith.xori %eq3A_6, %not3A : i1
      %convert_element_type3A_122 = arith.extui %not3A_121 : i1 to i32
      %cond3A_123 = arith.constant 0 : i32
      %cond3A_124 = arith.cmpi ne, %convert_element_type3A_122, %cond3A_123 : i32
      scf.if %cond3A_124 {
        %swap3A = arith.index_cast %scan3A_119 : i32 to index
        %swap3A_195 = arith.constant 0 : index
        %swap3A_196 = tpu.vector_load %arg10[%swap3A, %swap3A_195] {strides = array<i32>} : memref<640x32xf32, #tpu.memory_space<vmem>>, vector<1x16xf32>,
        %swap3A_197 = vector.shape_cast %swap3A_196 : vector<1x16xf32> to vector<16xf32>
        %swap3A_198 = vector.shape_cast %broadcast_in_dim3A_5 : vector<16xf32> to vector<1x16xf32>
        tpu.vector_store %arg10[%swap3A, %swap3A_195], %swap3A_198 {strides = array<i32>} : memref<640x32xf32, #tpu.memory_space<vmem>>, vector<1x16xf32>,
        %swap3A_199 = arith.index_cast %scan3A_119 : i32 to index
        %swap3A_200 = arith.constant 16 : index
        %swap3A_201 = tpu.vector_load %arg10[%swap3A_199, %swap3A_200] {strides = array<i32>} : memref<640x32xf32, #tpu.memory_space<vmem>>, vector<1x16xf32>,
        %swap3A_202 = vector.shape_cast %swap3A_201 : vector<1x16xf32> to vector<16xf32>
        %swap3A_203 = vector.shape_cast %broadcast_in_dim3A_5 : vector<16xf32> to vector<1x16xf32>
        tpu.vector_store %arg10[%swap3A_199, %swap3A_200], %swap3A_203 {strides = array<i32>} : memref<640x32xf32, #tpu.memory_space<vmem>>, vector<1x16xf32>,
      } else {
      }
      %scan3A_125 = arith.constant 1 : i32
      %scan3A_126 = arith.addi %scan3A_119, %scan3A_125 : i32
      %convert_element_type3A_127 = arith.extui %eq3A_6 : i1 to i32
      %cond3A_128 = arith.constant 0 : i32
      %cond3A_129 = arith.cmpi ne, %convert_element_type3A_127, %cond3A_128 : i32
      scf.if %cond3A_129 {
        %get3A = arith.index_cast %scan3A_126 : i32 to index
        %get3A_195 = arith.constant 0 : index
        %get3A_196 = tpu.vector_load %arg10[%get3A, %get3A_195] {strides = array<i32>} : memref<640x32xf32, #tpu.memory_space<vmem>>, vector<1x16xf32>,
        %get3A_197 = vector.shape_cast %get3A_196 : vector<1x16xf32> to vector<16xf32>
        %mul3A_198 = arith.constant 2.000000e+00 : f32
        %mul3A_199 = vector.broadcast %mul3A_198 : f32 to vector<16xf32>
        %mul3A_200 = arith.mulf %get3A_197, %mul3A_199 : vector<16xf32>
        %swap3A = arith.index_cast %scan3A_126 : i32 to index
        %swap3A_201 = arith.constant 0 : index
        %swap3A_202 = tpu.vector_load %arg10[%swap3A, %swap3A_201] {strides = array<i32>} : memref<640x32xf32, #tpu.memory_space<vmem>>, vector<1x16xf32>,
        %swap3A_203 = vector.shape_cast %swap3A_202 : vector<1x16xf32> to vector<16xf32>
        %swap3A_204 = vector.shape_cast %mul3A_200 : vector<16xf32> to vector<1x16xf32>
        tpu.vector_store %arg10[%swap3A, %swap3A_201], %swap3A_204 {strides = array<i32>} : memref<640x32xf32, #tpu.memory_space<vmem>>, vector<1x16xf32>,
        %get3A_205 = arith.index_cast %scan3A_126 : i32 to index
        %get3A_206 = arith.constant 16 : index
        %get3A_207 = tpu.vector_load %arg10[%get3A_205, %get3A_206] {strides = array<i32>} : memref<640x32xf32, #tpu.memory_space<vmem>>, vector<1x16xf32>,
        %get3A_208 = vector.shape_cast %get3A_207 : vector<1x16xf32> to vector<16xf32>
        %mul3A_209 = arith.constant 2.000000e+00 : f32
        %mul3A_210 = vector.broadcast %mul3A_209 : f32 to vector<16xf32>
        %mul3A_211 = arith.mulf %get3A_208, %mul3A_210 : vector<16xf32>
        %swap3A_212 = arith.index_cast %scan3A_126 : i32 to index
        %swap3A_213 = arith.constant 16 : index
        %swap3A_214 = tpu.vector_load %arg10[%swap3A_212, %swap3A_213] {strides = array<i32>} : memref<640x32xf32, #tpu.memory_space<vmem>>, vector<1x16xf32>,
        %swap3A_215 = vector.shape_cast %swap3A_214 : vector<1x16xf32> to vector<16xf32>
        %swap3A_216 = vector.shape_cast %mul3A_211 : vector<16xf32> to vector<1x16xf32>
        tpu.vector_store %arg10[%swap3A_212, %swap3A_213], %swap3A_216 {strides = array<i32>} : memref<640x32xf32, #tpu.memory_space<vmem>>, vector<1x16xf32>,
      } else {
      }
      %not3A_130 = arith.constant true
      %not3A_131 = arith.xori %eq3A_6, %not3A_130 : i1
      %convert_element_type3A_132 = arith.extui %not3A_131 : i1 to i32
      %cond3A_133 = arith.constant 0 : i32
      %cond3A_134 = arith.cmpi ne, %convert_element_type3A_132, %cond3A_133 : i32
      scf.if %cond3A_134 {
        %swap3A = arith.index_cast %scan3A_126 : i32 to index
        %swap3A_195 = arith.constant 0 : index
        %swap3A_196 = tpu.vector_load %arg10[%swap3A, %swap3A_195] {strides = array<i32>} : memref<640x32xf32, #tpu.memory_space<vmem>>, vector<1x16xf32>,
        %swap3A_197 = vector.shape_cast %swap3A_196 : vector<1x16xf32> to vector<16xf32>
        %swap3A_198 = vector.shape_cast %broadcast_in_dim3A_5 : vector<16xf32> to vector<1x16xf32>
        tpu.vector_store %arg10[%swap3A, %swap3A_195], %swap3A_198 {strides = array<i32>} : memref<640x32xf32, #tpu.memory_space<vmem>>, vector<1x16xf32>,
        %swap3A_199 = arith.index_cast %scan3A_126 : i32 to index
        %swap3A_200 = arith.constant 16 : index
        %swap3A_201 = tpu.vector_load %arg10[%swap3A_199, %swap3A_200] {strides = array<i32>} : memref<640x32xf32, #tpu.memory_space<vmem>>, vector<1x16xf32>,
        %swap3A_202 = vector.shape_cast %swap3A_201 : vector<1x16xf32> to vector<16xf32>
        %swap3A_203 = vector.shape_cast %broadcast_in_dim3A_5 : vector<16xf32> to vector<1x16xf32>
        tpu.vector_store %arg10[%swap3A_199, %swap3A_200], %swap3A_203 {strides = array<i32>} : memref<640x32xf32, #tpu.memory_space<vmem>>, vector<1x16xf32>,
      } else {
      }
      %scan3A_135 = arith.constant 2 : i32
      %scan3A_136 = arith.addi %scan3A_119, %scan3A_135 : i32
      %convert_element_type3A_137 = arith.extui %eq3A_6 : i1 to i32
      %cond3A_138 = arith.constant 0 : i32
      %cond3A_139 = arith.cmpi ne, %convert_element_type3A_137, %cond3A_138 : i32
      scf.if %cond3A_139 {
        %get3A = arith.index_cast %scan3A_136 : i32 to index
        %get3A_195 = arith.constant 0 : index
        %get3A_196 = tpu.vector_load %arg10[%get3A, %get3A_195] {strides = array<i32>} : memref<640x32xf32, #tpu.memory_space<vmem>>, vector<1x16xf32>,
        %get3A_197 = vector.shape_cast %get3A_196 : vector<1x16xf32> to vector<16xf32>
        %mul3A_198 = arith.constant 2.000000e+00 : f32
        %mul3A_199 = vector.broadcast %mul3A_198 : f32 to vector<16xf32>
        %mul3A_200 = arith.mulf %get3A_197, %mul3A_199 : vector<16xf32>
        %swap3A = arith.index_cast %scan3A_136 : i32 to index
        %swap3A_201 = arith.constant 0 : index
        %swap3A_202 = tpu.vector_load %arg10[%swap3A, %swap3A_201] {strides = array<i32>} : memref<640x32xf32, #tpu.memory_space<vmem>>, vector<1x16xf32>,
        %swap3A_203 = vector.shape_cast %swap3A_202 : vector<1x16xf32> to vector<16xf32>
        %swap3A_204 = vector.shape_cast %mul3A_200 : vector<16xf32> to vector<1x16xf32>
        tpu.vector_store %arg10[%swap3A, %swap3A_201], %swap3A_204 {strides = array<i32>} : memref<640x32xf32, #tpu.memory_space<vmem>>, vector<1x16xf32>,
        %get3A_205 = arith.index_cast %scan3A_136 : i32 to index
        %get3A_206 = arith.constant 16 : index
        %get3A_207 = tpu.vector_load %arg10[%get3A_205, %get3A_206] {strides = array<i32>} : memref<640x32xf32, #tpu.memory_space<vmem>>, vector<1x16xf32>,
        %get3A_208 = vector.shape_cast %get3A_207 : vector<1x16xf32> to vector<16xf32>
        %mul3A_209 = arith.constant 2.000000e+00 : f32
        %mul3A_210 = vector.broadcast %mul3A_209 : f32 to vector<16xf32>
        %mul3A_211 = arith.mulf %get3A_208, %mul3A_210 : vector<16xf32>
        %swap3A_212 = arith.index_cast %scan3A_136 : i32 to index
        %swap3A_213 = arith.constant 16 : index
        %swap3A_214 = tpu.vector_load %arg10[%swap3A_212, %swap3A_213] {strides = array<i32>} : memref<640x32xf32, #tpu.memory_space<vmem>>, vector<1x16xf32>,
        %swap3A_215 = vector.shape_cast %swap3A_214 : vector<1x16xf32> to vector<16xf32>
        %swap3A_216 = vector.shape_cast %mul3A_211 : vector<16xf32> to vector<1x16xf32>
        tpu.vector_store %arg10[%swap3A_212, %swap3A_213], %swap3A_216 {strides = array<i32>} : memref<640x32xf32, #tpu.memory_space<vmem>>, vector<1x16xf32>,
      } else {
      }
      %not3A_140 = arith.constant true
      %not3A_141 = arith.xori %eq3A_6, %not3A_140 : i1
      %convert_element_type3A_142 = arith.extui %not3A_141 : i1 to i32
      %cond3A_143 = arith.constant 0 : i32
      %cond3A_144 = arith.cmpi ne, %convert_element_type3A_142, %cond3A_143 : i32
      scf.if %cond3A_144 {
        %swap3A = arith.index_cast %scan3A_136 : i32 to index
        %swap3A_195 = arith.constant 0 : index
        %swap3A_196 = tpu.vector_load %arg10[%swap3A, %swap3A_195] {strides = array<i32>} : memref<640x32xf32, #tpu.memory_space<vmem>>, vector<1x16xf32>,
        %swap3A_197 = vector.shape_cast %swap3A_196 : vector<1x16xf32> to vector<16xf32>
        %swap3A_198 = vector.shape_cast %broadcast_in_dim3A_5 : vector<16xf32> to vector<1x16xf32>
        tpu.vector_store %arg10[%swap3A, %swap3A_195], %swap3A_198 {strides = array<i32>} : memref<640x32xf32, #tpu.memory_space<vmem>>, vector<1x16xf32>,
        %swap3A_199 = arith.index_cast %scan3A_136 : i32 to index
        %swap3A_200 = arith.constant 16 : index
        %swap3A_201 = tpu.vector_load %arg10[%swap3A_199, %swap3A_200] {strides = array<i32>} : memref<640x32xf32, #tpu.memory_space<vmem>>, vector<1x16xf32>,
        %swap3A_202 = vector.shape_cast %swap3A_201 : vector<1x16xf32> to vector<16xf32>
        %swap3A_203 = vector.shape_cast %broadcast_in_dim3A_5 : vector<16xf32> to vector<1x16xf32>
        tpu.vector_store %arg10[%swap3A_199, %swap3A_200], %swap3A_203 {strides = array<i32>} : memref<640x32xf32, #tpu.memory_space<vmem>>, vector<1x16xf32>,
      } else {
      }
      %scan3A_145 = arith.constant 3 : i32
      %scan3A_146 = arith.addi %scan3A_119, %scan3A_145 : i32
      %convert_element_type3A_147 = arith.extui %eq3A_6 : i1 to i32
      %cond3A_148 = arith.constant 0 : i32
      %cond3A_149 = arith.cmpi ne, %convert_element_type3A_147, %cond3A_148 : i32
      scf.if %cond3A_149 {
        %get3A = arith.index_cast %scan3A_146 : i32 to index
        %get3A_195 = arith.constant 0 : index
        %get3A_196 = tpu.vector_load %arg10[%get3A, %get3A_195] {strides = array<i32>} : memref<640x32xf32, #tpu.memory_space<vmem>>, vector<1x16xf32>,
        %get3A_197 = vector.shape_cast %get3A_196 : vector<1x16xf32> to vector<16xf32>
        %mul3A_198 = arith.constant 2.000000e+00 : f32
        %mul3A_199 = vector.broadcast %mul3A_198 : f32 to vector<16xf32>
        %mul3A_200 = arith.mulf %get3A_197, %mul3A_199 : vector<16xf32>
        %swap3A = arith.index_cast %scan3A_146 : i32 to index
        %swap3A_201 = arith.constant 0 : index
        %swap3A_202 = tpu.vector_load %arg10[%swap3A, %swap3A_201] {strides = array<i32>} : memref<640x32xf32, #tpu.memory_space<vmem>>, vector<1x16xf32>,
        %swap3A_203 = vector.shape_cast %swap3A_202 : vector<1x16xf32> to vector<16xf32>
        %swap3A_204 = vector.shape_cast %mul3A_200 : vector<16xf32> to vector<1x16xf32>
        tpu.vector_store %arg10[%swap3A, %swap3A_201], %swap3A_204 {strides = array<i32>} : memref<640x32xf32, #tpu.memory_space<vmem>>, vector<1x16xf32>,
        %get3A_205 = arith.index_cast %scan3A_146 : i32 to index
        %get3A_206 = arith.constant 16 : index
        %get3A_207 = tpu.vector_load %arg10[%get3A_205, %get3A_206] {strides = array<i32>} : memref<640x32xf32, #tpu.memory_space<vmem>>, vector<1x16xf32>,
        %get3A_208 = vector.shape_cast %get3A_207 : vector<1x16xf32> to vector<16xf32>
        %mul3A_209 = arith.constant 2.000000e+00 : f32
        %mul3A_210 = vector.broadcast %mul3A_209 : f32 to vector<16xf32>
        %mul3A_211 = arith.mulf %get3A_208, %mul3A_210 : vector<16xf32>
        %swap3A_212 = arith.index_cast %scan3A_146 : i32 to index
        %swap3A_213 = arith.constant 16 : index
        %swap3A_214 = tpu.vector_load %arg10[%swap3A_212, %swap3A_213] {strides = array<i32>} : memref<640x32xf32, #tpu.memory_space<vmem>>, vector<1x16xf32>,
        %swap3A_215 = vector.shape_cast %swap3A_214 : vector<1x16xf32> to vector<16xf32>
        %swap3A_216 = vector.shape_cast %mul3A_211 : vector<16xf32> to vector<1x16xf32>
        tpu.vector_store %arg10[%swap3A_212, %swap3A_213], %swap3A_216 {strides = array<i32>} : memref<640x32xf32, #tpu.memory_space<vmem>>, vector<1x16xf32>,
      } else {
      }
      %not3A_150 = arith.constant true
      %not3A_151 = arith.xori %eq3A_6, %not3A_150 : i1
      %convert_element_type3A_152 = arith.extui %not3A_151 : i1 to i32
      %cond3A_153 = arith.constant 0 : i32
      %cond3A_154 = arith.cmpi ne, %convert_element_type3A_152, %cond3A_153 : i32
      scf.if %cond3A_154 {
        %swap3A = arith.index_cast %scan3A_146 : i32 to index
        %swap3A_195 = arith.constant 0 : index
        %swap3A_196 = tpu.vector_load %arg10[%swap3A, %swap3A_195] {strides = array<i32>} : memref<640x32xf32, #tpu.memory_space<vmem>>, vector<1x16xf32>,
        %swap3A_197 = vector.shape_cast %swap3A_196 : vector<1x16xf32> to vector<16xf32>
        %swap3A_198 = vector.shape_cast %broadcast_in_dim3A_5 : vector<16xf32> to vector<1x16xf32>
        tpu.vector_store %arg10[%swap3A, %swap3A_195], %swap3A_198 {strides = array<i32>} : memref<640x32xf32, #tpu.memory_space<vmem>>, vector<1x16xf32>,
        %swap3A_199 = arith.index_cast %scan3A_146 : i32 to index
        %swap3A_200 = arith.constant 16 : index
        %swap3A_201 = tpu.vector_load %arg10[%swap3A_199, %swap3A_200] {strides = array<i32>} : memref<640x32xf32, #tpu.memory_space<vmem>>, vector<1x16xf32>,
        %swap3A_202 = vector.shape_cast %swap3A_201 : vector<1x16xf32> to vector<16xf32>
        %swap3A_203 = vector.shape_cast %broadcast_in_dim3A_5 : vector<16xf32> to vector<1x16xf32>
        tpu.vector_store %arg10[%swap3A_199, %swap3A_200], %swap3A_203 {strides = array<i32>} : memref<640x32xf32, #tpu.memory_space<vmem>>, vector<1x16xf32>,
      } else {
      }
      %scan3A_155 = arith.constant 4 : i32
      %scan3A_156 = arith.addi %scan3A_119, %scan3A_155 : i32
      %convert_element_type3A_157 = arith.extui %eq3A_6 : i1 to i32
      %cond3A_158 = arith.constant 0 : i32
      %cond3A_159 = arith.cmpi ne, %convert_element_type3A_157, %cond3A_158 : i32
      scf.if %cond3A_159 {
        %get3A = arith.index_cast %scan3A_156 : i32 to index
        %get3A_195 = arith.constant 0 : index
        %get3A_196 = tpu.vector_load %arg10[%get3A, %get3A_195] {strides = array<i32>} : memref<640x32xf32, #tpu.memory_space<vmem>>, vector<1x16xf32>,
        %get3A_197 = vector.shape_cast %get3A_196 : vector<1x16xf32> to vector<16xf32>
        %mul3A_198 = arith.constant 2.000000e+00 : f32
        %mul3A_199 = vector.broadcast %mul3A_198 : f32 to vector<16xf32>
        %mul3A_200 = arith.mulf %get3A_197, %mul3A_199 : vector<16xf32>
        %swap3A = arith.index_cast %scan3A_156 : i32 to index
        %swap3A_201 = arith.constant 0 : index
        %swap3A_202 = tpu.vector_load %arg10[%swap3A, %swap3A_201] {strides = array<i32>} : memref<640x32xf32, #tpu.memory_space<vmem>>, vector<1x16xf32>,
        %swap3A_203 = vector.shape_cast %swap3A_202 : vector<1x16xf32> to vector<16xf32>
        %swap3A_204 = vector.shape_cast %mul3A_200 : vector<16xf32> to vector<1x16xf32>
        tpu.vector_store %arg10[%swap3A, %swap3A_201], %swap3A_204 {strides = array<i32>} : memref<640x32xf32, #tpu.memory_space<vmem>>, vector<1x16xf32>,
        %get3A_205 = arith.index_cast %scan3A_156 : i32 to index
        %get3A_206 = arith.constant 16 : index
        %get3A_207 = tpu.vector_load %arg10[%get3A_205, %get3A_206] {strides = array<i32>} : memref<640x32xf32, #tpu.memory_space<vmem>>, vector<1x16xf32>,
        %get3A_208 = vector.shape_cast %get3A_207 : vector<1x16xf32> to vector<16xf32>
        %mul3A_209 = arith.constant 2.000000e+00 : f32
        %mul3A_210 = vector.broadcast %mul3A_209 : f32 to vector<16xf32>
        %mul3A_211 = arith.mulf %get3A_208, %mul3A_210 : vector<16xf32>
        %swap3A_212 = arith.index_cast %scan3A_156 : i32 to index
        %swap3A_213 = arith.constant 16 : index
        %swap3A_214 = tpu.vector_load %arg10[%swap3A_212, %swap3A_213] {strides = array<i32>} : memref<640x32xf32, #tpu.memory_space<vmem>>, vector<1x16xf32>,
        %swap3A_215 = vector.shape_cast %swap3A_214 : vector<1x16xf32> to vector<16xf32>
        %swap3A_216 = vector.shape_cast %mul3A_211 : vector<16xf32> to vector<1x16xf32>
        tpu.vector_store %arg10[%swap3A_212, %swap3A_213], %swap3A_216 {strides = array<i32>} : memref<640x32xf32, #tpu.memory_space<vmem>>, vector<1x16xf32>,
      } else {
      }
      %not3A_160 = arith.constant true
      %not3A_161 = arith.xori %eq3A_6, %not3A_160 : i1
      %convert_element_type3A_162 = arith.extui %not3A_161 : i1 to i32
      %cond3A_163 = arith.constant 0 : i32
      %cond3A_164 = arith.cmpi ne, %convert_element_type3A_162, %cond3A_163 : i32
      scf.if %cond3A_164 {
        %swap3A = arith.index_cast %scan3A_156 : i32 to index
        %swap3A_195 = arith.constant 0 : index
        %swap3A_196 = tpu.vector_load %arg10[%swap3A, %swap3A_195] {strides = array<i32>} : memref<640x32xf32, #tpu.memory_space<vmem>>, vector<1x16xf32>,
        %swap3A_197 = vector.shape_cast %swap3A_196 : vector<1x16xf32> to vector<16xf32>
        %swap3A_198 = vector.shape_cast %broadcast_in_dim3A_5 : vector<16xf32> to vector<1x16xf32>
        tpu.vector_store %arg10[%swap3A, %swap3A_195], %swap3A_198 {strides = array<i32>} : memref<640x32xf32, #tpu.memory_space<vmem>>, vector<1x16xf32>,
        %swap3A_199 = arith.index_cast %scan3A_156 : i32 to index
        %swap3A_200 = arith.constant 16 : index
        %swap3A_201 = tpu.vector_load %arg10[%swap3A_199, %swap3A_200] {strides = array<i32>} : memref<640x32xf32, #tpu.memory_space<vmem>>, vector<1x16xf32>,
        %swap3A_202 = vector.shape_cast %swap3A_201 : vector<1x16xf32> to vector<16xf32>
        %swap3A_203 = vector.shape_cast %broadcast_in_dim3A_5 : vector<16xf32> to vector<1x16xf32>
        tpu.vector_store %arg10[%swap3A_199, %swap3A_200], %swap3A_203 {strides = array<i32>} : memref<640x32xf32, #tpu.memory_space<vmem>>, vector<1x16xf32>,
      } else {
      }
      %scan3A_165 = arith.constant 5 : i32
      %scan3A_166 = arith.addi %scan3A_119, %scan3A_165 : i32
      %convert_element_type3A_167 = arith.extui %eq3A_6 : i1 to i32
      %cond3A_168 = arith.constant 0 : i32
      %cond3A_169 = arith.cmpi ne, %convert_element_type3A_167, %cond3A_168 : i32
      scf.if %cond3A_169 {
        %get3A = arith.index_cast %scan3A_166 : i32 to index
        %get3A_195 = arith.constant 0 : index
        %get3A_196 = tpu.vector_load %arg10[%get3A, %get3A_195] {strides = array<i32>} : memref<640x32xf32, #tpu.memory_space<vmem>>, vector<1x16xf32>,
        %get3A_197 = vector.shape_cast %get3A_196 : vector<1x16xf32> to vector<16xf32>
        %mul3A_198 = arith.constant 2.000000e+00 : f32
        %mul3A_199 = vector.broadcast %mul3A_198 : f32 to vector<16xf32>
        %mul3A_200 = arith.mulf %get3A_197, %mul3A_199 : vector<16xf32>
        %swap3A = arith.index_cast %scan3A_166 : i32 to index
        %swap3A_201 = arith.constant 0 : index
        %swap3A_202 = tpu.vector_load %arg10[%swap3A, %swap3A_201] {strides = array<i32>} : memref<640x32xf32, #tpu.memory_space<vmem>>, vector<1x16xf32>,
        %swap3A_203 = vector.shape_cast %swap3A_202 : vector<1x16xf32> to vector<16xf32>
        %swap3A_204 = vector.shape_cast %mul3A_200 : vector<16xf32> to vector<1x16xf32>
        tpu.vector_store %arg10[%swap3A, %swap3A_201], %swap3A_204 {strides = array<i32>} : memref<640x32xf32, #tpu.memory_space<vmem>>, vector<1x16xf32>,
        %get3A_205 = arith.index_cast %scan3A_166 : i32 to index
        %get3A_206 = arith.constant 16 : index
        %get3A_207 = tpu.vector_load %arg10[%get3A_205, %get3A_206] {strides = array<i32>} : memref<640x32xf32, #tpu.memory_space<vmem>>, vector<1x16xf32>,
        %get3A_208 = vector.shape_cast %get3A_207 : vector<1x16xf32> to vector<16xf32>
        %mul3A_209 = arith.constant 2.000000e+00 : f32
        %mul3A_210 = vector.broadcast %mul3A_209 : f32 to vector<16xf32>
        %mul3A_211 = arith.mulf %get3A_208, %mul3A_210 : vector<16xf32>
        %swap3A_212 = arith.index_cast %scan3A_166 : i32 to index
        %swap3A_213 = arith.constant 16 : index
        %swap3A_214 = tpu.vector_load %arg10[%swap3A_212, %swap3A_213] {strides = array<i32>} : memref<640x32xf32, #tpu.memory_space<vmem>>, vector<1x16xf32>,
        %swap3A_215 = vector.shape_cast %swap3A_214 : vector<1x16xf32> to vector<16xf32>
        %swap3A_216 = vector.shape_cast %mul3A_211 : vector<16xf32> to vector<1x16xf32>
        tpu.vector_store %arg10[%swap3A_212, %swap3A_213], %swap3A_216 {strides = array<i32>} : memref<640x32xf32, #tpu.memory_space<vmem>>, vector<1x16xf32>,
      } else {
      }
      %not3A_170 = arith.constant true
      %not3A_171 = arith.xori %eq3A_6, %not3A_170 : i1
      %convert_element_type3A_172 = arith.extui %not3A_171 : i1 to i32
      %cond3A_173 = arith.constant 0 : i32
      %cond3A_174 = arith.cmpi ne, %convert_element_type3A_172, %cond3A_173 : i32
      scf.if %cond3A_174 {
        %swap3A = arith.index_cast %scan3A_166 : i32 to index
        %swap3A_195 = arith.constant 0 : index
        %swap3A_196 = tpu.vector_load %arg10[%swap3A, %swap3A_195] {strides = array<i32>} : memref<640x32xf32, #tpu.memory_space<vmem>>, vector<1x16xf32>,
        %swap3A_197 = vector.shape_cast %swap3A_196 : vector<1x16xf32> to vector<16xf32>
        %swap3A_198 = vector.shape_cast %broadcast_in_dim3A_5 : vector<16xf32> to vector<1x16xf32>
        tpu.vector_store %arg10[%swap3A, %swap3A_195], %swap3A_198 {strides = array<i32>} : memref<640x32xf32, #tpu.memory_space<vmem>>, vector<1x16xf32>,
        %swap3A_199 = arith.index_cast %scan3A_166 : i32 to index
        %swap3A_200 = arith.constant 16 : index
        %swap3A_201 = tpu.vector_load %arg10[%swap3A_199, %swap3A_200] {strides = array<i32>} : memref<640x32xf32, #tpu.memory_space<vmem>>, vector<1x16xf32>,
        %swap3A_202 = vector.shape_cast %swap3A_201 : vector<1x16xf32> to vector<16xf32>
        %swap3A_203 = vector.shape_cast %broadcast_in_dim3A_5 : vector<16xf32> to vector<1x16xf32>
        tpu.vector_store %arg10[%swap3A_199, %swap3A_200], %swap3A_203 {strides = array<i32>} : memref<640x32xf32, #tpu.memory_space<vmem>>, vector<1x16xf32>,
      } else {
      }
      %scan3A_175 = arith.constant 6 : i32
      %scan3A_176 = arith.addi %scan3A_119, %scan3A_175 : i32
      %convert_element_type3A_177 = arith.extui %eq3A_6 : i1 to i32
      %cond3A_178 = arith.constant 0 : i32
      %cond3A_179 = arith.cmpi ne, %convert_element_type3A_177, %cond3A_178 : i32
      scf.if %cond3A_179 {
        %get3A = arith.index_cast %scan3A_176 : i32 to index
        %get3A_195 = arith.constant 0 : index
        %get3A_196 = tpu.vector_load %arg10[%get3A, %get3A_195] {strides = array<i32>} : memref<640x32xf32, #tpu.memory_space<vmem>>, vector<1x16xf32>,
        %get3A_197 = vector.shape_cast %get3A_196 : vector<1x16xf32> to vector<16xf32>
        %mul3A_198 = arith.constant 2.000000e+00 : f32
        %mul3A_199 = vector.broadcast %mul3A_198 : f32 to vector<16xf32>
        %mul3A_200 = arith.mulf %get3A_197, %mul3A_199 : vector<16xf32>
        %swap3A = arith.index_cast %scan3A_176 : i32 to index
        %swap3A_201 = arith.constant 0 : index
        %swap3A_202 = tpu.vector_load %arg10[%swap3A, %swap3A_201] {strides = array<i32>} : memref<640x32xf32, #tpu.memory_space<vmem>>, vector<1x16xf32>,
        %swap3A_203 = vector.shape_cast %swap3A_202 : vector<1x16xf32> to vector<16xf32>
        %swap3A_204 = vector.shape_cast %mul3A_200 : vector<16xf32> to vector<1x16xf32>
        tpu.vector_store %arg10[%swap3A, %swap3A_201], %swap3A_204 {strides = array<i32>} : memref<640x32xf32, #tpu.memory_space<vmem>>, vector<1x16xf32>,
        %get3A_205 = arith.index_cast %scan3A_176 : i32 to index
        %get3A_206 = arith.constant 16 : index
        %get3A_207 = tpu.vector_load %arg10[%get3A_205, %get3A_206] {strides = array<i32>} : memref<640x32xf32, #tpu.memory_space<vmem>>, vector<1x16xf32>,
        %get3A_208 = vector.shape_cast %get3A_207 : vector<1x16xf32> to vector<16xf32>
        %mul3A_209 = arith.constant 2.000000e+00 : f32
        %mul3A_210 = vector.broadcast %mul3A_209 : f32 to vector<16xf32>
        %mul3A_211 = arith.mulf %get3A_208, %mul3A_210 : vector<16xf32>
        %swap3A_212 = arith.index_cast %scan3A_176 : i32 to index
        %swap3A_213 = arith.constant 16 : index
        %swap3A_214 = tpu.vector_load %arg10[%swap3A_212, %swap3A_213] {strides = array<i32>} : memref<640x32xf32, #tpu.memory_space<vmem>>, vector<1x16xf32>,
        %swap3A_215 = vector.shape_cast %swap3A_214 : vector<1x16xf32> to vector<16xf32>
        %swap3A_216 = vector.shape_cast %mul3A_211 : vector<16xf32> to vector<1x16xf32>
        tpu.vector_store %arg10[%swap3A_212, %swap3A_213], %swap3A_216 {strides = array<i32>} : memref<640x32xf32, #tpu.memory_space<vmem>>, vector<1x16xf32>,
      } else {
      }
      %not3A_180 = arith.constant true
      %not3A_181 = arith.xori %eq3A_6, %not3A_180 : i1
      %convert_element_type3A_182 = arith.extui %not3A_181 : i1 to i32
      %cond3A_183 = arith.constant 0 : i32
      %cond3A_184 = arith.cmpi ne, %convert_element_type3A_182, %cond3A_183 : i32
      scf.if %cond3A_184 {
        %swap3A = arith.index_cast %scan3A_176 : i32 to index
        %swap3A_195 = arith.constant 0 : index
        %swap3A_196 = tpu.vector_load %arg10[%swap3A, %swap3A_195] {strides = array<i32>} : memref<640x32xf32, #tpu.memory_space<vmem>>, vector<1x16xf32>,
        %swap3A_197 = vector.shape_cast %swap3A_196 : vector<1x16xf32> to vector<16xf32>
        %swap3A_198 = vector.shape_cast %broadcast_in_dim3A_5 : vector<16xf32> to vector<1x16xf32>
        tpu.vector_store %arg10[%swap3A, %swap3A_195], %swap3A_198 {strides = array<i32>} : memref<640x32xf32, #tpu.memory_space<vmem>>, vector<1x16xf32>,
        %swap3A_199 = arith.index_cast %scan3A_176 : i32 to index
        %swap3A_200 = arith.constant 16 : index
        %swap3A_201 = tpu.vector_load %arg10[%swap3A_199, %swap3A_200] {strides = array<i32>} : memref<640x32xf32, #tpu.memory_space<vmem>>, vector<1x16xf32>,
        %swap3A_202 = vector.shape_cast %swap3A_201 : vector<1x16xf32> to vector<16xf32>
        %swap3A_203 = vector.shape_cast %broadcast_in_dim3A_5 : vector<16xf32> to vector<1x16xf32>
        tpu.vector_store %arg10[%swap3A_199, %swap3A_200], %swap3A_203 {strides = array<i32>} : memref<640x32xf32, #tpu.memory_space<vmem>>, vector<1x16xf32>,
      } else {
      }
      %scan3A_185 = arith.constant 7 : i32
      %scan3A_186 = arith.addi %scan3A_119, %scan3A_185 : i32
      %convert_element_type3A_187 = arith.extui %eq3A_6 : i1 to i32
      %cond3A_188 = arith.constant 0 : i32
      %cond3A_189 = arith.cmpi ne, %convert_element_type3A_187, %cond3A_188 : i32
      scf.if %cond3A_189 {
        %get3A = arith.index_cast %scan3A_186 : i32 to index
        %get3A_195 = arith.constant 0 : index
        %get3A_196 = tpu.vector_load %arg10[%get3A, %get3A_195] {strides = array<i32>} : memref<640x32xf32, #tpu.memory_space<vmem>>, vector<1x16xf32>,
        %get3A_197 = vector.shape_cast %get3A_196 : vector<1x16xf32> to vector<16xf32>
        %mul3A_198 = arith.constant 2.000000e+00 : f32
        %mul3A_199 = vector.broadcast %mul3A_198 : f32 to vector<16xf32>
        %mul3A_200 = arith.mulf %get3A_197, %mul3A_199 : vector<16xf32>
        %swap3A = arith.index_cast %scan3A_186 : i32 to index
        %swap3A_201 = arith.constant 0 : index
        %swap3A_202 = tpu.vector_load %arg10[%swap3A, %swap3A_201] {strides = array<i32>} : memref<640x32xf32, #tpu.memory_space<vmem>>, vector<1x16xf32>,
        %swap3A_203 = vector.shape_cast %swap3A_202 : vector<1x16xf32> to vector<16xf32>
        %swap3A_204 = vector.shape_cast %mul3A_200 : vector<16xf32> to vector<1x16xf32>
        tpu.vector_store %arg10[%swap3A, %swap3A_201], %swap3A_204 {strides = array<i32>} : memref<640x32xf32, #tpu.memory_space<vmem>>, vector<1x16xf32>,
        %get3A_205 = arith.index_cast %scan3A_186 : i32 to index
        %get3A_206 = arith.constant 16 : index
        %get3A_207 = tpu.vector_load %arg10[%get3A_205, %get3A_206] {strides = array<i32>} : memref<640x32xf32, #tpu.memory_space<vmem>>, vector<1x16xf32>,
        %get3A_208 = vector.shape_cast %get3A_207 : vector<1x16xf32> to vector<16xf32>
        %mul3A_209 = arith.constant 2.000000e+00 : f32
        %mul3A_210 = vector.broadcast %mul3A_209 : f32 to vector<16xf32>
        %mul3A_211 = arith.mulf %get3A_208, %mul3A_210 : vector<16xf32>
        %swap3A_212 = arith.index_cast %scan3A_186 : i32 to index
        %swap3A_213 = arith.constant 16 : index
        %swap3A_214 = tpu.vector_load %arg10[%swap3A_212, %swap3A_213] {strides = array<i32>} : memref<640x32xf32, #tpu.memory_space<vmem>>, vector<1x16xf32>,
        %swap3A_215 = vector.shape_cast %swap3A_214 : vector<1x16xf32> to vector<16xf32>
        %swap3A_216 = vector.shape_cast %mul3A_211 : vector<16xf32> to vector<1x16xf32>
        tpu.vector_store %arg10[%swap3A_212, %swap3A_213], %swap3A_216 {strides = array<i32>} : memref<640x32xf32, #tpu.memory_space<vmem>>, vector<1x16xf32>,
      } else {
      }
      %not3A_190 = arith.constant true
      %not3A_191 = arith.xori %eq3A_6, %not3A_190 : i1
      %convert_element_type3A_192 = arith.extui %not3A_191 : i1 to i32
      %cond3A_193 = arith.constant 0 : i32
      %cond3A_194 = arith.cmpi ne, %convert_element_type3A_192, %cond3A_193 : i32
      scf.if %cond3A_194 {
        %swap3A = arith.index_cast %scan3A_186 : i32 to index
        %swap3A_195 = arith.constant 0 : index
        %swap3A_196 = tpu.vector_load %arg10[%swap3A, %swap3A_195] {strides = array<i32>} : memref<640x32xf32, #tpu.memory_space<vmem>>, vector<1x16xf32>,
        %swap3A_197 = vector.shape_cast %swap3A_196 : vector<1x16xf32> to vector<16xf32>
        %swap3A_198 = vector.shape_cast %broadcast_in_dim3A_5 : vector<16xf32> to vector<1x16xf32>
        tpu.vector_store %arg10[%swap3A, %swap3A_195], %swap3A_198 {strides = array<i32>} : memref<640x32xf32, #tpu.memory_space<vmem>>, vector<1x16xf32>,
        %swap3A_199 = arith.index_cast %scan3A_186 : i32 to index
        %swap3A_200 = arith.constant 16 : index
        %swap3A_201 = tpu.vector_load %arg10[%swap3A_199, %swap3A_200] {strides = array<i32>} : memref<640x32xf32, #tpu.memory_space<vmem>>, vector<1x16xf32>,
        %swap3A_202 = vector.shape_cast %swap3A_201 : vector<1x16xf32> to vector<16xf32>
        %swap3A_203 = vector.shape_cast %broadcast_in_dim3A_5 : vector<16xf32> to vector<1x16xf32>
        tpu.vector_store %arg10[%swap3A_199, %swap3A_200], %swap3A_203 {strides = array<i32>} : memref<640x32xf32, #tpu.memory_space<vmem>>, vector<1x16xf32>,
      } else {
      }
    }
    %scan3A_11 = arith.constant 640 : i32
    %mul3A_12 = arith.constant 640 : i32
    %mul3A_13 = arith.muli %arg1, %mul3A_12 : i32
    "tpu.region"() ({
      %run_scoped3A = tpu.sem_alloc : memref<!tpu.dma_semaphore, #tpu.memory_space<semaphore_mem>>
      %dma_start3A_119 = arith.constant 0 : i32
      %dma_start3A_120 = tpu.memref_slice %arg12[%mul3A_13, %dma_start3A_119] : memref<10240x32xf32, #tpu.memory_space<vmem_shared>> -> memref<640x32xf32, #tpu.memory_space<vmem_shared>>
      %dma_start3A_121 = arith.constant 0 : i32
      %dma_start3A_122 = tpu.memref_slice %arg12[%mul3A_13, %dma_start3A_121] : memref<10240x32xf32, #tpu.memory_space<vmem_shared>> -> memref<640x32xf32, #tpu.memory_space<vmem_shared>>
      tpu.enqueue_dma source(%arg10 : memref<640x32xf32, #tpu.memory_space<vmem>>) target(%dma_start3A_122 : memref<640x32xf32, #tpu.memory_space<vmem_shared>>) target_semaphore(%run_scoped3A : memref<!tpu.dma_semaphore, #tpu.memory_space<semaphore_mem>>)
      %dma_wait3A_123 = arith.constant 0 : i32
      %dma_wait3A_124 = tpu.memref_slice %arg12[%mul3A_13, %dma_wait3A_123] : memref<10240x32xf32, #tpu.memory_space<vmem_shared>> -> memref<640x32xf32, #tpu.memory_space<vmem_shared>>
      %dma_wait3A_125 = arith.constant 0 : i32
      %dma_wait3A_126 = tpu.memref_slice %arg12[%mul3A_13, %dma_wait3A_125] : memref<10240x32xf32, #tpu.memory_space<vmem_shared>> -> memref<640x32xf32, #tpu.memory_space<vmem_shared>>
      tpu.wait_dma2 semaphore(%run_scoped3A : memref<!tpu.dma_semaphore, #tpu.memory_space<semaphore_mem>>) src(%arg10 : memref<640x32xf32, #tpu.memory_space<vmem>>) dst(%dma_wait3A_126 : memref<640x32xf32, #tpu.memory_space<vmem_shared>>)
      tpu.yield
    }) : () -> ()
    %barrier3A = arith.constant 0 : index
    tpu.barrier barrier_id(%barrier3A)
    %dma_start3A = arith.constant 0 : i32
    %dma_start3A_14 = arith.constant 0 : i32
    %dma_start3A_15 = arith.constant 0 : i32
    %dma_start3A_16 = arith.constant 0 : i32
    %dma_start3A_17 = tpu.memref_slice %arg8[%dma_start3A_14, %dma_start3A_15, %dma_start3A_16] : memref<2x128x32xf32, #tpu.memory_space<vmem>> -> memref<1x128x32xf32, #tpu.memory_space<vmem>>
    %dma_start3A_18 = tpu.memref_squeeze %dma_start3A_17 : memref<1x128x32xf32, #tpu.memory_space<vmem>> -> memref<128x32xf32, #tpu.memory_space<vmem>>
    %dma_start3A_19 = arith.constant 0 : i32
    %dma_start3A_20 = tpu.memref_slice %arg6[%dma_start3A, %dma_start3A_19] : memref<84x128xi32, #tpu.memory_space<vmem>> -> memref<1x128xi32, #tpu.memory_space<vmem>>
    %dma_start3A_21 = tpu.memref_squeeze %dma_start3A_20 : memref<1x128xi32, #tpu.memory_space<vmem>> -> memref<128xi32, #tpu.memory_space<vmem>>
    %dma_start3A_22 = arith.constant 0 : i32
    %dma_start3A_23 = arith.constant 0 : i32
    %dma_start3A_24 = tpu.memref_slice %arg11[%dma_start3A_22, %dma_start3A_23] : memref<10240x32xf32, #tpu.memory_space<vmem_shared>> -> memref<10240x32xf32, #tpu.memory_space<vmem_shared>>
    tpu.enqueue_indirect_dma source(%dma_start3A_24 : memref<10240x32xf32, #tpu.memory_space<vmem_shared>>) target(%dma_start3A_18 : memref<128x32xf32, #tpu.memory_space<vmem>>) offsets(%dma_start3A_21 : memref<128xi32, #tpu.memory_space<vmem>>) semaphore(%arg13 : memref<!tpu.dma_semaphore, #tpu.memory_space<semaphore_mem>>)
    %dma_start3A_25 = arith.constant 1 : i32
    %dma_start3A_26 = arith.constant 1 : i32
    %dma_start3A_27 = arith.constant 0 : i32
    %dma_start3A_28 = arith.constant 0 : i32
    %dma_start3A_29 = tpu.memref_slice %arg8[%dma_start3A_26, %dma_start3A_27, %dma_start3A_28] : memref<2x128x32xf32, #tpu.memory_space<vmem>> -> memref<1x128x32xf32, #tpu.memory_space<vmem>>
    %dma_start3A_30 = tpu.memref_squeeze %dma_start3A_29 : memref<1x128x32xf32, #tpu.memory_space<vmem>> -> memref<128x32xf32, #tpu.memory_space<vmem>>
    %dma_start3A_31 = arith.constant 0 : i32
    %dma_start3A_32 = tpu.memref_slice %arg6[%dma_start3A_25, %dma_start3A_31] : memref<84x128xi32, #tpu.memory_space<vmem>> -> memref<1x128xi32, #tpu.memory_space<vmem>>
    %dma_start3A_33 = tpu.memref_squeeze %dma_start3A_32 : memref<1x128xi32, #tpu.memory_space<vmem>> -> memref<128xi32, #tpu.memory_space<vmem>>
    %dma_start3A_34 = arith.constant 0 : i32
    %dma_start3A_35 = arith.constant 0 : i32
    %dma_start3A_36 = tpu.memref_slice %arg11[%dma_start3A_34, %dma_start3A_35] : memref<10240x32xf32, #tpu.memory_space<vmem_shared>> -> memref<10240x32xf32, #tpu.memory_space<vmem_shared>>
    tpu.enqueue_indirect_dma source(%dma_start3A_36 : memref<10240x32xf32, #tpu.memory_space<vmem_shared>>) target(%dma_start3A_30 : memref<128x32xf32, #tpu.memory_space<vmem>>) offsets(%dma_start3A_33 : memref<128xi32, #tpu.memory_space<vmem>>) semaphore(%arg13 : memref<!tpu.dma_semaphore, #tpu.memory_space<semaphore_mem>>)
    %dma_start3A_37 = arith.constant 2 : i32
    %dma_start3A_38 = arith.constant 0 : i32
    %dma_start3A_39 = arith.constant 0 : i32
    %dma_start3A_40 = arith.constant 0 : i32
    %dma_start3A_41 = tpu.memref_slice %arg9[%dma_start3A_38, %dma_start3A_39, %dma_start3A_40] : memref<2x128x32xf32, #tpu.memory_space<vmem>> -> memref<1x128x32xf32, #tpu.memory_space<vmem>>
    %dma_start3A_42 = tpu.memref_squeeze %dma_start3A_41 : memref<1x128x32xf32, #tpu.memory_space<vmem>> -> memref<128x32xf32, #tpu.memory_space<vmem>>
    %dma_start3A_43 = arith.constant 0 : i32
    %dma_start3A_44 = tpu.memref_slice %arg6[%dma_start3A_37, %dma_start3A_43] : memref<84x128xi32, #tpu.memory_space<vmem>> -> memref<1x128xi32, #tpu.memory_space<vmem>>
    %dma_start3A_45 = tpu.memref_squeeze %dma_start3A_44 : memref<1x128xi32, #tpu.memory_space<vmem>> -> memref<128xi32, #tpu.memory_space<vmem>>
    %dma_start3A_46 = arith.constant 0 : i32
    %dma_start3A_47 = arith.constant 0 : i32
    %dma_start3A_48 = tpu.memref_slice %arg11[%dma_start3A_46, %dma_start3A_47] : memref<10240x32xf32, #tpu.memory_space<vmem_shared>> -> memref<10240x32xf32, #tpu.memory_space<vmem_shared>>
    tpu.enqueue_indirect_dma source(%dma_start3A_48 : memref<10240x32xf32, #tpu.memory_space<vmem_shared>>) target(%dma_start3A_42 : memref<128x32xf32, #tpu.memory_space<vmem>>) offsets(%dma_start3A_45 : memref<128xi32, #tpu.memory_space<vmem>>) semaphore(%arg14 : memref<!tpu.dma_semaphore, #tpu.memory_space<semaphore_mem>>)
    %dma_start3A_49 = arith.constant 3 : i32
    %dma_start3A_50 = arith.constant 1 : i32
    %dma_start3A_51 = arith.constant 0 : i32
    %dma_start3A_52 = arith.constant 0 : i32
    %dma_start3A_53 = tpu.memref_slice %arg9[%dma_start3A_50, %dma_start3A_51, %dma_start3A_52] : memref<2x128x32xf32, #tpu.memory_space<vmem>> -> memref<1x128x32xf32, #tpu.memory_space<vmem>>
    %dma_start3A_54 = tpu.memref_squeeze %dma_start3A_53 : memref<1x128x32xf32, #tpu.memory_space<vmem>> -> memref<128x32xf32, #tpu.memory_space<vmem>>
    %dma_start3A_55 = arith.constant 0 : i32
    %dma_start3A_56 = tpu.memref_slice %arg6[%dma_start3A_49, %dma_start3A_55] : memref<84x128xi32, #tpu.memory_space<vmem>> -> memref<1x128xi32, #tpu.memory_space<vmem>>
    %dma_start3A_57 = tpu.memref_squeeze %dma_start3A_56 : memref<1x128xi32, #tpu.memory_space<vmem>> -> memref<128xi32, #tpu.memory_space<vmem>>
    %dma_start3A_58 = arith.constant 0 : i32
    %dma_start3A_59 = arith.constant 0 : i32
    %dma_start3A_60 = tpu.memref_slice %arg11[%dma_start3A_58, %dma_start3A_59] : memref<10240x32xf32, #tpu.memory_space<vmem_shared>> -> memref<10240x32xf32, #tpu.memory_space<vmem_shared>>
    tpu.enqueue_indirect_dma source(%dma_start3A_60 : memref<10240x32xf32, #tpu.memory_space<vmem_shared>>) target(%dma_start3A_54 : memref<128x32xf32, #tpu.memory_space<vmem>>) offsets(%dma_start3A_57 : memref<128xi32, #tpu.memory_space<vmem>>) semaphore(%arg14 : memref<!tpu.dma_semaphore, #tpu.memory_space<semaphore_mem>>)
    %scan3A_61 = arith.constant 0 : i32
    %scan3A_62 = arith.constant 0 : i32
    %scan3A_63 = arith.constant 20 : i32
    %scan3A_64 = arith.addi %scan3A_62, %scan3A_63 : i32
    %scan3A_65 = arith.constant 1 : i32
    scf.for %scan3A_119 = %scan3A_62 to %scan3A_64 step %scan3A_65  : i32 {
      %mul3A_120 = arith.constant 2 : i32
      %mul3A_121 = arith.muli %mul3A_120, %scan3A_119 : i32
      %dma_wait3A_122 = arith.constant 0 : i32
      %dma_wait3A_123 = arith.constant 0 : i32
      %dma_wait3A_124 = arith.constant 0 : i32
      %dma_wait3A_125 = arith.constant 0 : i32
      %dma_wait3A_126 = tpu.memref_slice %arg8[%dma_wait3A_123, %dma_wait3A_124, %dma_wait3A_125] : memref<2x128x32xf32, #tpu.memory_space<vmem>> -> memref<1x128x32xf32, #tpu.memory_space<vmem>>
      %dma_wait3A_127 = tpu.memref_squeeze %dma_wait3A_126 : memref<1x128x32xf32, #tpu.memory_space<vmem>> -> memref<128x32xf32, #tpu.memory_space<vmem>>
      %dma_wait3A_128 = arith.constant 0 : i32
      %dma_wait3A_129 = tpu.memref_slice %arg6[%dma_wait3A_122, %dma_wait3A_128] : memref<84x128xi32, #tpu.memory_space<vmem>> -> memref<1x128xi32, #tpu.memory_space<vmem>>
      %dma_wait3A_130 = tpu.memref_squeeze %dma_wait3A_129 : memref<1x128xi32, #tpu.memory_space<vmem>> -> memref<128xi32, #tpu.memory_space<vmem>>
      %dma_wait3A_131 = arith.constant 0 : i32
      %dma_wait3A_132 = arith.constant 0 : i32
      %dma_wait3A_133 = tpu.memref_slice %arg11[%dma_wait3A_131, %dma_wait3A_132] : memref<10240x32xf32, #tpu.memory_space<vmem_shared>> -> memref<10240x32xf32, #tpu.memory_space<vmem_shared>>
      tpu.wait_indirect_dma semaphore(%arg13 : memref<!tpu.dma_semaphore, #tpu.memory_space<semaphore_mem>>) src(%dma_wait3A_133 : memref<10240x32xf32, #tpu.memory_space<vmem_shared>>) dst(%dma_wait3A_127 : memref<128x32xf32, #tpu.memory_space<vmem>>)
      %dma_wait3A_134 = arith.constant 0 : i32
      %dma_wait3A_135 = arith.constant 1 : i32
      %dma_wait3A_136 = arith.constant 0 : i32
      %dma_wait3A_137 = arith.constant 0 : i32
      %dma_wait3A_138 = tpu.memref_slice %arg8[%dma_wait3A_135, %dma_wait3A_136, %dma_wait3A_137] : memref<2x128x32xf32, #tpu.memory_space<vmem>> -> memref<1x128x32xf32, #tpu.memory_space<vmem>>
      %dma_wait3A_139 = tpu.memref_squeeze %dma_wait3A_138 : memref<1x128x32xf32, #tpu.memory_space<vmem>> -> memref<128x32xf32, #tpu.memory_space<vmem>>
      %dma_wait3A_140 = arith.constant 0 : i32
      %dma_wait3A_141 = tpu.memref_slice %arg6[%dma_wait3A_134, %dma_wait3A_140] : memref<84x128xi32, #tpu.memory_space<vmem>> -> memref<1x128xi32, #tpu.memory_space<vmem>>
      %dma_wait3A_142 = tpu.memref_squeeze %dma_wait3A_141 : memref<1x128xi32, #tpu.memory_space<vmem>> -> memref<128xi32, #tpu.memory_space<vmem>>
      %dma_wait3A_143 = arith.constant 0 : i32
      %dma_wait3A_144 = arith.constant 0 : i32
      %dma_wait3A_145 = tpu.memref_slice %arg11[%dma_wait3A_143, %dma_wait3A_144] : memref<10240x32xf32, #tpu.memory_space<vmem_shared>> -> memref<10240x32xf32, #tpu.memory_space<vmem_shared>>
      tpu.wait_indirect_dma semaphore(%arg13 : memref<!tpu.dma_semaphore, #tpu.memory_space<semaphore_mem>>) src(%dma_wait3A_145 : memref<10240x32xf32, #tpu.memory_space<vmem_shared>>) dst(%dma_wait3A_139 : memref<128x32xf32, #tpu.memory_space<vmem>>)
      %mul3A_146 = arith.constant 2 : i32
      %mul3A_147 = arith.muli %mul3A_121, %mul3A_146 : i32
      %add3A_148 = arith.constant 0 : i32
      %add3A_149 = arith.addi %mul3A_147, %add3A_148 : i32
      %dma_start3A_150 = arith.constant 0 : i32
      %dma_start3A_151 = arith.constant 0 : i32
      %dma_start3A_152 = arith.constant 0 : i32
      %dma_start3A_153 = tpu.memref_slice %arg8[%dma_start3A_150, %dma_start3A_151, %dma_start3A_152] : memref<2x128x32xf32, #tpu.memory_space<vmem>> -> memref<1x128x32xf32, #tpu.memory_space<vmem>>
      %dma_start3A_154 = tpu.memref_squeeze %dma_start3A_153 : memref<1x128x32xf32, #tpu.memory_space<vmem>> -> memref<128x32xf32, #tpu.memory_space<vmem>>
      %dma_start3A_155 = arith.constant 0 : i32
      %dma_start3A_156 = tpu.memref_slice %arg7[%add3A_149, %dma_start3A_155] : memref<84x128xi32, #tpu.memory_space<vmem>> -> memref<1x128xi32, #tpu.memory_space<vmem>>
      %dma_start3A_157 = tpu.memref_squeeze %dma_start3A_156 : memref<1x128xi32, #tpu.memory_space<vmem>> -> memref<128xi32, #tpu.memory_space<vmem>>
      %dma_start3A_158 = arith.constant 0 : i32
      %dma_start3A_159 = arith.constant 0 : i32
      %dma_start3A_160 = tpu.memref_slice %arg12[%dma_start3A_158, %dma_start3A_159] : memref<10240x32xf32, #tpu.memory_space<vmem_shared>> -> memref<10240x32xf32, #tpu.memory_space<vmem_shared>>
      tpu.enqueue_indirect_dma source(%dma_start3A_154 : memref<128x32xf32, #tpu.memory_space<vmem>>) target(%dma_start3A_160 : memref<10240x32xf32, #tpu.memory_space<vmem_shared>>) offsets(%dma_start3A_157 : memref<128xi32, #tpu.memory_space<vmem>>) semaphore(%arg15 : memref<!tpu.dma_semaphore, #tpu.memory_space<semaphore_mem>>) {add = true}
      %mul3A_161 = arith.constant 2 : i32
      %mul3A_162 = arith.muli %mul3A_121, %mul3A_161 : i32
      %add3A_163 = arith.constant 1 : i32
      %add3A_164 = arith.addi %mul3A_162, %add3A_163 : i32
      %dma_start3A_165 = arith.constant 1 : i32
      %dma_start3A_166 = arith.constant 0 : i32
      %dma_start3A_167 = arith.constant 0 : i32
      %dma_start3A_168 = tpu.memref_slice %arg8[%dma_start3A_165, %dma_start3A_166, %dma_start3A_167] : memref<2x128x32xf32, #tpu.memory_space<vmem>> -> memref<1x128x32xf32, #tpu.memory_space<vmem>>
      %dma_start3A_169 = tpu.memref_squeeze %dma_start3A_168 : memref<1x128x32xf32, #tpu.memory_space<vmem>> -> memref<128x32xf32, #tpu.memory_space<vmem>>
      %dma_start3A_170 = arith.constant 0 : i32
      %dma_start3A_171 = tpu.memref_slice %arg7[%add3A_164, %dma_start3A_170] : memref<84x128xi32, #tpu.memory_space<vmem>> -> memref<1x128xi32, #tpu.memory_space<vmem>>
      %dma_start3A_172 = tpu.memref_squeeze %dma_start3A_171 : memref<1x128xi32, #tpu.memory_space<vmem>> -> memref<128xi32, #tpu.memory_space<vmem>>
      %dma_start3A_173 = arith.constant 0 : i32
      %dma_start3A_174 = arith.constant 0 : i32
      %dma_start3A_175 = tpu.memref_slice %arg12[%dma_start3A_173, %dma_start3A_174] : memref<10240x32xf32, #tpu.memory_space<vmem_shared>> -> memref<10240x32xf32, #tpu.memory_space<vmem_shared>>
      tpu.enqueue_indirect_dma source(%dma_start3A_169 : memref<128x32xf32, #tpu.memory_space<vmem>>) target(%dma_start3A_175 : memref<10240x32xf32, #tpu.memory_space<vmem_shared>>) offsets(%dma_start3A_172 : memref<128xi32, #tpu.memory_space<vmem>>) semaphore(%arg15 : memref<!tpu.dma_semaphore, #tpu.memory_space<semaphore_mem>>) {add = true}
      %dma_wait3A_176 = arith.constant 0 : i32
      %dma_wait3A_177 = arith.constant 0 : i32
      %dma_wait3A_178 = arith.constant 0 : i32
      %dma_wait3A_179 = arith.constant 0 : i32
      %dma_wait3A_180 = tpu.memref_slice %arg9[%dma_wait3A_177, %dma_wait3A_178, %dma_wait3A_179] : memref<2x128x32xf32, #tpu.memory_space<vmem>> -> memref<1x128x32xf32, #tpu.memory_space<vmem>>
      %dma_wait3A_181 = tpu.memref_squeeze %dma_wait3A_180 : memref<1x128x32xf32, #tpu.memory_space<vmem>> -> memref<128x32xf32, #tpu.memory_space<vmem>>
      %dma_wait3A_182 = arith.constant 0 : i32
      %dma_wait3A_183 = tpu.memref_slice %arg6[%dma_wait3A_176, %dma_wait3A_182] : memref<84x128xi32, #tpu.memory_space<vmem>> -> memref<1x128xi32, #tpu.memory_space<vmem>>
      %dma_wait3A_184 = tpu.memref_squeeze %dma_wait3A_183 : memref<1x128xi32, #tpu.memory_space<vmem>> -> memref<128xi32, #tpu.memory_space<vmem>>
      %dma_wait3A_185 = arith.constant 0 : i32
      %dma_wait3A_186 = arith.constant 0 : i32
      %dma_wait3A_187 = tpu.memref_slice %arg11[%dma_wait3A_185, %dma_wait3A_186] : memref<10240x32xf32, #tpu.memory_space<vmem_shared>> -> memref<10240x32xf32, #tpu.memory_space<vmem_shared>>
      tpu.wait_indirect_dma semaphore(%arg14 : memref<!tpu.dma_semaphore, #tpu.memory_space<semaphore_mem>>) src(%dma_wait3A_187 : memref<10240x32xf32, #tpu.memory_space<vmem_shared>>) dst(%dma_wait3A_181 : memref<128x32xf32, #tpu.memory_space<vmem>>)
      %dma_wait3A_188 = arith.constant 0 : i32
      %dma_wait3A_189 = arith.constant 1 : i32
      %dma_wait3A_190 = arith.constant 0 : i32
      %dma_wait3A_191 = arith.constant 0 : i32
      %dma_wait3A_192 = tpu.memref_slice %arg9[%dma_wait3A_189, %dma_wait3A_190, %dma_wait3A_191] : memref<2x128x32xf32, #tpu.memory_space<vmem>> -> memref<1x128x32xf32, #tpu.memory_space<vmem>>
      %dma_wait3A_193 = tpu.memref_squeeze %dma_wait3A_192 : memref<1x128x32xf32, #tpu.memory_space<vmem>> -> memref<128x32xf32, #tpu.memory_space<vmem>>
      %dma_wait3A_194 = arith.constant 0 : i32
      %dma_wait3A_195 = tpu.memref_slice %arg6[%dma_wait3A_188, %dma_wait3A_194] : memref<84x128xi32, #tpu.memory_space<vmem>> -> memref<1x128xi32, #tpu.memory_space<vmem>>
      %dma_wait3A_196 = tpu.memref_squeeze %dma_wait3A_195 : memref<1x128xi32, #tpu.memory_space<vmem>> -> memref<128xi32, #tpu.memory_space<vmem>>
      %dma_wait3A_197 = arith.constant 0 : i32
      %dma_wait3A_198 = arith.constant 0 : i32
      %dma_wait3A_199 = tpu.memref_slice %arg11[%dma_wait3A_197, %dma_wait3A_198] : memref<10240x32xf32, #tpu.memory_space<vmem_shared>> -> memref<10240x32xf32, #tpu.memory_space<vmem_shared>>
      tpu.wait_indirect_dma semaphore(%arg14 : memref<!tpu.dma_semaphore, #tpu.memory_space<semaphore_mem>>) src(%dma_wait3A_199 : memref<10240x32xf32, #tpu.memory_space<vmem_shared>>) dst(%dma_wait3A_193 : memref<128x32xf32, #tpu.memory_space<vmem>>)
      %add3A_200 = arith.constant 1 : i32
      %add3A_201 = arith.addi %mul3A_121, %add3A_200 : i32
      %mul3A_202 = arith.constant 2 : i32
      %mul3A_203 = arith.muli %add3A_201, %mul3A_202 : i32
      %add3A_204 = arith.constant 0 : i32
      %add3A_205 = arith.addi %mul3A_203, %add3A_204 : i32
      %dma_start3A_206 = arith.constant 0 : i32
      %dma_start3A_207 = arith.constant 0 : i32
      %dma_start3A_208 = arith.constant 0 : i32
      %dma_start3A_209 = tpu.memref_slice %arg9[%dma_start3A_206, %dma_start3A_207, %dma_start3A_208] : memref<2x128x32xf32, #tpu.memory_space<vmem>> -> memref<1x128x32xf32, #tpu.memory_space<vmem>>
      %dma_start3A_210 = tpu.memref_squeeze %dma_start3A_209 : memref<1x128x32xf32, #tpu.memory_space<vmem>> -> memref<128x32xf32, #tpu.memory_space<vmem>>
      %dma_start3A_211 = arith.constant 0 : i32
      %dma_start3A_212 = tpu.memref_slice %arg7[%add3A_205, %dma_start3A_211] : memref<84x128xi32, #tpu.memory_space<vmem>> -> memref<1x128xi32, #tpu.memory_space<vmem>>
      %dma_start3A_213 = tpu.memref_squeeze %dma_start3A_212 : memref<1x128xi32, #tpu.memory_space<vmem>> -> memref<128xi32, #tpu.memory_space<vmem>>
      %dma_start3A_214 = arith.constant 0 : i32
      %dma_start3A_215 = arith.constant 0 : i32
      %dma_start3A_216 = tpu.memref_slice %arg12[%dma_start3A_214, %dma_start3A_215] : memref<10240x32xf32, #tpu.memory_space<vmem_shared>> -> memref<10240x32xf32, #tpu.memory_space<vmem_shared>>
      tpu.enqueue_indirect_dma source(%dma_start3A_210 : memref<128x32xf32, #tpu.memory_space<vmem>>) target(%dma_start3A_216 : memref<10240x32xf32, #tpu.memory_space<vmem_shared>>) offsets(%dma_start3A_213 : memref<128xi32, #tpu.memory_space<vmem>>) semaphore(%arg16 : memref<!tpu.dma_semaphore, #tpu.memory_space<semaphore_mem>>) {add = true}
      %mul3A_217 = arith.constant 2 : i32
      %mul3A_218 = arith.muli %add3A_201, %mul3A_217 : i32
      %add3A_219 = arith.constant 1 : i32
      %add3A_220 = arith.addi %mul3A_218, %add3A_219 : i32
      %dma_start3A_221 = arith.constant 1 : i32
      %dma_start3A_222 = arith.constant 0 : i32
      %dma_start3A_223 = arith.constant 0 : i32
      %dma_start3A_224 = tpu.memref_slice %arg9[%dma_start3A_221, %dma_start3A_222, %dma_start3A_223] : memref<2x128x32xf32, #tpu.memory_space<vmem>> -> memref<1x128x32xf32, #tpu.memory_space<vmem>>
      %dma_start3A_225 = tpu.memref_squeeze %dma_start3A_224 : memref<1x128x32xf32, #tpu.memory_space<vmem>> -> memref<128x32xf32, #tpu.memory_space<vmem>>
      %dma_start3A_226 = arith.constant 0 : i32
      %dma_start3A_227 = tpu.memref_slice %arg7[%add3A_220, %dma_start3A_226] : memref<84x128xi32, #tpu.memory_space<vmem>> -> memref<1x128xi32, #tpu.memory_space<vmem>>
      %dma_start3A_228 = tpu.memref_squeeze %dma_start3A_227 : memref<1x128xi32, #tpu.memory_space<vmem>> -> memref<128xi32, #tpu.memory_space<vmem>>
      %dma_start3A_229 = arith.constant 0 : i32
      %dma_start3A_230 = arith.constant 0 : i32
      %dma_start3A_231 = tpu.memref_slice %arg12[%dma_start3A_229, %dma_start3A_230] : memref<10240x32xf32, #tpu.memory_space<vmem_shared>> -> memref<10240x32xf32, #tpu.memory_space<vmem_shared>>
      tpu.enqueue_indirect_dma source(%dma_start3A_225 : memref<128x32xf32, #tpu.memory_space<vmem>>) target(%dma_start3A_231 : memref<10240x32xf32, #tpu.memory_space<vmem_shared>>) offsets(%dma_start3A_228 : memref<128xi32, #tpu.memory_space<vmem>>) semaphore(%arg16 : memref<!tpu.dma_semaphore, #tpu.memory_space<semaphore_mem>>) {add = true}
      %dma_wait3A_232 = arith.constant 0 : i32
      %dma_wait3A_233 = arith.constant 0 : i32
      %dma_wait3A_234 = arith.constant 0 : i32
      %dma_wait3A_235 = arith.constant 0 : i32
      %dma_wait3A_236 = tpu.memref_slice %arg8[%dma_wait3A_232, %dma_wait3A_234, %dma_wait3A_235] : memref<2x128x32xf32, #tpu.memory_space<vmem>> -> memref<1x128x32xf32, #tpu.memory_space<vmem>>
      %dma_wait3A_237 = tpu.memref_squeeze %dma_wait3A_236 : memref<1x128x32xf32, #tpu.memory_space<vmem>> -> memref<128x32xf32, #tpu.memory_space<vmem>>
      %dma_wait3A_238 = arith.constant 0 : i32
      %dma_wait3A_239 = tpu.memref_slice %arg7[%dma_wait3A_233, %dma_wait3A_238] : memref<84x128xi32, #tpu.memory_space<vmem>> -> memref<1x128xi32, #tpu.memory_space<vmem>>
      %dma_wait3A_240 = tpu.memref_squeeze %dma_wait3A_239 : memref<1x128xi32, #tpu.memory_space<vmem>> -> memref<128xi32, #tpu.memory_space<vmem>>
      %dma_wait3A_241 = arith.constant 0 : i32
      %dma_wait3A_242 = arith.constant 0 : i32
      %dma_wait3A_243 = tpu.memref_slice %arg12[%dma_wait3A_241, %dma_wait3A_242] : memref<10240x32xf32, #tpu.memory_space<vmem_shared>> -> memref<10240x32xf32, #tpu.memory_space<vmem_shared>>
      tpu.wait_indirect_dma semaphore(%arg15 : memref<!tpu.dma_semaphore, #tpu.memory_space<semaphore_mem>>) src(%dma_wait3A_237 : memref<128x32xf32, #tpu.memory_space<vmem>>) dst(%dma_wait3A_243 : memref<10240x32xf32, #tpu.memory_space<vmem_shared>>)
      %dma_wait3A_244 = arith.constant 1 : i32
      %dma_wait3A_245 = arith.constant 0 : i32
      %dma_wait3A_246 = arith.constant 0 : i32
      %dma_wait3A_247 = arith.constant 0 : i32
      %dma_wait3A_248 = tpu.memref_slice %arg8[%dma_wait3A_244, %dma_wait3A_246, %dma_wait3A_247] : memref<2x128x32xf32, #tpu.memory_space<vmem>> -> memref<1x128x32xf32, #tpu.memory_space<vmem>>
      %dma_wait3A_249 = tpu.memref_squeeze %dma_wait3A_248 : memref<1x128x32xf32, #tpu.memory_space<vmem>> -> memref<128x32xf32, #tpu.memory_space<vmem>>
      %dma_wait3A_250 = arith.constant 0 : i32
      %dma_wait3A_251 = tpu.memref_slice %arg7[%dma_wait3A_245, %dma_wait3A_250] : memref<84x128xi32, #tpu.memory_space<vmem>> -> memref<1x128xi32, #tpu.memory_space<vmem>>
      %dma_wait3A_252 = tpu.memref_squeeze %dma_wait3A_251 : memref<1x128xi32, #tpu.memory_space<vmem>> -> memref<128xi32, #tpu.memory_space<vmem>>
      %dma_wait3A_253 = arith.constant 0 : i32
      %dma_wait3A_254 = arith.constant 0 : i32
      %dma_wait3A_255 = tpu.memref_slice %arg12[%dma_wait3A_253, %dma_wait3A_254] : memref<10240x32xf32, #tpu.memory_space<vmem_shared>> -> memref<10240x32xf32, #tpu.memory_space<vmem_shared>>
      tpu.wait_indirect_dma semaphore(%arg15 : memref<!tpu.dma_semaphore, #tpu.memory_space<semaphore_mem>>) src(%dma_wait3A_249 : memref<128x32xf32, #tpu.memory_space<vmem>>) dst(%dma_wait3A_255 : memref<10240x32xf32, #tpu.memory_space<vmem_shared>>)
      %add3A_256 = arith.constant 2 : i32
      %add3A_257 = arith.addi %mul3A_121, %add3A_256 : i32
      %mul3A_258 = arith.constant 2 : i32
      %mul3A_259 = arith.muli %add3A_257, %mul3A_258 : i32
      %add3A_260 = arith.constant 0 : i32
      %add3A_261 = arith.addi %mul3A_259, %add3A_260 : i32
      %dma_start3A_262 = arith.constant 0 : i32
      %dma_start3A_263 = arith.constant 0 : i32
      %dma_start3A_264 = arith.constant 0 : i32
      %dma_start3A_265 = tpu.memref_slice %arg8[%dma_start3A_262, %dma_start3A_263, %dma_start3A_264] : memref<2x128x32xf32, #tpu.memory_space<vmem>> -> memref<1x128x32xf32, #tpu.memory_space<vmem>>
      %dma_start3A_266 = tpu.memref_squeeze %dma_start3A_265 : memref<1x128x32xf32, #tpu.memory_space<vmem>> -> memref<128x32xf32, #tpu.memory_space<vmem>>
      %dma_start3A_267 = arith.constant 0 : i32
      %dma_start3A_268 = tpu.memref_slice %arg6[%add3A_261, %dma_start3A_267] : memref<84x128xi32, #tpu.memory_space<vmem>> -> memref<1x128xi32, #tpu.memory_space<vmem>>
      %dma_start3A_269 = tpu.memref_squeeze %dma_start3A_268 : memref<1x128xi32, #tpu.memory_space<vmem>> -> memref<128xi32, #tpu.memory_space<vmem>>
      %dma_start3A_270 = arith.constant 0 : i32
      %dma_start3A_271 = arith.constant 0 : i32
      %dma_start3A_272 = tpu.memref_slice %arg11[%dma_start3A_270, %dma_start3A_271] : memref<10240x32xf32, #tpu.memory_space<vmem_shared>> -> memref<10240x32xf32, #tpu.memory_space<vmem_shared>>
      tpu.enqueue_indirect_dma source(%dma_start3A_272 : memref<10240x32xf32, #tpu.memory_space<vmem_shared>>) target(%dma_start3A_266 : memref<128x32xf32, #tpu.memory_space<vmem>>) offsets(%dma_start3A_269 : memref<128xi32, #tpu.memory_space<vmem>>) semaphore(%arg13 : memref<!tpu.dma_semaphore, #tpu.memory_space<semaphore_mem>>)
      %mul3A_273 = arith.constant 2 : i32
      %mul3A_274 = arith.muli %add3A_257, %mul3A_273 : i32
      %add3A_275 = arith.constant 1 : i32
      %add3A_276 = arith.addi %mul3A_274, %add3A_275 : i32
      %dma_start3A_277 = arith.constant 1 : i32
      %dma_start3A_278 = arith.constant 0 : i32
      %dma_start3A_279 = arith.constant 0 : i32
      %dma_start3A_280 = tpu.memref_slice %arg8[%dma_start3A_277, %dma_start3A_278, %dma_start3A_279] : memref<2x128x32xf32, #tpu.memory_space<vmem>> -> memref<1x128x32xf32, #tpu.memory_space<vmem>>
      %dma_start3A_281 = tpu.memref_squeeze %dma_start3A_280 : memref<1x128x32xf32, #tpu.memory_space<vmem>> -> memref<128x32xf32, #tpu.memory_space<vmem>>
      %dma_start3A_282 = arith.constant 0 : i32
      %dma_start3A_283 = tpu.memref_slice %arg6[%add3A_276, %dma_start3A_282] : memref<84x128xi32, #tpu.memory_space<vmem>> -> memref<1x128xi32, #tpu.memory_space<vmem>>
      %dma_start3A_284 = tpu.memref_squeeze %dma_start3A_283 : memref<1x128xi32, #tpu.memory_space<vmem>> -> memref<128xi32, #tpu.memory_space<vmem>>
      %dma_start3A_285 = arith.constant 0 : i32
      %dma_start3A_286 = arith.constant 0 : i32
      %dma_start3A_287 = tpu.memref_slice %arg11[%dma_start3A_285, %dma_start3A_286] : memref<10240x32xf32, #tpu.memory_space<vmem_shared>> -> memref<10240x32xf32, #tpu.memory_space<vmem_shared>>
      tpu.enqueue_indirect_dma source(%dma_start3A_287 : memref<10240x32xf32, #tpu.memory_space<vmem_shared>>) target(%dma_start3A_281 : memref<128x32xf32, #tpu.memory_space<vmem>>) offsets(%dma_start3A_284 : memref<128xi32, #tpu.memory_space<vmem>>) semaphore(%arg13 : memref<!tpu.dma_semaphore, #tpu.memory_space<semaphore_mem>>)
      %dma_wait3A_288 = arith.constant 0 : i32
      %dma_wait3A_289 = arith.constant 0 : i32
      %dma_wait3A_290 = arith.constant 0 : i32
      %dma_wait3A_291 = arith.constant 0 : i32
      %dma_wait3A_292 = tpu.memref_slice %arg9[%dma_wait3A_288, %dma_wait3A_290, %dma_wait3A_291] : memref<2x128x32xf32, #tpu.memory_space<vmem>> -> memref<1x128x32xf32, #tpu.memory_space<vmem>>
      %dma_wait3A_293 = tpu.memref_squeeze %dma_wait3A_292 : memref<1x128x32xf32, #tpu.memory_space<vmem>> -> memref<128x32xf32, #tpu.memory_space<vmem>>
      %dma_wait3A_294 = arith.constant 0 : i32
      %dma_wait3A_295 = tpu.memref_slice %arg7[%dma_wait3A_289, %dma_wait3A_294] : memref<84x128xi32, #tpu.memory_space<vmem>> -> memref<1x128xi32, #tpu.memory_space<vmem>>
      %dma_wait3A_296 = tpu.memref_squeeze %dma_wait3A_295 : memref<1x128xi32, #tpu.memory_space<vmem>> -> memref<128xi32, #tpu.memory_space<vmem>>
      %dma_wait3A_297 = arith.constant 0 : i32
      %dma_wait3A_298 = arith.constant 0 : i32
      %dma_wait3A_299 = tpu.memref_slice %arg12[%dma_wait3A_297, %dma_wait3A_298] : memref<10240x32xf32, #tpu.memory_space<vmem_shared>> -> memref<10240x32xf32, #tpu.memory_space<vmem_shared>>
      tpu.wait_indirect_dma semaphore(%arg16 : memref<!tpu.dma_semaphore, #tpu.memory_space<semaphore_mem>>) src(%dma_wait3A_293 : memref<128x32xf32, #tpu.memory_space<vmem>>) dst(%dma_wait3A_299 : memref<10240x32xf32, #tpu.memory_space<vmem_shared>>)
      %dma_wait3A_300 = arith.constant 1 : i32
      %dma_wait3A_301 = arith.constant 0 : i32
      %dma_wait3A_302 = arith.constant 0 : i32
      %dma_wait3A_303 = arith.constant 0 : i32
      %dma_wait3A_304 = tpu.memref_slice %arg9[%dma_wait3A_300, %dma_wait3A_302, %dma_wait3A_303] : memref<2x128x32xf32, #tpu.memory_space<vmem>> -> memref<1x128x32xf32, #tpu.memory_space<vmem>>
      %dma_wait3A_305 = tpu.memref_squeeze %dma_wait3A_304 : memref<1x128x32xf32, #tpu.memory_space<vmem>> -> memref<128x32xf32, #tpu.memory_space<vmem>>
      %dma_wait3A_306 = arith.constant 0 : i32
      %dma_wait3A_307 = tpu.memref_slice %arg7[%dma_wait3A_301, %dma_wait3A_306] : memref<84x128xi32, #tpu.memory_space<vmem>> -> memref<1x128xi32, #tpu.memory_space<vmem>>
      %dma_wait3A_308 = tpu.memref_squeeze %dma_wait3A_307 : memref<1x128xi32, #tpu.memory_space<vmem>> -> memref<128xi32, #tpu.memory_space<vmem>>
      %dma_wait3A_309 = arith.constant 0 : i32
      %dma_wait3A_310 = arith.constant 0 : i32
      %dma_wait3A_311 = tpu.memref_slice %arg12[%dma_wait3A_309, %dma_wait3A_310] : memref<10240x32xf32, #tpu.memory_space<vmem_shared>> -> memref<10240x32xf32, #tpu.memory_space<vmem_shared>>
      tpu.wait_indirect_dma semaphore(%arg16 : memref<!tpu.dma_semaphore, #tpu.memory_space<semaphore_mem>>) src(%dma_wait3A_305 : memref<128x32xf32, #tpu.memory_space<vmem>>) dst(%dma_wait3A_311 : memref<10240x32xf32, #tpu.memory_space<vmem_shared>>)
      %add3A_312 = arith.constant 3 : i32
      %add3A_313 = arith.addi %mul3A_121, %add3A_312 : i32
      %mul3A_314 = arith.constant 2 : i32
      %mul3A_315 = arith.muli %add3A_313, %mul3A_314 : i32
      %add3A_316 = arith.constant 0 : i32
      %add3A_317 = arith.addi %mul3A_315, %add3A_316 : i32
      %dma_start3A_318 = arith.constant 0 : i32
      %dma_start3A_319 = arith.constant 0 : i32
      %dma_start3A_320 = arith.constant 0 : i32
      %dma_start3A_321 = tpu.memref_slice %arg9[%dma_start3A_318, %dma_start3A_319, %dma_start3A_320] : memref<2x128x32xf32, #tpu.memory_space<vmem>> -> memref<1x128x32xf32, #tpu.memory_space<vmem>>
      %dma_start3A_322 = tpu.memref_squeeze %dma_start3A_321 : memref<1x128x32xf32, #tpu.memory_space<vmem>> -> memref<128x32xf32, #tpu.memory_space<vmem>>
      %dma_start3A_323 = arith.constant 0 : i32
      %dma_start3A_324 = tpu.memref_slice %arg6[%add3A_317, %dma_start3A_323] : memref<84x128xi32, #tpu.memory_space<vmem>> -> memref<1x128xi32, #tpu.memory_space<vmem>>
      %dma_start3A_325 = tpu.memref_squeeze %dma_start3A_324 : memref<1x128xi32, #tpu.memory_space<vmem>> -> memref<128xi32, #tpu.memory_space<vmem>>
      %dma_start3A_326 = arith.constant 0 : i32
      %dma_start3A_327 = arith.constant 0 : i32
      %dma_start3A_328 = tpu.memref_slice %arg11[%dma_start3A_326, %dma_start3A_327] : memref<10240x32xf32, #tpu.memory_space<vmem_shared>> -> memref<10240x32xf32, #tpu.memory_space<vmem_shared>>
      tpu.enqueue_indirect_dma source(%dma_start3A_328 : memref<10240x32xf32, #tpu.memory_space<vmem_shared>>) target(%dma_start3A_322 : memref<128x32xf32, #tpu.memory_space<vmem>>) offsets(%dma_start3A_325 : memref<128xi32, #tpu.memory_space<vmem>>) semaphore(%arg14 : memref<!tpu.dma_semaphore, #tpu.memory_space<semaphore_mem>>)
      %mul3A_329 = arith.constant 2 : i32
      %mul3A_330 = arith.muli %add3A_313, %mul3A_329 : i32
      %add3A_331 = arith.constant 1 : i32
      %add3A_332 = arith.addi %mul3A_330, %add3A_331 : i32
      %dma_start3A_333 = arith.constant 1 : i32
      %dma_start3A_334 = arith.constant 0 : i32
      %dma_start3A_335 = arith.constant 0 : i32
      %dma_start3A_336 = tpu.memref_slice %arg9[%dma_start3A_333, %dma_start3A_334, %dma_start3A_335] : memref<2x128x32xf32, #tpu.memory_space<vmem>> -> memref<1x128x32xf32, #tpu.memory_space<vmem>>
      %dma_start3A_337 = tpu.memref_squeeze %dma_start3A_336 : memref<1x128x32xf32, #tpu.memory_space<vmem>> -> memref<128x32xf32, #tpu.memory_space<vmem>>
      %dma_start3A_338 = arith.constant 0 : i32
      %dma_start3A_339 = tpu.memref_slice %arg6[%add3A_332, %dma_start3A_338] : memref<84x128xi32, #tpu.memory_space<vmem>> -> memref<1x128xi32, #tpu.memory_space<vmem>>
      %dma_start3A_340 = tpu.memref_squeeze %dma_start3A_339 : memref<1x128xi32, #tpu.memory_space<vmem>> -> memref<128xi32, #tpu.memory_space<vmem>>
      %dma_start3A_341 = arith.constant 0 : i32
      %dma_start3A_342 = arith.constant 0 : i32
      %dma_start3A_343 = tpu.memref_slice %arg11[%dma_start3A_341, %dma_start3A_342] : memref<10240x32xf32, #tpu.memory_space<vmem_shared>> -> memref<10240x32xf32, #tpu.memory_space<vmem_shared>>
      tpu.enqueue_indirect_dma source(%dma_start3A_343 : memref<10240x32xf32, #tpu.memory_space<vmem_shared>>) target(%dma_start3A_337 : memref<128x32xf32, #tpu.memory_space<vmem>>) offsets(%dma_start3A_340 : memref<128xi32, #tpu.memory_space<vmem>>) semaphore(%arg14 : memref<!tpu.dma_semaphore, #tpu.memory_space<semaphore_mem>>)
    }
    %scan3A_66 = arith.constant 20 : i32
    %dma_wait3A = arith.constant 0 : i32
    %dma_wait3A_67 = arith.constant 0 : i32
    %dma_wait3A_68 = arith.constant 0 : i32
    %dma_wait3A_69 = arith.constant 0 : i32
    %dma_wait3A_70 = tpu.memref_slice %arg8[%dma_wait3A_67, %dma_wait3A_68, %dma_wait3A_69] : memref<2x128x32xf32, #tpu.memory_space<vmem>> -> memref<1x128x32xf32, #tpu.memory_space<vmem>>
    %dma_wait3A_71 = tpu.memref_squeeze %dma_wait3A_70 : memref<1x128x32xf32, #tpu.memory_space<vmem>> -> memref<128x32xf32, #tpu.memory_space<vmem>>
    %dma_wait3A_72 = arith.constant 0 : i32
    %dma_wait3A_73 = tpu.memref_slice %arg6[%dma_wait3A, %dma_wait3A_72] : memref<84x128xi32, #tpu.memory_space<vmem>> -> memref<1x128xi32, #tpu.memory_space<vmem>>
    %dma_wait3A_74 = tpu.memref_squeeze %dma_wait3A_73 : memref<1x128xi32, #tpu.memory_space<vmem>> -> memref<128xi32, #tpu.memory_space<vmem>>
    %dma_wait3A_75 = arith.constant 0 : i32
    %dma_wait3A_76 = arith.constant 0 : i32
    %dma_wait3A_77 = tpu.memref_slice %arg11[%dma_wait3A_75, %dma_wait3A_76] : memref<10240x32xf32, #tpu.memory_space<vmem_shared>> -> memref<10240x32xf32, #tpu.memory_space<vmem_shared>>
    tpu.wait_indirect_dma semaphore(%arg13 : memref<!tpu.dma_semaphore, #tpu.memory_space<semaphore_mem>>) src(%dma_wait3A_77 : memref<10240x32xf32, #tpu.memory_space<vmem_shared>>) dst(%dma_wait3A_71 : memref<128x32xf32, #tpu.memory_space<vmem>>)
    %dma_wait3A_78 = arith.constant 0 : i32
    %dma_wait3A_79 = arith.constant 1 : i32
    %dma_wait3A_80 = arith.constant 0 : i32
    %dma_wait3A_81 = arith.constant 0 : i32
    %dma_wait3A_82 = tpu.memref_slice %arg8[%dma_wait3A_79, %dma_wait3A_80, %dma_wait3A_81] : memref<2x128x32xf32, #tpu.memory_space<vmem>> -> memref<1x128x32xf32, #tpu.memory_space<vmem>>
    %dma_wait3A_83 = tpu.memref_squeeze %dma_wait3A_82 : memref<1x128x32xf32, #tpu.memory_space<vmem>> -> memref<128x32xf32, #tpu.memory_space<vmem>>
    %dma_wait3A_84 = arith.constant 0 : i32
    %dma_wait3A_85 = tpu.memref_slice %arg6[%dma_wait3A_78, %dma_wait3A_84] : memref<84x128xi32, #tpu.memory_space<vmem>> -> memref<1x128xi32, #tpu.memory_space<vmem>>
    %dma_wait3A_86 = tpu.memref_squeeze %dma_wait3A_85 : memref<1x128xi32, #tpu.memory_space<vmem>> -> memref<128xi32, #tpu.memory_space<vmem>>
    %dma_wait3A_87 = arith.constant 0 : i32
    %dma_wait3A_88 = arith.constant 0 : i32
    %dma_wait3A_89 = tpu.memref_slice %arg11[%dma_wait3A_87, %dma_wait3A_88] : memref<10240x32xf32, #tpu.memory_space<vmem_shared>> -> memref<10240x32xf32, #tpu.memory_space<vmem_shared>>
    tpu.wait_indirect_dma semaphore(%arg13 : memref<!tpu.dma_semaphore, #tpu.memory_space<semaphore_mem>>) src(%dma_wait3A_89 : memref<10240x32xf32, #tpu.memory_space<vmem_shared>>) dst(%dma_wait3A_83 : memref<128x32xf32, #tpu.memory_space<vmem>>)
    %dma_wait3A_90 = arith.constant 0 : i32
    %dma_wait3A_91 = arith.constant 0 : i32
    %dma_wait3A_92 = arith.constant 0 : i32
    %dma_wait3A_93 = arith.constant 0 : i32
    %dma_wait3A_94 = tpu.memref_slice %arg9[%dma_wait3A_91, %dma_wait3A_92, %dma_wait3A_93] : memref<2x128x32xf32, #tpu.memory_space<vmem>> -> memref<1x128x32xf32, #tpu.memory_space<vmem>>
    %dma_wait3A_95 = tpu.memref_squeeze %dma_wait3A_94 : memref<1x128x32xf32, #tpu.memory_space<vmem>> -> memref<128x32xf32, #tpu.memory_space<vmem>>
    %dma_wait3A_96 = arith.constant 0 : i32
    %dma_wait3A_97 = tpu.memref_slice %arg6[%dma_wait3A_90, %dma_wait3A_96] : memref<84x128xi32, #tpu.memory_space<vmem>> -> memref<1x128xi32, #tpu.memory_space<vmem>>
    %dma_wait3A_98 = tpu.memref_squeeze %dma_wait3A_97 : memref<1x128xi32, #tpu.memory_space<vmem>> -> memref<128xi32, #tpu.memory_space<vmem>>
    %dma_wait3A_99 = arith.constant 0 : i32
    %dma_wait3A_100 = arith.constant 0 : i32
    %dma_wait3A_101 = tpu.memref_slice %arg11[%dma_wait3A_99, %dma_wait3A_100] : memref<10240x32xf32, #tpu.memory_space<vmem_shared>> -> memref<10240x32xf32, #tpu.memory_space<vmem_shared>>
    tpu.wait_indirect_dma semaphore(%arg14 : memref<!tpu.dma_semaphore, #tpu.memory_space<semaphore_mem>>) src(%dma_wait3A_101 : memref<10240x32xf32, #tpu.memory_space<vmem_shared>>) dst(%dma_wait3A_95 : memref<128x32xf32, #tpu.memory_space<vmem>>)
    %dma_wait3A_102 = arith.constant 0 : i32
    %dma_wait3A_103 = arith.constant 1 : i32
    %dma_wait3A_104 = arith.constant 0 : i32
    %dma_wait3A_105 = arith.constant 0 : i32
    %dma_wait3A_106 = tpu.memref_slice %arg9[%dma_wait3A_103, %dma_wait3A_104, %dma_wait3A_105] : memref<2x128x32xf32, #tpu.memory_space<vmem>> -> memref<1x128x32xf32, #tpu.memory_space<vmem>>
    %dma_wait3A_107 = tpu.memref_squeeze %dma_wait3A_106 : memref<1x128x32xf32, #tpu.memory_space<vmem>> -> memref<128x32xf32, #tpu.memory_space<vmem>>
    %dma_wait3A_108 = arith.constant 0 : i32
    %dma_wait3A_109 = tpu.memref_slice %arg6[%dma_wait3A_102, %dma_wait3A_108] : memref<84x128xi32, #tpu.memory_space<vmem>> -> memref<1x128xi32, #tpu.memory_space<vmem>>
    %dma_wait3A_110 = tpu.memref_squeeze %dma_wait3A_109 : memref<1x128xi32, #tpu.memory_space<vmem>> -> memref<128xi32, #tpu.memory_space<vmem>>
    %dma_wait3A_111 = arith.constant 0 : i32
    %dma_wait3A_112 = arith.constant 0 : i32
    %dma_wait3A_113 = tpu.memref_slice %arg11[%dma_wait3A_111, %dma_wait3A_112] : memref<10240x32xf32, #tpu.memory_space<vmem_shared>> -> memref<10240x32xf32, #tpu.memory_space<vmem_shared>>
    tpu.wait_indirect_dma semaphore(%arg14 : memref<!tpu.dma_semaphore, #tpu.memory_space<semaphore_mem>>) src(%dma_wait3A_113 : memref<10240x32xf32, #tpu.memory_space<vmem_shared>>) dst(%dma_wait3A_107 : memref<128x32xf32, #tpu.memory_space<vmem>>)
    %barrier3A_114 = arith.constant 0 : index
    tpu.barrier barrier_id(%barrier3A_114)
    %mul3A_115 = arith.constant 640 : i32
    %mul3A_116 = arith.muli %arg1, %mul3A_115 : i32
    "tpu.region"() ({
      %run_scoped3A = tpu.sem_alloc : memref<!tpu.dma_semaphore, #tpu.memory_space<semaphore_mem>>
      %dma_start3A_119 = arith.constant 0 : i32
      %dma_start3A_120 = tpu.memref_slice %arg12[%mul3A_116, %dma_start3A_119] : memref<10240x32xf32, #tpu.memory_space<vmem_shared>> -> memref<640x32xf32, #tpu.memory_space<vmem_shared>>
      %dma_start3A_121 = arith.constant 0 : i32
      %dma_start3A_122 = tpu.memref_slice %arg12[%mul3A_116, %dma_start3A_121] : memref<10240x32xf32, #tpu.memory_space<vmem_shared>> -> memref<640x32xf32, #tpu.memory_space<vmem_shared>>
      tpu.enqueue_dma source(%dma_start3A_122 : memref<640x32xf32, #tpu.memory_space<vmem_shared>>) target(%arg10 : memref<640x32xf32, #tpu.memory_space<vmem>>) target_semaphore(%run_scoped3A : memref<!tpu.dma_semaphore, #tpu.memory_space<semaphore_mem>>)
      %dma_wait3A_123 = arith.constant 0 : i32
      %dma_wait3A_124 = tpu.memref_slice %arg12[%mul3A_116, %dma_wait3A_123] : memref<10240x32xf32, #tpu.memory_space<vmem_shared>> -> memref<640x32xf32, #tpu.memory_space<vmem_shared>>
      %dma_wait3A_125 = arith.constant 0 : i32
      %dma_wait3A_126 = tpu.memref_slice %arg12[%mul3A_116, %dma_wait3A_125] : memref<10240x32xf32, #tpu.memory_space<vmem_shared>> -> memref<640x32xf32, #tpu.memory_space<vmem_shared>>
      tpu.wait_dma2 semaphore(%run_scoped3A : memref<!tpu.dma_semaphore, #tpu.memory_space<semaphore_mem>>) src(%dma_wait3A_126 : memref<640x32xf32, #tpu.memory_space<vmem_shared>>) dst(%arg10 : memref<640x32xf32, #tpu.memory_space<vmem>>)
      tpu.yield
    }) : () -> ()
    %mul3A_117 = arith.constant 640 : i32
    %mul3A_118 = arith.muli %arg1, %mul3A_117 : i32
    "tpu.region"() ({
      %run_scoped3A = tpu.sem_alloc : memref<!tpu.dma_semaphore, #tpu.memory_space<semaphore_mem>>
      %dma_start3A_119 = arith.constant 0 : i32
      %dma_start3A_120 = tpu.memref_slice %arg5[%arg0, %mul3A_118, %dma_start3A_119] : memref<2x10240x32xf32, #tpu.memory_space<hbm>> -> memref<1x640x32xf32, #tpu.memory_space<hbm>>
      %dma_start3A_121 = tpu.memref_squeeze %dma_start3A_120 : memref<1x640x32xf32, #tpu.memory_space<hbm>> -> memref<640x32xf32, #tpu.memory_space<hbm>>
      %dma_start3A_122 = arith.constant 0 : i32
      %dma_start3A_123 = tpu.memref_slice %arg5[%arg0, %mul3A_118, %dma_start3A_122] : memref<2x10240x32xf32, #tpu.memory_space<hbm>> -> memref<1x640x32xf32, #tpu.memory_space<hbm>>
      %dma_start3A_124 = tpu.memref_squeeze %dma_start3A_123 : memref<1x640x32xf32, #tpu.memory_space<hbm>> -> memref<640x32xf32, #tpu.memory_space<hbm>>
      tpu.enqueue_dma source(%arg10 : memref<640x32xf32, #tpu.memory_space<vmem>>) target(%dma_start3A_124 : memref<640x32xf32, #tpu.memory_space<hbm>>) target_semaphore(%run_scoped3A : memref<!tpu.dma_semaphore, #tpu.memory_space<semaphore_mem>>)
      %dma_wait3A_125 = arith.constant 0 : i32
      %dma_wait3A_126 = tpu.memref_slice %arg5[%arg0, %mul3A_118, %dma_wait3A_125] : memref<2x10240x32xf32, #tpu.memory_space<hbm>> -> memref<1x640x32xf32, #tpu.memory_space<hbm>>
      %dma_wait3A_127 = tpu.memref_squeeze %dma_wait3A_126 : memref<1x640x32xf32, #tpu.memory_space<hbm>> -> memref<640x32xf32, #tpu.memory_space<hbm>>
      %dma_wait3A_128 = arith.constant 0 : i32
      %dma_wait3A_129 = tpu.memref_slice %arg5[%arg0, %mul3A_118, %dma_wait3A_128] : memref<2x10240x32xf32, #tpu.memory_space<hbm>> -> memref<1x640x32xf32, #tpu.memory_space<hbm>>
      %dma_wait3A_130 = tpu.memref_squeeze %dma_wait3A_129 : memref<1x640x32xf32, #tpu.memory_space<hbm>> -> memref<640x32xf32, #tpu.memory_space<hbm>>
      tpu.wait_dma2 semaphore(%run_scoped3A : memref<!tpu.dma_semaphore, #tpu.memory_space<semaphore_mem>>) src(%arg10 : memref<640x32xf32, #tpu.memory_space<vmem>>) dst(%dma_wait3A_130 : memref<640x32xf32, #tpu.memory_space<hbm>>)
      tpu.yield
    }) : () -> ()
    return
  }
}

module attributes {stable_mosaic.version = 14 : i64} {
  func.func @_dinv_g1_body(%arg0: i32, %arg1: memref<2x640x128xf32, #tpu.memory_space<vmem>>, %arg2: memref<640x128xf32, #tpu.memory_space<vmem>>, %arg3: memref<640x128xf32, #tpu.memory_space<vmem>>, %arg4: memref<640x128xf32, #tpu.memory_space<vmem>>) attributes {dimension_semantics = [#tpu.dimension_semantics<arbitrary>], iteration_bounds = array<i64: 4>, scalar_prefetch = 0 : i64, scratch_operands = 0 : i64, tpu.core_type = #tpu.core_type<tc>, window_params = [{transform_indices = @transform_0, window_bounds = array<i64: 2, 640, 128>}, {transform_indices = @transform_1, window_bounds = array<i64: 640, 128>}, {transform_indices = @transform_2, window_bounds = array<i64: 640, 128>}, {transform_indices = @transform_3, window_bounds = array<i64: 640, 128>}]} {
    %get3A = arith.constant 0 : index
    %get3A_0 = arith.constant 0 : index
    %get3A_1 = arith.constant 0 : index
    %get3A_2 = vector.load %arg1[%get3A, %get3A_0, %get3A_1] : memref<2x640x128xf32, #tpu.memory_space<vmem>>, vector<1x640x128xf32>
    %get3A_3 = vector.shape_cast %get3A_2 : vector<1x640x128xf32> to vector<640x128xf32>
    %get3A_4 = arith.constant 1 : index
    %get3A_5 = arith.constant 0 : index
    %get3A_6 = arith.constant 0 : index
    %get3A_7 = vector.load %arg1[%get3A_4, %get3A_5, %get3A_6] : memref<2x640x128xf32, #tpu.memory_space<vmem>>, vector<1x640x128xf32>
    %get3A_8 = vector.shape_cast %get3A_7 : vector<1x640x128xf32> to vector<640x128xf32>
    %add3A = arith.addf %get3A_3, %get3A_8 : vector<640x128xf32>
    %add3A_9 = arith.constant 2.000000e+00 : f32
    %add3A_10 = vector.broadcast %add3A_9 : f32 to vector<640x128xf32>
    %add3A_11 = arith.addf %add3A, %add3A_10 : vector<640x128xf32>
    %rsqrt3A = math.rsqrt %add3A_11 : vector<640x128xf32>
    %swap3A = arith.constant 0 : index
    %swap3A_12 = arith.constant 0 : index
    %swap3A_13 = vector.load %arg3[%swap3A, %swap3A_12] : memref<640x128xf32, #tpu.memory_space<vmem>>, vector<640x128xf32>
    tpu.vector_store %arg3[%swap3A, %swap3A_12], %rsqrt3A {strides = array<i32>} : memref<640x128xf32, #tpu.memory_space<vmem>>, vector<640x128xf32>,
    %get3A_14 = arith.constant 0 : index
    %get3A_15 = arith.constant 0 : index
    %get3A_16 = vector.load %arg2[%get3A_14, %get3A_15] : memref<640x128xf32, #tpu.memory_space<vmem>>, vector<640x128xf32>
    %mul3A = arith.mulf %rsqrt3A, %get3A_16 : vector<640x128xf32>
    %swap3A_17 = arith.constant 0 : index
    %swap3A_18 = arith.constant 0 : index
    %swap3A_19 = vector.load %arg4[%swap3A_17, %swap3A_18] : memref<640x128xf32, #tpu.memory_space<vmem>>, vector<640x128xf32>
    tpu.vector_store %arg4[%swap3A_17, %swap3A_18], %mul3A {strides = array<i32>} : memref<640x128xf32, #tpu.memory_space<vmem>>, vector<640x128xf32>,
    return
  }
  func.func @transform_0(%arg0: i32) -> (i32, i32, i32) {
    %c0_i32 = arith.constant 0 : i32
    %c0_i32_0 = arith.constant 0 : i32
    %c0_i32_1 = arith.constant 0 : i32
    return %c0_i32, %arg0, %c0_i32_0 : i32, i32, i32
  }
  func.func @transform_1(%arg0: i32) -> (i32, i32) {
    %c0_i32 = arith.constant 0 : i32
    %c0_i32_0 = arith.constant 0 : i32
    return %arg0, %c0_i32 : i32, i32
  }
  func.func @transform_2(%arg0: i32) -> (i32, i32) {
    %c0_i32 = arith.constant 0 : i32
    %c0_i32_0 = arith.constant 0 : i32
    return %arg0, %c0_i32 : i32, i32
  }
  func.func @transform_3(%arg0: i32) -> (i32, i32) {
    %c0_i32 = arith.constant 0 : i32
    %c0_i32_0 = arith.constant 0 : i32
    return %arg0, %c0_i32 : i32, i32
  }
}

module attributes {stable_mosaic.version = 14 : i64} {
  func.func @_pre_body(%arg0: i32, %arg1: memref<640x512xf32, #tpu.memory_space<vmem>>, %arg2: memref<512x128xf32, #tpu.memory_space<vmem>>, %arg3: memref<640x128xf32, #tpu.memory_space<vmem>>) attributes {dimension_semantics = [#tpu.dimension_semantics<arbitrary>], iteration_bounds = array<i64: 4>, scalar_prefetch = 0 : i64, scratch_operands = 0 : i64, tpu.core_type = #tpu.core_type<tc>, window_params = [{transform_indices = @transform_0, window_bounds = array<i64: 640, 512>}, {pipeline_mode = #tpu.pipeline_mode<synchronous>, transform_indices = @transform_1, window_bounds = array<i64: 512, 128>}, {transform_indices = @transform_2, window_bounds = array<i64: 640, 128>}]} {
    %get3A = arith.constant 0 : index
    %get3A_0 = arith.constant 0 : index
    %get3A_1 = vector.load %arg1[%get3A, %get3A_0] : memref<640x512xf32, #tpu.memory_space<vmem>>, vector<640x512xf32>
    %get3A_2 = arith.constant 0 : index
    %get3A_3 = arith.constant 0 : index
    %get3A_4 = vector.load %arg2[%get3A_2, %get3A_3] : memref<512x128xf32, #tpu.memory_space<vmem>>, vector<512x128xf32>
    %dot_general3A = arith.constant dense<0.000000e+00> : vector<640x128xf32>
    %dot_general3A_5 = tpu.matmul %get3A_1, %get3A_4, %dot_general3A {dimension_numbers = #tpu.dot_dimension_numbers<[1], [0], [0], [1], [0, 0, 1, 1], [], []>, precision = #tpu.contract_precision<fp32>, transpose_lhs_hint = false} : vector<640x512xf32>, vector<512x128xf32>, vector<640x128xf32> -> vector<640x128xf32>
    %swap3A = arith.constant 0 : index
    %swap3A_6 = arith.constant 0 : index
    %swap3A_7 = vector.load %arg3[%swap3A, %swap3A_6] : memref<640x128xf32, #tpu.memory_space<vmem>>, vector<640x128xf32>
    tpu.vector_store %arg3[%swap3A, %swap3A_6], %dot_general3A_5 {strides = array<i32>} : memref<640x128xf32, #tpu.memory_space<vmem>>, vector<640x128xf32>,
    return
  }
  func.func @transform_0(%arg0: i32) -> (i32, i32) {
    %c0_i32 = arith.constant 0 : i32
    %c0_i32_0 = arith.constant 0 : i32
    return %arg0, %c0_i32 : i32, i32
  }
  func.func @transform_1(%arg0: i32) -> (i32, i32) {
    %c0_i32 = arith.constant 0 : i32
    %c0_i32_0 = arith.constant 0 : i32
    %c0_i32_1 = arith.constant 0 : i32
    return %c0_i32, %c0_i32_0 : i32, i32
  }
  func.func @transform_2(%arg0: i32) -> (i32, i32) {
    %c0_i32 = arith.constant 0 : i32
    %c0_i32_0 = arith.constant 0 : i32
    return %arg0, %c0_i32 : i32, i32
  }
}

module attributes {stable_mosaic.version = 14 : i64} {
  func.func @_mid_body(%arg0: i32, %arg1: memref<2x640x128xf32, #tpu.memory_space<vmem>>, %arg2: memref<640x128xf32, #tpu.memory_space<vmem>>, %arg3: memref<128x128xf32, #tpu.memory_space<vmem>>, %arg4: memref<1x128xf32, #tpu.memory_space<vmem>>, %arg5: memref<640x128xf32, #tpu.memory_space<vmem>>) attributes {dimension_semantics = [#tpu.dimension_semantics<arbitrary>], iteration_bounds = array<i64: 4>, scalar_prefetch = 0 : i64, scratch_operands = 0 : i64, tpu.core_type = #tpu.core_type<tc>, window_params = [{transform_indices = @transform_0, window_bounds = array<i64: 2, 640, 128>}, {transform_indices = @transform_1, window_bounds = array<i64: 640, 128>}, {pipeline_mode = #tpu.pipeline_mode<synchronous>, transform_indices = @transform_2, window_bounds = array<i64: 128, 128>}, {pipeline_mode = #tpu.pipeline_mode<synchronous>, transform_indices = @transform_3, window_bounds = array<i64: 1, 128>}, {transform_indices = @transform_4, window_bounds = array<i64: 640, 128>}]} {
    %get3A = arith.constant 0 : index
    %get3A_0 = arith.constant 0 : index
    %get3A_1 = vector.load %arg2[%get3A, %get3A_0] : memref<640x128xf32, #tpu.memory_space<vmem>>, vector<640x128xf32>
    %get3A_2 = arith.constant 0 : index
    %get3A_3 = arith.constant 0 : index
    %get3A_4 = arith.constant 0 : index
    %get3A_5 = vector.load %arg1[%get3A_2, %get3A_3, %get3A_4] : memref<2x640x128xf32, #tpu.memory_space<vmem>>, vector<1x640x128xf32>
    %get3A_6 = vector.shape_cast %get3A_5 : vector<1x640x128xf32> to vector<640x128xf32>
    %get3A_7 = arith.constant 1 : index
    %get3A_8 = arith.constant 0 : index
    %get3A_9 = arith.constant 0 : index
    %get3A_10 = vector.load %arg1[%get3A_7, %get3A_8, %get3A_9] : memref<2x640x128xf32, #tpu.memory_space<vmem>>, vector<1x640x128xf32>
    %get3A_11 = vector.shape_cast %get3A_10 : vector<1x640x128xf32> to vector<640x128xf32>
    %add3A = arith.addf %get3A_6, %get3A_11 : vector<640x128xf32>
    %mul3A = arith.mulf %get3A_1, %add3A : vector<640x128xf32>
    %get3A_12 = arith.constant 0 : index
    %get3A_13 = arith.constant 0 : index
    %get3A_14 = vector.load %arg4[%get3A_12, %get3A_13] : memref<1x128xf32, #tpu.memory_space<vmem>>, vector<1x128xf32>
    %add3A_15 = vector.broadcast %get3A_14 : vector<1x128xf32> to vector<640x128xf32>
    %add3A_16 = arith.addf %mul3A, %add3A_15 : vector<640x128xf32>
    %max3A = arith.constant 0.000000e+00 : f32
    %max3A_17 = vector.broadcast %max3A : f32 to vector<640x128xf32>
    %max3A_18 = arith.maximumf %add3A_16, %max3A_17 : vector<640x128xf32>
    %get3A_19 = arith.constant 0 : index
    %get3A_20 = arith.constant 0 : index
    %get3A_21 = vector.load %arg3[%get3A_19, %get3A_20] : memref<128x128xf32, #tpu.memory_space<vmem>>, vector<128x128xf32>
    %dot_general3A = arith.constant dense<0.000000e+00> : vector<640x128xf32>
    %dot_general3A_22 = tpu.matmul %max3A_18, %get3A_21, %dot_general3A {dimension_numbers = #tpu.dot_dimension_numbers<[1], [0], [0], [1], [0, 0, 1, 1], [], []>, precision = #tpu.contract_precision<fp32>, transpose_lhs_hint = false} : vector<640x128xf32>, vector<128x128xf32>, vector<640x128xf32> -> vector<640x128xf32>
    %mul3A_23 = arith.constant 640 : i32
    %mul3A_24 = arith.muli %arg0, %mul3A_23 : i32
    %iota3A = tpu.iota {dimensions = array<i32: 0>} : vector<640x1xi32>
    %add3A_25 = vector.broadcast %mul3A_24 : i32 to vector<640x1xi32>
    %add3A_26 = arith.addi %add3A_25, %iota3A : vector<640x1xi32>
    %lt3A = arith.constant 2500 : i32
    %lt3A_27 = vector.broadcast %lt3A : i32 to vector<640x1xi32>
    %lt3A_28 = arith.cmpi slt, %add3A_26, %lt3A_27 : vector<640x1xi32>
    %mul3A_29 = arith.mulf %get3A_1, %dot_general3A_22 : vector<640x128xf32>
    %jit3A = arith.constant 0.000000e+00 : f32
    %broadcast_in_dim3A = vector.shape_cast %lt3A_28 : vector<640x1xi1> to vector<640x1xi1>
    %broadcast_in_dim3A_30 = vector.broadcast %broadcast_in_dim3A : vector<640x1xi1> to vector<640x128xi1>
    %broadcast_in_dim3A_31 = vector.broadcast %jit3A : f32 to vector<640x128xf32>
    %select_n3A = arith.select %broadcast_in_dim3A_30, %mul3A_29, %broadcast_in_dim3A_31 : vector<640x128xi1>, vector<640x128xf32>
    %swap3A = arith.constant 0 : index
    %swap3A_32 = arith.constant 0 : index
    %swap3A_33 = vector.load %arg5[%swap3A, %swap3A_32] : memref<640x128xf32, #tpu.memory_space<vmem>>, vector<640x128xf32>
    tpu.vector_store %arg5[%swap3A, %swap3A_32], %select_n3A {strides = array<i32>} : memref<640x128xf32, #tpu.memory_space<vmem>>, vector<640x128xf32>,
    return
  }
  func.func @transform_0(%arg0: i32) -> (i32, i32, i32) {
    %c0_i32 = arith.constant 0 : i32
    %c0_i32_0 = arith.constant 0 : i32
    %c0_i32_1 = arith.constant 0 : i32
    return %c0_i32, %arg0, %c0_i32_0 : i32, i32, i32
  }
  func.func @transform_1(%arg0: i32) -> (i32, i32) {
    %c0_i32 = arith.constant 0 : i32
    %c0_i32_0 = arith.constant 0 : i32
    return %arg0, %c0_i32 : i32, i32
  }
  func.func @transform_2(%arg0: i32) -> (i32, i32) {
    %c0_i32 = arith.constant 0 : i32
    %c0_i32_0 = arith.constant 0 : i32
    %c0_i32_1 = arith.constant 0 : i32
    return %c0_i32, %c0_i32_0 : i32, i32
  }
  func.func @transform_3(%arg0: i32) -> (i32, i32) {
    %c0_i32 = arith.constant 0 : i32
    %c0_i32_0 = arith.constant 0 : i32
    %c0_i32_1 = arith.constant 0 : i32
    return %c0_i32, %c0_i32_0 : i32, i32
  }
  func.func @transform_4(%arg0: i32) -> (i32, i32) {
    %c0_i32 = arith.constant 0 : i32
    %c0_i32_0 = arith.constant 0 : i32
    return %arg0, %c0_i32 : i32, i32
  }
}

module attributes {stable_mosaic.version = 14 : i64} {
  func.func @_final_body(%arg0: i32, %arg1: memref<2x640x128xf32, #tpu.memory_space<vmem>>, %arg2: memref<640x128xf32, #tpu.memory_space<vmem>>, %arg3: memref<1x128xf32, #tpu.memory_space<vmem>>, %arg4: memref<4x640xi32, #tpu.memory_space<vmem>>, %arg5: memref<32x1xf32, #tpu.memory_space<vmem>>, %arg6: memref<1x1xf32, #tpu.memory_space<vmem>>, %arg7: memref<64x1xf32, #tpu.memory_space<vmem>>, %arg8: memref<64x32xf32, #tpu.memory_space<vmem>>) attributes {dimension_semantics = [#tpu.dimension_semantics<arbitrary>], iteration_bounds = array<i64: 4>, scalar_prefetch = 0 : i64, scratch_operands = 1 : i64, tpu.core_type = #tpu.core_type<tc>, window_params = [{transform_indices = @transform_0, window_bounds = array<i64: 2, 640, 128>}, {transform_indices = @transform_1, window_bounds = array<i64: 640, 128>}, {pipeline_mode = #tpu.pipeline_mode<synchronous>, transform_indices = @transform_2, window_bounds = array<i64: 1, 128>}, {transform_indices = @transform_3, window_bounds = array<i64: 4, 640>}, {pipeline_mode = #tpu.pipeline_mode<synchronous>, transform_indices = @transform_4, window_bounds = array<i64: 32, 1>}, {pipeline_mode = #tpu.pipeline_mode<synchronous>, transform_indices = @transform_5, window_bounds = array<i64: 1, 1>}, {pipeline_mode = #tpu.pipeline_mode<synchronous>, transform_indices = @transform_6, window_bounds = array<i64: 64, 1>}]} {
    %eq3A = arith.constant 0 : i32
    %eq3A_0 = arith.cmpi eq, %arg0, %eq3A : i32
    %convert_element_type3A = arith.extui %eq3A_0 : i1 to i32
    %cond3A = arith.constant 0 : i32
    %cond3A_1 = arith.cmpi ne, %convert_element_type3A, %cond3A : i32
    scf.if %cond3A_1 {
      %broadcast_in_dim3A_97 = arith.constant 0.000000e+00 : f32
      %broadcast_in_dim3A_98 = vector.broadcast %broadcast_in_dim3A_97 : f32 to vector<64x32xf32>
      %swap3A_99 = arith.constant 0 : index
      %swap3A_100 = arith.constant 0 : index
      %swap3A_101 = vector.load %arg8[%swap3A_99, %swap3A_100] : memref<64x32xf32, #tpu.memory_space<vmem>>, vector<64x32xf32>
      tpu.vector_store %arg8[%swap3A_99, %swap3A_100], %broadcast_in_dim3A_98 {strides = array<i32>} : memref<64x32xf32, #tpu.memory_space<vmem>>, vector<64x32xf32>,
    } else {
    }
    %get3A = arith.constant 0 : index
    %get3A_2 = arith.constant 0 : index
    %get3A_3 = vector.load %arg2[%get3A, %get3A_2] : memref<640x128xf32, #tpu.memory_space<vmem>>, vector<640x128xf32>
    %get3A_4 = arith.constant 0 : index
    %get3A_5 = arith.constant 0 : index
    %get3A_6 = arith.constant 0 : index
    %get3A_7 = vector.load %arg1[%get3A_4, %get3A_5, %get3A_6] : memref<2x640x128xf32, #tpu.memory_space<vmem>>, vector<1x640x128xf32>
    %get3A_8 = vector.shape_cast %get3A_7 : vector<1x640x128xf32> to vector<640x128xf32>
    %get3A_9 = arith.constant 1 : index
    %get3A_10 = arith.constant 0 : index
    %get3A_11 = arith.constant 0 : index
    %get3A_12 = vector.load %arg1[%get3A_9, %get3A_10, %get3A_11] : memref<2x640x128xf32, #tpu.memory_space<vmem>>, vector<1x640x128xf32>
    %get3A_13 = vector.shape_cast %get3A_12 : vector<1x640x128xf32> to vector<640x128xf32>
    %add3A = arith.addf %get3A_8, %get3A_13 : vector<640x128xf32>
    %mul3A = arith.mulf %get3A_3, %add3A : vector<640x128xf32>
    %get3A_14 = arith.constant 0 : index
    %get3A_15 = arith.constant 0 : index
    %get3A_16 = vector.load %arg3[%get3A_14, %get3A_15] : memref<1x128xf32, #tpu.memory_space<vmem>>, vector<1x128xf32>
    %add3A_17 = vector.broadcast %get3A_16 : vector<1x128xf32> to vector<640x128xf32>
    %add3A_18 = arith.addf %mul3A, %add3A_17 : vector<640x128xf32>
    %max3A = arith.constant 0.000000e+00 : f32
    %max3A_19 = vector.broadcast %max3A : f32 to vector<640x128xf32>
    %max3A_20 = arith.maximumf %add3A_18, %max3A_19 : vector<640x128xf32>
    %get3A_21 = arith.constant 0 : index
    %get3A_22 = arith.constant 0 : index
    %get3A_23 = vector.load %arg4[%get3A_21, %get3A_22] : memref<4x640xi32, #tpu.memory_space<vmem>>, vector<1x640xi32>
    %iota3A = tpu.iota {dimensions = array<i32: 0>} : vector<64x640xi32>
    %broadcast_in_dim3A = vector.shape_cast %get3A_23 : vector<1x640xi32> to vector<1x640xi32>
    %broadcast_in_dim3A_24 = vector.broadcast %broadcast_in_dim3A : vector<1x640xi32> to vector<64x640xi32>
    %eq3A_25 = arith.cmpi eq, %iota3A, %broadcast_in_dim3A_24 : vector<64x640xi32>
    %convert_element_type3A_26 = arith.extui %eq3A_25 : vector<64x640xi1> to vector<64x640xi32>
    %convert_element_type3A_27 = arith.sitofp %convert_element_type3A_26 : vector<64x640xi32> to vector<64x640xf32>
    %get3A_28 = arith.constant 0 : index
    %get3A_29 = arith.constant 0 : index
    %get3A_30 = vector.load %arg8[%get3A_28, %get3A_29] : memref<64x32xf32, #tpu.memory_space<vmem>>, vector<64x32xf32>
    %slice3A = vector.extract_strided_slice %max3A_20 {offsets = [0, 0], sizes = [640, 32], strides = [1, 1]} : vector<640x128xf32> to vector<640x32xf32>
    %dot_general3A = arith.constant dense<0.000000e+00> : vector<64x32xf32>
    %dot_general3A_31 = tpu.matmul %convert_element_type3A_27, %slice3A, %dot_general3A {dimension_numbers = #tpu.dot_dimension_numbers<[1], [0], [0], [1], [0, 0, 1, 1], [], []>, precision = #tpu.contract_precision<fp32>, transpose_lhs_hint = false} : vector<64x640xf32>, vector<640x32xf32>, vector<64x32xf32> -> vector<64x32xf32>
    %add3A_32 = arith.addf %get3A_30, %dot_general3A_31 : vector<64x32xf32>
    %swap3A = arith.constant 0 : index
    %swap3A_33 = arith.constant 0 : index
    %swap3A_34 = vector.load %arg8[%swap3A, %swap3A_33] : memref<64x32xf32, #tpu.memory_space<vmem>>, vector<64x32xf32>
    tpu.vector_store %arg8[%swap3A, %swap3A_33], %add3A_32 {strides = array<i32>} : memref<64x32xf32, #tpu.memory_space<vmem>>, vector<64x32xf32>,
    %get3A_35 = arith.constant 1 : index
    %get3A_36 = arith.constant 0 : index
    %get3A_37 = vector.load %arg4[%get3A_35, %get3A_36] : memref<4x640xi32, #tpu.memory_space<vmem>>, vector<1x640xi32>
    %iota3A_38 = tpu.iota {dimensions = array<i32: 0>} : vector<64x640xi32>
    %broadcast_in_dim3A_39 = vector.shape_cast %get3A_37 : vector<1x640xi32> to vector<1x640xi32>
    %broadcast_in_dim3A_40 = vector.broadcast %broadcast_in_dim3A_39 : vector<1x640xi32> to vector<64x640xi32>
    %eq3A_41 = arith.cmpi eq, %iota3A_38, %broadcast_in_dim3A_40 : vector<64x640xi32>
    %convert_element_type3A_42 = arith.extui %eq3A_41 : vector<64x640xi1> to vector<64x640xi32>
    %convert_element_type3A_43 = arith.sitofp %convert_element_type3A_42 : vector<64x640xi32> to vector<64x640xf32>
    %get3A_44 = arith.constant 0 : index
    %get3A_45 = arith.constant 0 : index
    %get3A_46 = vector.load %arg8[%get3A_44, %get3A_45] : memref<64x32xf32, #tpu.memory_space<vmem>>, vector<64x32xf32>
    %slice3A_47 = vector.extract_strided_slice %max3A_20 {offsets = [0, 32], sizes = [640, 32], strides = [1, 1]} : vector<640x128xf32> to vector<640x32xf32>
    %dot_general3A_48 = arith.constant dense<0.000000e+00> : vector<64x32xf32>
    %dot_general3A_49 = tpu.matmul %convert_element_type3A_43, %slice3A_47, %dot_general3A_48 {dimension_numbers = #tpu.dot_dimension_numbers<[1], [0], [0], [1], [0, 0, 1, 1], [], []>, precision = #tpu.contract_precision<fp32>, transpose_lhs_hint = false} : vector<64x640xf32>, vector<640x32xf32>, vector<64x32xf32> -> vector<64x32xf32>
    %add3A_50 = arith.addf %get3A_46, %dot_general3A_49 : vector<64x32xf32>
    %swap3A_51 = arith.constant 0 : index
    %swap3A_52 = arith.constant 0 : index
    %swap3A_53 = vector.load %arg8[%swap3A_51, %swap3A_52] : memref<64x32xf32, #tpu.memory_space<vmem>>, vector<64x32xf32>
    tpu.vector_store %arg8[%swap3A_51, %swap3A_52], %add3A_50 {strides = array<i32>} : memref<64x32xf32, #tpu.memory_space<vmem>>, vector<64x32xf32>,
    %get3A_54 = arith.constant 2 : index
    %get3A_55 = arith.constant 0 : index
    %get3A_56 = vector.load %arg4[%get3A_54, %get3A_55] : memref<4x640xi32, #tpu.memory_space<vmem>>, vector<1x640xi32>
    %iota3A_57 = tpu.iota {dimensions = array<i32: 0>} : vector<64x640xi32>
    %broadcast_in_dim3A_58 = vector.shape_cast %get3A_56 : vector<1x640xi32> to vector<1x640xi32>
    %broadcast_in_dim3A_59 = vector.broadcast %broadcast_in_dim3A_58 : vector<1x640xi32> to vector<64x640xi32>
    %eq3A_60 = arith.cmpi eq, %iota3A_57, %broadcast_in_dim3A_59 : vector<64x640xi32>
    %convert_element_type3A_61 = arith.extui %eq3A_60 : vector<64x640xi1> to vector<64x640xi32>
    %convert_element_type3A_62 = arith.sitofp %convert_element_type3A_61 : vector<64x640xi32> to vector<64x640xf32>
    %get3A_63 = arith.constant 0 : index
    %get3A_64 = arith.constant 0 : index
    %get3A_65 = vector.load %arg8[%get3A_63, %get3A_64] : memref<64x32xf32, #tpu.memory_space<vmem>>, vector<64x32xf32>
    %slice3A_66 = vector.extract_strided_slice %max3A_20 {offsets = [0, 64], sizes = [640, 32], strides = [1, 1]} : vector<640x128xf32> to vector<640x32xf32>
    %dot_general3A_67 = arith.constant dense<0.000000e+00> : vector<64x32xf32>
    %dot_general3A_68 = tpu.matmul %convert_element_type3A_62, %slice3A_66, %dot_general3A_67 {dimension_numbers = #tpu.dot_dimension_numbers<[1], [0], [0], [1], [0, 0, 1, 1], [], []>, precision = #tpu.contract_precision<fp32>, transpose_lhs_hint = false} : vector<64x640xf32>, vector<640x32xf32>, vector<64x32xf32> -> vector<64x32xf32>
    %add3A_69 = arith.addf %get3A_65, %dot_general3A_68 : vector<64x32xf32>
    %swap3A_70 = arith.constant 0 : index
    %swap3A_71 = arith.constant 0 : index
    %swap3A_72 = vector.load %arg8[%swap3A_70, %swap3A_71] : memref<64x32xf32, #tpu.memory_space<vmem>>, vector<64x32xf32>
    tpu.vector_store %arg8[%swap3A_70, %swap3A_71], %add3A_69 {strides = array<i32>} : memref<64x32xf32, #tpu.memory_space<vmem>>, vector<64x32xf32>,
    %get3A_73 = arith.constant 3 : index
    %get3A_74 = arith.constant 0 : index
    %get3A_75 = vector.load %arg4[%get3A_73, %get3A_74] : memref<4x640xi32, #tpu.memory_space<vmem>>, vector<1x640xi32>
    %iota3A_76 = tpu.iota {dimensions = array<i32: 0>} : vector<64x640xi32>
    %broadcast_in_dim3A_77 = vector.shape_cast %get3A_75 : vector<1x640xi32> to vector<1x640xi32>
    %broadcast_in_dim3A_78 = vector.broadcast %broadcast_in_dim3A_77 : vector<1x640xi32> to vector<64x640xi32>
    %eq3A_79 = arith.cmpi eq, %iota3A_76, %broadcast_in_dim3A_78 : vector<64x640xi32>
    %convert_element_type3A_80 = arith.extui %eq3A_79 : vector<64x640xi1> to vector<64x640xi32>
    %convert_element_type3A_81 = arith.sitofp %convert_element_type3A_80 : vector<64x640xi32> to vector<64x640xf32>
    %get3A_82 = arith.constant 0 : index
    %get3A_83 = arith.constant 0 : index
    %get3A_84 = vector.load %arg8[%get3A_82, %get3A_83] : memref<64x32xf32, #tpu.memory_space<vmem>>, vector<64x32xf32>
    %slice3A_85 = vector.extract_strided_slice %max3A_20 {offsets = [0, 96], sizes = [640, 32], strides = [1, 1]} : vector<640x128xf32> to vector<640x32xf32>
    %dot_general3A_86 = arith.constant dense<0.000000e+00> : vector<64x32xf32>
    %dot_general3A_87 = tpu.matmul %convert_element_type3A_81, %slice3A_85, %dot_general3A_86 {dimension_numbers = #tpu.dot_dimension_numbers<[1], [0], [0], [1], [0, 0, 1, 1], [], []>, precision = #tpu.contract_precision<fp32>, transpose_lhs_hint = false} : vector<64x640xf32>, vector<640x32xf32>, vector<64x32xf32> -> vector<64x32xf32>
    %add3A_88 = arith.addf %get3A_84, %dot_general3A_87 : vector<64x32xf32>
    %swap3A_89 = arith.constant 0 : index
    %swap3A_90 = arith.constant 0 : index
    %swap3A_91 = vector.load %arg8[%swap3A_89, %swap3A_90] : memref<64x32xf32, #tpu.memory_space<vmem>>, vector<64x32xf32>
    tpu.vector_store %arg8[%swap3A_89, %swap3A_90], %add3A_88 {strides = array<i32>} : memref<64x32xf32, #tpu.memory_space<vmem>>, vector<64x32xf32>,
    %eq3A_92 = arith.constant 3 : i32
    %eq3A_93 = arith.cmpi eq, %arg0, %eq3A_92 : i32
    %convert_element_type3A_94 = arith.extui %eq3A_93 : i1 to i32
    %cond3A_95 = arith.constant 0 : i32
    %cond3A_96 = arith.cmpi ne, %convert_element_type3A_94, %cond3A_95 : i32
    scf.if %cond3A_96 {
      %get3A_97 = arith.constant 0 : index
      %get3A_98 = arith.constant 0 : index
      %get3A_99 = vector.load %arg8[%get3A_97, %get3A_98] : memref<64x32xf32, #tpu.memory_space<vmem>>, vector<64x32xf32>
      %get3A_100 = arith.constant 0 : index
      %get3A_101 = arith.constant 0 : index
      %get3A_102 = vector.load %arg5[%get3A_100, %get3A_101] : memref<32x1xf32, #tpu.memory_space<vmem>>, vector<32x1xf32>
      %dot_general3A_103 = arith.constant dense<0.000000e+00> : vector<64x1xf32>
      %dot_general3A_104 = tpu.matmul %get3A_99, %get3A_102, %dot_general3A_103 {dimension_numbers = #tpu.dot_dimension_numbers<[1], [0], [0], [1], [0, 0, 1, 1], [], []>, precision = #tpu.contract_precision<fp32>, transpose_lhs_hint = false} : vector<64x32xf32>, vector<32x1xf32>, vector<64x1xf32> -> vector<64x1xf32>
      %get3A_105 = arith.constant 0 : index
      %get3A_106 = arith.constant 0 : index
      %get3A_107 = vector.load %arg6[%get3A_105, %get3A_106] : memref<1x1xf32, #tpu.memory_space<vmem>>, vector<1x1xf32>
      %add3A_108 = vector.broadcast %get3A_107 : vector<1x1xf32> to vector<64x1xf32>
      %add3A_109 = arith.addf %dot_general3A_104, %add3A_108 : vector<64x1xf32>
      %swap3A_110 = arith.constant 0 : index
      %swap3A_111 = arith.constant 0 : index
      %swap3A_112 = vector.load %arg7[%swap3A_110, %swap3A_111] : memref<64x1xf32, #tpu.memory_space<vmem>>, vector<64x1xf32>
      tpu.vector_store %arg7[%swap3A_110, %swap3A_111], %add3A_109 {strides = array<i32>} : memref<64x1xf32, #tpu.memory_space<vmem>>, vector<64x1xf32>,
    } else {
    }
    return
  }
  func.func @transform_0(%arg0: i32) -> (i32, i32, i32) {
    %c0_i32 = arith.constant 0 : i32
    %c0_i32_0 = arith.constant 0 : i32
    %c0_i32_1 = arith.constant 0 : i32
    return %c0_i32, %arg0, %c0_i32_0 : i32, i32, i32
  }
  func.func @transform_1(%arg0: i32) -> (i32, i32) {
    %c0_i32 = arith.constant 0 : i32
    %c0_i32_0 = arith.constant 0 : i32
    return %arg0, %c0_i32 : i32, i32
  }
  func.func @transform_2(%arg0: i32) -> (i32, i32) {
    %c0_i32 = arith.constant 0 : i32
    %c0_i32_0 = arith.constant 0 : i32
    %c0_i32_1 = arith.constant 0 : i32
    return %c0_i32, %c0_i32_0 : i32, i32
  }
  func.func @transform_3(%arg0: i32) -> (i32, i32) {
    %c0_i32 = arith.constant 0 : i32
    %c0_i32_0 = arith.constant 0 : i32
    return %c0_i32, %arg0 : i32, i32
  }
  func.func @transform_4(%arg0: i32) -> (i32, i32) {
    %c0_i32 = arith.constant 0 : i32
    %c0_i32_0 = arith.constant 0 : i32
    %c0_i32_1 = arith.constant 0 : i32
    return %c0_i32, %c0_i32_0 : i32, i32
  }
  func.func @transform_5(%arg0: i32) -> (i32, i32) {
    %c0_i32 = arith.constant 0 : i32
    %c0_i32_0 = arith.constant 0 : i32
    %c0_i32_1 = arith.constant 0 : i32
    return %c0_i32, %c0_i32_0 : i32, i32
  }
  func.func @transform_6(%arg0: i32) -> (i32, i32) {
    %c0_i32 = arith.constant 0 : i32
    %c0_i32_0 = arith.constant 0 : i32
    %c0_i32_1 = arith.constant 0 : i32
    return %c0_i32, %c0_i32_0 : i32, i32
  }
}

</mosaic_0001>

<sc_bundles>
// kernel: kernel.11.cloned.1.call-start
scs
__scs_entry_jumppad:
0x0: {  	(pc) =	sbr.rel $0x88, $3  }
0x1: {  	(tag) =	ssettag $0x0;
	lr =	simm.s32 $0x1  }
0x2: {  	[smem:$0x3F98] =	sst lr;
	_ =	strace $0xD0000000  }
0x3: {  	_ = 	snop  }
0x4: {  	_ = 	snop  }
0x5: {  	_ = 	snop  }
0x6: {  	_ = 	snop  }
0x7: {  	_ = 	snop  }
__scs_overlays_trampoline_lowered:
0x8: {  	[smem:$0x3FA7] =	sst s0  }
0x9: {  	[smem:$0x3FA8] =	sst s1  }
0xa: {  	[smem:$0x3FA9] =	sst s2  }
0xb: {  	[smem:$0x3FAA] =	sst s3  }
0xc: {  	[smem:$0x3FAB] =	sst s4  }
0xd: {  	[smem:$0x3FAC] =	sst s5  }
0xe: {  	[smem:$0x3FAD] =	sst s6  }
0xf: {  	[smem:$0x3FAE] =	sst s7  }
0x10: {  	[smem:$0x3FAF] =	sst s8  }
0x11: {  	[smem:$0x3FB0] =	sst s9;
	s0 =	simm.s32 @!p0 $0x0  }
0x12: {  	s1 =	sld [smem:$0x3F96];
	s0 =	simm.s32 @p0 $0x1  }
0x13: {  	[smem:$0x3FB1] =	sst s0;
	s0 =	simm.s32 @!p1 $0x0  }
0x14: {  	s2 =	sld [smem:$0x3F95];
	s0 =	simm.s32 @p1 $0x1  }
0x15: {  	[smem:$0x3FB2] =	sst s0;
	s0 =	simm.s32 @!p2 $0x0  }
0x16: {  	s3 =	sld [smem:$0x3FDB];
	s0 =	simm.s32 @p2 $0x1  }
0x17: {  	s4 =	simm.s32 $0x1BF5;
	[smem:$0x3FB4] =	sst s0  }
0x18: {  	s0 =	sld [smem:$0x3F97];
	_ =	swait.ge [sflag:s4], $0x0  }
0x19: {  	s7 =	sld [smem:$0x3F98]  }
0x1a: {  	s8 =	sadd.s32 $0xFFFFE003, lr  }
0x1b: {  	s9 =	sadd.s32 $0xFFFFFEF7, lr;
	s5 =	simm.s32 $0xFFFFFFFF;
	p2 =	slt.u32 s8, $0xFFFFF086  }
0x1c: {  	p1 =	slt.u32 s9, $0xF7A;
	s5 =	simm.s32 @!p2 $0x0  }
0x1d: {  	s5 =	simm.s32 @p1 $0x1;
	p0 =	seq.s32 s7, s2  }
0x1e: {  	s7 =	smul.u32 @!p0 $0xF7A, s2;
	p2 =	seq.s32 @!p0 s5, $0x0  }
0x1f: {  	s9 =	smul.u32 $0xF7A, s1;
	s8 =	simm.s32 @!p0 $0x1BF5;
	p2 =	por !p2, p0  }
0x20: {  	[sflag:s8] =	ssyncset.s32 @!p0 $0xFFFFF086;
	s6 =	sadd.s32 @!p0 s3, s7;
	s7 =	simm.s32 @!p0 $0x108  }
0x21: {  	s3 =	sadd.s32 s3, s9;
	s6 =	sadd.s32 @!p0 $0x88, s6;
	s7 =	simm.s32 @p2 $0x1082  }
0x22: {  	[simem:s7], [sflag:s8] =	dma.local @!p0 [hbm:s6], $0xF7A  }
0x23: {  	s9 =	sor.u32 $0xD0000000, s2;
	s6 =	simm.s32 $0x108;
	_ =	swait.ge @!p0 [sflag:s8], $0x0  }
0x24: {  	s3 =	sadd.s32 $0x88, s3;
	s6 =	simm.s32 @!p1 $0x1082;
	[sflag:s4] =	ssyncset.s32 $0xFFFFF086  }
0x25: {  	[simem:s6], [sflag:s4] =	dma.local [hbm:s3], $0xF7A  }
0x26: {  	[smem:$0x3F98] =	sst s1;
	(tag) =	ssettag s2;
	_ =	strace s9  }
0x27: {  	s1 =	sld [smem:$0x3FA8]  }
0x28: {  	s2 =	sld [smem:$0x3FA9]  }
0x29: {  	s4 =	sld [smem:$0x3FAB]  }
0x2a: {  	p0 =	seq.s32 s5, $0x0;
	s5 =	sld [smem:$0x3FAC]  }
0x2b: {  	s6 =	sld [smem:$0x3FAD]  }
0x2c: {  	s7 =	sld [smem:$0x3FAE]  }
0x2d: {  	s3 =	simm.s32 $0x108;
	s8 =	sld [smem:$0x3FAF]  }
0x2e: {  	s3 =	simm.s32 @!p0 $0x1082;
	s9 =	sld [smem:$0x3FB0]  }
0x2f: {  	lr =	sadd.s32 s0, s3;
	s0 =	sld [smem:$0x3FA7]  }
0x30: {  	s3 =	sld [smem:$0x3FAA]  }
0x31: {  	[smem:$0x3FB3] =	sst s10  }
0x32: {  	s10 =	sld [smem:$0x3FB1];
	_ =	sdelay $0x3  }
0x33: {  	p0 =	seq.s32 s10, $0x1;
	s10 =	sld [smem:$0x3FB3];
	_ =	sdelay $0x3  }
0x34: {  	[smem:$0x3FB3] =	sst s10  }
0x35: {  	s10 =	sld [smem:$0x3FB2];
	_ =	sdelay $0x3  }
0x36: {  	p1 =	seq.s32 s10, $0x1;
	s10 =	sld [smem:$0x3FB3];
	_ =	sdelay $0x3  }
0x37: {  	[smem:$0x3FB3] =	sst s10  }
0x38: {  	s10 =	sld [smem:$0x3FB4]  }
0x39: {  	_ = 	snop;
	(pc) =	sbr.ind lr, $3  }
0x3a: {  	_ = 	snop  }
0x3b: {  	_ = 	snop  }
0x3c: {  	p2 =	seq.s32 s10, $0x1;
	s10 =	sld [smem:$0x3FB3]  }
0x3d: {  	_ =	shalt  }
0x3e: {  	_ =	shalt  }
0x3f: {  	_ =	shalt  }
0x40: {  	_ =	shalt  }
0x41: {  	_ =	shalt  }
0x42: {  	_ =	shalt  }
0x43: {  	_ =	shalt  }
0x44: {  	_ =	shalt  }
0x45: {  	_ =	shalt  }
0x46: {  	_ =	shalt  }
0x47: {  	_ =	shalt  }
0x48: {  	_ =	shalt  }
0x49: {  	_ =	shalt  }
0x4a: {  	_ =	shalt  }
0x4b: {  	_ =	shalt  }
0x4c: {  	_ =	shalt  }
0x4d: {  	_ =	shalt  }
0x4e: {  	_ =	shalt  }
0x4f: {  	_ =	shalt  }
0x50: {  	_ =	shalt  }
0x51: {  	_ =	shalt  }
0x52: {  	_ =	shalt  }
0x53: {  	_ =	shalt  }
0x54: {  	_ =	shalt  }
0x55: {  	_ =	shalt  }
0x56: {  	_ =	shalt  }
0x57: {  	_ =	shalt  }
0x58: {  	_ =	shalt  }
0x59: {  	_ =	shalt  }
0x5a: {  	_ =	shalt  }
0x5b: {  	_ =	shalt  }
0x5c: {  	_ =	shalt  }
0x5d: {  	_ =	shalt  }
0x5e: {  	_ =	shalt  }
0x5f: {  	_ =	shalt  }
0x60: {  	_ =	shalt  }
0x61: {  	_ =	shalt  }
0x62: {  	_ =	shalt  }
0x63: {  	_ =	shalt  }
0x64: {  	_ =	shalt  }
0x65: {  	_ =	shalt  }
0x66: {  	_ =	shalt  }
0x67: {  	_ =	shalt  }
0x68: {  	_ =	shalt  }
0x69: {  	_ =	shalt  }
0x6a: {  	_ =	shalt  }
0x6b: {  	_ =	shalt  }
0x6c: {  	_ =	shalt  }
0x6d: {  	_ =	shalt  }
0x6e: {  	_ =	shalt  }
0x6f: {  	_ =	shalt  }
0x70: {  	_ =	shalt  }
0x71: {  	_ =	shalt  }
0x72: {  	_ =	shalt  }
0x73: {  	_ =	shalt  }
0x74: {  	_ =	shalt  }
0x75: {  	_ =	shalt  }
0x76: {  	_ =	shalt  }
0x77: {  	_ =	shalt  }
0x78: {  	_ =	shalt  }
0x79: {  	_ =	shalt  }
0x7a: {  	_ =	shalt  }
0x7b: {  	_ =	shalt  }
0x7c: {  	_ =	shalt  }
0x7d: {  	_ =	shalt  }
0x7e: {  	_ =	shalt  }
0x7f: {  	_ =	shalt  }
0x80: {  	_ =	shalt  }
0x81: {  	_ =	shalt  }
0x82: {  	_ =	shalt  }
0x83: {  	_ =	shalt  }
0x84: {  	_ =	shalt  }
0x85: {  	_ =	shalt  }
0x86: {  	_ =	shalt  }
0x87: {  	_ =	shalt  }
.Lfunc_end0:
.L_simem_size_0:
called_computation_lowered:
.L_overlay_start_0:
0x88: {  	s2 =	sld [smem:$0x3FD9]  }
0x89: {  	s3 =	sld [smem:$0x3FFE];
	_ =	sdelay $0x1  }
0x8a: {  	s1 =	srdreg.scid  }
0x8b: {  	s0 =	sand.u32 $0x1, s1  }
0x8c: {  	s16 =	sshll.u32 s0, $0xA;
	s2 =	sadd.s32 s3, s2  }
0x8d: {  	s2 =	sadd.s32 s2, s16  }
0x8e: {  	[smem:$0x3FBF] =	sst s2  }
0x8f: {  	_ = 	snop  }
0x90: {  	(tm) =	ssettm $0x1  }
0x91: {  	s17 =	sld [smem:$0x3FFB];
	_ =	sdelay $0x3  }
0x92: {  	_ =	strace s17  }
0x93: {  	s2 =	sld [smem:$0x3FFC];
	_ =	sdelay $0x3  }
0x94: {  	_ =	strace s2  }
0x95: {  	s2 =	sld [smem:$0x3FFD];
	_ =	sdelay $0x3  }
0x96: {  	_ =	strace s2  }
0x97: {  	_ =	strace $0x8FFFFFFF  }
0x98: {  	s18 =	sld [smem:$0x3FDB];
	_ =	sdelay $0x1  }
0x99: {  	s19 =	simm.s32 $_scs_section_size  }
0x9a: {  	s4 =	simm.s32 $_size__tile_overlayer_lowered;
	s5 =	simm.s32 $_tile_overlayer_lowered  }
0x9b: {  	s22 =	simm.s32 $0x1BFF;
	s21 =	sshll.u32 s5, $0x1;
	s2 =	sadd.s32 s19, s18  }
0x9c: {  	s6 =	simm.s32 $0x0;
	s20 =	sshll.u32 s4, $0x1;
	s4 =	sadd.s32 s21, s2  }
0x9d: {  	[timem:s6], [sflag:s22] =	dma.local [hbm:s4], s20  }
0x9e: {  	_ =	swait.ge [sflag:s22], s20  }
0x9f: {  	s3 =	ssub.s32 $0x0, s20;
	[sflag:s22] =	ssyncset.done $0x0  }
0xa0: {  	[sflag:s22] =	ssyncadd.s32 s3;
	_ =	sdelay $0x1  }
0xa1: {  	s23 =	simm.s32 $0x1B8B  }
0xa2: {  	_ =	swait.ge [sflag:s23], $0x1  }
0xa3: {  	[sflag:s23] =	ssyncset.done $0x0  }
0xa4: {  	s25 =	simm.s32 $0x1B8E;
	s24 =	sld [smem:$0x3FFE];
	[sflag:s23] =	ssyncadd.s32 $0xFFFFFFFF  }
0xa5: {  	s26 =	simm.s32 $execute0_lowered;
	[smem:$0x3FD2] =	sst s25  }
0xa6: {  	s4 =	sshll.u32 s26, $0x1;
	_ =	strace $0x80000046;
	[dreg:$0x1] =	wrdreg $0xFFFFFFFF  }
0xa7: {  	s28 =	simm.s32 $_size_execute0_lowered;
	s2 =	sadd.s32 s2, s4;
	[dreg:$0x0] =	wrdreg $0x0  }
0xa8: {  	s4 =	sshll.u32 s28, $0x1;
	[dreg:$0x2] =	wrdreg s2  }
0xa9: {  	[dreg:$0x3] =	wrdreg s4  }
0xaa: {  	[dreg:$0x4] =	wrdreg $0xC0  }
0xab: {  	_ =	task [dreg:s6], $0x5FFFF  }
0xac: {  	[dreg:$0x1] =	wrdreg $0xFFFFFFFF  }
0xad: {  	[dreg:$0x0] =	wrdreg $0x60  }
0xae: {  	[dreg:$0x2] =	wrdreg s24  }
0xaf: {  	[dreg:$0x3] =	wrdreg $0x8A000  }
0xb0: {  	[dreg:$0x4] =	wrdreg $0x9  }
0xb1: {  	_ =	task.clear_ibuf [dreg:s6], $0x5FFFF;
	_ =	strace $0x90000046  }
0xb2: {  	s29 =	simm.s32 $0x9;
	_ =	strace $0x80000048  }
0xb3: {  	_ =	swait.ge [sflag:s29], $0x1  }
0xb4: {  	[sflag:s29] =	ssyncadd.s32 $0xFFFFFFFF  }
0xb5: {  	_ =	strace $0x90000048  }
0xb6: {  	_ =	sfence  }
0xb7: {  	s30 =	sld [smem:$0x0];
	_ =	sdelay $0x2  }
0xb8: {  	s31 =	sshll.u32 s1, $0xD;
	s1 =	sshrl.u32 s1, $0x2  }
0xb9: {  	s3 =	sand.u32 $0x4000, s31;
	s1 =	sadd.s32 s1, s30  }
0xba: {  	s0 =	sor.u32 s3, s0;
	s1 =	sshll.u32 s1, $0x11  }
0xbb: {  	s0 =	sor.u32 s1, s0  }
0xbc: {  	s0 =	sadd.s32 $0x8F2B, s0  }
0xbd: {  	[sflag:s0] =	ssyncadd.remote.s32 $0x1  }
0xbe: {  	_ =	sfence.sel $0xFFFF  }
0xbf: {  	[dreg:$0x0] =	wrdreg $0xFFFFFFFF;
	(pc) =	sbr.abs _section_cstart, $3  }
0xc0: {  	[dreg:$0x1] =	wrdreg $0xFFFFFFFF  }
0xc1: {  	_ =	task.clear_ibuf [dreg:s6], $0x2FFFF;
	_ =	strace $0x9FFFFFFF  }
0xc2: {  	(tm) =	ssettm $0x7FFFFFFF  }
0xc3: {  	_ =	shalt  }
tec
execute0_lowered:
.L_overlay_start_1:
0x0: {  	(tag) =	ssettag $0x1  }
0x1: {  	s4 =	rddreg [dreg:$0x0]  }
0x2: {  	s2 =	rddreg [dreg:$0x1]  }
0x3: {  	s0 =	rddreg [dreg:$0x2];
	s3 =	srdreg.scid  }
0x4: {  	s1 =	stileid.u32;
	s10 =	simm.s32 $0x80;
	s11 =	simm.s32 $0x2A00  }
0x5: {  	s12 =	simm.s32 $0x1;
	s13 =	simm.s32 $0x0;
	s5 =	sand.u32 $0x1, s3  }
0x6: {  	s6 =	sshll.u32 s1, $0x1;
	s7 =	smul.u32 $0x5000, s1;
	s3 =	simm.s32 $0x0  }
0x7: {  	s6 =	sor.u32 s5, s6;
	s8 =	smul.u32 $0x50000, s5;
	s5 =	ssub.s32 $0x2, s5  }
0x8: {  	[smem:$0x7FF] =	sst s3;
	s6 =	smul.u32 $0x540, s6;
	s9 =	sshrl.u32 s5, $0x1  }
0x9: {  	_ =	strace $0x80000047;
	s8 =	sadd.s32 s7, s8;
	s9 =	ssub.s32 s5, s9  }
0xa: {  	s5 =	sadd.s32 s7, s2;
	s6 =	sadd.s32 s6, s4;
	s8 =	sshrl.u32 s8, $0x3  }
0xb: {  	s7 =	smax.u32 s9, $0x1;
	s9 =	simm.s32 $0x3A00;
	s8 =	sadd.s32 s8, s4  }
0xc: {  	v0 =	vimm.f32 $1.000000000e+00;
	v1 =	vimm.f32 $0.0e+00;
	s4 =	sadd.s32 $0x3000, s6;
	s6 =	sadd.s32 $0xD800, s8;
	s8 =	simm.s32 $0x2  }
.LBB2_1:
0xd: {  	[tilespmem:s3], [sflag:$0x2] =	stream.linear.gather [hbm4b:s4+s3], $0x2A00, $0x38;
	[tilespmem:$0xDA00] =	vst v63  }
0xe: {  	_ =	swait.ge [sflag:s8], $0x2A00  }
0xf: {  	[sflag:s8] =	ssyncset.done $0x0  }
0x10: {  	s15 =	simm.s32 $0x2A80;
	[sflag:s8] =	ssyncadd.s32 $0xFFFFD600  }
0x11: {  	[tilespmem:s15+$0xFFFFFF80] =	vst v0  }
0x12: {  	[tilespmem:s15+$0x70] =	vst v0  }
0x13: {  	[tilespmem:s15+$0x60] =	vst v0  }
0x14: {  	[tilespmem:s15+$0x50] =	vst v0  }
0x15: {  	[tilespmem:s15+$0x40] =	vst v0  }
0x16: {  	[tilespmem:s15+$0x30] =	vst v0  }
0x17: {  	[tilespmem:s15+$0x20] =	vst v0  }
0x18: {  	[tilespmem:s15+$0x10] =	vst v0  }
0x19: {  	[tilespmem:s15+$0x0] =	vst v0  }
0x1a: {  	[tilespmem:s15+$0xFFFFFFF0] =	vst v0  }
0x1b: {  	[tilespmem:s15+$0xFFFFFFE0] =	vst v0  }
0x1c: {  	[tilespmem:s15+$0xFFFFFFD0] =	vst v0  }
0x1d: {  	[tilespmem:s15+$0xFFFFFFC0] =	vst v0  }
0x1e: {  	[tilespmem:s15+$0xFFFFFFB0] =	vst v0  }
0x1f: {  	s16 =	simm.s32 $0x0;
	[tilespmem:s15+$0xFFFFFFA0] =	vst v0  }
.LBB2_2:
0x20: {  	s16 =	sadd.s32 $0x8, s16;
	[tilespmem:s15+$0xFFFFFF90] =	vst v0;
	s15 =	sadd.s32 $0x100, s15;
	s14 =	simm.s32 $0x3A80  }
0x21: {  	[tilespmem:s15+$0xFFFFFF80] =	vst v0;
	p0 =	slt.u32 s16, $0x78  }
0x22: {  	[tilespmem:s15+$0x70] =	vst v0  }
0x23: {  	[tilespmem:s15+$0x60] =	vst v0  }
0x24: {  	[tilespmem:s15+$0x50] =	vst v0  }
0x25: {  	[tilespmem:s15+$0x40] =	vst v0  }
0x26: {  	[tilespmem:s15+$0x30] =	vst v0  }
0x27: {  	[tilespmem:s15+$0x20] =	vst v0  }
0x28: {  	[tilespmem:s15+$0x10] =	vst v0  }
0x29: {  	[tilespmem:s15+$0x0] =	vst v0  }
0x2a: {  	[tilespmem:s15+$0xFFFFFFF0] =	vst v0  }
.Ltmp0:
0x2b: {  	[tilespmem:s15+$0xFFFFFFE0] =	vst v0;
	(pc) =	sbr.rel @p0 .LBB2_2-.Ltmp0, $4  }
0x2c: {  	[tilespmem:s15+$0xFFFFFFD0] =	vst v0  }
0x2d: {  	[tilespmem:s15+$0xFFFFFFC0] =	vst v0  }
0x2e: {  	[tilespmem:s15+$0xFFFFFFB0] =	vst v0  }
0x2f: {  	[tilespmem:s15+$0xFFFFFFA0] =	vst v0  }
0x30: {  	[tilespmem:s15+$0xFFFFFF90] =	vst v0  }
0x31: {  	[tilespmem:s14+$0xFFFFFF80] =	vst v1  }
0x32: {  	[tilespmem:s14+$0x70] =	vst v1  }
0x33: {  	[tilespmem:s14+$0x60] =	vst v1  }
0x34: {  	[tilespmem:s14+$0x50] =	vst v1  }
0x35: {  	[tilespmem:s14+$0x40] =	vst v1  }
0x36: {  	[tilespmem:s14+$0x30] =	vst v1  }
0x37: {  	[tilespmem:s14+$0x20] =	vst v1  }
0x38: {  	[tilespmem:s14+$0x10] =	vst v1  }
0x39: {  	[tilespmem:s14+$0x0] =	vst v1  }
0x3a: {  	[tilespmem:s14+$0xFFFFFFF0] =	vst v1  }
0x3b: {  	[tilespmem:s14+$0xFFFFFFE0] =	vst v1  }
0x3c: {  	[tilespmem:s14+$0xFFFFFFD0] =	vst v1  }
0x3d: {  	[tilespmem:s14+$0xFFFFFFC0] =	vst v1  }
0x3e: {  	[tilespmem:s14+$0xFFFFFFB0] =	vst v1  }
0x3f: {  	s15 =	simm.s32 $0x0;
	[tilespmem:s14+$0xFFFFFFA0] =	vst v1  }
.LBB2_4:
0x40: {  	s15 =	sadd.s32 $0x8, s15;
	[tilespmem:s14+$0xFFFFFF90] =	vst v1;
	s14 =	sadd.s32 $0x100, s14  }
0x41: {  	[tilespmem:s14+$0xFFFFFF80] =	vst v1;
	p0 =	slt.u32 s15, $0x278  }
0x42: {  	[tilespmem:s14+$0x70] =	vst v1  }
0x43: {  	[tilespmem:s14+$0x60] =	vst v1  }
0x44: {  	[tilespmem:s14+$0x50] =	vst v1  }
0x45: {  	[tilespmem:s14+$0x40] =	vst v1  }
0x46: {  	[tilespmem:s14+$0x30] =	vst v1  }
0x47: {  	[tilespmem:s14+$0x20] =	vst v1  }
0x48: {  	[tilespmem:s14+$0x10] =	vst v1  }
0x49: {  	[tilespmem:s14+$0x0] =	vst v1  }
0x4a: {  	[tilespmem:s14+$0xFFFFFFF0] =	vst v1  }
.Ltmp1:
0x4b: {  	[tilespmem:s14+$0xFFFFFFE0] =	vst v1;
	(pc) =	sbr.rel @p0 .LBB2_4-.Ltmp1, $4  }
0x4c: {  	[tilespmem:s14+$0xFFFFFFD0] =	vst v1  }
0x4d: {  	[tilespmem:s14+$0xFFFFFFC0] =	vst v1  }
0x4e: {  	[tilespmem:s14+$0xFFFFFFB0] =	vst v1  }
0x4f: {  	[tilespmem:s14+$0xFFFFFFA0] =	vst v1  }
0x50: {  	[tilespmem:s14+$0xFFFFFF90] =	vst v1  }
0x51: {  	[spmem:s5] =	stream.linear.scatter [tilespmem:s9], [sflag:$0x2], $0x5000, $0x38;
	[tilespmem:$0xDA00] =	vst v63  }
0x52: {  	_ =	swait.ge [sflag:s8], $0x5000  }
0x53: {  	[sflag:s8] =	ssyncset.done $0x0  }
0x54: {  	[sflag:s8] =	ssyncadd.s32 $0xFFFFB000  }
0x55: {  	s14 =	simm.s32 $0x0;
	[bflag:$0x0] =	sbarrier.arrive $0xFFFF  }
.LBB2_6:
0x56: {  	p0 =	sne.s32 s14, $0x9E00  }
.Ltmp2:
0x57: {  	_ = 	snop;
	(pc) =	sbr.rel @p0 .LBB2_6-.Ltmp2, $3  }
0x58: {  	_ =	sdelay $0x1  }
0x59: {  	s15 =	sshra.s32 s14, $0x2;
	s14 =	sadd.s32 $0x200, s14  }
0x5a: {  	[spmem:s2] =	stream.indirect.scatter.add.f32 [tilespmem:s11], [sflag:$0x1], $0x20, s15, s10, $0xb8;
	[tilespmem:$0xDA00] =	vst v63  }
0x5b: {  	_ =	swait.ge [sflag:s12], $0x1000  }
0x5c: {  	s14 =	simm.s32 $0x4F;
	[sflag:s12] =	ssyncset.done $0x0  }
.LBB2_8:
0x5d: {  	p0 =	sne.s32 s14, $0x1;
	s14 =	sadd.s32 $0xFFFFFFFF, s14;
	[sflag:s12] =	ssyncadd.s32 $0xFFFFF000  }
.Ltmp3:
0x5e: {  	(pc) =	sbr.rel @p0 .LBB2_8-.Ltmp3, $3  }
0x5f: {  	_ =	sdelay $0x1  }
0x60: {  	_ =	swait.ge [sflag:s12], $0x1000  }
0x61: {  	[sflag:s12] =	ssyncset.done $0x0  }
0x62: {  	[sflag:s12] =	ssyncadd.s32 $0xFFFFF000  }
0x63: {  	[bflag:$0x0] =	sbarrier.arrive $0xFFFF  }
0x64: {  	[tilespmem:s9], [sflag:$0x2] =	stream.linear.gather [spmem:s5], $0x5000, $0x38;
	[tilespmem:$0xDA00] =	vst v63  }
0x65: {  	s13 =	sadd.s32 $0x1, s13;
	_ =	swait.ge [sflag:s8], $0x5000  }
0x66: {  	p0 =	sne.s32 s13, s7;
	[sflag:s8] =	ssyncset.done $0x0  }
.Ltmp4:
0x67: {  	[sflag:s8] =	ssyncadd.s32 $0xFFFFB000;
	(pc) =	sbr.rel @p0 .LBB2_1-.Ltmp4, $4  }
0x68: {  	[hbm4b:s6+s3] =	stream.linear.scatter [tilespmem:s9], [sflag:$0x2], $0x5000, $0x38;
	[tilespmem:$0xDA00] =	vst v63  }
0x69: {  	_ =	swait.ge [sflag:s8], $0x5000  }
0x6a: {  	[sflag:s8] =	ssyncset.done $0x0  }
0x6b: {  	[sflag:s8] =	ssyncadd.s32 $0xFFFFB000  }
0x6c: {  	_ =	sfence.sel $0x180000  }
0x6d: {  	[bflag:$0x0] =	sbarrier.arrive $0xFFFF  }
0x6e: {  	p0 =	sne.s32 s1, $0x0;
	_ =	strace $0x90000047  }
0x6f: {  	s0 =	sadd.s32 @!p0 $0x100000, s0;
	[bflag:$0x2] =	sbarrier.arrive $0xFFFF  }
0x70: {  	[sflag:s0] =	ssyncadd.tile.s32 @!p0 $0x1;
	_ =	shalt  }
.Lfunc_end2:
_tile_overlayer_lowered:
.L_overlay_start_2:
0x71: {  	(tag) =	ssettag $0x2  }
0x72: {  	s0 =	rddreg [dreg:$0x0];
	s2 =	stileid.u32  }
0x73: {  	s1 =	rddreg [dreg:$0x1];
	p0 =	sne.s32 s2, $0x0  }
0x74: {  	s3 =	rddreg [dreg:$0x2];
	[bflag:$0x3] =	sbarrier.arrive $0xFFFF;
	s2 =	simm.s32 @!p0 $0x1C02  }
0x75: {  	[timem:s3], [sflag:s2] =	dma.local @!p0 [hbm:s0], s1  }
0x76: {  	s0 =	simm.s32 @!p0 $0x2  }
0x77: {  	_ =	swait.ge @!p0 [sflag:s0], s1  }
0x78: {  	s1 =	ssub.s32 @!p0 $0x0, s1;
	[sflag:s0] =	ssyncset.done @!p0 $0x0  }
0x79: {  	[sflag:s0] =	ssyncadd.s32 @!p0 s1  }
0x7a: {  	[bflag:$0x3] =	sbarrier.arrive $0xFFFF  }
0x7b: {  	_ =	shalt  }

// kernel: kernel.14.cloned.1.call-start
scs
__scs_entry_jumppad:
0x0: {  	(pc) =	sbr.rel $0x88, $3  }
0x1: {  	(tag) =	ssettag $0x0;
	lr =	simm.s32 $0x1  }
0x2: {  	[smem:$0x3F98] =	sst lr;
	_ =	strace $0xD0000000  }
0x3: {  	_ = 	snop  }
0x4: {  	_ = 	snop  }
0x5: {  	_ = 	snop  }
0x6: {  	_ = 	snop  }
0x7: {  	_ = 	snop  }
__scs_overlays_trampoline_lowered:
0x8: {  	[smem:$0x3FA7] =	sst s0  }
0x9: {  	[smem:$0x3FA8] =	sst s1  }
0xa: {  	[smem:$0x3FA9] =	sst s2  }
0xb: {  	[smem:$0x3FAA] =	sst s3  }
0xc: {  	[smem:$0x3FAB] =	sst s4  }
0xd: {  	[smem:$0x3FAC] =	sst s5  }
0xe: {  	[smem:$0x3FAD] =	sst s6  }
0xf: {  	[smem:$0x3FAE] =	sst s7  }
0x10: {  	[smem:$0x3FAF] =	sst s8  }
0x11: {  	[smem:$0x3FB0] =	sst s9;
	s0 =	simm.s32 @!p0 $0x0  }
0x12: {  	s1 =	sld [smem:$0x3F96];
	s0 =	simm.s32 @p0 $0x1  }
0x13: {  	[smem:$0x3FB1] =	sst s0;
	s0 =	simm.s32 @!p1 $0x0  }
0x14: {  	s2 =	sld [smem:$0x3F95];
	s0 =	simm.s32 @p1 $0x1  }
0x15: {  	[smem:$0x3FB2] =	sst s0;
	s0 =	simm.s32 @!p2 $0x0  }
0x16: {  	s3 =	sld [smem:$0x3FDB];
	s0 =	simm.s32 @p2 $0x1  }
0x17: {  	s4 =	simm.s32 $0x1BF5;
	[smem:$0x3FB4] =	sst s0  }
0x18: {  	s0 =	sld [smem:$0x3F97];
	_ =	swait.ge [sflag:s4], $0x0  }
0x19: {  	s7 =	sld [smem:$0x3F98]  }
0x1a: {  	s8 =	sadd.s32 $0xFFFFE003, lr  }
0x1b: {  	s9 =	sadd.s32 $0xFFFFFEF7, lr;
	s5 =	simm.s32 $0xFFFFFFFF;
	p2 =	slt.u32 s8, $0xFFFFF086  }
0x1c: {  	p1 =	slt.u32 s9, $0xF7A;
	s5 =	simm.s32 @!p2 $0x0  }
0x1d: {  	s5 =	simm.s32 @p1 $0x1;
	p0 =	seq.s32 s7, s2  }
0x1e: {  	s7 =	smul.u32 @!p0 $0xF7A, s2;
	p2 =	seq.s32 @!p0 s5, $0x0  }
0x1f: {  	s9 =	smul.u32 $0xF7A, s1;
	s8 =	simm.s32 @!p0 $0x1BF5;
	p2 =	por !p2, p0  }
0x20: {  	[sflag:s8] =	ssyncset.s32 @!p0 $0xFFFFF086;
	s6 =	sadd.s32 @!p0 s3, s7;
	s7 =	simm.s32 @!p0 $0x108  }
0x21: {  	s3 =	sadd.s32 s3, s9;
	s6 =	sadd.s32 @!p0 $0x88, s6;
	s7 =	simm.s32 @p2 $0x1082  }
0x22: {  	[simem:s7], [sflag:s8] =	dma.local @!p0 [hbm:s6], $0xF7A  }
0x23: {  	s9 =	sor.u32 $0xD0000000, s2;
	s6 =	simm.s32 $0x108;
	_ =	swait.ge @!p0 [sflag:s8], $0x0  }
0x24: {  	s3 =	sadd.s32 $0x88, s3;
	s6 =	simm.s32 @!p1 $0x1082;
	[sflag:s4] =	ssyncset.s32 $0xFFFFF086  }
0x25: {  	[simem:s6], [sflag:s4] =	dma.local [hbm:s3], $0xF7A  }
0x26: {  	[smem:$0x3F98] =	sst s1;
	(tag) =	ssettag s2;
	_ =	strace s9  }
0x27: {  	s1 =	sld [smem:$0x3FA8]  }
0x28: {  	s2 =	sld [smem:$0x3FA9]  }
0x29: {  	s4 =	sld [smem:$0x3FAB]  }
0x2a: {  	p0 =	seq.s32 s5, $0x0;
	s5 =	sld [smem:$0x3FAC]  }
0x2b: {  	s6 =	sld [smem:$0x3FAD]  }
0x2c: {  	s7 =	sld [smem:$0x3FAE]  }
0x2d: {  	s3 =	simm.s32 $0x108;
	s8 =	sld [smem:$0x3FAF]  }
0x2e: {  	s3 =	simm.s32 @!p0 $0x1082;
	s9 =	sld [smem:$0x3FB0]  }
0x2f: {  	lr =	sadd.s32 s0, s3;
	s0 =	sld [smem:$0x3FA7]  }
0x30: {  	s3 =	sld [smem:$0x3FAA]  }
0x31: {  	[smem:$0x3FB3] =	sst s10  }
0x32: {  	s10 =	sld [smem:$0x3FB1];
	_ =	sdelay $0x3  }
0x33: {  	p0 =	seq.s32 s10, $0x1;
	s10 =	sld [smem:$0x3FB3];
	_ =	sdelay $0x3  }
0x34: {  	[smem:$0x3FB3] =	sst s10  }
0x35: {  	s10 =	sld [smem:$0x3FB2];
	_ =	sdelay $0x3  }
0x36: {  	p1 =	seq.s32 s10, $0x1;
	s10 =	sld [smem:$0x3FB3];
	_ =	sdelay $0x3  }
0x37: {  	[smem:$0x3FB3] =	sst s10  }
0x38: {  	s10 =	sld [smem:$0x3FB4]  }
0x39: {  	_ = 	snop;
	(pc) =	sbr.ind lr, $3  }
0x3a: {  	_ = 	snop  }
0x3b: {  	_ = 	snop  }
0x3c: {  	p2 =	seq.s32 s10, $0x1;
	s10 =	sld [smem:$0x3FB3]  }
0x3d: {  	_ =	shalt  }
0x3e: {  	_ =	shalt  }
0x3f: {  	_ =	shalt  }
0x40: {  	_ =	shalt  }
0x41: {  	_ =	shalt  }
0x42: {  	_ =	shalt  }
0x43: {  	_ =	shalt  }
0x44: {  	_ =	shalt  }
0x45: {  	_ =	shalt  }
0x46: {  	_ =	shalt  }
0x47: {  	_ =	shalt  }
0x48: {  	_ =	shalt  }
0x49: {  	_ =	shalt  }
0x4a: {  	_ =	shalt  }
0x4b: {  	_ =	shalt  }
0x4c: {  	_ =	shalt  }
0x4d: {  	_ =	shalt  }
0x4e: {  	_ =	shalt  }
0x4f: {  	_ =	shalt  }
0x50: {  	_ =	shalt  }
0x51: {  	_ =	shalt  }
0x52: {  	_ =	shalt  }
0x53: {  	_ =	shalt  }
0x54: {  	_ =	shalt  }
0x55: {  	_ =	shalt  }
0x56: {  	_ =	shalt  }
0x57: {  	_ =	shalt  }
0x58: {  	_ =	shalt  }
0x59: {  	_ =	shalt  }
0x5a: {  	_ =	shalt  }
0x5b: {  	_ =	shalt  }
0x5c: {  	_ =	shalt  }
0x5d: {  	_ =	shalt  }
0x5e: {  	_ =	shalt  }
0x5f: {  	_ =	shalt  }
0x60: {  	_ =	shalt  }
0x61: {  	_ =	shalt  }
0x62: {  	_ =	shalt  }
0x63: {  	_ =	shalt  }
0x64: {  	_ =	shalt  }
0x65: {  	_ =	shalt  }
0x66: {  	_ =	shalt  }
0x67: {  	_ =	shalt  }
0x68: {  	_ =	shalt  }
0x69: {  	_ =	shalt  }
0x6a: {  	_ =	shalt  }
0x6b: {  	_ =	shalt  }
0x6c: {  	_ =	shalt  }
0x6d: {  	_ =	shalt  }
0x6e: {  	_ =	shalt  }
0x6f: {  	_ =	shalt  }
0x70: {  	_ =	shalt  }
0x71: {  	_ =	shalt  }
0x72: {  	_ =	shalt  }
0x73: {  	_ =	shalt  }
0x74: {  	_ =	shalt  }
0x75: {  	_ =	shalt  }
0x76: {  	_ =	shalt  }
0x77: {  	_ =	shalt  }
0x78: {  	_ =	shalt  }
0x79: {  	_ =	shalt  }
0x7a: {  	_ =	shalt  }
0x7b: {  	_ =	shalt  }
0x7c: {  	_ =	shalt  }
0x7d: {  	_ =	shalt  }
0x7e: {  	_ =	shalt  }
0x7f: {  	_ =	shalt  }
0x80: {  	_ =	shalt  }
0x81: {  	_ =	shalt  }
0x82: {  	_ =	shalt  }
0x83: {  	_ =	shalt  }
0x84: {  	_ =	shalt  }
0x85: {  	_ =	shalt  }
0x86: {  	_ =	shalt  }
0x87: {  	_ =	shalt  }
.Lfunc_end0:
.L_simem_size_0:
called_computation.1_lowered:
.L_overlay_start_0:
0x88: {  	s2 =	sld [smem:$0x3FD9]  }
0x89: {  	s3 =	sld [smem:$0x3FFE];
	_ =	sdelay $0x1  }
0x8a: {  	s1 =	srdreg.scid  }
0x8b: {  	s0 =	sand.u32 $0x1, s1  }
0x8c: {  	s16 =	sshll.u32 s0, $0xA;
	s2 =	sadd.s32 s3, s2  }
0x8d: {  	s2 =	sadd.s32 s2, s16  }
0x8e: {  	[smem:$0x3FBF] =	sst s2  }
0x8f: {  	_ = 	snop  }
0x90: {  	(tm) =	ssettm $0x1  }
0x91: {  	s17 =	sld [smem:$0x3FFB];
	_ =	sdelay $0x3  }
0x92: {  	_ =	strace s17  }
0x93: {  	s2 =	sld [smem:$0x3FFC];
	_ =	sdelay $0x3  }
0x94: {  	_ =	strace s2  }
0x95: {  	s2 =	sld [smem:$0x3FFD];
	_ =	sdelay $0x3  }
0x96: {  	_ =	strace s2  }
0x97: {  	_ =	strace $0x8FFFFFFF  }
0x98: {  	s18 =	sld [smem:$0x3FDB];
	_ =	sdelay $0x1  }
0x99: {  	s19 =	simm.s32 $_scs_section_size  }
0x9a: {  	s4 =	simm.s32 $_size__tile_overlayer_lowered;
	s5 =	simm.s32 $_tile_overlayer_lowered  }
0x9b: {  	s22 =	simm.s32 $0x1BFF;
	s21 =	sshll.u32 s5, $0x1;
	s2 =	sadd.s32 s19, s18  }
0x9c: {  	s6 =	simm.s32 $0x0;
	s20 =	sshll.u32 s4, $0x1;
	s4 =	sadd.s32 s21, s2  }
0x9d: {  	[timem:s6], [sflag:s22] =	dma.local [hbm:s4], s20  }
0x9e: {  	_ =	swait.ge [sflag:s22], s20  }
0x9f: {  	s3 =	ssub.s32 $0x0, s20;
	[sflag:s22] =	ssyncset.done $0x0  }
0xa0: {  	[sflag:s22] =	ssyncadd.s32 s3;
	_ =	sdelay $0x1  }
0xa1: {  	s23 =	simm.s32 $0x1B8B  }
0xa2: {  	_ =	swait.ge [sflag:s23], $0x1  }
0xa3: {  	[sflag:s23] =	ssyncset.done $0x0  }
0xa4: {  	s25 =	simm.s32 $0x1B8E;
	s24 =	sld [smem:$0x3FFE];
	[sflag:s23] =	ssyncadd.s32 $0xFFFFFFFF  }
0xa5: {  	s26 =	simm.s32 $execute0_lowered;
	[smem:$0x3FD2] =	sst s25  }
0xa6: {  	s4 =	sshll.u32 s26, $0x1;
	_ =	strace $0x80000049;
	[dreg:$0x1] =	wrdreg $0xFFFFFFFF  }
0xa7: {  	s28 =	simm.s32 $_size_execute0_lowered;
	s2 =	sadd.s32 s2, s4;
	[dreg:$0x0] =	wrdreg $0x0  }
0xa8: {  	s4 =	sshll.u32 s28, $0x1;
	[dreg:$0x2] =	wrdreg s2  }
0xa9: {  	[dreg:$0x3] =	wrdreg s4  }
0xaa: {  	[dreg:$0x4] =	wrdreg $0xC0  }
0xab: {  	_ =	task [dreg:s6], $0x5FFFF  }
0xac: {  	[dreg:$0x1] =	wrdreg $0xFFFFFFFF  }
0xad: {  	[dreg:$0x0] =	wrdreg $0x60  }
0xae: {  	[dreg:$0x2] =	wrdreg s24  }
0xaf: {  	[dreg:$0x3] =	wrdreg $0xE4000  }
0xb0: {  	[dreg:$0x4] =	wrdreg $0x134000  }
0xb1: {  	[dreg:$0x5] =	wrdreg $0x9  }
0xb2: {  	_ =	task.clear_ibuf [dreg:s6], $0x6FFFF;
	_ =	strace $0x90000049  }
0xb3: {  	s29 =	simm.s32 $0x9;
	_ =	strace $0x8000004B  }
0xb4: {  	_ =	swait.ge [sflag:s29], $0x1  }
0xb5: {  	[sflag:s29] =	ssyncadd.s32 $0xFFFFFFFF  }
0xb6: {  	_ =	strace $0x9000004B  }
0xb7: {  	_ =	sfence  }
0xb8: {  	s30 =	sld [smem:$0x0];
	_ =	sdelay $0x2  }
0xb9: {  	s31 =	sshll.u32 s1, $0xD;
	s1 =	sshrl.u32 s1, $0x2  }
0xba: {  	s3 =	sand.u32 $0x4000, s31;
	s1 =	sadd.s32 s1, s30  }
0xbb: {  	s0 =	sor.u32 s3, s0;
	s1 =	sshll.u32 s1, $0x11  }
0xbc: {  	s0 =	sor.u32 s1, s0  }
0xbd: {  	s0 =	sadd.s32 $0x8F2B, s0  }
0xbe: {  	[sflag:s0] =	ssyncadd.remote.s32 $0x1  }
0xbf: {  	_ =	sfence.sel $0xFFFF  }
0xc0: {  	[dreg:$0x0] =	wrdreg $0xFFFFFFFF;
	(pc) =	sbr.abs _section_cstart, $3  }
0xc1: {  	[dreg:$0x1] =	wrdreg $0xFFFFFFFF  }
0xc2: {  	_ =	task.clear_ibuf [dreg:s6], $0x2FFFF;
	_ =	strace $0x9FFFFFFF  }
0xc3: {  	(tm) =	ssettm $0x7FFFFFFF  }
tec
execute0_lowered:
.L_overlay_start_1:
0x0: {  	(tag) =	ssettag $0x1  }
0x1: {  	s5 =	rddreg [dreg:$0x0]  }
0x2: {  	s2 =	rddreg [dreg:$0x1]  }
0x3: {  	s3 =	rddreg [dreg:$0x2]  }
0x4: {  	s0 =	rddreg [dreg:$0x3];
	s1 =	stileid.u32  }
0x5: {  	s6 =	srdreg.scid;
	s4 =	simm.s32 $0x0;
	s13 =	simm.s32 $0x2A00  }
0x6: {  	s14 =	simm.s32 $0x9400;
	s16 =	simm.s32 $0x5400;
	s17 =	simm.s32 $0x6400  }
0x7: {  	s18 =	simm.s32 $0x100;
	s19 =	simm.s32 $0x7400;
	s20 =	simm.s32 $0x180  }
0x8: {  	s21 =	simm.s32 $0x8400;
	s22 =	simm.s32 $0x1;
	s23 =	simm.s32 $0x2  }
0x9: {  	s24 =	simm.s32 $0x3;
	s25 =	simm.s32 $0x4;
	s26 =	simm.s32 $0x0  }
0xa: {  	s9 =	smul.u32 $0x5000, s1;
	s15 =	sand.u32 $0x1, s6;
	[smem:$0x7FF] =	sst s4  }
0xb: {  	s30 =	sshll.u32 s1, $0x1;
	s7 =	smul.u32 $0x50000, s15;
	_ =	strace $0x8000004A  }
0xc: {  	s6 =	sor.u32 s15, s30;
	s10 =	ssub.s32 $0x2, s15;
	p0 =	sne.s32 s15, $0x0  }
0xd: {  	s15 =	simm.s32 $0x80;
	s8 =	sshrl.u32 s9, $0x3;
	s6 =	smul.u32 $0x540, s6  }
0xe: {  	s31 =	sshrl.u32 s10, $0x1;
	s7 =	sadd.s32 s9, s7;
	s8 =	sadd.s32 s8, s5  }
0xf: {  	s12 =	ssub.s32 s10, s31;
	s7 =	sshrl.u32 s7, $0x3;
	s6 =	sadd.s32 s6, s5  }
0x10: {  	s11 =	sadd.s32 s7, s5;
	s5 =	sadd.s32 $0x21800, s6;
	s6 =	sadd.s32 $0x3000, s6  }
0x11: {  	s7 =	sadd.s32 $0xD800, s8;
	s8 =	sadd.s32 s9, s2;
	s9 =	sadd.s32 s9, s3  }
0x12: {  	s10 =	sadd.s32 $0x2C000, s11;
	s11 =	smax.u32 s12, $0x1;
	s12 =	simm.s32 $0x5  }
.LBB2_1:
0x13: {  	[tilespmem:s4], [sflag:$0x5] =	stream.linear.gather [hbm4b:s5+s4], $0x2A00, $0x38;
	[tilespmem:$0x18400] =	vst v63  }
0x14: {  	_ =	swait.ge [sflag:s12], $0x2A00  }
0x15: {  	[sflag:s12] =	ssyncset.done $0x0  }
0x16: {  	[sflag:s12] =	ssyncadd.s32 $0xFFFFD600  }
0x17: {  	[tilespmem:s13], [sflag:$0x5] =	stream.linear.gather [hbm4b:s6+s4], $0x2A00, $0x38;
	[tilespmem:$0x18400] =	vst v63  }
0x18: {  	_ =	swait.ge [sflag:s12], $0x2A00  }
0x19: {  	[sflag:s12] =	ssyncset.done $0x0  }
0x1a: {  	[sflag:s12] =	ssyncadd.s32 $0xFFFFD600  }
0x1b: {  	[tilespmem:s14], [sflag:$0x5] =	stream.linear.gather [hbm4b:s7+s4], $0x5000, $0x38;
	[tilespmem:$0x18400] =	vst v63  }
0x1c: {  	_ =	swait.ge [sflag:s12], $0x5000  }
0x1d: {  	[sflag:s12] =	ssyncset.done $0x0  }
0x1e: {  	[sflag:s12] =	ssyncadd.s32 $0xFFFFB000  }
0x1f: {  	[spmem:s8] =	stream.linear.scatter [tilespmem:s14], [sflag:$0x5], $0x5000, $0x38;
	[tilespmem:$0x18400] =	vst v63  }
0x20: {  	_ =	swait.ge [sflag:s12], $0x5000  }
0x21: {  	[sflag:s12] =	ssyncset.done $0x0  }
0x22: {  	s28 =	simm.s32 $0x9480;
	v0 =	vimm.f32 @p0 $0.0e+00;
	[sflag:s12] =	ssyncadd.s32 $0xFFFFB000  }
0x23: {  	[tilespmem:s28+$0xFFFFFF80] =	vst @p0 v0  }
0x24: {  	[tilespmem:s28+$0xFFFFFF90] =	vst @p0 v0  }
0x25: {  	[tilespmem:s28+$0xFFFFFFA0] =	vst @p0 v0  }
0x26: {  	[tilespmem:s28+$0xFFFFFFB0] =	vst @p0 v0  }
0x27: {  	[tilespmem:s28+$0xFFFFFFC0] =	vst @p0 v0;
	v1 =	vld @!p0 [tilespmem:s28+$0xFFFFFFA0]  }
0x28: {  	[tilespmem:s28+$0xFFFFFFD0] =	vst @p0 v0  }
0x29: {  	[tilespmem:s28+$0xFFFFFFE0] =	vst @p0 v0;
	v2 =	vld @!p0 [tilespmem:s28+$0xFFFFFFB0]  }
0x2a: {  	[tilespmem:s28+$0x0] =	vst @p0 v0  }
0x2b: {  	[tilespmem:s28+$0x20] =	vst @p0 v0;
	v3 =	vld @!p0 [tilespmem:s28+$0xFFFFFFE0]  }
0x2c: {  	[tilespmem:s28+$0x30] =	vst @p0 v0;
	v1 =	vadd.f32 @!p0 v1, v1  }
0x2d: {  	[tilespmem:s28+$0x40] =	vst @p0 v0;
	v4 =	vld @!p0 [tilespmem:s28+$0x20]  }
0x2e: {  	[tilespmem:s28+$0xFFFFFFA0] =	vst @!p0 v1;
	v1 =	vadd.f32 @!p0 v2, v2;
	v2 =	vld @!p0 [tilespmem:s28+$0x30]  }
0x2f: {  	[tilespmem:s28+$0x50] =	vst @p0 v0;
	v5 =	vld @!p0 [tilespmem:s28+$0xFFFFFFC0]  }
0x30: {  	[tilespmem:s28+$0x60] =	vst @p0 v0;
	v6 =	vld @!p0 [tilespmem:s28+$0x50];
	v3 =	vadd.f32 @!p0 v3, v3  }
0x31: {  	[tilespmem:s28+$0xFFFFFFB0] =	vst @!p0 v1;
	v1 =	vld @!p0 [tilespmem:s28+$0x40]  }
0x32: {  	v4 =	vadd.f32 @!p0 v4, v4;
	[tilespmem:s28+$0xFFFFFFE0] =	vst @!p0 v3;
	v3 =	vld @!p0 [tilespmem:s28+$0x60]  }
0x33: {  	[tilespmem:s28+$0x10] =	vst @p0 v0;
	v7 =	vld @!p0 [tilespmem:s28+$0xFFFFFF90];
	v2 =	vadd.f32 @!p0 v2, v2  }
0x34: {  	[tilespmem:s28+$0x20] =	vst @!p0 v4;
	v4 =	vld @!p0 [tilespmem:s28+$0xFFFFFFD0]  }
0x35: {  	v5 =	vadd.f32 @!p0 v5, v5;
	[tilespmem:s28+$0x30] =	vst @!p0 v2;
	v2 =	vld @!p0 [tilespmem:s28+$0xFFFFFF80]  }
0x36: {  	[tilespmem:s28+$0x70] =	vst @p0 v0;
	v1 =	vadd.f32 @!p0 v1, v1  }
0x37: {  	v8 =	vld @!p0 [tilespmem:s28+$0x0];
	[tilespmem:s28+$0xFFFFFFC0] =	vst @!p0 v5;
	v3 =	vadd.f32 @!p0 v3, v3  }
0x38: {  	[tilespmem:s28+$0x40] =	vst @!p0 v1;
	v1 =	vadd.f32 @!p0 v6, v6;
	v6 =	vld @!p0 [tilespmem:s28+$0x70]  }
0x39: {  	v5 =	vld @!p0 [tilespmem:s28+$0x10];
	v4 =	vadd.f32 @!p0 v4, v4;
	[tilespmem:s28+$0x60] =	vst @!p0 v3  }
0x3a: {  	v3 =	vadd.f32 @!p0 v7, v7;
	[tilespmem:s28+$0x50] =	vst @!p0 v1;
	v1 =	vadd.f32 @!p0 v2, v2;
	v2 =	vld @!p0 [tilespmem:s28+$0xFFFFFFF0]  }
0x3b: {  	[tilespmem:s28+$0xFFFFFFD0] =	vst @!p0 v4  }
0x3c: {  	v4 =	vadd.f32 @!p0 v8, v8;
	[tilespmem:s28+$0xFFFFFF90] =	vst @!p0 v3  }
0x3d: {  	[tilespmem:s28+$0xFFFFFF80] =	vst @!p0 v1;
	v1 =	vadd.f32 @!p0 v6, v6  }
0x3e: {  	v3 =	vadd.f32 @!p0 v5, v5;
	[tilespmem:s28+$0x0] =	vst @!p0 v4  }
0x3f: {  	[tilespmem:s28+$0x70] =	vst @!p0 v1;
	v1 =	vadd.f32 @!p0 v2, v2  }
0x40: {  	[tilespmem:s28+$0x10] =	vst @!p0 v3  }
0x41: {  	s29 =	simm.s32 $0x0;
	[tilespmem:s28+$0xFFFFFFF0] =	vst @!p0 v1  }
.LBB2_2:
0x42: {  	s29 =	sadd.s32 $0x8, s29;
	[tilespmem:s28+$0xFFFFFFF0] =	vst @p0 v0;
	s28 =	sadd.s32 $0x100, s28  }
0x43: {  	[tilespmem:s28+$0xFFFFFF80] =	vst @p0 v0;
	p1 =	slt.u32 s29, $0x278  }
0x44: {  	[tilespmem:s28+$0xFFFFFF90] =	vst @p0 v0  }
0x45: {  	[tilespmem:s28+$0xFFFFFFA0] =	vst @p0 v0  }
0x46: {  	[tilespmem:s28+$0xFFFFFFB0] =	vst @p0 v0  }
0x47: {  	[tilespmem:s28+$0xFFFFFFC0] =	vst @p0 v0;
	v1 =	vld @!p0 [tilespmem:s28+$0xFFFFFFA0]  }
0x48: {  	[tilespmem:s28+$0xFFFFFFD0] =	vst @p0 v0  }
0x49: {  	[tilespmem:s28+$0xFFFFFFE0] =	vst @p0 v0;
	v2 =	vld @!p0 [tilespmem:s28+$0xFFFFFFB0]  }
0x4a: {  	[tilespmem:s28+$0x0] =	vst @p0 v0  }
0x4b: {  	[tilespmem:s28+$0x10] =	vst @p0 v0  }
0x4c: {  	[tilespmem:s28+$0x20] =	vst @p0 v0;
	v1 =	vadd.f32 @!p0 v1, v1;
	v3 =	vld @!p0 [tilespmem:s28+$0xFFFFFFE0]  }
0x4d: {  	[tilespmem:s28+$0x30] =	vst @p0 v0;
	v4 =	vld @!p0 [tilespmem:s28+$0x20]  }
0x4e: {  	[tilespmem:s28+$0xFFFFFFA0] =	vst @!p0 v1;
	v1 =	vadd.f32 @!p0 v2, v2;
	v2 =	vld @!p0 [tilespmem:s28+$0x30]  }
0x4f: {  	[tilespmem:s28+$0x40] =	vst @p0 v0  }
0x50: {  	[tilespmem:s28+$0xFFFFFFB0] =	vst @!p0 v1;
	v1 =	vld @!p0 [tilespmem:s28+$0x40]  }
0x51: {  	[tilespmem:s28+$0x50] =	vst @p0 v0;
	v5 =	vld @!p0 [tilespmem:s28+$0xFFFFFFC0];
	v3 =	vadd.f32 @!p0 v3, v3  }
0x52: {  	[tilespmem:s28+$0x60] =	vst @p0 v0;
	v4 =	vadd.f32 @!p0 v4, v4;
	v6 =	vld @!p0 [tilespmem:s28+$0x50]  }
0x53: {  	[tilespmem:s28+$0xFFFFFFE0] =	vst @!p0 v3;
	v2 =	vadd.f32 @!p0 v2, v2;
	v3 =	vld @!p0 [tilespmem:s28+$0x60]  }
0x54: {  	v7 =	vld @!p0 [tilespmem:s28+$0xFFFFFFD0];
	[tilespmem:s28+$0x20] =	vst @!p0 v4  }
0x55: {  	v4 =	vld @!p0 [tilespmem:s28+$0xFFFFFF80];
	[tilespmem:s28+$0x30] =	vst @!p0 v2;
	v1 =	vadd.f32 @!p0 v1, v1  }
0x56: {  	[tilespmem:s28+$0x70] =	vst @p0 v0;
	v2 =	vld @!p0 [tilespmem:s28+$0xFFFFFF90];
	v5 =	vadd.f32 @!p0 v5, v5  }
0x57: {  	[tilespmem:s28+$0x40] =	vst @!p0 v1;
	v1 =	vadd.f32 @!p0 v6, v6;
	v6 =	vld @!p0 [tilespmem:s28+$0x70]  }
0x58: {  	[tilespmem:s28+$0xFFFFFFC0] =	vst @!p0 v5;
	v5 =	vld @!p0 [tilespmem:s28+$0x10];
	v3 =	vadd.f32 @!p0 v3, v3  }
0x59: {  	v7 =	vadd.f32 @!p0 v7, v7;
	v8 =	vld @!p0 [tilespmem:s28+$0x0];
	[tilespmem:s28+$0x50] =	vst @!p0 v1  }
0x5a: {  	v1 =	vadd.f32 @!p0 v4, v4;
	v4 =	vld @!p0 [tilespmem:s28+$0xFFFFFFF0];
	[tilespmem:s28+$0x60] =	vst @!p0 v3  }
0x5b: {  	v2 =	vadd.f32 @!p0 v2, v2;
	[tilespmem:s28+$0xFFFFFFD0] =	vst @!p0 v7  }
0x5c: {  	[tilespmem:s28+$0xFFFFFF80] =	vst @!p0 v1;
	v1 =	vadd.f32 @!p0 v6, v6  }
.Ltmp0:
0x5d: {  	[tilespmem:s28+$0xFFFFFF90] =	vst @!p0 v2;
	v2 =	vadd.f32 @!p0 v5, v5;
	(pc) =	sbr.rel @p1 .LBB2_2-.Ltmp0, $4  }
0x5e: {  	v3 =	vadd.f32 @!p0 v8, v8;
	[tilespmem:s28+$0x70] =	vst @!p0 v1  }
0x5f: {  	v1 =	vadd.f32 @!p0 v4, v4;
	[tilespmem:s28+$0x10] =	vst @!p0 v2  }
0x60: {  	[tilespmem:s28+$0x0] =	vst @!p0 v3  }
0x61: {  	[tilespmem:s28+$0xFFFFFFF0] =	vst @!p0 v1  }
0x62: {  	[tilespmem:s28+$0xFFFFFFF0] =	vst @p0 v0  }
0x63: {  	[spmem:s9] =	stream.linear.scatter [tilespmem:s14], [sflag:$0x5], $0x5000, $0x38;
	[tilespmem:$0x18400] =	vst v63  }
0x64: {  	_ =	swait.ge [sflag:s12], $0x5000  }
0x65: {  	[sflag:s12] =	ssyncset.done $0x0  }
0x66: {  	[sflag:s12] =	ssyncadd.s32 $0xFFFFB000  }
0x67: {  	s28 =	simm.s32 $0x0;
	[bflag:$0x0] =	sbarrier.arrive $0xFFFF  }
0x68: {  	[tilespmem:s16], [sflag:$0x1] =	stream.indirect.gather [spmem:s2], $0x20, s28, s15, $0xb8;
	[tilespmem:$0x18400] =	vst v63  }
0x69: {  	_ = 	snop  }
0x6a: {  	[tilespmem:s17], [sflag:$0x1] =	stream.indirect.gather [spmem:s2], $0x20, s15, s15, $0xb8;
	[tilespmem:$0x18400] =	vst v63  }
0x6b: {  	_ = 	snop  }
0x6c: {  	[tilespmem:s19], [sflag:$0x2] =	stream.indirect.gather [spmem:s2], $0x20, s18, s15, $0xb8;
	[tilespmem:$0x18400] =	vst v63  }
0x6d: {  	_ = 	snop  }
0x6e: {  	[tilespmem:s21], [sflag:$0x2] =	stream.indirect.gather [spmem:s2], $0x20, s20, s15, $0xb8;
	[tilespmem:$0x18400] =	vst v63  }
0x6f: {  	_ =	swait.ge [sflag:s22], $0x1000  }
0x70: {  	[sflag:s22] =	ssyncset.done $0x0  }
0x71: {  	[sflag:s22] =	ssyncadd.s32 $0xFFFFF000  }
0x72: {  	_ =	swait.ge [sflag:s22], $0x1000  }
0x73: {  	[sflag:s22] =	ssyncset.done $0x0  }
0x74: {  	s28 =	simm.s32 $0x2A00;
	[sflag:s22] =	ssyncadd.s32 $0xFFFFF000  }
0x75: {  	[spmem:s3] =	stream.indirect.scatter.add.f32 [tilespmem:s16], [sflag:$0x3], $0x20, s28, s15, $0xb8;
	[tilespmem:$0x18400] =	vst v63  }
0x76: {  	s28 =	simm.s32 $0x2A80  }
0x77: {  	[spmem:s3] =	stream.indirect.scatter.add.f32 [tilespmem:s17], [sflag:$0x3], $0x20, s28, s15, $0xb8;
	[tilespmem:$0x18400] =	vst v63  }
0x78: {  	_ =	swait.ge [sflag:s23], $0x1000  }
0x79: {  	[sflag:s23] =	ssyncset.done $0x0  }
0x7a: {  	[sflag:s23] =	ssyncadd.s32 $0xFFFFF000  }
0x7b: {  	_ =	swait.ge [sflag:s23], $0x1000  }
0x7c: {  	[sflag:s23] =	ssyncset.done $0x0  }
0x7d: {  	s28 =	simm.s32 $0x2B00;
	[sflag:s23] =	ssyncadd.s32 $0xFFFFF000  }
0x7e: {  	[spmem:s3] =	stream.indirect.scatter.add.f32 [tilespmem:s19], [sflag:$0x4], $0x20, s28, s15, $0xb8;
	[tilespmem:$0x18400] =	vst v63  }
0x7f: {  	s28 =	simm.s32 $0x2B80  }
0x80: {  	[spmem:s3] =	stream.indirect.scatter.add.f32 [tilespmem:s21], [sflag:$0x4], $0x20, s28, s15, $0xb8;
	[tilespmem:$0x18400] =	vst v63  }
0x81: {  	_ =	swait.ge [sflag:s24], $0x1000  }
0x82: {  	[sflag:s24] =	ssyncset.done $0x0  }
0x83: {  	[sflag:s24] =	ssyncadd.s32 $0xFFFFF000  }
0x84: {  	_ =	swait.ge [sflag:s24], $0x1000  }
0x85: {  	[sflag:s24] =	ssyncset.done $0x0  }
0x86: {  	s28 =	simm.s32 $0x200;
	[sflag:s24] =	ssyncadd.s32 $0xFFFFF000  }
0x87: {  	[tilespmem:s16], [sflag:$0x1] =	stream.indirect.gather [spmem:s2], $0x20, s28, s15, $0xb8;
	[tilespmem:$0x18400] =	vst v63  }
0x88: {  	s28 =	simm.s32 $0x280  }
0x89: {  	[tilespmem:s17], [sflag:$0x1] =	stream.indirect.gather [spmem:s2], $0x20, s28, s15, $0xb8;
	[tilespmem:$0x18400] =	vst v63  }
0x8a: {  	_ =	swait.ge [sflag:s25], $0x1000  }
0x8b: {  	[sflag:s25] =	ssyncset.done $0x0  }
0x8c: {  	[sflag:s25] =	ssyncadd.s32 $0xFFFFF000  }
0x8d: {  	_ =	swait.ge [sflag:s25], $0x1000  }
0x8e: {  	[sflag:s25] =	ssyncset.done $0x0  }
0x8f: {  	s28 =	simm.s32 $0x300;
	[sflag:s25] =	ssyncadd.s32 $0xFFFFF000  }
0x90: {  	[tilespmem:s19], [sflag:$0x2] =	stream.indirect.gather [spmem:s2], $0x20, s28, s15, $0xb8;
	[tilespmem:$0x18400] =	vst v63  }
0x91: {  	s29 =	simm.s32 $0x380;
	s28 =	simm.s32 $0x800  }
.LBB2_4:
0x92: {  	[tilespmem:s21], [sflag:$0x2] =	stream.indirect.gather [spmem:s2], $0x20, s29, s15, $0xb8;
	[tilespmem:$0x18400] =	vst v63  }
0x93: {  	s29 =	smov.u32 s28  }
0x94: {  	p1 =	sne.s32 s28, $0x9800;
	s28 =	sadd.s32 $0x800, s28;
	_ =	swait.ge [sflag:s22], $0x1000  }
0x95: {  	[sflag:s22] =	ssyncset.done $0x0  }
0x96: {  	[sflag:s22] =	ssyncadd.s32 $0xFFFFF000  }
0x97: {  	_ =	swait.ge [sflag:s22], $0x1000  }
0x98: {  	s29 =	sshra.s32 s29, $0x2;
	[sflag:s22] =	ssyncset.done $0x0  }
0x99: {  	s30 =	sadd.s32 $0x2A00, s29;
	[sflag:s22] =	ssyncadd.s32 $0xFFFFF000  }
0x9a: {  	[spmem:s3] =	stream.indirect.scatter.add.f32 [tilespmem:s16], [sflag:$0x3], $0x20, s30, s15, $0xb8;
	[tilespmem:$0x18400] =	vst v63  }
0x9b: {  	s30 =	sadd.s32 $0x2A80, s29  }
0x9c: {  	[spmem:s3] =	stream.indirect.scatter.add.f32 [tilespmem:s17], [sflag:$0x3], $0x20, s30, s15, $0xb8;
	[tilespmem:$0x18400] =	vst v63  }
0x9d: {  	_ =	swait.ge [sflag:s23], $0x1000  }
0x9e: {  	[sflag:s23] =	ssyncset.done $0x0  }
0x9f: {  	[sflag:s23] =	ssyncadd.s32 $0xFFFFF000  }
0xa0: {  	_ =	swait.ge [sflag:s23], $0x1000  }
0xa1: {  	[sflag:s23] =	ssyncset.done $0x0  }
0xa2: {  	s30 =	sadd.s32 $0x2B00, s29;
	[sflag:s23] =	ssyncadd.s32 $0xFFFFF000  }
0xa3: {  	[spmem:s3] =	stream.indirect.scatter.add.f32 [tilespmem:s19], [sflag:$0x4], $0x20, s30, s15, $0xb8;
	[tilespmem:$0x18400] =	vst v63  }
0xa4: {  	s30 =	sadd.s32 $0x2B80, s29  }
0xa5: {  	[spmem:s3] =	stream.indirect.scatter.add.f32 [tilespmem:s21], [sflag:$0x4], $0x20, s30, s15, $0xb8;
	[tilespmem:$0x18400] =	vst v63  }
0xa6: {  	_ =	swait.ge [sflag:s24], $0x1000  }
0xa7: {  	[sflag:s24] =	ssyncset.done $0x0  }
0xa8: {  	[sflag:s24] =	ssyncadd.s32 $0xFFFFF000  }
0xa9: {  	_ =	swait.ge [sflag:s24], $0x1000  }
0xaa: {  	[sflag:s24] =	ssyncset.done $0x0  }
0xab: {  	s30 =	sadd.s32 $0x200, s29;
	[sflag:s24] =	ssyncadd.s32 $0xFFFFF000  }
0xac: {  	[tilespmem:s16], [sflag:$0x1] =	stream.indirect.gather [spmem:s2], $0x20, s30, s15, $0xb8;
	[tilespmem:$0x18400] =	vst v63  }
0xad: {  	s30 =	sadd.s32 $0x280, s29  }
0xae: {  	[tilespmem:s17], [sflag:$0x1] =	stream.indirect.gather [spmem:s2], $0x20, s30, s15, $0xb8;
	[tilespmem:$0x18400] =	vst v63  }
0xaf: {  	_ =	swait.ge [sflag:s25], $0x1000  }
0xb0: {  	[sflag:s25] =	ssyncset.done $0x0  }
0xb1: {  	[sflag:s25] =	ssyncadd.s32 $0xFFFFF000  }
.Ltmp1:
0xb2: {  	_ =	swait.ge [sflag:s25], $0x1000;
	(pc) =	sbr.rel @p1 .LBB2_4-.Ltmp1, $4  }
0xb3: {  	[sflag:s25] =	ssyncset.done $0x0  }
0xb4: {  	s30 =	sadd.s32 $0x300, s29;
	[sflag:s25] =	ssyncadd.s32 $0xFFFFF000  }
0xb5: {  	[tilespmem:s19], [sflag:$0x2] =	stream.indirect.gather [spmem:s2], $0x20, s30, s15, $0xb8;
	[tilespmem:$0x18400] =	vst v63  }
0xb6: {  	s29 =	sadd.s32 $0x380, s29  }
0xb7: {  	[tilespmem:s21], [sflag:$0x2] =	stream.indirect.gather [spmem:s2], $0x20, s29, s15, $0xb8;
	[tilespmem:$0x18400] =	vst v63  }
0xb8: {  	_ =	swait.ge [sflag:s22], $0x1000  }
0xb9: {  	[sflag:s22] =	ssyncset.done $0x0  }
0xba: {  	[sflag:s22] =	ssyncadd.s32 $0xFFFFF000  }
0xbb: {  	_ =	swait.ge [sflag:s22], $0x1000  }
0xbc: {  	[sflag:s22] =	ssyncset.done $0x0  }
0xbd: {  	[sflag:s22] =	ssyncadd.s32 $0xFFFFF000  }
0xbe: {  	_ =	swait.ge [sflag:s23], $0x1000  }
0xbf: {  	[sflag:s23] =	ssyncset.done $0x0  }
0xc0: {  	[sflag:s23] =	ssyncadd.s32 $0xFFFFF000  }
0xc1: {  	_ =	swait.ge [sflag:s23], $0x1000  }
0xc2: {  	[sflag:s23] =	ssyncset.done $0x0  }
0xc3: {  	[sflag:s23] =	ssyncadd.s32 $0xFFFFF000  }
0xc4: {  	[bflag:$0x0] =	sbarrier.arrive $0xFFFF  }
0xc5: {  	[tilespmem:s14], [sflag:$0x5] =	stream.linear.gather [spmem:s9], $0x5000, $0x38;
	[tilespmem:$0x18400] =	vst v63  }
0xc6: {  	s26 =	sadd.s32 $0x1, s26;
	_ =	swait.ge [sflag:s12], $0x5000  }
0xc7: {  	p1 =	sne.s32 s26, s11;
	[sflag:s12] =	ssyncset.done $0x0  }
.Ltmp2:
0xc8: {  	[sflag:s12] =	ssyncadd.s32 $0xFFFFB000;
	(pc) =	sbr.rel @p1 .LBB2_1-.Ltmp2, $4  }
0xc9: {  	[hbm4b:s10+s4] =	stream.linear.scatter [tilespmem:s14], [sflag:$0x5], $0x5000, $0x38;
	[tilespmem:$0x18400] =	vst v63  }
0xca: {  	_ =	swait.ge [sflag:s12], $0x5000  }
0xcb: {  	[sflag:s12] =	ssyncset.done $0x0  }
0xcc: {  	[sflag:s12] =	ssyncadd.s32 $0xFFFFB000  }
0xcd: {  	_ =	sfence.sel $0x180000  }
0xce: {  	[bflag:$0x0] =	sbarrier.arrive $0xFFFF  }
0xcf: {  	p0 =	sne.s32 s1, $0x0;
	_ =	strace $0x9000004A  }
0xd0: {  	s0 =	sadd.s32 @!p0 $0x100000, s0;
	[bflag:$0x2] =	sbarrier.arrive $0xFFFF  }
0xd1: {  	[sflag:s0] =	ssyncadd.tile.s32 @!p0 $0x1;
	_ =	shalt  }
.Lfunc_end2:
_tile_overlayer_lowered:
.L_overlay_start_2:
0xd2: {  	(tag) =	ssettag $0x2  }
0xd3: {  	s0 =	rddreg [dreg:$0x0];
	s2 =	stileid.u32  }
0xd4: {  	s1 =	rddreg [dreg:$0x1];
	p0 =	sne.s32 s2, $0x0  }
0xd5: {  	s3 =	rddreg [dreg:$0x2];
	[bflag:$0x3] =	sbarrier.arrive $0xFFFF;
	s2 =	simm.s32 @!p0 $0x1C05  }
0xd6: {  	[timem:s3], [sflag:s2] =	dma.local @!p0 [hbm:s0], s1  }
0xd7: {  	s0 =	simm.s32 @!p0 $0x5  }
0xd8: {  	_ =	swait.ge @!p0 [sflag:s0], s1  }
0xd9: {  	s1 =	ssub.s32 @!p0 $0x0, s1;
	[sflag:s0] =	ssyncset.done @!p0 $0x0  }
0xda: {  	[sflag:s0] =	ssyncadd.s32 @!p0 s1  }
0xdb: {  	[bflag:$0x3] =	sbarrier.arrive $0xFFFF  }
0xdc: {  	_ =	shalt  }

// kernel: kernel.17.cloned.1.call-start
scs
__scs_entry_jumppad:
0x0: {  	(pc) =	sbr.rel $0x88, $3  }
0x1: {  	(tag) =	ssettag $0x0;
	lr =	simm.s32 $0x1  }
0x2: {  	[smem:$0x3F98] =	sst lr;
	_ =	strace $0xD0000000  }
0x3: {  	_ = 	snop  }
0x4: {  	_ = 	snop  }
0x5: {  	_ = 	snop  }
0x6: {  	_ = 	snop  }
0x7: {  	_ = 	snop  }
__scs_overlays_trampoline_lowered:
0x8: {  	[smem:$0x3FA7] =	sst s0  }
0x9: {  	[smem:$0x3FA8] =	sst s1  }
0xa: {  	[smem:$0x3FA9] =	sst s2  }
0xb: {  	[smem:$0x3FAA] =	sst s3  }
0xc: {  	[smem:$0x3FAB] =	sst s4  }
0xd: {  	[smem:$0x3FAC] =	sst s5  }
0xe: {  	[smem:$0x3FAD] =	sst s6  }
0xf: {  	[smem:$0x3FAE] =	sst s7  }
0x10: {  	[smem:$0x3FAF] =	sst s8  }
0x11: {  	[smem:$0x3FB0] =	sst s9;
	s0 =	simm.s32 @!p0 $0x0  }
0x12: {  	s1 =	sld [smem:$0x3F96];
	s0 =	simm.s32 @p0 $0x1  }
0x13: {  	[smem:$0x3FB1] =	sst s0;
	s0 =	simm.s32 @!p1 $0x0  }
0x14: {  	s2 =	sld [smem:$0x3F95];
	s0 =	simm.s32 @p1 $0x1  }
0x15: {  	[smem:$0x3FB2] =	sst s0;
	s0 =	simm.s32 @!p2 $0x0  }
0x16: {  	s3 =	sld [smem:$0x3FDB];
	s0 =	simm.s32 @p2 $0x1  }
0x17: {  	s4 =	simm.s32 $0x1BF5;
	[smem:$0x3FB4] =	sst s0  }
0x18: {  	s0 =	sld [smem:$0x3F97];
	_ =	swait.ge [sflag:s4], $0x0  }
0x19: {  	s7 =	sld [smem:$0x3F98]  }
0x1a: {  	s8 =	sadd.s32 $0xFFFFE003, lr  }
0x1b: {  	s9 =	sadd.s32 $0xFFFFFEF7, lr;
	s5 =	simm.s32 $0xFFFFFFFF;
	p2 =	slt.u32 s8, $0xFFFFF086  }
0x1c: {  	p1 =	slt.u32 s9, $0xF7A;
	s5 =	simm.s32 @!p2 $0x0  }
0x1d: {  	s5 =	simm.s32 @p1 $0x1;
	p0 =	seq.s32 s7, s2  }
0x1e: {  	s7 =	smul.u32 @!p0 $0xF7A, s2;
	p2 =	seq.s32 @!p0 s5, $0x0  }
0x1f: {  	s9 =	smul.u32 $0xF7A, s1;
	s8 =	simm.s32 @!p0 $0x1BF5;
	p2 =	por !p2, p0  }
0x20: {  	[sflag:s8] =	ssyncset.s32 @!p0 $0xFFFFF086;
	s6 =	sadd.s32 @!p0 s3, s7;
	s7 =	simm.s32 @!p0 $0x108  }
0x21: {  	s3 =	sadd.s32 s3, s9;
	s6 =	sadd.s32 @!p0 $0x88, s6;
	s7 =	simm.s32 @p2 $0x1082  }
0x22: {  	[simem:s7], [sflag:s8] =	dma.local @!p0 [hbm:s6], $0xF7A  }
0x23: {  	s9 =	sor.u32 $0xD0000000, s2;
	s6 =	simm.s32 $0x108;
	_ =	swait.ge @!p0 [sflag:s8], $0x0  }
0x24: {  	s3 =	sadd.s32 $0x88, s3;
	s6 =	simm.s32 @!p1 $0x1082;
	[sflag:s4] =	ssyncset.s32 $0xFFFFF086  }
0x25: {  	[simem:s6], [sflag:s4] =	dma.local [hbm:s3], $0xF7A  }
0x26: {  	[smem:$0x3F98] =	sst s1;
	(tag) =	ssettag s2;
	_ =	strace s9  }
0x27: {  	s1 =	sld [smem:$0x3FA8]  }
0x28: {  	s2 =	sld [smem:$0x3FA9]  }
0x29: {  	s4 =	sld [smem:$0x3FAB]  }
0x2a: {  	p0 =	seq.s32 s5, $0x0;
	s5 =	sld [smem:$0x3FAC]  }
0x2b: {  	s6 =	sld [smem:$0x3FAD]  }
0x2c: {  	s7 =	sld [smem:$0x3FAE]  }
0x2d: {  	s3 =	simm.s32 $0x108;
	s8 =	sld [smem:$0x3FAF]  }
0x2e: {  	s3 =	simm.s32 @!p0 $0x1082;
	s9 =	sld [smem:$0x3FB0]  }
0x2f: {  	lr =	sadd.s32 s0, s3;
	s0 =	sld [smem:$0x3FA7]  }
0x30: {  	s3 =	sld [smem:$0x3FAA]  }
0x31: {  	[smem:$0x3FB3] =	sst s10  }
0x32: {  	s10 =	sld [smem:$0x3FB1];
	_ =	sdelay $0x3  }
0x33: {  	p0 =	seq.s32 s10, $0x1;
	s10 =	sld [smem:$0x3FB3];
	_ =	sdelay $0x3  }
0x34: {  	[smem:$0x3FB3] =	sst s10  }
0x35: {  	s10 =	sld [smem:$0x3FB2];
	_ =	sdelay $0x3  }
0x36: {  	p1 =	seq.s32 s10, $0x1;
	s10 =	sld [smem:$0x3FB3];
	_ =	sdelay $0x3  }
0x37: {  	[smem:$0x3FB3] =	sst s10  }
0x38: {  	s10 =	sld [smem:$0x3FB4]  }
0x39: {  	_ = 	snop;
	(pc) =	sbr.ind lr, $3  }
0x3a: {  	_ = 	snop  }
0x3b: {  	_ = 	snop  }
0x3c: {  	p2 =	seq.s32 s10, $0x1;
	s10 =	sld [smem:$0x3FB3]  }
0x3d: {  	_ =	shalt  }
0x3e: {  	_ =	shalt  }
0x3f: {  	_ =	shalt  }
0x40: {  	_ =	shalt  }
0x41: {  	_ =	shalt  }
0x42: {  	_ =	shalt  }
0x43: {  	_ =	shalt  }
0x44: {  	_ =	shalt  }
0x45: {  	_ =	shalt  }
0x46: {  	_ =	shalt  }
0x47: {  	_ =	shalt  }
0x48: {  	_ =	shalt  }
0x49: {  	_ =	shalt  }
0x4a: {  	_ =	shalt  }
0x4b: {  	_ =	shalt  }
0x4c: {  	_ =	shalt  }
0x4d: {  	_ =	shalt  }
0x4e: {  	_ =	shalt  }
0x4f: {  	_ =	shalt  }
0x50: {  	_ =	shalt  }
0x51: {  	_ =	shalt  }
0x52: {  	_ =	shalt  }
0x53: {  	_ =	shalt  }
0x54: {  	_ =	shalt  }
0x55: {  	_ =	shalt  }
0x56: {  	_ =	shalt  }
0x57: {  	_ =	shalt  }
0x58: {  	_ =	shalt  }
0x59: {  	_ =	shalt  }
0x5a: {  	_ =	shalt  }
0x5b: {  	_ =	shalt  }
0x5c: {  	_ =	shalt  }
0x5d: {  	_ =	shalt  }
0x5e: {  	_ =	shalt  }
0x5f: {  	_ =	shalt  }
0x60: {  	_ =	shalt  }
0x61: {  	_ =	shalt  }
0x62: {  	_ =	shalt  }
0x63: {  	_ =	shalt  }
0x64: {  	_ =	shalt  }
0x65: {  	_ =	shalt  }
0x66: {  	_ =	shalt  }
0x67: {  	_ =	shalt  }
0x68: {  	_ =	shalt  }
0x69: {  	_ =	shalt  }
0x6a: {  	_ =	shalt  }
0x6b: {  	_ =	shalt  }
0x6c: {  	_ =	shalt  }
0x6d: {  	_ =	shalt  }
0x6e: {  	_ =	shalt  }
0x6f: {  	_ =	shalt  }
0x70: {  	_ =	shalt  }
0x71: {  	_ =	shalt  }
0x72: {  	_ =	shalt  }
0x73: {  	_ =	shalt  }
0x74: {  	_ =	shalt  }
0x75: {  	_ =	shalt  }
0x76: {  	_ =	shalt  }
0x77: {  	_ =	shalt  }
0x78: {  	_ =	shalt  }
0x79: {  	_ =	shalt  }
0x7a: {  	_ =	shalt  }
0x7b: {  	_ =	shalt  }
0x7c: {  	_ =	shalt  }
0x7d: {  	_ =	shalt  }
0x7e: {  	_ =	shalt  }
0x7f: {  	_ =	shalt  }
0x80: {  	_ =	shalt  }
0x81: {  	_ =	shalt  }
0x82: {  	_ =	shalt  }
0x83: {  	_ =	shalt  }
0x84: {  	_ =	shalt  }
0x85: {  	_ =	shalt  }
0x86: {  	_ =	shalt  }
0x87: {  	_ =	shalt  }
.Lfunc_end0:
.L_simem_size_0:
called_computation.2_lowered:
.L_overlay_start_0:
0x88: {  	s2 =	sld [smem:$0x3FD9]  }
0x89: {  	s3 =	sld [smem:$0x3FFE];
	_ =	sdelay $0x1  }
0x8a: {  	s1 =	srdreg.scid  }
0x8b: {  	s0 =	sand.u32 $0x1, s1  }
0x8c: {  	s16 =	sshll.u32 s0, $0xA;
	s2 =	sadd.s32 s3, s2  }
0x8d: {  	s2 =	sadd.s32 s2, s16  }
0x8e: {  	[smem:$0x3FBF] =	sst s2  }
0x8f: {  	_ = 	snop  }
0x90: {  	(tm) =	ssettm $0x1  }
0x91: {  	s17 =	sld [smem:$0x3FFB];
	_ =	sdelay $0x3  }
0x92: {  	_ =	strace s17  }
0x93: {  	s2 =	sld [smem:$0x3FFC];
	_ =	sdelay $0x3  }
0x94: {  	_ =	strace s2  }
0x95: {  	s2 =	sld [smem:$0x3FFD];
	_ =	sdelay $0x3  }
0x96: {  	_ =	strace s2  }
0x97: {  	_ =	strace $0x8FFFFFFF  }
0x98: {  	s18 =	sld [smem:$0x3FDB];
	_ =	sdelay $0x1  }
0x99: {  	s19 =	simm.s32 $_scs_section_size  }
0x9a: {  	s4 =	simm.s32 $_size__tile_overlayer_lowered;
	s5 =	simm.s32 $_tile_overlayer_lowered  }
0x9b: {  	s22 =	simm.s32 $0x1BFF;
	s21 =	sshll.u32 s5, $0x1;
	s2 =	sadd.s32 s19, s18  }
0x9c: {  	s6 =	simm.s32 $0x0;
	s20 =	sshll.u32 s4, $0x1;
	s4 =	sadd.s32 s21, s2  }
0x9d: {  	[timem:s6], [sflag:s22] =	dma.local [hbm:s4], s20  }
0x9e: {  	_ =	swait.ge [sflag:s22], s20  }
0x9f: {  	s3 =	ssub.s32 $0x0, s20;
	[sflag:s22] =	ssyncset.done $0x0  }
0xa0: {  	[sflag:s22] =	ssyncadd.s32 s3;
	_ =	sdelay $0x1  }
0xa1: {  	s23 =	simm.s32 $0x1B8B  }
0xa2: {  	_ =	swait.ge [sflag:s23], $0x1  }
0xa3: {  	[sflag:s23] =	ssyncset.done $0x0  }
0xa4: {  	s25 =	simm.s32 $0x1B8E;
	s24 =	sld [smem:$0x3FFE];
	[sflag:s23] =	ssyncadd.s32 $0xFFFFFFFF  }
0xa5: {  	s26 =	simm.s32 $execute0_lowered;
	[smem:$0x3FD2] =	sst s25  }
0xa6: {  	s4 =	sshll.u32 s26, $0x1;
	_ =	strace $0x8000004C;
	[dreg:$0x1] =	wrdreg $0xFFFFFFFF  }
0xa7: {  	s28 =	simm.s32 $_size_execute0_lowered;
	s2 =	sadd.s32 s2, s4;
	[dreg:$0x0] =	wrdreg $0x0  }
0xa8: {  	s4 =	sshll.u32 s28, $0x1;
	[dreg:$0x2] =	wrdreg s2  }
0xa9: {  	[dreg:$0x3] =	wrdreg s4  }
0xaa: {  	[dreg:$0x4] =	wrdreg $0xC0  }
0xab: {  	_ =	task [dreg:s6], $0x5FFFF  }
0xac: {  	[dreg:$0x1] =	wrdreg $0xFFFFFFFF  }
0xad: {  	[dreg:$0x0] =	wrdreg $0x60  }
0xae: {  	[dreg:$0x2] =	wrdreg s24  }
0xaf: {  	[dreg:$0x3] =	wrdreg $0xE4000  }
0xb0: {  	[dreg:$0x4] =	wrdreg $0x134000  }
0xb1: {  	[dreg:$0x5] =	wrdreg $0x9  }
0xb2: {  	_ =	task.clear_ibuf [dreg:s6], $0x6FFFF;
	_ =	strace $0x9000004C  }
0xb3: {  	s29 =	simm.s32 $0x9;
	_ =	strace $0x8000004E  }
0xb4: {  	_ =	swait.ge [sflag:s29], $0x1  }
0xb5: {  	[sflag:s29] =	ssyncadd.s32 $0xFFFFFFFF  }
0xb6: {  	_ =	strace $0x9000004E  }
0xb7: {  	_ =	sfence  }
0xb8: {  	s30 =	sld [smem:$0x0];
	_ =	sdelay $0x2  }
0xb9: {  	s31 =	sshll.u32 s1, $0xD;
	s1 =	sshrl.u32 s1, $0x2  }
0xba: {  	s3 =	sand.u32 $0x4000, s31;
	s1 =	sadd.s32 s1, s30  }
0xbb: {  	s0 =	sor.u32 s3, s0;
	s1 =	sshll.u32 s1, $0x11  }
0xbc: {  	s0 =	sor.u32 s1, s0  }
0xbd: {  	s0 =	sadd.s32 $0x8F2B, s0  }
0xbe: {  	[sflag:s0] =	ssyncadd.remote.s32 $0x1  }
0xbf: {  	_ =	sfence.sel $0xFFFF  }
0xc0: {  	[dreg:$0x0] =	wrdreg $0xFFFFFFFF;
	(pc) =	sbr.abs _section_cstart, $3  }
0xc1: {  	[dreg:$0x1] =	wrdreg $0xFFFFFFFF  }
0xc2: {  	_ =	task.clear_ibuf [dreg:s6], $0x2FFFF;
	_ =	strace $0x9FFFFFFF  }
0xc3: {  	(tm) =	ssettm $0x7FFFFFFF  }
tec
execute0_lowered:
.L_overlay_start_1:
0x0: {  	(tag) =	ssettag $0x1  }
0x1: {  	s5 =	rddreg [dreg:$0x0]  }
0x2: {  	s2 =	rddreg [dreg:$0x1]  }
0x3: {  	s3 =	rddreg [dreg:$0x2]  }
0x4: {  	s0 =	rddreg [dreg:$0x3];
	s1 =	stileid.u32  }
0x5: {  	s6 =	srdreg.scid;
	s4 =	simm.s32 $0x0;
	s13 =	simm.s32 $0x2A00  }
0x6: {  	s14 =	simm.s32 $0x9400;
	s16 =	simm.s32 $0x5400;
	s17 =	simm.s32 $0x6400  }
0x7: {  	s18 =	simm.s32 $0x100;
	s19 =	simm.s32 $0x7400;
	s20 =	simm.s32 $0x180  }
0x8: {  	s21 =	simm.s32 $0x8400;
	s22 =	simm.s32 $0x1;
	s23 =	simm.s32 $0x2  }
0x9: {  	s24 =	simm.s32 $0x3;
	s25 =	simm.s32 $0x4;
	s26 =	simm.s32 $0x0  }
0xa: {  	s9 =	smul.u32 $0x5000, s1;
	s15 =	sand.u32 $0x1, s6;
	[smem:$0x7FF] =	sst s4  }
0xb: {  	s30 =	sshll.u32 s1, $0x1;
	s7 =	smul.u32 $0x50000, s15;
	_ =	strace $0x8000004D  }
0xc: {  	s6 =	sor.u32 s15, s30;
	s10 =	ssub.s32 $0x2, s15;
	p0 =	sne.s32 s15, $0x0  }
0xd: {  	s15 =	simm.s32 $0x80;
	s8 =	sshrl.u32 s9, $0x3;
	s6 =	smul.u32 $0x540, s6  }
0xe: {  	s31 =	sshrl.u32 s10, $0x1;
	s7 =	sadd.s32 s9, s7;
	s8 =	sadd.s32 s8, s5  }
0xf: {  	s12 =	ssub.s32 s10, s31;
	s7 =	sshrl.u32 s7, $0x3;
	s6 =	sadd.s32 s6, s5  }
0x10: {  	s11 =	sadd.s32 s7, s5;
	s5 =	sadd.s32 $0x21800, s6;
	s6 =	sadd.s32 $0x3000, s6  }
0x11: {  	s7 =	sadd.s32 $0xD800, s8;
	s8 =	sadd.s32 s9, s2;
	s9 =	sadd.s32 s9, s3  }
0x12: {  	s10 =	sadd.s32 $0x2C000, s11;
	s11 =	smax.u32 s12, $0x1;
	s12 =	simm.s32 $0x5  }
.LBB2_1:
0x13: {  	[tilespmem:s4], [sflag:$0x5] =	stream.linear.gather [hbm4b:s5+s4], $0x2A00, $0x38;
	[tilespmem:$0x18400] =	vst v63  }
0x14: {  	_ =	swait.ge [sflag:s12], $0x2A00  }
0x15: {  	[sflag:s12] =	ssyncset.done $0x0  }
0x16: {  	[sflag:s12] =	ssyncadd.s32 $0xFFFFD600  }
0x17: {  	[tilespmem:s13], [sflag:$0x5] =	stream.linear.gather [hbm4b:s6+s4], $0x2A00, $0x38;
	[tilespmem:$0x18400] =	vst v63  }
0x18: {  	_ =	swait.ge [sflag:s12], $0x2A00  }
0x19: {  	[sflag:s12] =	ssyncset.done $0x0  }
0x1a: {  	[sflag:s12] =	ssyncadd.s32 $0xFFFFD600  }
0x1b: {  	[tilespmem:s14], [sflag:$0x5] =	stream.linear.gather [hbm4b:s7+s4], $0x5000, $0x38;
	[tilespmem:$0x18400] =	vst v63  }
0x1c: {  	_ =	swait.ge [sflag:s12], $0x5000  }
0x1d: {  	[sflag:s12] =	ssyncset.done $0x0  }
0x1e: {  	[sflag:s12] =	ssyncadd.s32 $0xFFFFB000  }
0x1f: {  	[spmem:s8] =	stream.linear.scatter [tilespmem:s14], [sflag:$0x5], $0x5000, $0x38;
	[tilespmem:$0x18400] =	vst v63  }
0x20: {  	_ =	swait.ge [sflag:s12], $0x5000  }
0x21: {  	[sflag:s12] =	ssyncset.done $0x0  }
0x22: {  	s28 =	simm.s32 $0x9480;
	v0 =	vimm.f32 @p0 $0.0e+00;
	[sflag:s12] =	ssyncadd.s32 $0xFFFFB000  }
0x23: {  	[tilespmem:s28+$0xFFFFFF80] =	vst @p0 v0  }
0x24: {  	[tilespmem:s28+$0xFFFFFF90] =	vst @p0 v0  }
0x25: {  	[tilespmem:s28+$0xFFFFFFA0] =	vst @p0 v0  }
0x26: {  	[tilespmem:s28+$0xFFFFFFB0] =	vst @p0 v0  }
0x27: {  	[tilespmem:s28+$0xFFFFFFC0] =	vst @p0 v0;
	v1 =	vld @!p0 [tilespmem:s28+$0xFFFFFFA0]  }
0x28: {  	[tilespmem:s28+$0xFFFFFFD0] =	vst @p0 v0  }
0x29: {  	[tilespmem:s28+$0xFFFFFFE0] =	vst @p0 v0;
	v2 =	vld @!p0 [tilespmem:s28+$0xFFFFFFB0]  }
0x2a: {  	[tilespmem:s28+$0x0] =	vst @p0 v0  }
0x2b: {  	[tilespmem:s28+$0x20] =	vst @p0 v0;
	v3 =	vld @!p0 [tilespmem:s28+$0xFFFFFFE0]  }
0x2c: {  	[tilespmem:s28+$0x30] =	vst @p0 v0;
	v1 =	vadd.f32 @!p0 v1, v1  }
0x2d: {  	[tilespmem:s28+$0x40] =	vst @p0 v0;
	v4 =	vld @!p0 [tilespmem:s28+$0x20]  }
0x2e: {  	[tilespmem:s28+$0xFFFFFFA0] =	vst @!p0 v1;
	v1 =	vadd.f32 @!p0 v2, v2;
	v2 =	vld @!p0 [tilespmem:s28+$0x30]  }
0x2f: {  	[tilespmem:s28+$0x50] =	vst @p0 v0;
	v5 =	vld @!p0 [tilespmem:s28+$0xFFFFFFC0]  }
0x30: {  	[tilespmem:s28+$0x60] =	vst @p0 v0;
	v6 =	vld @!p0 [tilespmem:s28+$0x50];
	v3 =	vadd.f32 @!p0 v3, v3  }
0x31: {  	[tilespmem:s28+$0xFFFFFFB0] =	vst @!p0 v1;
	v1 =	vld @!p0 [tilespmem:s28+$0x40]  }
0x32: {  	v4 =	vadd.f32 @!p0 v4, v4;
	[tilespmem:s28+$0xFFFFFFE0] =	vst @!p0 v3;
	v3 =	vld @!p0 [tilespmem:s28+$0x60]  }
0x33: {  	[tilespmem:s28+$0x10] =	vst @p0 v0;
	v7 =	vld @!p0 [tilespmem:s28+$0xFFFFFF90];
	v2 =	vadd.f32 @!p0 v2, v2  }
0x34: {  	[tilespmem:s28+$0x20] =	vst @!p0 v4;
	v4 =	vld @!p0 [tilespmem:s28+$0xFFFFFFD0]  }
0x35: {  	v5 =	vadd.f32 @!p0 v5, v5;
	[tilespmem:s28+$0x30] =	vst @!p0 v2;
	v2 =	vld @!p0 [tilespmem:s28+$0xFFFFFF80]  }
0x36: {  	[tilespmem:s28+$0x70] =	vst @p0 v0;
	v1 =	vadd.f32 @!p0 v1, v1  }
0x37: {  	v8 =	vld @!p0 [tilespmem:s28+$0x0];
	[tilespmem:s28+$0xFFFFFFC0] =	vst @!p0 v5;
	v3 =	vadd.f32 @!p0 v3, v3  }
0x38: {  	[tilespmem:s28+$0x40] =	vst @!p0 v1;
	v1 =	vadd.f32 @!p0 v6, v6;
	v6 =	vld @!p0 [tilespmem:s28+$0x70]  }
0x39: {  	v5 =	vld @!p0 [tilespmem:s28+$0x10];
	v4 =	vadd.f32 @!p0 v4, v4;
	[tilespmem:s28+$0x60] =	vst @!p0 v3  }
0x3a: {  	v3 =	vadd.f32 @!p0 v7, v7;
	[tilespmem:s28+$0x50] =	vst @!p0 v1;
	v1 =	vadd.f32 @!p0 v2, v2;
	v2 =	vld @!p0 [tilespmem:s28+$0xFFFFFFF0]  }
0x3b: {  	[tilespmem:s28+$0xFFFFFFD0] =	vst @!p0 v4  }
0x3c: {  	v4 =	vadd.f32 @!p0 v8, v8;
	[tilespmem:s28+$0xFFFFFF90] =	vst @!p0 v3  }
0x3d: {  	[tilespmem:s28+$0xFFFFFF80] =	vst @!p0 v1;
	v1 =	vadd.f32 @!p0 v6, v6  }
0x3e: {  	v3 =	vadd.f32 @!p0 v5, v5;
	[tilespmem:s28+$0x0] =	vst @!p0 v4  }
0x3f: {  	[tilespmem:s28+$0x70] =	vst @!p0 v1;
	v1 =	vadd.f32 @!p0 v2, v2  }
0x40: {  	[tilespmem:s28+$0x10] =	vst @!p0 v3  }
0x41: {  	s29 =	simm.s32 $0x0;
	[tilespmem:s28+$0xFFFFFFF0] =	vst @!p0 v1  }
.LBB2_2:
0x42: {  	s29 =	sadd.s32 $0x8, s29;
	[tilespmem:s28+$0xFFFFFFF0] =	vst @p0 v0;
	s28 =	sadd.s32 $0x100, s28  }
0x43: {  	[tilespmem:s28+$0xFFFFFF80] =	vst @p0 v0;
	p1 =	slt.u32 s29, $0x278  }
0x44: {  	[tilespmem:s28+$0xFFFFFF90] =	vst @p0 v0  }
0x45: {  	[tilespmem:s28+$0xFFFFFFA0] =	vst @p0 v0  }
0x46: {  	[tilespmem:s28+$0xFFFFFFB0] =	vst @p0 v0  }
0x47: {  	[tilespmem:s28+$0xFFFFFFC0] =	vst @p0 v0;
	v1 =	vld @!p0 [tilespmem:s28+$0xFFFFFFA0]  }
0x48: {  	[tilespmem:s28+$0xFFFFFFD0] =	vst @p0 v0  }
0x49: {  	[tilespmem:s28+$0xFFFFFFE0] =	vst @p0 v0;
	v2 =	vld @!p0 [tilespmem:s28+$0xFFFFFFB0]  }
0x4a: {  	[tilespmem:s28+$0x0] =	vst @p0 v0  }
0x4b: {  	[tilespmem:s28+$0x10] =	vst @p0 v0  }
0x4c: {  	[tilespmem:s28+$0x20] =	vst @p0 v0;
	v1 =	vadd.f32 @!p0 v1, v1;
	v3 =	vld @!p0 [tilespmem:s28+$0xFFFFFFE0]  }
0x4d: {  	[tilespmem:s28+$0x30] =	vst @p0 v0;
	v4 =	vld @!p0 [tilespmem:s28+$0x20]  }
0x4e: {  	[tilespmem:s28+$0xFFFFFFA0] =	vst @!p0 v1;
	v1 =	vadd.f32 @!p0 v2, v2;
	v2 =	vld @!p0 [tilespmem:s28+$0x30]  }
0x4f: {  	[tilespmem:s28+$0x40] =	vst @p0 v0  }
0x50: {  	[tilespmem:s28+$0xFFFFFFB0] =	vst @!p0 v1;
	v1 =	vld @!p0 [tilespmem:s28+$0x40]  }
0x51: {  	[tilespmem:s28+$0x50] =	vst @p0 v0;
	v5 =	vld @!p0 [tilespmem:s28+$0xFFFFFFC0];
	v3 =	vadd.f32 @!p0 v3, v3  }
0x52: {  	[tilespmem:s28+$0x60] =	vst @p0 v0;
	v4 =	vadd.f32 @!p0 v4, v4;
	v6 =	vld @!p0 [tilespmem:s28+$0x50]  }
0x53: {  	[tilespmem:s28+$0xFFFFFFE0] =	vst @!p0 v3;
	v2 =	vadd.f32 @!p0 v2, v2;
	v3 =	vld @!p0 [tilespmem:s28+$0x60]  }
0x54: {  	v7 =	vld @!p0 [tilespmem:s28+$0xFFFFFFD0];
	[tilespmem:s28+$0x20] =	vst @!p0 v4  }
0x55: {  	v4 =	vld @!p0 [tilespmem:s28+$0xFFFFFF80];
	[tilespmem:s28+$0x30] =	vst @!p0 v2;
	v1 =	vadd.f32 @!p0 v1, v1  }
0x56: {  	[tilespmem:s28+$0x70] =	vst @p0 v0;
	v2 =	vld @!p0 [tilespmem:s28+$0xFFFFFF90];
	v5 =	vadd.f32 @!p0 v5, v5  }
0x57: {  	[tilespmem:s28+$0x40] =	vst @!p0 v1;
	v1 =	vadd.f32 @!p0 v6, v6;
	v6 =	vld @!p0 [tilespmem:s28+$0x70]  }
0x58: {  	[tilespmem:s28+$0xFFFFFFC0] =	vst @!p0 v5;
	v5 =	vld @!p0 [tilespmem:s28+$0x10];
	v3 =	vadd.f32 @!p0 v3, v3  }
0x59: {  	v7 =	vadd.f32 @!p0 v7, v7;
	v8 =	vld @!p0 [tilespmem:s28+$0x0];
	[tilespmem:s28+$0x50] =	vst @!p0 v1  }
0x5a: {  	v1 =	vadd.f32 @!p0 v4, v4;
	v4 =	vld @!p0 [tilespmem:s28+$0xFFFFFFF0];
	[tilespmem:s28+$0x60] =	vst @!p0 v3  }
0x5b: {  	v2 =	vadd.f32 @!p0 v2, v2;
	[tilespmem:s28+$0xFFFFFFD0] =	vst @!p0 v7  }
0x5c: {  	[tilespmem:s28+$0xFFFFFF80] =	vst @!p0 v1;
	v1 =	vadd.f32 @!p0 v6, v6  }
.Ltmp0:
0x5d: {  	[tilespmem:s28+$0xFFFFFF90] =	vst @!p0 v2;
	v2 =	vadd.f32 @!p0 v5, v5;
	(pc) =	sbr.rel @p1 .LBB2_2-.Ltmp0, $4  }
0x5e: {  	v3 =	vadd.f32 @!p0 v8, v8;
	[tilespmem:s28+$0x70] =	vst @!p0 v1  }
0x5f: {  	v1 =	vadd.f32 @!p0 v4, v4;
	[tilespmem:s28+$0x10] =	vst @!p0 v2  }
0x60: {  	[tilespmem:s28+$0x0] =	vst @!p0 v3  }
0x61: {  	[tilespmem:s28+$0xFFFFFFF0] =	vst @!p0 v1  }
0x62: {  	[tilespmem:s28+$0xFFFFFFF0] =	vst @p0 v0  }
0x63: {  	[spmem:s9] =	stream.linear.scatter [tilespmem:s14], [sflag:$0x5], $0x5000, $0x38;
	[tilespmem:$0x18400] =	vst v63  }
0x64: {  	_ =	swait.ge [sflag:s12], $0x5000  }
0x65: {  	[sflag:s12] =	ssyncset.done $0x0  }
0x66: {  	[sflag:s12] =	ssyncadd.s32 $0xFFFFB000  }
0x67: {  	s28 =	simm.s32 $0x0;
	[bflag:$0x0] =	sbarrier.arrive $0xFFFF  }
0x68: {  	[tilespmem:s16], [sflag:$0x1] =	stream.indirect.gather [spmem:s2], $0x20, s28, s15, $0xb8;
	[tilespmem:$0x18400] =	vst v63  }
0x69: {  	_ = 	snop  }
0x6a: {  	[tilespmem:s17], [sflag:$0x1] =	stream.indirect.gather [spmem:s2], $0x20, s15, s15, $0xb8;
	[tilespmem:$0x18400] =	vst v63  }
0x6b: {  	_ = 	snop  }
0x6c: {  	[tilespmem:s19], [sflag:$0x2] =	stream.indirect.gather [spmem:s2], $0x20, s18, s15, $0xb8;
	[tilespmem:$0x18400] =	vst v63  }
0x6d: {  	_ = 	snop  }
0x6e: {  	[tilespmem:s21], [sflag:$0x2] =	stream.indirect.gather [spmem:s2], $0x20, s20, s15, $0xb8;
	[tilespmem:$0x18400] =	vst v63  }
0x6f: {  	_ =	swait.ge [sflag:s22], $0x1000  }
0x70: {  	[sflag:s22] =	ssyncset.done $0x0  }
0x71: {  	[sflag:s22] =	ssyncadd.s32 $0xFFFFF000  }
0x72: {  	_ =	swait.ge [sflag:s22], $0x1000  }
0x73: {  	[sflag:s22] =	ssyncset.done $0x0  }
0x74: {  	s28 =	simm.s32 $0x2A00;
	[sflag:s22] =	ssyncadd.s32 $0xFFFFF000  }
0x75: {  	[spmem:s3] =	stream.indirect.scatter.add.f32 [tilespmem:s16], [sflag:$0x3], $0x20, s28, s15, $0xb8;
	[tilespmem:$0x18400] =	vst v63  }
0x76: {  	s28 =	simm.s32 $0x2A80  }
0x77: {  	[spmem:s3] =	stream.indirect.scatter.add.f32 [tilespmem:s17], [sflag:$0x3], $0x20, s28, s15, $0xb8;
	[tilespmem:$0x18400] =	vst v63  }
0x78: {  	_ =	swait.ge [sflag:s23], $0x1000  }
0x79: {  	[sflag:s23] =	ssyncset.done $0x0  }
0x7a: {  	[sflag:s23] =	ssyncadd.s32 $0xFFFFF000  }
0x7b: {  	_ =	swait.ge [sflag:s23], $0x1000  }
0x7c: {  	[sflag:s23] =	ssyncset.done $0x0  }
0x7d: {  	s28 =	simm.s32 $0x2B00;
	[sflag:s23] =	ssyncadd.s32 $0xFFFFF000  }
0x7e: {  	[spmem:s3] =	stream.indirect.scatter.add.f32 [tilespmem:s19], [sflag:$0x4], $0x20, s28, s15, $0xb8;
	[tilespmem:$0x18400] =	vst v63  }
0x7f: {  	s28 =	simm.s32 $0x2B80  }
0x80: {  	[spmem:s3] =	stream.indirect.scatter.add.f32 [tilespmem:s21], [sflag:$0x4], $0x20, s28, s15, $0xb8;
	[tilespmem:$0x18400] =	vst v63  }
0x81: {  	_ =	swait.ge [sflag:s24], $0x1000  }
0x82: {  	[sflag:s24] =	ssyncset.done $0x0  }
0x83: {  	[sflag:s24] =	ssyncadd.s32 $0xFFFFF000  }
0x84: {  	_ =	swait.ge [sflag:s24], $0x1000  }
0x85: {  	[sflag:s24] =	ssyncset.done $0x0  }
0x86: {  	s28 =	simm.s32 $0x200;
	[sflag:s24] =	ssyncadd.s32 $0xFFFFF000  }
0x87: {  	[tilespmem:s16], [sflag:$0x1] =	stream.indirect.gather [spmem:s2], $0x20, s28, s15, $0xb8;
	[tilespmem:$0x18400] =	vst v63  }
0x88: {  	s28 =	simm.s32 $0x280  }
0x89: {  	[tilespmem:s17], [sflag:$0x1] =	stream.indirect.gather [spmem:s2], $0x20, s28, s15, $0xb8;
	[tilespmem:$0x18400] =	vst v63  }
0x8a: {  	_ =	swait.ge [sflag:s25], $0x1000  }
0x8b: {  	[sflag:s25] =	ssyncset.done $0x0  }
0x8c: {  	[sflag:s25] =	ssyncadd.s32 $0xFFFFF000  }
0x8d: {  	_ =	swait.ge [sflag:s25], $0x1000  }
0x8e: {  	[sflag:s25] =	ssyncset.done $0x0  }
0x8f: {  	s28 =	simm.s32 $0x300;
	[sflag:s25] =	ssyncadd.s32 $0xFFFFF000  }
0x90: {  	[tilespmem:s19], [sflag:$0x2] =	stream.indirect.gather [spmem:s2], $0x20, s28, s15, $0xb8;
	[tilespmem:$0x18400] =	vst v63  }
0x91: {  	s29 =	simm.s32 $0x380;
	s28 =	simm.s32 $0x800  }
.LBB2_4:
0x92: {  	[tilespmem:s21], [sflag:$0x2] =	stream.indirect.gather [spmem:s2], $0x20, s29, s15, $0xb8;
	[tilespmem:$0x18400] =	vst v63  }
0x93: {  	s29 =	smov.u32 s28  }
0x94: {  	p1 =	sne.s32 s28, $0x9800;
	s28 =	sadd.s32 $0x800, s28;
	_ =	swait.ge [sflag:s22], $0x1000  }
0x95: {  	[sflag:s22] =	ssyncset.done $0x0  }
0x96: {  	[sflag:s22] =	ssyncadd.s32 $0xFFFFF000  }
0x97: {  	_ =	swait.ge [sflag:s22], $0x1000  }
0x98: {  	s29 =	sshra.s32 s29, $0x2;
	[sflag:s22] =	ssyncset.done $0x0  }
0x99: {  	s30 =	sadd.s32 $0x2A00, s29;
	[sflag:s22] =	ssyncadd.s32 $0xFFFFF000  }
0x9a: {  	[spmem:s3] =	stream.indirect.scatter.add.f32 [tilespmem:s16], [sflag:$0x3], $0x20, s30, s15, $0xb8;
	[tilespmem:$0x18400] =	vst v63  }
0x9b: {  	s30 =	sadd.s32 $0x2A80, s29  }
0x9c: {  	[spmem:s3] =	stream.indirect.scatter.add.f32 [tilespmem:s17], [sflag:$0x3], $0x20, s30, s15, $0xb8;
	[tilespmem:$0x18400] =	vst v63  }
0x9d: {  	_ =	swait.ge [sflag:s23], $0x1000  }
0x9e: {  	[sflag:s23] =	ssyncset.done $0x0  }
0x9f: {  	[sflag:s23] =	ssyncadd.s32 $0xFFFFF000  }
0xa0: {  	_ =	swait.ge [sflag:s23], $0x1000  }
0xa1: {  	[sflag:s23] =	ssyncset.done $0x0  }
0xa2: {  	s30 =	sadd.s32 $0x2B00, s29;
	[sflag:s23] =	ssyncadd.s32 $0xFFFFF000  }
0xa3: {  	[spmem:s3] =	stream.indirect.scatter.add.f32 [tilespmem:s19], [sflag:$0x4], $0x20, s30, s15, $0xb8;
	[tilespmem:$0x18400] =	vst v63  }
0xa4: {  	s30 =	sadd.s32 $0x2B80, s29  }
0xa5: {  	[spmem:s3] =	stream.indirect.scatter.add.f32 [tilespmem:s21], [sflag:$0x4], $0x20, s30, s15, $0xb8;
	[tilespmem:$0x18400] =	vst v63  }
0xa6: {  	_ =	swait.ge [sflag:s24], $0x1000  }
0xa7: {  	[sflag:s24] =	ssyncset.done $0x0  }
0xa8: {  	[sflag:s24] =	ssyncadd.s32 $0xFFFFF000  }
0xa9: {  	_ =	swait.ge [sflag:s24], $0x1000  }
0xaa: {  	[sflag:s24] =	ssyncset.done $0x0  }
0xab: {  	s30 =	sadd.s32 $0x200, s29;
	[sflag:s24] =	ssyncadd.s32 $0xFFFFF000  }
0xac: {  	[tilespmem:s16], [sflag:$0x1] =	stream.indirect.gather [spmem:s2], $0x20, s30, s15, $0xb8;
	[tilespmem:$0x18400] =	vst v63  }
0xad: {  	s30 =	sadd.s32 $0x280, s29  }
0xae: {  	[tilespmem:s17], [sflag:$0x1] =	stream.indirect.gather [spmem:s2], $0x20, s30, s15, $0xb8;
	[tilespmem:$0x18400] =	vst v63  }
0xaf: {  	_ =	swait.ge [sflag:s25], $0x1000  }
0xb0: {  	[sflag:s25] =	ssyncset.done $0x0  }
0xb1: {  	[sflag:s25] =	ssyncadd.s32 $0xFFFFF000  }
.Ltmp1:
0xb2: {  	_ =	swait.ge [sflag:s25], $0x1000;
	(pc) =	sbr.rel @p1 .LBB2_4-.Ltmp1, $4  }
0xb3: {  	[sflag:s25] =	ssyncset.done $0x0  }
0xb4: {  	s30 =	sadd.s32 $0x300, s29;
	[sflag:s25] =	ssyncadd.s32 $0xFFFFF000  }
0xb5: {  	[tilespmem:s19], [sflag:$0x2] =	stream.indirect.gather [spmem:s2], $0x20, s30, s15, $0xb8;
	[tilespmem:$0x18400] =	vst v63  }
0xb6: {  	s29 =	sadd.s32 $0x380, s29  }
0xb7: {  	[tilespmem:s21], [sflag:$0x2] =	stream.indirect.gather [spmem:s2], $0x20, s29, s15, $0xb8;
	[tilespmem:$0x18400] =	vst v63  }
0xb8: {  	_ =	swait.ge [sflag:s22], $0x1000  }
0xb9: {  	[sflag:s22] =	ssyncset.done $0x0  }
0xba: {  	[sflag:s22] =	ssyncadd.s32 $0xFFFFF000  }
0xbb: {  	_ =	swait.ge [sflag:s22], $0x1000  }
0xbc: {  	[sflag:s22] =	ssyncset.done $0x0  }
0xbd: {  	[sflag:s22] =	ssyncadd.s32 $0xFFFFF000  }
0xbe: {  	_ =	swait.ge [sflag:s23], $0x1000  }
0xbf: {  	[sflag:s23] =	ssyncset.done $0x0  }
0xc0: {  	[sflag:s23] =	ssyncadd.s32 $0xFFFFF000  }
0xc1: {  	_ =	swait.ge [sflag:s23], $0x1000  }
0xc2: {  	[sflag:s23] =	ssyncset.done $0x0  }
0xc3: {  	[sflag:s23] =	ssyncadd.s32 $0xFFFFF000  }
0xc4: {  	[bflag:$0x0] =	sbarrier.arrive $0xFFFF  }
0xc5: {  	[tilespmem:s14], [sflag:$0x5] =	stream.linear.gather [spmem:s9], $0x5000, $0x38;
	[tilespmem:$0x18400] =	vst v63  }
0xc6: {  	s26 =	sadd.s32 $0x1, s26;
	_ =	swait.ge [sflag:s12], $0x5000  }
0xc7: {  	p1 =	sne.s32 s26, s11;
	[sflag:s12] =	ssyncset.done $0x0  }
.Ltmp2:
0xc8: {  	[sflag:s12] =	ssyncadd.s32 $0xFFFFB000;
	(pc) =	sbr.rel @p1 .LBB2_1-.Ltmp2, $4  }
0xc9: {  	[hbm4b:s10+s4] =	stream.linear.scatter [tilespmem:s14], [sflag:$0x5], $0x5000, $0x38;
	[tilespmem:$0x18400] =	vst v63  }
0xca: {  	_ =	swait.ge [sflag:s12], $0x5000  }
0xcb: {  	[sflag:s12] =	ssyncset.done $0x0  }
0xcc: {  	[sflag:s12] =	ssyncadd.s32 $0xFFFFB000  }
0xcd: {  	_ =	sfence.sel $0x180000  }
0xce: {  	[bflag:$0x0] =	sbarrier.arrive $0xFFFF  }
0xcf: {  	p0 =	sne.s32 s1, $0x0;
	_ =	strace $0x9000004D  }
0xd0: {  	s0 =	sadd.s32 @!p0 $0x100000, s0;
	[bflag:$0x2] =	sbarrier.arrive $0xFFFF  }
0xd1: {  	[sflag:s0] =	ssyncadd.tile.s32 @!p0 $0x1;
	_ =	shalt  }
.Lfunc_end2:
_tile_overlayer_lowered:
.L_overlay_start_2:
0xd2: {  	(tag) =	ssettag $0x2  }
0xd3: {  	s0 =	rddreg [dreg:$0x0];
	s2 =	stileid.u32  }
0xd4: {  	s1 =	rddreg [dreg:$0x1];
	p0 =	sne.s32 s2, $0x0  }
0xd5: {  	s3 =	rddreg [dreg:$0x2];
	[bflag:$0x3] =	sbarrier.arrive $0xFFFF;
	s2 =	simm.s32 @!p0 $0x1C05  }
0xd6: {  	[timem:s3], [sflag:s2] =	dma.local @!p0 [hbm:s0], s1  }
0xd7: {  	s0 =	simm.s32 @!p0 $0x5  }
0xd8: {  	_ =	swait.ge @!p0 [sflag:s0], s1  }
0xd9: {  	s1 =	ssub.s32 @!p0 $0x0, s1;
	[sflag:s0] =	ssyncset.done @!p0 $0x0  }
0xda: {  	[sflag:s0] =	ssyncadd.s32 @!p0 s1  }
0xdb: {  	[bflag:$0x3] =	sbarrier.arrive $0xFFFF  }
0xdc: {  	_ =	shalt  }

// kernel: kernel.20.cloned.1.call-start
scs
__scs_entry_jumppad:
0x0: {  	(pc) =	sbr.rel $0x88, $3  }
0x1: {  	(tag) =	ssettag $0x0;
	lr =	simm.s32 $0x1  }
0x2: {  	[smem:$0x3F98] =	sst lr;
	_ =	strace $0xD0000000  }
0x3: {  	_ = 	snop  }
0x4: {  	_ = 	snop  }
0x5: {  	_ = 	snop  }
0x6: {  	_ = 	snop  }
0x7: {  	_ = 	snop  }
__scs_overlays_trampoline_lowered:
0x8: {  	[smem:$0x3FA7] =	sst s0  }
0x9: {  	[smem:$0x3FA8] =	sst s1  }
0xa: {  	[smem:$0x3FA9] =	sst s2  }
0xb: {  	[smem:$0x3FAA] =	sst s3  }
0xc: {  	[smem:$0x3FAB] =	sst s4  }
0xd: {  	[smem:$0x3FAC] =	sst s5  }
0xe: {  	[smem:$0x3FAD] =	sst s6  }
0xf: {  	[smem:$0x3FAE] =	sst s7  }
0x10: {  	[smem:$0x3FAF] =	sst s8  }
0x11: {  	[smem:$0x3FB0] =	sst s9;
	s0 =	simm.s32 @!p0 $0x0  }
0x12: {  	s1 =	sld [smem:$0x3F96];
	s0 =	simm.s32 @p0 $0x1  }
0x13: {  	[smem:$0x3FB1] =	sst s0;
	s0 =	simm.s32 @!p1 $0x0  }
0x14: {  	s2 =	sld [smem:$0x3F95];
	s0 =	simm.s32 @p1 $0x1  }
0x15: {  	[smem:$0x3FB2] =	sst s0;
	s0 =	simm.s32 @!p2 $0x0  }
0x16: {  	s3 =	sld [smem:$0x3FDB];
	s0 =	simm.s32 @p2 $0x1  }
0x17: {  	s4 =	simm.s32 $0x1BF5;
	[smem:$0x3FB4] =	sst s0  }
0x18: {  	s0 =	sld [smem:$0x3F97];
	_ =	swait.ge [sflag:s4], $0x0  }
0x19: {  	s7 =	sld [smem:$0x3F98]  }
0x1a: {  	s8 =	sadd.s32 $0xFFFFE003, lr  }
0x1b: {  	s9 =	sadd.s32 $0xFFFFFEF7, lr;
	s5 =	simm.s32 $0xFFFFFFFF;
	p2 =	slt.u32 s8, $0xFFFFF086  }
0x1c: {  	p1 =	slt.u32 s9, $0xF7A;
	s5 =	simm.s32 @!p2 $0x0  }
0x1d: {  	s5 =	simm.s32 @p1 $0x1;
	p0 =	seq.s32 s7, s2  }
0x1e: {  	s7 =	smul.u32 @!p0 $0xF7A, s2;
	p2 =	seq.s32 @!p0 s5, $0x0  }
0x1f: {  	s9 =	smul.u32 $0xF7A, s1;
	s8 =	simm.s32 @!p0 $0x1BF5;
	p2 =	por !p2, p0  }
0x20: {  	[sflag:s8] =	ssyncset.s32 @!p0 $0xFFFFF086;
	s6 =	sadd.s32 @!p0 s3, s7;
	s7 =	simm.s32 @!p0 $0x108  }
0x21: {  	s3 =	sadd.s32 s3, s9;
	s6 =	sadd.s32 @!p0 $0x88, s6;
	s7 =	simm.s32 @p2 $0x1082  }
0x22: {  	[simem:s7], [sflag:s8] =	dma.local @!p0 [hbm:s6], $0xF7A  }
0x23: {  	s9 =	sor.u32 $0xD0000000, s2;
	s6 =	simm.s32 $0x108;
	_ =	swait.ge @!p0 [sflag:s8], $0x0  }
0x24: {  	s3 =	sadd.s32 $0x88, s3;
	s6 =	simm.s32 @!p1 $0x1082;
	[sflag:s4] =	ssyncset.s32 $0xFFFFF086  }
0x25: {  	[simem:s6], [sflag:s4] =	dma.local [hbm:s3], $0xF7A  }
0x26: {  	[smem:$0x3F98] =	sst s1;
	(tag) =	ssettag s2;
	_ =	strace s9  }
0x27: {  	s1 =	sld [smem:$0x3FA8]  }
0x28: {  	s2 =	sld [smem:$0x3FA9]  }
0x29: {  	s4 =	sld [smem:$0x3FAB]  }
0x2a: {  	p0 =	seq.s32 s5, $0x0;
	s5 =	sld [smem:$0x3FAC]  }
0x2b: {  	s6 =	sld [smem:$0x3FAD]  }
0x2c: {  	s7 =	sld [smem:$0x3FAE]  }
0x2d: {  	s3 =	simm.s32 $0x108;
	s8 =	sld [smem:$0x3FAF]  }
0x2e: {  	s3 =	simm.s32 @!p0 $0x1082;
	s9 =	sld [smem:$0x3FB0]  }
0x2f: {  	lr =	sadd.s32 s0, s3;
	s0 =	sld [smem:$0x3FA7]  }
0x30: {  	s3 =	sld [smem:$0x3FAA]  }
0x31: {  	[smem:$0x3FB3] =	sst s10  }
0x32: {  	s10 =	sld [smem:$0x3FB1];
	_ =	sdelay $0x3  }
0x33: {  	p0 =	seq.s32 s10, $0x1;
	s10 =	sld [smem:$0x3FB3];
	_ =	sdelay $0x3  }
0x34: {  	[smem:$0x3FB3] =	sst s10  }
0x35: {  	s10 =	sld [smem:$0x3FB2];
	_ =	sdelay $0x3  }
0x36: {  	p1 =	seq.s32 s10, $0x1;
	s10 =	sld [smem:$0x3FB3];
	_ =	sdelay $0x3  }
0x37: {  	[smem:$0x3FB3] =	sst s10  }
0x38: {  	s10 =	sld [smem:$0x3FB4]  }
0x39: {  	_ = 	snop;
	(pc) =	sbr.ind lr, $3  }
0x3a: {  	_ = 	snop  }
0x3b: {  	_ = 	snop  }
0x3c: {  	p2 =	seq.s32 s10, $0x1;
	s10 =	sld [smem:$0x3FB3]  }
0x3d: {  	_ =	shalt  }
0x3e: {  	_ =	shalt  }
0x3f: {  	_ =	shalt  }
0x40: {  	_ =	shalt  }
0x41: {  	_ =	shalt  }
0x42: {  	_ =	shalt  }
0x43: {  	_ =	shalt  }
0x44: {  	_ =	shalt  }
0x45: {  	_ =	shalt  }
0x46: {  	_ =	shalt  }
0x47: {  	_ =	shalt  }
0x48: {  	_ =	shalt  }
0x49: {  	_ =	shalt  }
0x4a: {  	_ =	shalt  }
0x4b: {  	_ =	shalt  }
0x4c: {  	_ =	shalt  }
0x4d: {  	_ =	shalt  }
0x4e: {  	_ =	shalt  }
0x4f: {  	_ =	shalt  }
0x50: {  	_ =	shalt  }
0x51: {  	_ =	shalt  }
0x52: {  	_ =	shalt  }
0x53: {  	_ =	shalt  }
0x54: {  	_ =	shalt  }
0x55: {  	_ =	shalt  }
0x56: {  	_ =	shalt  }
0x57: {  	_ =	shalt  }
0x58: {  	_ =	shalt  }
0x59: {  	_ =	shalt  }
0x5a: {  	_ =	shalt  }
0x5b: {  	_ =	shalt  }
0x5c: {  	_ =	shalt  }
0x5d: {  	_ =	shalt  }
0x5e: {  	_ =	shalt  }
0x5f: {  	_ =	shalt  }
0x60: {  	_ =	shalt  }
0x61: {  	_ =	shalt  }
0x62: {  	_ =	shalt  }
0x63: {  	_ =	shalt  }
0x64: {  	_ =	shalt  }
0x65: {  	_ =	shalt  }
0x66: {  	_ =	shalt  }
0x67: {  	_ =	shalt  }
0x68: {  	_ =	shalt  }
0x69: {  	_ =	shalt  }
0x6a: {  	_ =	shalt  }
0x6b: {  	_ =	shalt  }
0x6c: {  	_ =	shalt  }
0x6d: {  	_ =	shalt  }
0x6e: {  	_ =	shalt  }
0x6f: {  	_ =	shalt  }
0x70: {  	_ =	shalt  }
0x71: {  	_ =	shalt  }
0x72: {  	_ =	shalt  }
0x73: {  	_ =	shalt  }
0x74: {  	_ =	shalt  }
0x75: {  	_ =	shalt  }
0x76: {  	_ =	shalt  }
0x77: {  	_ =	shalt  }
0x78: {  	_ =	shalt  }
0x79: {  	_ =	shalt  }
0x7a: {  	_ =	shalt  }
0x7b: {  	_ =	shalt  }
0x7c: {  	_ =	shalt  }
0x7d: {  	_ =	shalt  }
0x7e: {  	_ =	shalt  }
0x7f: {  	_ =	shalt  }
0x80: {  	_ =	shalt  }
0x81: {  	_ =	shalt  }
0x82: {  	_ =	shalt  }
0x83: {  	_ =	shalt  }
0x84: {  	_ =	shalt  }
0x85: {  	_ =	shalt  }
0x86: {  	_ =	shalt  }
0x87: {  	_ =	shalt  }
.Lfunc_end0:
.L_simem_size_0:
called_computation.3_lowered:
.L_overlay_start_0:
0x88: {  	s2 =	sld [smem:$0x3FD9]  }
0x89: {  	s3 =	sld [smem:$0x3FFE];
	_ =	sdelay $0x1  }
0x8a: {  	s1 =	srdreg.scid  }
0x8b: {  	s0 =	sand.u32 $0x1, s1  }
0x8c: {  	s16 =	sshll.u32 s0, $0xA;
	s2 =	sadd.s32 s3, s2  }
0x8d: {  	s2 =	sadd.s32 s2, s16  }
0x8e: {  	[smem:$0x3FBF] =	sst s2  }
0x8f: {  	_ = 	snop  }
0x90: {  	(tm) =	ssettm $0x1  }
0x91: {  	s17 =	sld [smem:$0x3FFB];
	_ =	sdelay $0x3  }
0x92: {  	_ =	strace s17  }
0x93: {  	s2 =	sld [smem:$0x3FFC];
	_ =	sdelay $0x3  }
0x94: {  	_ =	strace s2  }
0x95: {  	s2 =	sld [smem:$0x3FFD];
	_ =	sdelay $0x3  }
0x96: {  	_ =	strace s2  }
0x97: {  	_ =	strace $0x8FFFFFFF  }
0x98: {  	s18 =	sld [smem:$0x3FDB];
	_ =	sdelay $0x1  }
0x99: {  	s19 =	simm.s32 $_scs_section_size  }
0x9a: {  	s4 =	simm.s32 $_size__tile_overlayer_lowered;
	s5 =	simm.s32 $_tile_overlayer_lowered  }
0x9b: {  	s22 =	simm.s32 $0x1BFF;
	s21 =	sshll.u32 s5, $0x1;
	s2 =	sadd.s32 s19, s18  }
0x9c: {  	s6 =	simm.s32 $0x0;
	s20 =	sshll.u32 s4, $0x1;
	s4 =	sadd.s32 s21, s2  }
0x9d: {  	[timem:s6], [sflag:s22] =	dma.local [hbm:s4], s20  }
0x9e: {  	_ =	swait.ge [sflag:s22], s20  }
0x9f: {  	s3 =	ssub.s32 $0x0, s20;
	[sflag:s22] =	ssyncset.done $0x0  }
0xa0: {  	[sflag:s22] =	ssyncadd.s32 s3;
	_ =	sdelay $0x1  }
0xa1: {  	s23 =	simm.s32 $0x1B8B  }
0xa2: {  	_ =	swait.ge [sflag:s23], $0x1  }
0xa3: {  	[sflag:s23] =	ssyncset.done $0x0  }
0xa4: {  	s25 =	simm.s32 $0x1B8E;
	s24 =	sld [smem:$0x3FFE];
	[sflag:s23] =	ssyncadd.s32 $0xFFFFFFFF  }
0xa5: {  	s26 =	simm.s32 $execute0_lowered;
	[smem:$0x3FD2] =	sst s25  }
0xa6: {  	s4 =	sshll.u32 s26, $0x1;
	_ =	strace $0x8000004F;
	[dreg:$0x1] =	wrdreg $0xFFFFFFFF  }
0xa7: {  	s28 =	simm.s32 $_size_execute0_lowered;
	s2 =	sadd.s32 s2, s4;
	[dreg:$0x0] =	wrdreg $0x0  }
0xa8: {  	s4 =	sshll.u32 s28, $0x1;
	[dreg:$0x2] =	wrdreg s2  }
0xa9: {  	[dreg:$0x3] =	wrdreg s4  }
0xaa: {  	[dreg:$0x4] =	wrdreg $0xC0  }
0xab: {  	_ =	task [dreg:s6], $0x5FFFF  }
0xac: {  	[dreg:$0x1] =	wrdreg $0xFFFFFFFF  }
0xad: {  	[dreg:$0x0] =	wrdreg $0x60  }
0xae: {  	[dreg:$0x2] =	wrdreg s24  }
0xaf: {  	[dreg:$0x3] =	wrdreg $0xE4000  }
0xb0: {  	[dreg:$0x4] =	wrdreg $0x134000  }
0xb1: {  	[dreg:$0x5] =	wrdreg $0x9  }
0xb2: {  	_ =	task.clear_ibuf [dreg:s6], $0x6FFFF;
	_ =	strace $0x9000004F  }
0xb3: {  	s29 =	simm.s32 $0x9;
	_ =	strace $0x80000051  }
0xb4: {  	_ =	swait.ge [sflag:s29], $0x1  }
0xb5: {  	[sflag:s29] =	ssyncadd.s32 $0xFFFFFFFF  }
0xb6: {  	_ =	strace $0x90000051  }
0xb7: {  	_ =	sfence  }
0xb8: {  	s30 =	sld [smem:$0x0];
	_ =	sdelay $0x2  }
0xb9: {  	s31 =	sshll.u32 s1, $0xD;
	s1 =	sshrl.u32 s1, $0x2  }
0xba: {  	s3 =	sand.u32 $0x4000, s31;
	s1 =	sadd.s32 s1, s30  }
0xbb: {  	s0 =	sor.u32 s3, s0;
	s1 =	sshll.u32 s1, $0x11  }
0xbc: {  	s0 =	sor.u32 s1, s0  }
0xbd: {  	s0 =	sadd.s32 $0x8F2B, s0  }
0xbe: {  	[sflag:s0] =	ssyncadd.remote.s32 $0x1  }
0xbf: {  	_ =	sfence.sel $0xFFFF  }
0xc0: {  	[dreg:$0x0] =	wrdreg $0xFFFFFFFF;
	(pc) =	sbr.abs _section_cstart, $3  }
0xc1: {  	[dreg:$0x1] =	wrdreg $0xFFFFFFFF  }
0xc2: {  	_ =	task.clear_ibuf [dreg:s6], $0x2FFFF;
	_ =	strace $0x9FFFFFFF  }
0xc3: {  	(tm) =	ssettm $0x7FFFFFFF  }
tec
execute0_lowered:
.L_overlay_start_1:
0x0: {  	(tag) =	ssettag $0x1  }
0x1: {  	s5 =	rddreg [dreg:$0x0]  }
0x2: {  	s2 =	rddreg [dreg:$0x1]  }
0x3: {  	s3 =	rddreg [dreg:$0x2]  }
0x4: {  	s0 =	rddreg [dreg:$0x3];
	s1 =	stileid.u32  }
0x5: {  	s6 =	srdreg.scid;
	s4 =	simm.s32 $0x0;
	s13 =	simm.s32 $0x2A00  }
0x6: {  	s14 =	simm.s32 $0x9400;
	s16 =	simm.s32 $0x5400;
	s17 =	simm.s32 $0x6400  }
0x7: {  	s18 =	simm.s32 $0x100;
	s19 =	simm.s32 $0x7400;
	s20 =	simm.s32 $0x180  }
0x8: {  	s21 =	simm.s32 $0x8400;
	s22 =	simm.s32 $0x1;
	s23 =	simm.s32 $0x2  }
0x9: {  	s24 =	simm.s32 $0x3;
	s25 =	simm.s32 $0x4;
	s26 =	simm.s32 $0x0  }
0xa: {  	s9 =	smul.u32 $0x5000, s1;
	s15 =	sand.u32 $0x1, s6;
	[smem:$0x7FF] =	sst s4  }
0xb: {  	s30 =	sshll.u32 s1, $0x1;
	s7 =	smul.u32 $0x50000, s15;
	_ =	strace $0x80000050  }
0xc: {  	s6 =	sor.u32 s15, s30;
	s10 =	ssub.s32 $0x2, s15;
	p0 =	sne.s32 s15, $0x0  }
0xd: {  	s15 =	simm.s32 $0x80;
	s8 =	sshrl.u32 s9, $0x3;
	s6 =	smul.u32 $0x540, s6  }
0xe: {  	s31 =	sshrl.u32 s10, $0x1;
	s7 =	sadd.s32 s9, s7;
	s8 =	sadd.s32 s8, s5  }
0xf: {  	s12 =	ssub.s32 s10, s31;
	s7 =	sshrl.u32 s7, $0x3;
	s6 =	sadd.s32 s6, s5  }
0x10: {  	s11 =	sadd.s32 s7, s5;
	s5 =	sadd.s32 $0x21800, s6;
	s6 =	sadd.s32 $0x3000, s6  }
0x11: {  	s7 =	sadd.s32 $0xD800, s8;
	s8 =	sadd.s32 s9, s2;
	s9 =	sadd.s32 s9, s3  }
0x12: {  	s10 =	sadd.s32 $0x2C000, s11;
	s11 =	smax.u32 s12, $0x1;
	s12 =	simm.s32 $0x5  }
.LBB2_1:
0x13: {  	[tilespmem:s4], [sflag:$0x5] =	stream.linear.gather [hbm4b:s5+s4], $0x2A00, $0x38;
	[tilespmem:$0x18400] =	vst v63  }
0x14: {  	_ =	swait.ge [sflag:s12], $0x2A00  }
0x15: {  	[sflag:s12] =	ssyncset.done $0x0  }
0x16: {  	[sflag:s12] =	ssyncadd.s32 $0xFFFFD600  }
0x17: {  	[tilespmem:s13], [sflag:$0x5] =	stream.linear.gather [hbm4b:s6+s4], $0x2A00, $0x38;
	[tilespmem:$0x18400] =	vst v63  }
0x18: {  	_ =	swait.ge [sflag:s12], $0x2A00  }
0x19: {  	[sflag:s12] =	ssyncset.done $0x0  }
0x1a: {  	[sflag:s12] =	ssyncadd.s32 $0xFFFFD600  }
0x1b: {  	[tilespmem:s14], [sflag:$0x5] =	stream.linear.gather [hbm4b:s7+s4], $0x5000, $0x38;
	[tilespmem:$0x18400] =	vst v63  }
0x1c: {  	_ =	swait.ge [sflag:s12], $0x5000  }
0x1d: {  	[sflag:s12] =	ssyncset.done $0x0  }
0x1e: {  	[sflag:s12] =	ssyncadd.s32 $0xFFFFB000  }
0x1f: {  	[spmem:s8] =	stream.linear.scatter [tilespmem:s14], [sflag:$0x5], $0x5000, $0x38;
	[tilespmem:$0x18400] =	vst v63  }
0x20: {  	_ =	swait.ge [sflag:s12], $0x5000  }
0x21: {  	[sflag:s12] =	ssyncset.done $0x0  }
0x22: {  	s28 =	simm.s32 $0x9480;
	v0 =	vimm.f32 @p0 $0.0e+00;
	[sflag:s12] =	ssyncadd.s32 $0xFFFFB000  }
0x23: {  	[tilespmem:s28+$0xFFFFFF80] =	vst @p0 v0  }
0x24: {  	[tilespmem:s28+$0xFFFFFF90] =	vst @p0 v0  }
0x25: {  	[tilespmem:s28+$0xFFFFFFA0] =	vst @p0 v0  }
0x26: {  	[tilespmem:s28+$0xFFFFFFB0] =	vst @p0 v0  }
0x27: {  	[tilespmem:s28+$0xFFFFFFC0] =	vst @p0 v0;
	v1 =	vld @!p0 [tilespmem:s28+$0xFFFFFFA0]  }
0x28: {  	[tilespmem:s28+$0xFFFFFFD0] =	vst @p0 v0  }
0x29: {  	[tilespmem:s28+$0xFFFFFFE0] =	vst @p0 v0;
	v2 =	vld @!p0 [tilespmem:s28+$0xFFFFFFB0]  }
0x2a: {  	[tilespmem:s28+$0x0] =	vst @p0 v0  }
0x2b: {  	[tilespmem:s28+$0x20] =	vst @p0 v0;
	v3 =	vld @!p0 [tilespmem:s28+$0xFFFFFFE0]  }
0x2c: {  	[tilespmem:s28+$0x30] =	vst @p0 v0;
	v1 =	vadd.f32 @!p0 v1, v1  }
0x2d: {  	[tilespmem:s28+$0x40] =	vst @p0 v0;
	v4 =	vld @!p0 [tilespmem:s28+$0x20]  }
0x2e: {  	[tilespmem:s28+$0xFFFFFFA0] =	vst @!p0 v1;
	v1 =	vadd.f32 @!p0 v2, v2;
	v2 =	vld @!p0 [tilespmem:s28+$0x30]  }
0x2f: {  	[tilespmem:s28+$0x50] =	vst @p0 v0;
	v5 =	vld @!p0 [tilespmem:s28+$0xFFFFFFC0]  }
0x30: {  	[tilespmem:s28+$0x60] =	vst @p0 v0;
	v6 =	vld @!p0 [tilespmem:s28+$0x50];
	v3 =	vadd.f32 @!p0 v3, v3  }
0x31: {  	[tilespmem:s28+$0xFFFFFFB0] =	vst @!p0 v1;
	v1 =	vld @!p0 [tilespmem:s28+$0x40]  }
0x32: {  	v4 =	vadd.f32 @!p0 v4, v4;
	[tilespmem:s28+$0xFFFFFFE0] =	vst @!p0 v3;
	v3 =	vld @!p0 [tilespmem:s28+$0x60]  }
0x33: {  	[tilespmem:s28+$0x10] =	vst @p0 v0;
	v7 =	vld @!p0 [tilespmem:s28+$0xFFFFFF90];
	v2 =	vadd.f32 @!p0 v2, v2  }
0x34: {  	[tilespmem:s28+$0x20] =	vst @!p0 v4;
	v4 =	vld @!p0 [tilespmem:s28+$0xFFFFFFD0]  }
0x35: {  	v5 =	vadd.f32 @!p0 v5, v5;
	[tilespmem:s28+$0x30] =	vst @!p0 v2;
	v2 =	vld @!p0 [tilespmem:s28+$0xFFFFFF80]  }
0x36: {  	[tilespmem:s28+$0x70] =	vst @p0 v0;
	v1 =	vadd.f32 @!p0 v1, v1  }
0x37: {  	v8 =	vld @!p0 [tilespmem:s28+$0x0];
	[tilespmem:s28+$0xFFFFFFC0] =	vst @!p0 v5;
	v3 =	vadd.f32 @!p0 v3, v3  }
0x38: {  	[tilespmem:s28+$0x40] =	vst @!p0 v1;
	v1 =	vadd.f32 @!p0 v6, v6;
	v6 =	vld @!p0 [tilespmem:s28+$0x70]  }
0x39: {  	v5 =	vld @!p0 [tilespmem:s28+$0x10];
	v4 =	vadd.f32 @!p0 v4, v4;
	[tilespmem:s28+$0x60] =	vst @!p0 v3  }
0x3a: {  	v3 =	vadd.f32 @!p0 v7, v7;
	[tilespmem:s28+$0x50] =	vst @!p0 v1;
	v1 =	vadd.f32 @!p0 v2, v2;
	v2 =	vld @!p0 [tilespmem:s28+$0xFFFFFFF0]  }
0x3b: {  	[tilespmem:s28+$0xFFFFFFD0] =	vst @!p0 v4  }
0x3c: {  	v4 =	vadd.f32 @!p0 v8, v8;
	[tilespmem:s28+$0xFFFFFF90] =	vst @!p0 v3  }
0x3d: {  	[tilespmem:s28+$0xFFFFFF80] =	vst @!p0 v1;
	v1 =	vadd.f32 @!p0 v6, v6  }
0x3e: {  	v3 =	vadd.f32 @!p0 v5, v5;
	[tilespmem:s28+$0x0] =	vst @!p0 v4  }
0x3f: {  	[tilespmem:s28+$0x70] =	vst @!p0 v1;
	v1 =	vadd.f32 @!p0 v2, v2  }
0x40: {  	[tilespmem:s28+$0x10] =	vst @!p0 v3  }
0x41: {  	s29 =	simm.s32 $0x0;
	[tilespmem:s28+$0xFFFFFFF0] =	vst @!p0 v1  }
.LBB2_2:
0x42: {  	s29 =	sadd.s32 $0x8, s29;
	[tilespmem:s28+$0xFFFFFFF0] =	vst @p0 v0;
	s28 =	sadd.s32 $0x100, s28  }
0x43: {  	[tilespmem:s28+$0xFFFFFF80] =	vst @p0 v0;
	p1 =	slt.u32 s29, $0x278  }
0x44: {  	[tilespmem:s28+$0xFFFFFF90] =	vst @p0 v0  }
0x45: {  	[tilespmem:s28+$0xFFFFFFA0] =	vst @p0 v0  }
0x46: {  	[tilespmem:s28+$0xFFFFFFB0] =	vst @p0 v0  }
0x47: {  	[tilespmem:s28+$0xFFFFFFC0] =	vst @p0 v0;
	v1 =	vld @!p0 [tilespmem:s28+$0xFFFFFFA0]  }
0x48: {  	[tilespmem:s28+$0xFFFFFFD0] =	vst @p0 v0  }
0x49: {  	[tilespmem:s28+$0xFFFFFFE0] =	vst @p0 v0;
	v2 =	vld @!p0 [tilespmem:s28+$0xFFFFFFB0]  }
0x4a: {  	[tilespmem:s28+$0x0] =	vst @p0 v0  }
0x4b: {  	[tilespmem:s28+$0x10] =	vst @p0 v0  }
0x4c: {  	[tilespmem:s28+$0x20] =	vst @p0 v0;
	v1 =	vadd.f32 @!p0 v1, v1;
	v3 =	vld @!p0 [tilespmem:s28+$0xFFFFFFE0]  }
0x4d: {  	[tilespmem:s28+$0x30] =	vst @p0 v0;
	v4 =	vld @!p0 [tilespmem:s28+$0x20]  }
0x4e: {  	[tilespmem:s28+$0xFFFFFFA0] =	vst @!p0 v1;
	v1 =	vadd.f32 @!p0 v2, v2;
	v2 =	vld @!p0 [tilespmem:s28+$0x30]  }
0x4f: {  	[tilespmem:s28+$0x40] =	vst @p0 v0  }
0x50: {  	[tilespmem:s28+$0xFFFFFFB0] =	vst @!p0 v1;
	v1 =	vld @!p0 [tilespmem:s28+$0x40]  }
0x51: {  	[tilespmem:s28+$0x50] =	vst @p0 v0;
	v5 =	vld @!p0 [tilespmem:s28+$0xFFFFFFC0];
	v3 =	vadd.f32 @!p0 v3, v3  }
0x52: {  	[tilespmem:s28+$0x60] =	vst @p0 v0;
	v4 =	vadd.f32 @!p0 v4, v4;
	v6 =	vld @!p0 [tilespmem:s28+$0x50]  }
0x53: {  	[tilespmem:s28+$0xFFFFFFE0] =	vst @!p0 v3;
	v2 =	vadd.f32 @!p0 v2, v2;
	v3 =	vld @!p0 [tilespmem:s28+$0x60]  }
0x54: {  	v7 =	vld @!p0 [tilespmem:s28+$0xFFFFFFD0];
	[tilespmem:s28+$0x20] =	vst @!p0 v4  }
0x55: {  	v4 =	vld @!p0 [tilespmem:s28+$0xFFFFFF80];
	[tilespmem:s28+$0x30] =	vst @!p0 v2;
	v1 =	vadd.f32 @!p0 v1, v1  }
0x56: {  	[tilespmem:s28+$0x70] =	vst @p0 v0;
	v2 =	vld @!p0 [tilespmem:s28+$0xFFFFFF90];
	v5 =	vadd.f32 @!p0 v5, v5  }
0x57: {  	[tilespmem:s28+$0x40] =	vst @!p0 v1;
	v1 =	vadd.f32 @!p0 v6, v6;
	v6 =	vld @!p0 [tilespmem:s28+$0x70]  }
0x58: {  	[tilespmem:s28+$0xFFFFFFC0] =	vst @!p0 v5;
	v5 =	vld @!p0 [tilespmem:s28+$0x10];
	v3 =	vadd.f32 @!p0 v3, v3  }
0x59: {  	v7 =	vadd.f32 @!p0 v7, v7;
	v8 =	vld @!p0 [tilespmem:s28+$0x0];
	[tilespmem:s28+$0x50] =	vst @!p0 v1  }
0x5a: {  	v1 =	vadd.f32 @!p0 v4, v4;
	v4 =	vld @!p0 [tilespmem:s28+$0xFFFFFFF0];
	[tilespmem:s28+$0x60] =	vst @!p0 v3  }
0x5b: {  	v2 =	vadd.f32 @!p0 v2, v2;
	[tilespmem:s28+$0xFFFFFFD0] =	vst @!p0 v7  }
0x5c: {  	[tilespmem:s28+$0xFFFFFF80] =	vst @!p0 v1;
	v1 =	vadd.f32 @!p0 v6, v6  }
.Ltmp0:
0x5d: {  	[tilespmem:s28+$0xFFFFFF90] =	vst @!p0 v2;
	v2 =	vadd.f32 @!p0 v5, v5;
	(pc) =	sbr.rel @p1 .LBB2_2-.Ltmp0, $4  }
0x5e: {  	v3 =	vadd.f32 @!p0 v8, v8;
	[tilespmem:s28+$0x70] =	vst @!p0 v1  }
0x5f: {  	v1 =	vadd.f32 @!p0 v4, v4;
	[tilespmem:s28+$0x10] =	vst @!p0 v2  }
0x60: {  	[tilespmem:s28+$0x0] =	vst @!p0 v3  }
0x61: {  	[tilespmem:s28+$0xFFFFFFF0] =	vst @!p0 v1  }
0x62: {  	[tilespmem:s28+$0xFFFFFFF0] =	vst @p0 v0  }
0x63: {  	[spmem:s9] =	stream.linear.scatter [tilespmem:s14], [sflag:$0x5], $0x5000, $0x38;
	[tilespmem:$0x18400] =	vst v63  }
0x64: {  	_ =	swait.ge [sflag:s12], $0x5000  }
0x65: {  	[sflag:s12] =	ssyncset.done $0x0  }
0x66: {  	[sflag:s12] =	ssyncadd.s32 $0xFFFFB000  }
0x67: {  	s28 =	simm.s32 $0x0;
	[bflag:$0x0] =	sbarrier.arrive $0xFFFF  }
0x68: {  	[tilespmem:s16], [sflag:$0x1] =	stream.indirect.gather [spmem:s2], $0x20, s28, s15, $0xb8;
	[tilespmem:$0x18400] =	vst v63  }
0x69: {  	_ = 	snop  }
0x6a: {  	[tilespmem:s17], [sflag:$0x1] =	stream.indirect.gather [spmem:s2], $0x20, s15, s15, $0xb8;
	[tilespmem:$0x18400] =	vst v63  }
0x6b: {  	_ = 	snop  }
0x6c: {  	[tilespmem:s19], [sflag:$0x2] =	stream.indirect.gather [spmem:s2], $0x20, s18, s15, $0xb8;
	[tilespmem:$0x18400] =	vst v63  }
0x6d: {  	_ = 	snop  }
0x6e: {  	[tilespmem:s21], [sflag:$0x2] =	stream.indirect.gather [spmem:s2], $0x20, s20, s15, $0xb8;
	[tilespmem:$0x18400] =	vst v63  }
0x6f: {  	_ =	swait.ge [sflag:s22], $0x1000  }
0x70: {  	[sflag:s22] =	ssyncset.done $0x0  }
0x71: {  	[sflag:s22] =	ssyncadd.s32 $0xFFFFF000  }
0x72: {  	_ =	swait.ge [sflag:s22], $0x1000  }
0x73: {  	[sflag:s22] =	ssyncset.done $0x0  }
0x74: {  	s28 =	simm.s32 $0x2A00;
	[sflag:s22] =	ssyncadd.s32 $0xFFFFF000  }
0x75: {  	[spmem:s3] =	stream.indirect.scatter.add.f32 [tilespmem:s16], [sflag:$0x3], $0x20, s28, s15, $0xb8;
	[tilespmem:$0x18400] =	vst v63  }
0x76: {  	s28 =	simm.s32 $0x2A80  }
0x77: {  	[spmem:s3] =	stream.indirect.scatter.add.f32 [tilespmem:s17], [sflag:$0x3], $0x20, s28, s15, $0xb8;
	[tilespmem:$0x18400] =	vst v63  }
0x78: {  	_ =	swait.ge [sflag:s23], $0x1000  }
0x79: {  	[sflag:s23] =	ssyncset.done $0x0  }
0x7a: {  	[sflag:s23] =	ssyncadd.s32 $0xFFFFF000  }
0x7b: {  	_ =	swait.ge [sflag:s23], $0x1000  }
0x7c: {  	[sflag:s23] =	ssyncset.done $0x0  }
0x7d: {  	s28 =	simm.s32 $0x2B00;
	[sflag:s23] =	ssyncadd.s32 $0xFFFFF000  }
0x7e: {  	[spmem:s3] =	stream.indirect.scatter.add.f32 [tilespmem:s19], [sflag:$0x4], $0x20, s28, s15, $0xb8;
	[tilespmem:$0x18400] =	vst v63  }
0x7f: {  	s28 =	simm.s32 $0x2B80  }
0x80: {  	[spmem:s3] =	stream.indirect.scatter.add.f32 [tilespmem:s21], [sflag:$0x4], $0x20, s28, s15, $0xb8;
	[tilespmem:$0x18400] =	vst v63  }
0x81: {  	_ =	swait.ge [sflag:s24], $0x1000  }
0x82: {  	[sflag:s24] =	ssyncset.done $0x0  }
0x83: {  	[sflag:s24] =	ssyncadd.s32 $0xFFFFF000  }
0x84: {  	_ =	swait.ge [sflag:s24], $0x1000  }
0x85: {  	[sflag:s24] =	ssyncset.done $0x0  }
0x86: {  	s28 =	simm.s32 $0x200;
	[sflag:s24] =	ssyncadd.s32 $0xFFFFF000  }
0x87: {  	[tilespmem:s16], [sflag:$0x1] =	stream.indirect.gather [spmem:s2], $0x20, s28, s15, $0xb8;
	[tilespmem:$0x18400] =	vst v63  }
0x88: {  	s28 =	simm.s32 $0x280  }
0x89: {  	[tilespmem:s17], [sflag:$0x1] =	stream.indirect.gather [spmem:s2], $0x20, s28, s15, $0xb8;
	[tilespmem:$0x18400] =	vst v63  }
0x8a: {  	_ =	swait.ge [sflag:s25], $0x1000  }
0x8b: {  	[sflag:s25] =	ssyncset.done $0x0  }
0x8c: {  	[sflag:s25] =	ssyncadd.s32 $0xFFFFF000  }
0x8d: {  	_ =	swait.ge [sflag:s25], $0x1000  }
0x8e: {  	[sflag:s25] =	ssyncset.done $0x0  }
0x8f: {  	s28 =	simm.s32 $0x300;
	[sflag:s25] =	ssyncadd.s32 $0xFFFFF000  }
0x90: {  	[tilespmem:s19], [sflag:$0x2] =	stream.indirect.gather [spmem:s2], $0x20, s28, s15, $0xb8;
	[tilespmem:$0x18400] =	vst v63  }
0x91: {  	s29 =	simm.s32 $0x380;
	s28 =	simm.s32 $0x800  }
.LBB2_4:
0x92: {  	[tilespmem:s21], [sflag:$0x2] =	stream.indirect.gather [spmem:s2], $0x20, s29, s15, $0xb8;
	[tilespmem:$0x18400] =	vst v63  }
0x93: {  	s29 =	smov.u32 s28  }
0x94: {  	p1 =	sne.s32 s28, $0x9800;
	s28 =	sadd.s32 $0x800, s28;
	_ =	swait.ge [sflag:s22], $0x1000  }
0x95: {  	[sflag:s22] =	ssyncset.done $0x0  }
0x96: {  	[sflag:s22] =	ssyncadd.s32 $0xFFFFF000  }
0x97: {  	_ =	swait.ge [sflag:s22], $0x1000  }
0x98: {  	s29 =	sshra.s32 s29, $0x2;
	[sflag:s22] =	ssyncset.done $0x0  }
0x99: {  	s30 =	sadd.s32 $0x2A00, s29;
	[sflag:s22] =	ssyncadd.s32 $0xFFFFF000  }
0x9a: {  	[spmem:s3] =	stream.indirect.scatter.add.f32 [tilespmem:s16], [sflag:$0x3], $0x20, s30, s15, $0xb8;
	[tilespmem:$0x18400] =	vst v63  }
0x9b: {  	s30 =	sadd.s32 $0x2A80, s29  }
0x9c: {  	[spmem:s3] =	stream.indirect.scatter.add.f32 [tilespmem:s17], [sflag:$0x3], $0x20, s30, s15, $0xb8;
	[tilespmem:$0x18400] =	vst v63  }
0x9d: {  	_ =	swait.ge [sflag:s23], $0x1000  }
0x9e: {  	[sflag:s23] =	ssyncset.done $0x0  }
0x9f: {  	[sflag:s23] =	ssyncadd.s32 $0xFFFFF000  }
0xa0: {  	_ =	swait.ge [sflag:s23], $0x1000  }
0xa1: {  	[sflag:s23] =	ssyncset.done $0x0  }
0xa2: {  	s30 =	sadd.s32 $0x2B00, s29;
	[sflag:s23] =	ssyncadd.s32 $0xFFFFF000  }
0xa3: {  	[spmem:s3] =	stream.indirect.scatter.add.f32 [tilespmem:s19], [sflag:$0x4], $0x20, s30, s15, $0xb8;
	[tilespmem:$0x18400] =	vst v63  }
0xa4: {  	s30 =	sadd.s32 $0x2B80, s29  }
0xa5: {  	[spmem:s3] =	stream.indirect.scatter.add.f32 [tilespmem:s21], [sflag:$0x4], $0x20, s30, s15, $0xb8;
	[tilespmem:$0x18400] =	vst v63  }
0xa6: {  	_ =	swait.ge [sflag:s24], $0x1000  }
0xa7: {  	[sflag:s24] =	ssyncset.done $0x0  }
0xa8: {  	[sflag:s24] =	ssyncadd.s32 $0xFFFFF000  }
0xa9: {  	_ =	swait.ge [sflag:s24], $0x1000  }
0xaa: {  	[sflag:s24] =	ssyncset.done $0x0  }
0xab: {  	s30 =	sadd.s32 $0x200, s29;
	[sflag:s24] =	ssyncadd.s32 $0xFFFFF000  }
0xac: {  	[tilespmem:s16], [sflag:$0x1] =	stream.indirect.gather [spmem:s2], $0x20, s30, s15, $0xb8;
	[tilespmem:$0x18400] =	vst v63  }
0xad: {  	s30 =	sadd.s32 $0x280, s29  }
0xae: {  	[tilespmem:s17], [sflag:$0x1] =	stream.indirect.gather [spmem:s2], $0x20, s30, s15, $0xb8;
	[tilespmem:$0x18400] =	vst v63  }
0xaf: {  	_ =	swait.ge [sflag:s25], $0x1000  }
0xb0: {  	[sflag:s25] =	ssyncset.done $0x0  }
0xb1: {  	[sflag:s25] =	ssyncadd.s32 $0xFFFFF000  }
.Ltmp1:
0xb2: {  	_ =	swait.ge [sflag:s25], $0x1000;
	(pc) =	sbr.rel @p1 .LBB2_4-.Ltmp1, $4  }
0xb3: {  	[sflag:s25] =	ssyncset.done $0x0  }
0xb4: {  	s30 =	sadd.s32 $0x300, s29;
	[sflag:s25] =	ssyncadd.s32 $0xFFFFF000  }
0xb5: {  	[tilespmem:s19], [sflag:$0x2] =	stream.indirect.gather [spmem:s2], $0x20, s30, s15, $0xb8;
	[tilespmem:$0x18400] =	vst v63  }
0xb6: {  	s29 =	sadd.s32 $0x380, s29  }
0xb7: {  	[tilespmem:s21], [sflag:$0x2] =	stream.indirect.gather [spmem:s2], $0x20, s29, s15, $0xb8;
	[tilespmem:$0x18400] =	vst v63  }
0xb8: {  	_ =	swait.ge [sflag:s22], $0x1000  }
0xb9: {  	[sflag:s22] =	ssyncset.done $0x0  }
0xba: {  	[sflag:s22] =	ssyncadd.s32 $0xFFFFF000  }
0xbb: {  	_ =	swait.ge [sflag:s22], $0x1000  }
0xbc: {  	[sflag:s22] =	ssyncset.done $0x0  }
0xbd: {  	[sflag:s22] =	ssyncadd.s32 $0xFFFFF000  }
0xbe: {  	_ =	swait.ge [sflag:s23], $0x1000  }
0xbf: {  	[sflag:s23] =	ssyncset.done $0x0  }
0xc0: {  	[sflag:s23] =	ssyncadd.s32 $0xFFFFF000  }
0xc1: {  	_ =	swait.ge [sflag:s23], $0x1000  }
0xc2: {  	[sflag:s23] =	ssyncset.done $0x0  }
0xc3: {  	[sflag:s23] =	ssyncadd.s32 $0xFFFFF000  }
0xc4: {  	[bflag:$0x0] =	sbarrier.arrive $0xFFFF  }
0xc5: {  	[tilespmem:s14], [sflag:$0x5] =	stream.linear.gather [spmem:s9], $0x5000, $0x38;
	[tilespmem:$0x18400] =	vst v63  }
0xc6: {  	s26 =	sadd.s32 $0x1, s26;
	_ =	swait.ge [sflag:s12], $0x5000  }
0xc7: {  	p1 =	sne.s32 s26, s11;
	[sflag:s12] =	ssyncset.done $0x0  }
.Ltmp2:
0xc8: {  	[sflag:s12] =	ssyncadd.s32 $0xFFFFB000;
	(pc) =	sbr.rel @p1 .LBB2_1-.Ltmp2, $4  }
0xc9: {  	[hbm4b:s10+s4] =	stream.linear.scatter [tilespmem:s14], [sflag:$0x5], $0x5000, $0x38;
	[tilespmem:$0x18400] =	vst v63  }
0xca: {  	_ =	swait.ge [sflag:s12], $0x5000  }
0xcb: {  	[sflag:s12] =	ssyncset.done $0x0  }
0xcc: {  	[sflag:s12] =	ssyncadd.s32 $0xFFFFB000  }
0xcd: {  	_ =	sfence.sel $0x180000  }
0xce: {  	[bflag:$0x0] =	sbarrier.arrive $0xFFFF  }
0xcf: {  	p0 =	sne.s32 s1, $0x0;
	_ =	strace $0x90000050  }
0xd0: {  	s0 =	sadd.s32 @!p0 $0x100000, s0;
	[bflag:$0x2] =	sbarrier.arrive $0xFFFF  }
0xd1: {  	[sflag:s0] =	ssyncadd.tile.s32 @!p0 $0x1;
	_ =	shalt  }
.Lfunc_end2:
_tile_overlayer_lowered:
.L_overlay_start_2:
0xd2: {  	(tag) =	ssettag $0x2  }
0xd3: {  	s0 =	rddreg [dreg:$0x0];
	s2 =	stileid.u32  }
0xd4: {  	s1 =	rddreg [dreg:$0x1];
	p0 =	sne.s32 s2, $0x0  }
0xd5: {  	s3 =	rddreg [dreg:$0x2];
	[bflag:$0x3] =	sbarrier.arrive $0xFFFF;
	s2 =	simm.s32 @!p0 $0x1C05  }
0xd6: {  	[timem:s3], [sflag:s2] =	dma.local @!p0 [hbm:s0], s1  }
0xd7: {  	s0 =	simm.s32 @!p0 $0x5  }
0xd8: {  	_ =	swait.ge @!p0 [sflag:s0], s1  }
0xd9: {  	s1 =	ssub.s32 @!p0 $0x0, s1;
	[sflag:s0] =	ssyncset.done @!p0 $0x0  }
0xda: {  	[sflag:s0] =	ssyncadd.s32 @!p0 s1  }
0xdb: {  	[bflag:$0x3] =	sbarrier.arrive $0xFFFF  }
0xdc: {  	_ =	shalt  }

</sc_bundles>
